<compile_context>
chip_gen: v7x
topology: tpu7x:2x2x1
jax: 0.10.2.dev20260603
libtpu: 0.0.44.dev20260713+nightly
codegen_flags: <defaults>
</compile_context>

<pallas_src>
import functools

import jax
import jax.numpy as jnp
from jax import lax
from jax.experimental import pallas as pl
from jax.experimental.pallas import tpu as pltpu
from jax.experimental.pallas import tpu_sc as plsc

N = 10000
NPAD = 10240
D = 128
E = 320000
NC = 2
NS = 16
L = 16
NW = NC * NS
EPW = E // NW
K = 40
NCHUNK = EPW // K
RPT = NPAD // NS
DEGW = 128

_mesh = plsc.VectorSubcoreMesh(core_axis_name="c", subcore_axis_name="s")


NBUF = 5
ZRW = 640


@functools.partial(
    pl.kernel,
    out_type=jax.ShapeDtypeStruct((NC, NPAD, DEGW), jnp.float32),
    mesh=_mesh,
    scratch_types=[
        pltpu.VMEM_SHARED((NPAD, DEGW), jnp.float32),
        pltpu.VMEM((NCHUNK, K), jnp.int32),
        pltpu.VMEM((K, DEGW), jnp.float32),
        pltpu.SemaphoreType.DMA,
        pltpu.SemaphoreType.DMA,
        pltpu.SemaphoreType.DMA,
    ],
)
def _deg_kernel(dst_hbm, zeros_hbm, ones_hbm, out_hbm, acc, didx, ones_v, isem, zsem, ssem):
    cid = lax.axis_index("c")
    sid = lax.axis_index("s")
    wid = cid * NS + sid
    rbase = sid * RPT

    idx_cp = pltpu.async_copy(dst_hbm.at[wid], didx, isem)
    one_cp = pltpu.async_copy(ones_hbm, ones_v, isem)
    zero_cp = pltpu.async_copy(
        zeros_hbm.at[pl.ds(rbase, RPT), :], acc.at[pl.ds(rbase, RPT), :], zsem)
    idx_cp.wait()
    one_cp.wait()
    zero_cp.wait()
    plsc.subcore_barrier()

    @pl.loop(0, NCHUNK // 10)
    def _grp(g):
        cps = [
            pltpu.async_copy(ones_v, acc.at[didx.at[g * 10 + b]], ssem, add=True)
            for b in range(10)
        ]
        for cp in cps:
            cp.wait()

    plsc.subcore_barrier()

    @pl.loop(0, RPT // ZRW)
    def _write(r):
        row = rbase + r * ZRW
        pltpu.sync_copy(acc.at[pl.ds(row, ZRW), :], out_hbm.at[cid, pl.ds(row, ZRW), :])


ISLOT = 2 * NBUF


@functools.partial(
    pl.kernel,
    out_type=jax.ShapeDtypeStruct((NC, NPAD, D), jnp.float32),
    mesh=_mesh,
    scratch_types=[
        pltpu.VMEM_SHARED((NPAD, D), jnp.float32),
        [pltpu.VMEM((2, K), jnp.int32)] * ISLOT,
        [pltpu.VMEM((K, D), jnp.float32)] * NBUF,
        pltpu.SemaphoreType.DMA,
        [pltpu.SemaphoreType.DMA] * ISLOT,
        [pltpu.SemaphoreType.DMA] * NBUF,
    ],
)
def _agg_kernel(table_hbm, sd_hbm, zeros_hbm, out_hbm,
                acc, sdr, rows, zsem, isem, gsem):
    cid = lax.axis_index("c")
    sid = lax.axis_index("s")
    wid = cid * NS + sid
    rbase = sid * RPT

    zero_cp = pltpu.async_copy(
        zeros_hbm.at[pl.ds(rbase, RPT), :], acc.at[pl.ds(rbase, RPT), :], zsem)

    for s in range(ISLOT):
        pltpu.async_copy(sd_hbm.at[wid, s], sdr[s], isem[s])

    for u in range(NBUF):
        pltpu.make_async_copy(sd_hbm.at[0, 0], sdr[u], isem[u]).wait()
        pltpu.async_copy(table_hbm.at[sdr[u].at[0]], rows[u], gsem[u])

    zero_cp.wait()
    plsc.subcore_barrier()

    @pl.loop(0, NCHUNK // ISLOT)
    def _grp(g):
        for u in range(ISLOT):
            ci = g * ISLOT + u
            b = u % NBUF
            s2 = (u + NBUF) % ISLOT
            pltpu.make_async_copy(table_hbm.at[sdr[0].at[0]], rows[b], gsem[b]).wait()
            pltpu.sync_copy(rows[b], acc.at[sdr[u].at[1]], add=True)

            @pl.when(ci + ISLOT < NCHUNK)
            def _():
                pltpu.async_copy(sd_hbm.at[wid, ci + ISLOT], sdr[u], isem[u])

            @pl.when(ci + NBUF < NCHUNK)
            def _():
                pltpu.make_async_copy(sd_hbm.at[0, 0], sdr[s2], isem[s2]).wait()
                pltpu.async_copy(table_hbm.at[sdr[s2].at[0]], rows[b], gsem[b])

    plsc.subcore_barrier()

    @pl.loop(0, RPT // ZRW)
    def _write(r):
        row = rbase + r * ZRW
        pltpu.sync_copy(acc.at[pl.ds(row, ZRW), :], out_hbm.at[cid, pl.ds(row, ZRW), :])


BLK = 2000
_TC_PARAMS = pltpu.CompilerParams(dimension_semantics=("parallel",))


def _dinv_block(dega, degb):
    deg = jnp.max(dega, axis=1, keepdims=True) + jnp.max(degb, axis=1, keepdims=True) + 1.0
    return lax.rsqrt(deg)


def _deg_specs():
    return [
        pl.BlockSpec((1, BLK, DEGW), lambda i: (0, i, 0)),
        pl.BlockSpec((1, BLK, DEGW), lambda i: (1, i, 0)),
    ]


def _scale_matmul_body(dega_ref, degb_ref, x_ref, w_ref, hs_ref):
    dinv = _dinv_block(dega_ref[0], degb_ref[0])
    h = jnp.dot(x_ref[...], w_ref[...], preferred_element_type=jnp.float32)
    hs_ref[...] = h * dinv


def _tc_scale_matmul(degp, x, w):
    return pl.pallas_call(
        _scale_matmul_body,
        grid=(N // BLK,),
        compiler_params=_TC_PARAMS,
        in_specs=_deg_specs() + [
            pl.BlockSpec((BLK, D), lambda i: (i, 0)),
            pl.BlockSpec((D, D), lambda i: (0, 0)),
        ],
        out_specs=pl.BlockSpec((BLK, D), lambda i: (i, 0)),
        out_shape=jax.ShapeDtypeStruct((N, D), jnp.float32),
    )(degp, degp, x, w)


def _mid_body(dega_ref, degb_ref, agg_ref, hs_ref, b_ref, w_ref, out_ref):
    dinv = _dinv_block(dega_ref[0], degb_ref[0])
    z = dinv * (agg_ref[0] + agg_ref[1] + hs_ref[...]) + b_ref[...]
    x2 = jnp.maximum(z, 0.0)
    h2 = jnp.dot(x2, w_ref[...], preferred_element_type=jnp.float32)
    out_ref[...] = h2 * dinv


def _tc_mid(degp, aggp, hs, b, w):
    return pl.pallas_call(
        _mid_body,
        grid=(N // BLK,),
        compiler_params=_TC_PARAMS,
        in_specs=_deg_specs() + [
            pl.BlockSpec((2, BLK, D), lambda i: (0, i, 0)),
            pl.BlockSpec((BLK, D), lambda i: (i, 0)),
            pl.BlockSpec((1, D), lambda i: (0, 0)),
            pl.BlockSpec((D, D), lambda i: (0, 0)),
        ],
        out_specs=pl.BlockSpec((BLK, D), lambda i: (i, 0)),
        out_shape=jax.ShapeDtypeStruct((N, D), jnp.float32),
    )(degp, degp, aggp, hs, b, w)


def _final_body(dega_ref, degb_ref, agg_ref, hs_ref, b_ref, out_ref):
    dinv = _dinv_block(dega_ref[0], degb_ref[0])
    z = dinv * (agg_ref[0] + agg_ref[1] + hs_ref[...]) + b_ref[...]
    m = jnp.max(z, axis=1, keepdims=True)
    zs = z - m
    lse = jnp.log(jnp.sum(jnp.exp(zs), axis=1, keepdims=True))
    out_ref[...] = zs - lse


def _tc_final(degp, aggp, hs, b):
    return pl.pallas_call(
        _final_body,
        grid=(N // BLK,),
        compiler_params=_TC_PARAMS,
        in_specs=_deg_specs() + [
            pl.BlockSpec((2, BLK, D), lambda i: (0, i, 0)),
            pl.BlockSpec((BLK, D), lambda i: (i, 0)),
            pl.BlockSpec((1, D), lambda i: (0, 0)),
        ],
        out_specs=pl.BlockSpec((BLK, D), lambda i: (i, 0)),
        out_shape=jax.ShapeDtypeStruct((N, D), jnp.float32),
    )(degp, degp, aggp, hs, b)


@jax.jit
def kernel(x, edge_index, W1, b1, W2, b2):
    ei = edge_index.astype(jnp.int32)
    src = ei[0]
    dst = ei[1]
    dst3 = dst.reshape(NW, NCHUNK, K)
    sd = jnp.stack([src.reshape(NW, NCHUNK, K), dst.reshape(NW, NCHUNK, K)], axis=2)
    b1r = b1.reshape(1, D)
    b2r = b2.reshape(1, D)
    zeros = jnp.zeros((NPAD, D), jnp.float32)
    ones = jnp.ones((K, DEGW), jnp.float32)

    degp = _deg_kernel(dst3, zeros, ones)
    hs1 = _tc_scale_matmul(degp, x, W1)
    agg1 = _agg_kernel(hs1, sd, zeros)
    hs2 = _tc_mid(degp, agg1, hs1, b1r, W2)
    agg2 = _agg_kernel(hs2, sd, zeros)
    return _tc_final(degp, agg2, hs2, b2r)

# --- scband reference (transcript-rebuilt; emitter-appended) ---
"""Pipeline reference for scband-gcnnet-7198365188473 (READ-ONLY COPY).

The authoritative reference and input builder live on the scoring server;
editing this copy changes nothing except your own understanding.
"""

import jax, jax.numpy as jnp
import numpy as np

N_NODES = 10000


def _gcn_conv(x, edge_index, W, b, n_nodes):
    # GCNConv with add_self_loops=True, symmetric normalization, bias.
    src = edge_index[0]
    dst = edge_index[1]
    loop = jnp.arange(n_nodes, dtype=edge_index.dtype)
    src = jnp.concatenate([src, loop])
    dst = jnp.concatenate([dst, loop])
    ones = jnp.ones(src.shape[0], dtype=x.dtype)
    deg = jax.ops.segment_sum(ones, dst, num_segments=n_nodes)
    deg_inv_sqrt = jnp.where(deg > 0, 1.0 / jnp.sqrt(deg), 0.0)
    norm = deg_inv_sqrt[src] * deg_inv_sqrt[dst]
    h = x @ W
    msg = h[src] * norm[:, None]
    out = jax.ops.segment_sum(msg, dst, num_segments=n_nodes)
    return out + b


def setup_inputs(seed: int = 0) -> dict:
    key = jax.random.key(seed)
    k_x, k_e, k_w1, k_b1, k_w2, k_b2 = jax.random.split(key, 6)
    in_ch, hid_ch, out_ch = 128, 128, 128
    x = jax.random.normal(k_x, (N_NODES, in_ch), dtype=jnp.float32)
    edge_index = jax.random.randint(k_e, (2, 320000), 0, N_NODES, dtype=jnp.int64)
    # Glorot-style init for GCN weights
    W1 = jax.random.normal(k_w1, (in_ch, hid_ch), dtype=jnp.float32) * (1.0 / np.sqrt(in_ch))
    b1 = jnp.zeros((hid_ch,), dtype=jnp.float32)
    W2 = jax.random.normal(k_w2, (hid_ch, out_ch), dtype=jnp.float32) * (1.0 / np.sqrt(hid_ch))
    b2 = jnp.zeros((out_ch,), dtype=jnp.float32)
    return {"x": x, "edge_index": edge_index, "W1": W1, "b1": b1, "W2": W2, "b2": b2}


def reference(x, edge_index, W1, b1, W2, b2):
    h = _gcn_conv(x, edge_index, W1, b1, N_NODES)
    h = jax.nn.relu(h)
    h = _gcn_conv(h, edge_index, W2, b2, N_NODES)
    return jax.nn.log_softmax(h, axis=1)

if __name__ == "__main__":
    import jax
    _d = setup_inputs()
    print(jax.jit(kernel)(*tuple(_d.values())))

</pallas_src>

<mosaic_0001>
#map = affine_map<(d0, d1) -> (0, 0)>
#map1 = affine_map<(d0, d1) -> (0, 0, 0, 0)>
#map2 = affine_map<(d0, d1) -> (0, 0, 0)>
module attributes {stable_mosaic.version = 14 : i64} {
  func.func @_agg_kernel(%arg0: i32, %arg1: i32, %arg2: memref<10000x128xf32, #tpu.memory_space<hbm>>, %arg3: memref<32x250x2x40xi32, #tpu.memory_space<hbm>>, %arg4: memref<10240x128xf32, #tpu.memory_space<hbm>>, %arg5: memref<2x10240x128xf32, #tpu.memory_space<hbm>>, %arg6: memref<10240x128xf32, #tpu.memory_space<vmem_shared>>, %arg7: memref<2x40xi32, #tpu.memory_space<vmem>>, %arg8: memref<2x40xi32, #tpu.memory_space<vmem>>, %arg9: memref<2x40xi32, #tpu.memory_space<vmem>>, %arg10: memref<2x40xi32, #tpu.memory_space<vmem>>, %arg11: memref<2x40xi32, #tpu.memory_space<vmem>>, %arg12: memref<2x40xi32, #tpu.memory_space<vmem>>, %arg13: memref<2x40xi32, #tpu.memory_space<vmem>>, %arg14: memref<2x40xi32, #tpu.memory_space<vmem>>, %arg15: memref<2x40xi32, #tpu.memory_space<vmem>>, %arg16: memref<2x40xi32, #tpu.memory_space<vmem>>, %arg17: memref<40x128xf32, #tpu.memory_space<vmem>>, %arg18: memref<40x128xf32, #tpu.memory_space<vmem>>, %arg19: memref<40x128xf32, #tpu.memory_space<vmem>>, %arg20: memref<40x128xf32, #tpu.memory_space<vmem>>, %arg21: memref<40x128xf32, #tpu.memory_space<vmem>>, %arg22: memref<!tpu.dma_semaphore, #tpu.memory_space<semaphore_mem>>, %arg23: memref<!tpu.dma_semaphore, #tpu.memory_space<semaphore_mem>>, %arg24: memref<!tpu.dma_semaphore, #tpu.memory_space<semaphore_mem>>, %arg25: memref<!tpu.dma_semaphore, #tpu.memory_space<semaphore_mem>>, %arg26: memref<!tpu.dma_semaphore, #tpu.memory_space<semaphore_mem>>, %arg27: memref<!tpu.dma_semaphore, #tpu.memory_space<semaphore_mem>>, %arg28: memref<!tpu.dma_semaphore, #tpu.memory_space<semaphore_mem>>, %arg29: memref<!tpu.dma_semaphore, #tpu.memory_space<semaphore_mem>>, %arg30: memref<!tpu.dma_semaphore, #tpu.memory_space<semaphore_mem>>, %arg31: memref<!tpu.dma_semaphore, #tpu.memory_space<semaphore_mem>>, %arg32: memref<!tpu.dma_semaphore, #tpu.memory_space<semaphore_mem>>, %arg33: memref<!tpu.dma_semaphore, #tpu.memory_space<semaphore_mem>>, %arg34: memref<!tpu.dma_semaphore, #tpu.memory_space<semaphore_mem>>, %arg35: memref<!tpu.dma_semaphore, #tpu.memory_space<semaphore_mem>>, %arg36: memref<!tpu.dma_semaphore, #tpu.memory_space<semaphore_mem>>, %arg37: memref<!tpu.dma_semaphore, #tpu.memory_space<semaphore_mem>>) attributes {dimension_semantics = [#tpu.dimension_semantics<core_parallel>, #tpu.dimension_semantics<subcore_parallel>], iteration_bounds = array<i64: 2, 16>, scalar_prefetch = 0 : i64, scratch_operands = 32 : i64, tpu.core_type = #tpu.core_type<sc_vector_subcore>, window_params = [{transform_indices = #map}, {transform_indices = #map1}, {transform_indices = #map}, {transform_indices = #map2}]} {
    %mul3A = arith.constant 16 : i32
    %mul3A_0 = arith.muli %arg0, %mul3A : i32
    %add3A = arith.addi %mul3A_0, %arg1 : i32
    %mul3A_1 = arith.constant 640 : i32
    %mul3A_2 = arith.muli %arg1, %mul3A_1 : i32
    %dma_start3A = arith.constant 0 : i32
    %dma_start3A_3 = tpu.memref_slice %arg6[%mul3A_2, %dma_start3A] : memref<10240x128xf32, #tpu.memory_space<vmem_shared>> -> memref<640x128xf32, #tpu.memory_space<vmem_shared>>
    %dma_start3A_4 = arith.constant 0 : i32
    %dma_start3A_5 = tpu.memref_slice %arg4[%mul3A_2, %dma_start3A_4] : memref<10240x128xf32, #tpu.memory_space<hbm>> -> memref<640x128xf32, #tpu.memory_space<hbm>>
    tpu.enqueue_dma source(%dma_start3A_5 : memref<640x128xf32, #tpu.memory_space<hbm>>) target(%dma_start3A_3 : memref<640x128xf32, #tpu.memory_space<vmem_shared>>) target_semaphore(%arg22 : memref<!tpu.dma_semaphore, #tpu.memory_space<semaphore_mem>>)
    %dma_start3A_6 = arith.constant 0 : i32
    %dma_start3A_7 = arith.constant 0 : i32
    %dma_start3A_8 = arith.constant 0 : i32
    %dma_start3A_9 = tpu.memref_slice %arg3[%add3A, %dma_start3A_6, %dma_start3A_7, %dma_start3A_8] : memref<32x250x2x40xi32, #tpu.memory_space<hbm>> -> memref<1x1x2x40xi32, #tpu.memory_space<hbm>>
    %dma_start3A_10 = tpu.memref_squeeze %dma_start3A_9 : memref<1x1x2x40xi32, #tpu.memory_space<hbm>> -> memref<2x40xi32, #tpu.memory_space<hbm>>
    %dma_start3A_11 = arith.constant 0 : i32
    %dma_start3A_12 = arith.constant 0 : i32
    %dma_start3A_13 = tpu.memref_slice %arg3[%add3A, %dma_start3A_6, %dma_start3A_11, %dma_start3A_12] : memref<32x250x2x40xi32, #tpu.memory_space<hbm>> -> memref<1x1x2x40xi32, #tpu.memory_space<hbm>>
    %dma_start3A_14 = tpu.memref_squeeze %dma_start3A_13 : memref<1x1x2x40xi32, #tpu.memory_space<hbm>> -> memref<2x40xi32, #tpu.memory_space<hbm>>
    tpu.enqueue_dma source(%dma_start3A_14 : memref<2x40xi32, #tpu.memory_space<hbm>>) target(%arg7 : memref<2x40xi32, #tpu.memory_space<vmem>>) target_semaphore(%arg23 : memref<!tpu.dma_semaphore, #tpu.memory_space<semaphore_mem>>)
    %dma_start3A_15 = arith.constant 1 : i32
    %dma_start3A_16 = arith.constant 0 : i32
    %dma_start3A_17 = arith.constant 0 : i32
    %dma_start3A_18 = tpu.memref_slice %arg3[%add3A, %dma_start3A_15, %dma_start3A_16, %dma_start3A_17] : memref<32x250x2x40xi32, #tpu.memory_space<hbm>> -> memref<1x1x2x40xi32, #tpu.memory_space<hbm>>
    %dma_start3A_19 = tpu.memref_squeeze %dma_start3A_18 : memref<1x1x2x40xi32, #tpu.memory_space<hbm>> -> memref<2x40xi32, #tpu.memory_space<hbm>>
    %dma_start3A_20 = arith.constant 0 : i32
    %dma_start3A_21 = arith.constant 0 : i32
    %dma_start3A_22 = tpu.memref_slice %arg3[%add3A, %dma_start3A_15, %dma_start3A_20, %dma_start3A_21] : memref<32x250x2x40xi32, #tpu.memory_space<hbm>> -> memref<1x1x2x40xi32, #tpu.memory_space<hbm>>
    %dma_start3A_23 = tpu.memref_squeeze %dma_start3A_22 : memref<1x1x2x40xi32, #tpu.memory_space<hbm>> -> memref<2x40xi32, #tpu.memory_space<hbm>>
    tpu.enqueue_dma source(%dma_start3A_23 : memref<2x40xi32, #tpu.memory_space<hbm>>) target(%arg8 : memref<2x40xi32, #tpu.memory_space<vmem>>) target_semaphore(%arg24 : memref<!tpu.dma_semaphore, #tpu.memory_space<semaphore_mem>>)
    %dma_start3A_24 = arith.constant 2 : i32
    %dma_start3A_25 = arith.constant 0 : i32
    %dma_start3A_26 = arith.constant 0 : i32
    %dma_start3A_27 = tpu.memref_slice %arg3[%add3A, %dma_start3A_24, %dma_start3A_25, %dma_start3A_26] : memref<32x250x2x40xi32, #tpu.memory_space<hbm>> -> memref<1x1x2x40xi32, #tpu.memory_space<hbm>>
    %dma_start3A_28 = tpu.memref_squeeze %dma_start3A_27 : memref<1x1x2x40xi32, #tpu.memory_space<hbm>> -> memref<2x40xi32, #tpu.memory_space<hbm>>
    %dma_start3A_29 = arith.constant 0 : i32
    %dma_start3A_30 = arith.constant 0 : i32
    %dma_start3A_31 = tpu.memref_slice %arg3[%add3A, %dma_start3A_24, %dma_start3A_29, %dma_start3A_30] : memref<32x250x2x40xi32, #tpu.memory_space<hbm>> -> memref<1x1x2x40xi32, #tpu.memory_space<hbm>>
    %dma_start3A_32 = tpu.memref_squeeze %dma_start3A_31 : memref<1x1x2x40xi32, #tpu.memory_space<hbm>> -> memref<2x40xi32, #tpu.memory_space<hbm>>
    tpu.enqueue_dma source(%dma_start3A_32 : memref<2x40xi32, #tpu.memory_space<hbm>>) target(%arg9 : memref<2x40xi32, #tpu.memory_space<vmem>>) target_semaphore(%arg25 : memref<!tpu.dma_semaphore, #tpu.memory_space<semaphore_mem>>)
    %dma_start3A_33 = arith.constant 3 : i32
    %dma_start3A_34 = arith.constant 0 : i32
    %dma_start3A_35 = arith.constant 0 : i32
    %dma_start3A_36 = tpu.memref_slice %arg3[%add3A, %dma_start3A_33, %dma_start3A_34, %dma_start3A_35] : memref<32x250x2x40xi32, #tpu.memory_space<hbm>> -> memref<1x1x2x40xi32, #tpu.memory_space<hbm>>
    %dma_start3A_37 = tpu.memref_squeeze %dma_start3A_36 : memref<1x1x2x40xi32, #tpu.memory_space<hbm>> -> memref<2x40xi32, #tpu.memory_space<hbm>>
    %dma_start3A_38 = arith.constant 0 : i32
    %dma_start3A_39 = arith.constant 0 : i32
    %dma_start3A_40 = tpu.memref_slice %arg3[%add3A, %dma_start3A_33, %dma_start3A_38, %dma_start3A_39] : memref<32x250x2x40xi32, #tpu.memory_space<hbm>> -> memref<1x1x2x40xi32, #tpu.memory_space<hbm>>
    %dma_start3A_41 = tpu.memref_squeeze %dma_start3A_40 : memref<1x1x2x40xi32, #tpu.memory_space<hbm>> -> memref<2x40xi32, #tpu.memory_space<hbm>>
    tpu.enqueue_dma source(%dma_start3A_41 : memref<2x40xi32, #tpu.memory_space<hbm>>) target(%arg10 : memref<2x40xi32, #tpu.memory_space<vmem>>) target_semaphore(%arg26 : memref<!tpu.dma_semaphore, #tpu.memory_space<semaphore_mem>>)
    %dma_start3A_42 = arith.constant 4 : i32
    %dma_start3A_43 = arith.constant 0 : i32
    %dma_start3A_44 = arith.constant 0 : i32
    %dma_start3A_45 = tpu.memref_slice %arg3[%add3A, %dma_start3A_42, %dma_start3A_43, %dma_start3A_44] : memref<32x250x2x40xi32, #tpu.memory_space<hbm>> -> memref<1x1x2x40xi32, #tpu.memory_space<hbm>>
    %dma_start3A_46 = tpu.memref_squeeze %dma_start3A_45 : memref<1x1x2x40xi32, #tpu.memory_space<hbm>> -> memref<2x40xi32, #tpu.memory_space<hbm>>
    %dma_start3A_47 = arith.constant 0 : i32
    %dma_start3A_48 = arith.constant 0 : i32
    %dma_start3A_49 = tpu.memref_slice %arg3[%add3A, %dma_start3A_42, %dma_start3A_47, %dma_start3A_48] : memref<32x250x2x40xi32, #tpu.memory_space<hbm>> -> memref<1x1x2x40xi32, #tpu.memory_space<hbm>>
    %dma_start3A_50 = tpu.memref_squeeze %dma_start3A_49 : memref<1x1x2x40xi32, #tpu.memory_space<hbm>> -> memref<2x40xi32, #tpu.memory_space<hbm>>
    tpu.enqueue_dma source(%dma_start3A_50 : memref<2x40xi32, #tpu.memory_space<hbm>>) target(%arg11 : memref<2x40xi32, #tpu.memory_space<vmem>>) target_semaphore(%arg27 : memref<!tpu.dma_semaphore, #tpu.memory_space<semaphore_mem>>)
    %dma_start3A_51 = arith.constant 5 : i32
    %dma_start3A_52 = arith.constant 0 : i32
    %dma_start3A_53 = arith.constant 0 : i32
    %dma_start3A_54 = tpu.memref_slice %arg3[%add3A, %dma_start3A_51, %dma_start3A_52, %dma_start3A_53] : memref<32x250x2x40xi32, #tpu.memory_space<hbm>> -> memref<1x1x2x40xi32, #tpu.memory_space<hbm>>
    %dma_start3A_55 = tpu.memref_squeeze %dma_start3A_54 : memref<1x1x2x40xi32, #tpu.memory_space<hbm>> -> memref<2x40xi32, #tpu.memory_space<hbm>>
    %dma_start3A_56 = arith.constant 0 : i32
    %dma_start3A_57 = arith.constant 0 : i32
    %dma_start3A_58 = tpu.memref_slice %arg3[%add3A, %dma_start3A_51, %dma_start3A_56, %dma_start3A_57] : memref<32x250x2x40xi32, #tpu.memory_space<hbm>> -> memref<1x1x2x40xi32, #tpu.memory_space<hbm>>
    %dma_start3A_59 = tpu.memref_squeeze %dma_start3A_58 : memref<1x1x2x40xi32, #tpu.memory_space<hbm>> -> memref<2x40xi32, #tpu.memory_space<hbm>>
    tpu.enqueue_dma source(%dma_start3A_59 : memref<2x40xi32, #tpu.memory_space<hbm>>) target(%arg12 : memref<2x40xi32, #tpu.memory_space<vmem>>) target_semaphore(%arg28 : memref<!tpu.dma_semaphore, #tpu.memory_space<semaphore_mem>>)
    %dma_start3A_60 = arith.constant 6 : i32
    %dma_start3A_61 = arith.constant 0 : i32
    %dma_start3A_62 = arith.constant 0 : i32
    %dma_start3A_63 = tpu.memref_slice %arg3[%add3A, %dma_start3A_60, %dma_start3A_61, %dma_start3A_62] : memref<32x250x2x40xi32, #tpu.memory_space<hbm>> -> memref<1x1x2x40xi32, #tpu.memory_space<hbm>>
    %dma_start3A_64 = tpu.memref_squeeze %dma_start3A_63 : memref<1x1x2x40xi32, #tpu.memory_space<hbm>> -> memref<2x40xi32, #tpu.memory_space<hbm>>
    %dma_start3A_65 = arith.constant 0 : i32
    %dma_start3A_66 = arith.constant 0 : i32
    %dma_start3A_67 = tpu.memref_slice %arg3[%add3A, %dma_start3A_60, %dma_start3A_65, %dma_start3A_66] : memref<32x250x2x40xi32, #tpu.memory_space<hbm>> -> memref<1x1x2x40xi32, #tpu.memory_space<hbm>>
    %dma_start3A_68 = tpu.memref_squeeze %dma_start3A_67 : memref<1x1x2x40xi32, #tpu.memory_space<hbm>> -> memref<2x40xi32, #tpu.memory_space<hbm>>
    tpu.enqueue_dma source(%dma_start3A_68 : memref<2x40xi32, #tpu.memory_space<hbm>>) target(%arg13 : memref<2x40xi32, #tpu.memory_space<vmem>>) target_semaphore(%arg29 : memref<!tpu.dma_semaphore, #tpu.memory_space<semaphore_mem>>)
    %dma_start3A_69 = arith.constant 7 : i32
    %dma_start3A_70 = arith.constant 0 : i32
    %dma_start3A_71 = arith.constant 0 : i32
    %dma_start3A_72 = tpu.memref_slice %arg3[%add3A, %dma_start3A_69, %dma_start3A_70, %dma_start3A_71] : memref<32x250x2x40xi32, #tpu.memory_space<hbm>> -> memref<1x1x2x40xi32, #tpu.memory_space<hbm>>
    %dma_start3A_73 = tpu.memref_squeeze %dma_start3A_72 : memref<1x1x2x40xi32, #tpu.memory_space<hbm>> -> memref<2x40xi32, #tpu.memory_space<hbm>>
    %dma_start3A_74 = arith.constant 0 : i32
    %dma_start3A_75 = arith.constant 0 : i32
    %dma_start3A_76 = tpu.memref_slice %arg3[%add3A, %dma_start3A_69, %dma_start3A_74, %dma_start3A_75] : memref<32x250x2x40xi32, #tpu.memory_space<hbm>> -> memref<1x1x2x40xi32, #tpu.memory_space<hbm>>
    %dma_start3A_77 = tpu.memref_squeeze %dma_start3A_76 : memref<1x1x2x40xi32, #tpu.memory_space<hbm>> -> memref<2x40xi32, #tpu.memory_space<hbm>>
    tpu.enqueue_dma source(%dma_start3A_77 : memref<2x40xi32, #tpu.memory_space<hbm>>) target(%arg14 : memref<2x40xi32, #tpu.memory_space<vmem>>) target_semaphore(%arg30 : memref<!tpu.dma_semaphore, #tpu.memory_space<semaphore_mem>>)
    %dma_start3A_78 = arith.constant 8 : i32
    %dma_start3A_79 = arith.constant 0 : i32
    %dma_start3A_80 = arith.constant 0 : i32
    %dma_start3A_81 = tpu.memref_slice %arg3[%add3A, %dma_start3A_78, %dma_start3A_79, %dma_start3A_80] : memref<32x250x2x40xi32, #tpu.memory_space<hbm>> -> memref<1x1x2x40xi32, #tpu.memory_space<hbm>>
    %dma_start3A_82 = tpu.memref_squeeze %dma_start3A_81 : memref<1x1x2x40xi32, #tpu.memory_space<hbm>> -> memref<2x40xi32, #tpu.memory_space<hbm>>
    %dma_start3A_83 = arith.constant 0 : i32
    %dma_start3A_84 = arith.constant 0 : i32
    %dma_start3A_85 = tpu.memref_slice %arg3[%add3A, %dma_start3A_78, %dma_start3A_83, %dma_start3A_84] : memref<32x250x2x40xi32, #tpu.memory_space<hbm>> -> memref<1x1x2x40xi32, #tpu.memory_space<hbm>>
    %dma_start3A_86 = tpu.memref_squeeze %dma_start3A_85 : memref<1x1x2x40xi32, #tpu.memory_space<hbm>> -> memref<2x40xi32, #tpu.memory_space<hbm>>
    tpu.enqueue_dma source(%dma_start3A_86 : memref<2x40xi32, #tpu.memory_space<hbm>>) target(%arg15 : memref<2x40xi32, #tpu.memory_space<vmem>>) target_semaphore(%arg31 : memref<!tpu.dma_semaphore, #tpu.memory_space<semaphore_mem>>)
    %dma_start3A_87 = arith.constant 9 : i32
    %dma_start3A_88 = arith.constant 0 : i32
    %dma_start3A_89 = arith.constant 0 : i32
    %dma_start3A_90 = tpu.memref_slice %arg3[%add3A, %dma_start3A_87, %dma_start3A_88, %dma_start3A_89] : memref<32x250x2x40xi32, #tpu.memory_space<hbm>> -> memref<1x1x2x40xi32, #tpu.memory_space<hbm>>
    %dma_start3A_91 = tpu.memref_squeeze %dma_start3A_90 : memref<1x1x2x40xi32, #tpu.memory_space<hbm>> -> memref<2x40xi32, #tpu.memory_space<hbm>>
    %dma_start3A_92 = arith.constant 0 : i32
    %dma_start3A_93 = arith.constant 0 : i32
    %dma_start3A_94 = tpu.memref_slice %arg3[%add3A, %dma_start3A_87, %dma_start3A_92, %dma_start3A_93] : memref<32x250x2x40xi32, #tpu.memory_space<hbm>> -> memref<1x1x2x40xi32, #tpu.memory_space<hbm>>
    %dma_start3A_95 = tpu.memref_squeeze %dma_start3A_94 : memref<1x1x2x40xi32, #tpu.memory_space<hbm>> -> memref<2x40xi32, #tpu.memory_space<hbm>>
    tpu.enqueue_dma source(%dma_start3A_95 : memref<2x40xi32, #tpu.memory_space<hbm>>) target(%arg16 : memref<2x40xi32, #tpu.memory_space<vmem>>) target_semaphore(%arg32 : memref<!tpu.dma_semaphore, #tpu.memory_space<semaphore_mem>>)
    %dma_wait3A = arith.constant 0 : i32
    %dma_wait3A_96 = arith.constant 0 : i32
    %dma_wait3A_97 = arith.constant 0 : i32
    %dma_wait3A_98 = arith.constant 0 : i32
    %dma_wait3A_99 = tpu.memref_slice %arg3[%dma_wait3A, %dma_wait3A_96, %dma_wait3A_97, %dma_wait3A_98] : memref<32x250x2x40xi32, #tpu.memory_space<hbm>> -> memref<1x1x2x40xi32, #tpu.memory_space<hbm>>
    %dma_wait3A_100 = tpu.memref_squeeze %dma_wait3A_99 : memref<1x1x2x40xi32, #tpu.memory_space<hbm>> -> memref<2x40xi32, #tpu.memory_space<hbm>>
    %dma_wait3A_101 = arith.constant 0 : i32
    %dma_wait3A_102 = arith.constant 0 : i32
    %dma_wait3A_103 = tpu.memref_slice %arg3[%dma_wait3A, %dma_wait3A_96, %dma_wait3A_101, %dma_wait3A_102] : memref<32x250x2x40xi32, #tpu.memory_space<hbm>> -> memref<1x1x2x40xi32, #tpu.memory_space<hbm>>
    %dma_wait3A_104 = tpu.memref_squeeze %dma_wait3A_103 : memref<1x1x2x40xi32, #tpu.memory_space<hbm>> -> memref<2x40xi32, #tpu.memory_space<hbm>>
    tpu.wait_dma2 semaphore(%arg23 : memref<!tpu.dma_semaphore, #tpu.memory_space<semaphore_mem>>) src(%dma_wait3A_104 : memref<2x40xi32, #tpu.memory_space<hbm>>) dst(%arg7 : memref<2x40xi32, #tpu.memory_space<vmem>>)
    %dma_start3A_105 = arith.constant 0 : i32
    %dma_start3A_106 = arith.constant 0 : i32
    %dma_start3A_107 = tpu.memref_slice %arg7[%dma_start3A_105, %dma_start3A_106] : memref<2x40xi32, #tpu.memory_space<vmem>> -> memref<1x40xi32, #tpu.memory_space<vmem>>
    %dma_start3A_108 = tpu.memref_squeeze %dma_start3A_107 : memref<1x40xi32, #tpu.memory_space<vmem>> -> memref<40xi32, #tpu.memory_space<vmem>>
    %dma_start3A_109 = arith.constant 0 : i32
    %dma_start3A_110 = arith.constant 0 : i32
    %dma_start3A_111 = tpu.memref_slice %arg2[%dma_start3A_109, %dma_start3A_110] : memref<10000x128xf32, #tpu.memory_space<hbm>> -> memref<10000x128xf32, #tpu.memory_space<hbm>>
    tpu.enqueue_indirect_dma source(%dma_start3A_111 : memref<10000x128xf32, #tpu.memory_space<hbm>>) target(%arg17 : memref<40x128xf32, #tpu.memory_space<vmem>>) offsets(%dma_start3A_108 : memref<40xi32, #tpu.memory_space<vmem>>) semaphore(%arg33 : memref<!tpu.dma_semaphore, #tpu.memory_space<semaphore_mem>>)
    %dma_wait3A_112 = arith.constant 0 : i32
    %dma_wait3A_113 = arith.constant 0 : i32
    %dma_wait3A_114 = arith.constant 0 : i32
    %dma_wait3A_115 = arith.constant 0 : i32
    %dma_wait3A_116 = tpu.memref_slice %arg3[%dma_wait3A_112, %dma_wait3A_113, %dma_wait3A_114, %dma_wait3A_115] : memref<32x250x2x40xi32, #tpu.memory_space<hbm>> -> memref<1x1x2x40xi32, #tpu.memory_space<hbm>>
    %dma_wait3A_117 = tpu.memref_squeeze %dma_wait3A_116 : memref<1x1x2x40xi32, #tpu.memory_space<hbm>> -> memref<2x40xi32, #tpu.memory_space<hbm>>
    %dma_wait3A_118 = arith.constant 0 : i32
    %dma_wait3A_119 = arith.constant 0 : i32
    %dma_wait3A_120 = tpu.memref_slice %arg3[%dma_wait3A_112, %dma_wait3A_113, %dma_wait3A_118, %dma_wait3A_119] : memref<32x250x2x40xi32, #tpu.memory_space<hbm>> -> memref<1x1x2x40xi32, #tpu.memory_space<hbm>>
    %dma_wait3A_121 = tpu.memref_squeeze %dma_wait3A_120 : memref<1x1x2x40xi32, #tpu.memory_space<hbm>> -> memref<2x40xi32, #tpu.memory_space<hbm>>
    tpu.wait_dma2 semaphore(%arg24 : memref<!tpu.dma_semaphore, #tpu.memory_space<semaphore_mem>>) src(%dma_wait3A_121 : memref<2x40xi32, #tpu.memory_space<hbm>>) dst(%arg8 : memref<2x40xi32, #tpu.memory_space<vmem>>)
    %dma_start3A_122 = arith.constant 0 : i32
    %dma_start3A_123 = arith.constant 0 : i32
    %dma_start3A_124 = tpu.memref_slice %arg8[%dma_start3A_122, %dma_start3A_123] : memref<2x40xi32, #tpu.memory_space<vmem>> -> memref<1x40xi32, #tpu.memory_space<vmem>>
    %dma_start3A_125 = tpu.memref_squeeze %dma_start3A_124 : memref<1x40xi32, #tpu.memory_space<vmem>> -> memref<40xi32, #tpu.memory_space<vmem>>
    %dma_start3A_126 = arith.constant 0 : i32
    %dma_start3A_127 = arith.constant 0 : i32
    %dma_start3A_128 = tpu.memref_slice %arg2[%dma_start3A_126, %dma_start3A_127] : memref<10000x128xf32, #tpu.memory_space<hbm>> -> memref<10000x128xf32, #tpu.memory_space<hbm>>
    tpu.enqueue_indirect_dma source(%dma_start3A_128 : memref<10000x128xf32, #tpu.memory_space<hbm>>) target(%arg18 : memref<40x128xf32, #tpu.memory_space<vmem>>) offsets(%dma_start3A_125 : memref<40xi32, #tpu.memory_space<vmem>>) semaphore(%arg34 : memref<!tpu.dma_semaphore, #tpu.memory_space<semaphore_mem>>)
    %dma_wait3A_129 = arith.constant 0 : i32
    %dma_wait3A_130 = arith.constant 0 : i32
    %dma_wait3A_131 = arith.constant 0 : i32
    %dma_wait3A_132 = arith.constant 0 : i32
    %dma_wait3A_133 = tpu.memref_slice %arg3[%dma_wait3A_129, %dma_wait3A_130, %dma_wait3A_131, %dma_wait3A_132] : memref<32x250x2x40xi32, #tpu.memory_space<hbm>> -> memref<1x1x2x40xi32, #tpu.memory_space<hbm>>
    %dma_wait3A_134 = tpu.memref_squeeze %dma_wait3A_133 : memref<1x1x2x40xi32, #tpu.memory_space<hbm>> -> memref<2x40xi32, #tpu.memory_space<hbm>>
    %dma_wait3A_135 = arith.constant 0 : i32
    %dma_wait3A_136 = arith.constant 0 : i32
    %dma_wait3A_137 = tpu.memref_slice %arg3[%dma_wait3A_129, %dma_wait3A_130, %dma_wait3A_135, %dma_wait3A_136] : memref<32x250x2x40xi32, #tpu.memory_space<hbm>> -> memref<1x1x2x40xi32, #tpu.memory_space<hbm>>
    %dma_wait3A_138 = tpu.memref_squeeze %dma_wait3A_137 : memref<1x1x2x40xi32, #tpu.memory_space<hbm>> -> memref<2x40xi32, #tpu.memory_space<hbm>>
    tpu.wait_dma2 semaphore(%arg25 : memref<!tpu.dma_semaphore, #tpu.memory_space<semaphore_mem>>) src(%dma_wait3A_138 : memref<2x40xi32, #tpu.memory_space<hbm>>) dst(%arg9 : memref<2x40xi32, #tpu.memory_space<vmem>>)
    %dma_start3A_139 = arith.constant 0 : i32
    %dma_start3A_140 = arith.constant 0 : i32
    %dma_start3A_141 = tpu.memref_slice %arg9[%dma_start3A_139, %dma_start3A_140] : memref<2x40xi32, #tpu.memory_space<vmem>> -> memref<1x40xi32, #tpu.memory_space<vmem>>
    %dma_start3A_142 = tpu.memref_squeeze %dma_start3A_141 : memref<1x40xi32, #tpu.memory_space<vmem>> -> memref<40xi32, #tpu.memory_space<vmem>>
    %dma_start3A_143 = arith.constant 0 : i32
    %dma_start3A_144 = arith.constant 0 : i32
    %dma_start3A_145 = tpu.memref_slice %arg2[%dma_start3A_143, %dma_start3A_144] : memref<10000x128xf32, #tpu.memory_space<hbm>> -> memref<10000x128xf32, #tpu.memory_space<hbm>>
    tpu.enqueue_indirect_dma source(%dma_start3A_145 : memref<10000x128xf32, #tpu.memory_space<hbm>>) target(%arg19 : memref<40x128xf32, #tpu.memory_space<vmem>>) offsets(%dma_start3A_142 : memref<40xi32, #tpu.memory_space<vmem>>) semaphore(%arg35 : memref<!tpu.dma_semaphore, #tpu.memory_space<semaphore_mem>>)
    %dma_wait3A_146 = arith.constant 0 : i32
    %dma_wait3A_147 = arith.constant 0 : i32
    %dma_wait3A_148 = arith.constant 0 : i32
    %dma_wait3A_149 = arith.constant 0 : i32
    %dma_wait3A_150 = tpu.memref_slice %arg3[%dma_wait3A_146, %dma_wait3A_147, %dma_wait3A_148, %dma_wait3A_149] : memref<32x250x2x40xi32, #tpu.memory_space<hbm>> -> memref<1x1x2x40xi32, #tpu.memory_space<hbm>>
    %dma_wait3A_151 = tpu.memref_squeeze %dma_wait3A_150 : memref<1x1x2x40xi32, #tpu.memory_space<hbm>> -> memref<2x40xi32, #tpu.memory_space<hbm>>
    %dma_wait3A_152 = arith.constant 0 : i32
    %dma_wait3A_153 = arith.constant 0 : i32
    %dma_wait3A_154 = tpu.memref_slice %arg3[%dma_wait3A_146, %dma_wait3A_147, %dma_wait3A_152, %dma_wait3A_153] : memref<32x250x2x40xi32, #tpu.memory_space<hbm>> -> memref<1x1x2x40xi32, #tpu.memory_space<hbm>>
    %dma_wait3A_155 = tpu.memref_squeeze %dma_wait3A_154 : memref<1x1x2x40xi32, #tpu.memory_space<hbm>> -> memref<2x40xi32, #tpu.memory_space<hbm>>
    tpu.wait_dma2 semaphore(%arg26 : memref<!tpu.dma_semaphore, #tpu.memory_space<semaphore_mem>>) src(%dma_wait3A_155 : memref<2x40xi32, #tpu.memory_space<hbm>>) dst(%arg10 : memref<2x40xi32, #tpu.memory_space<vmem>>)
    %dma_start3A_156 = arith.constant 0 : i32
    %dma_start3A_157 = arith.constant 0 : i32
    %dma_start3A_158 = tpu.memref_slice %arg10[%dma_start3A_156, %dma_start3A_157] : memref<2x40xi32, #tpu.memory_space<vmem>> -> memref<1x40xi32, #tpu.memory_space<vmem>>
    %dma_start3A_159 = tpu.memref_squeeze %dma_start3A_158 : memref<1x40xi32, #tpu.memory_space<vmem>> -> memref<40xi32, #tpu.memory_space<vmem>>
    %dma_start3A_160 = arith.constant 0 : i32
    %dma_start3A_161 = arith.constant 0 : i32
    %dma_start3A_162 = tpu.memref_slice %arg2[%dma_start3A_160, %dma_start3A_161] : memref<10000x128xf32, #tpu.memory_space<hbm>> -> memref<10000x128xf32, #tpu.memory_space<hbm>>
    tpu.enqueue_indirect_dma source(%dma_start3A_162 : memref<10000x128xf32, #tpu.memory_space<hbm>>) target(%arg20 : memref<40x128xf32, #tpu.memory_space<vmem>>) offsets(%dma_start3A_159 : memref<40xi32, #tpu.memory_space<vmem>>) semaphore(%arg36 : memref<!tpu.dma_semaphore, #tpu.memory_space<semaphore_mem>>)
    %dma_wait3A_163 = arith.constant 0 : i32
    %dma_wait3A_164 = arith.constant 0 : i32
    %dma_wait3A_165 = arith.constant 0 : i32
    %dma_wait3A_166 = arith.constant 0 : i32
    %dma_wait3A_167 = tpu.memref_slice %arg3[%dma_wait3A_163, %dma_wait3A_164, %dma_wait3A_165, %dma_wait3A_166] : memref<32x250x2x40xi32, #tpu.memory_space<hbm>> -> memref<1x1x2x40xi32, #tpu.memory_space<hbm>>
    %dma_wait3A_168 = tpu.memref_squeeze %dma_wait3A_167 : memref<1x1x2x40xi32, #tpu.memory_space<hbm>> -> memref<2x40xi32, #tpu.memory_space<hbm>>
    %dma_wait3A_169 = arith.constant 0 : i32
    %dma_wait3A_170 = arith.constant 0 : i32
    %dma_wait3A_171 = tpu.memref_slice %arg3[%dma_wait3A_163, %dma_wait3A_164, %dma_wait3A_169, %dma_wait3A_170] : memref<32x250x2x40xi32, #tpu.memory_space<hbm>> -> memref<1x1x2x40xi32, #tpu.memory_space<hbm>>
    %dma_wait3A_172 = tpu.memref_squeeze %dma_wait3A_171 : memref<1x1x2x40xi32, #tpu.memory_space<hbm>> -> memref<2x40xi32, #tpu.memory_space<hbm>>
    tpu.wait_dma2 semaphore(%arg27 : memref<!tpu.dma_semaphore, #tpu.memory_space<semaphore_mem>>) src(%dma_wait3A_172 : memref<2x40xi32, #tpu.memory_space<hbm>>) dst(%arg11 : memref<2x40xi32, #tpu.memory_space<vmem>>)
    %dma_start3A_173 = arith.constant 0 : i32
    %dma_start3A_174 = arith.constant 0 : i32
    %dma_start3A_175 = tpu.memref_slice %arg11[%dma_start3A_173, %dma_start3A_174] : memref<2x40xi32, #tpu.memory_space<vmem>> -> memref<1x40xi32, #tpu.memory_space<vmem>>
    %dma_start3A_176 = tpu.memref_squeeze %dma_start3A_175 : memref<1x40xi32, #tpu.memory_space<vmem>> -> memref<40xi32, #tpu.memory_space<vmem>>
    %dma_start3A_177 = arith.constant 0 : i32
    %dma_start3A_178 = arith.constant 0 : i32
    %dma_start3A_179 = tpu.memref_slice %arg2[%dma_start3A_177, %dma_start3A_178] : memref<10000x128xf32, #tpu.memory_space<hbm>> -> memref<10000x128xf32, #tpu.memory_space<hbm>>
    tpu.enqueue_indirect_dma source(%dma_start3A_179 : memref<10000x128xf32, #tpu.memory_space<hbm>>) target(%arg21 : memref<40x128xf32, #tpu.memory_space<vmem>>) offsets(%dma_start3A_176 : memref<40xi32, #tpu.memory_space<vmem>>) semaphore(%arg37 : memref<!tpu.dma_semaphore, #tpu.memory_space<semaphore_mem>>)
    %dma_wait3A_180 = arith.constant 0 : i32
    %dma_wait3A_181 = tpu.memref_slice %arg6[%mul3A_2, %dma_wait3A_180] : memref<10240x128xf32, #tpu.memory_space<vmem_shared>> -> memref<640x128xf32, #tpu.memory_space<vmem_shared>>
    %dma_wait3A_182 = arith.constant 0 : i32
    %dma_wait3A_183 = tpu.memref_slice %arg4[%mul3A_2, %dma_wait3A_182] : memref<10240x128xf32, #tpu.memory_space<hbm>> -> memref<640x128xf32, #tpu.memory_space<hbm>>
    tpu.wait_dma2 semaphore(%arg22 : memref<!tpu.dma_semaphore, #tpu.memory_space<semaphore_mem>>) src(%dma_wait3A_183 : memref<640x128xf32, #tpu.memory_space<hbm>>) dst(%dma_wait3A_181 : memref<640x128xf32, #tpu.memory_space<vmem_shared>>)
    %barrier3A = arith.constant 0 : index
    tpu.barrier barrier_id(%barrier3A)
    %scan3A = arith.constant 0 : i32
    %scan3A_184 = arith.constant 25 : i32
    %scan3A_185 = arith.addi %scan3A, %scan3A_184 : i32
    %scan3A_186 = arith.constant 1 : i32
    scf.for %scan3A_198 = %scan3A to %scan3A_185 step %scan3A_186  : i32 {
      %mul3A_199 = arith.constant 1 : i32
      %mul3A_200 = arith.muli %scan3A_198, %mul3A_199 : i32
      %add3A_201 = arith.constant 0 : i32
      %add3A_202 = arith.addi %add3A_201, %mul3A_200 : i32
      %mul3A_203 = arith.constant 10 : i32
      %mul3A_204 = arith.muli %add3A_202, %mul3A_203 : i32
      %add3A_205 = arith.constant 0 : i32
      %add3A_206 = arith.addi %mul3A_204, %add3A_205 : i32
      %dma_wait3A_207 = arith.constant 0 : i32
      %dma_wait3A_208 = arith.constant 0 : i32
      %dma_wait3A_209 = tpu.memref_slice %arg7[%dma_wait3A_207, %dma_wait3A_208] : memref<2x40xi32, #tpu.memory_space<vmem>> -> memref<1x40xi32, #tpu.memory_space<vmem>>
      %dma_wait3A_210 = tpu.memref_squeeze %dma_wait3A_209 : memref<1x40xi32, #tpu.memory_space<vmem>> -> memref<40xi32, #tpu.memory_space<vmem>>
      %dma_wait3A_211 = arith.constant 0 : i32
      %dma_wait3A_212 = arith.constant 0 : i32
      %dma_wait3A_213 = tpu.memref_slice %arg2[%dma_wait3A_211, %dma_wait3A_212] : memref<10000x128xf32, #tpu.memory_space<hbm>> -> memref<10000x128xf32, #tpu.memory_space<hbm>>
      tpu.wait_indirect_dma semaphore(%arg33 : memref<!tpu.dma_semaphore, #tpu.memory_space<semaphore_mem>>) src(%dma_wait3A_213 : memref<10000x128xf32, #tpu.memory_space<hbm>>) dst(%arg17 : memref<40x128xf32, #tpu.memory_space<vmem>>)
      %run_scoped3A = arith.constant 1 : i32
      "tpu.region"() ({
        %run_scoped3A_459 = tpu.sem_alloc : memref<!tpu.dma_semaphore, #tpu.memory_space<semaphore_mem>>
        %dma_start3A_460 = arith.constant 0 : i32
        %dma_start3A_461 = tpu.memref_slice %arg7[%run_scoped3A, %dma_start3A_460] : memref<2x40xi32, #tpu.memory_space<vmem>> -> memref<1x40xi32, #tpu.memory_space<vmem>>
        %dma_start3A_462 = tpu.memref_squeeze %dma_start3A_461 : memref<1x40xi32, #tpu.memory_space<vmem>> -> memref<40xi32, #tpu.memory_space<vmem>>
        %dma_start3A_463 = arith.constant 0 : i32
        %dma_start3A_464 = arith.constant 0 : i32
        %dma_start3A_465 = tpu.memref_slice %arg6[%dma_start3A_463, %dma_start3A_464] : memref<10240x128xf32, #tpu.memory_space<vmem_shared>> -> memref<10240x128xf32, #tpu.memory_space<vmem_shared>>
        tpu.enqueue_indirect_dma source(%arg17 : memref<40x128xf32, #tpu.memory_space<vmem>>) target(%dma_start3A_465 : memref<10240x128xf32, #tpu.memory_space<vmem_shared>>) offsets(%dma_start3A_462 : memref<40xi32, #tpu.memory_space<vmem>>) semaphore(%run_scoped3A_459 : memref<!tpu.dma_semaphore, #tpu.memory_space<semaphore_mem>>) {add = true}
        %dma_wait3A_466 = arith.constant 0 : i32
        %dma_wait3A_467 = tpu.memref_slice %arg7[%run_scoped3A, %dma_wait3A_466] : memref<2x40xi32, #tpu.memory_space<vmem>> -> memref<1x40xi32, #tpu.memory_space<vmem>>
        %dma_wait3A_468 = tpu.memref_squeeze %dma_wait3A_467 : memref<1x40xi32, #tpu.memory_space<vmem>> -> memref<40xi32, #tpu.memory_space<vmem>>
        %dma_wait3A_469 = arith.constant 0 : i32
        %dma_wait3A_470 = arith.constant 0 : i32
        %dma_wait3A_471 = tpu.memref_slice %arg6[%dma_wait3A_469, %dma_wait3A_470] : memref<10240x128xf32, #tpu.memory_space<vmem_shared>> -> memref<10240x128xf32, #tpu.memory_space<vmem_shared>>
        tpu.wait_indirect_dma semaphore(%run_scoped3A_459 : memref<!tpu.dma_semaphore, #tpu.memory_space<semaphore_mem>>) src(%arg17 : memref<40x128xf32, #tpu.memory_space<vmem>>) dst(%dma_wait3A_471 : memref<10240x128xf32, #tpu.memory_space<vmem_shared>>)
        tpu.yield
      }) : () -> ()
      %add3A_214 = arith.constant 10 : i32
      %add3A_215 = arith.addi %add3A_206, %add3A_214 : i32
      %lt3A = arith.constant 250 : i32
      %lt3A_216 = arith.cmpi slt, %add3A_215, %lt3A : i32
      %convert_element_type3A = arith.extui %lt3A_216 : i1 to i32
      %cond3A = arith.constant 0 : i32
      %cond3A_217 = arith.cmpi ne, %convert_element_type3A, %cond3A : i32
      scf.if %cond3A_217 {
        %add3A_459 = arith.constant 10 : i32
        %add3A_460 = arith.addi %add3A_206, %add3A_459 : i32
        %dma_start3A_461 = arith.constant 0 : i32
        %dma_start3A_462 = arith.constant 0 : i32
        %dma_start3A_463 = tpu.memref_slice %arg3[%add3A, %add3A_460, %dma_start3A_461, %dma_start3A_462] : memref<32x250x2x40xi32, #tpu.memory_space<hbm>> -> memref<1x1x2x40xi32, #tpu.memory_space<hbm>>
        %dma_start3A_464 = tpu.memref_squeeze %dma_start3A_463 : memref<1x1x2x40xi32, #tpu.memory_space<hbm>> -> memref<2x40xi32, #tpu.memory_space<hbm>>
        %dma_start3A_465 = arith.constant 0 : i32
        %dma_start3A_466 = arith.constant 0 : i32
        %dma_start3A_467 = tpu.memref_slice %arg3[%add3A, %add3A_460, %dma_start3A_465, %dma_start3A_466] : memref<32x250x2x40xi32, #tpu.memory_space<hbm>> -> memref<1x1x2x40xi32, #tpu.memory_space<hbm>>
        %dma_start3A_468 = tpu.memref_squeeze %dma_start3A_467 : memref<1x1x2x40xi32, #tpu.memory_space<hbm>> -> memref<2x40xi32, #tpu.memory_space<hbm>>
        tpu.enqueue_dma source(%dma_start3A_468 : memref<2x40xi32, #tpu.memory_space<hbm>>) target(%arg7 : memref<2x40xi32, #tpu.memory_space<vmem>>) target_semaphore(%arg23 : memref<!tpu.dma_semaphore, #tpu.memory_space<semaphore_mem>>)
      } else {
      }
      %add3A_218 = arith.constant 5 : i32
      %add3A_219 = arith.addi %add3A_206, %add3A_218 : i32
      %lt3A_220 = arith.constant 250 : i32
      %lt3A_221 = arith.cmpi slt, %add3A_219, %lt3A_220 : i32
      %convert_element_type3A_222 = arith.extui %lt3A_221 : i1 to i32
      %cond3A_223 = arith.constant 0 : i32
      %cond3A_224 = arith.cmpi ne, %convert_element_type3A_222, %cond3A_223 : i32
      scf.if %cond3A_224 {
        %dma_wait3A_459 = arith.constant 0 : i32
        %dma_wait3A_460 = arith.constant 0 : i32
        %dma_wait3A_461 = arith.constant 0 : i32
        %dma_wait3A_462 = arith.constant 0 : i32
        %dma_wait3A_463 = tpu.memref_slice %arg3[%dma_wait3A_459, %dma_wait3A_460, %dma_wait3A_461, %dma_wait3A_462] : memref<32x250x2x40xi32, #tpu.memory_space<hbm>> -> memref<1x1x2x40xi32, #tpu.memory_space<hbm>>
        %dma_wait3A_464 = tpu.memref_squeeze %dma_wait3A_463 : memref<1x1x2x40xi32, #tpu.memory_space<hbm>> -> memref<2x40xi32, #tpu.memory_space<hbm>>
        %dma_wait3A_465 = arith.constant 0 : i32
        %dma_wait3A_466 = arith.constant 0 : i32
        %dma_wait3A_467 = tpu.memref_slice %arg3[%dma_wait3A_459, %dma_wait3A_460, %dma_wait3A_465, %dma_wait3A_466] : memref<32x250x2x40xi32, #tpu.memory_space<hbm>> -> memref<1x1x2x40xi32, #tpu.memory_space<hbm>>
        %dma_wait3A_468 = tpu.memref_squeeze %dma_wait3A_467 : memref<1x1x2x40xi32, #tpu.memory_space<hbm>> -> memref<2x40xi32, #tpu.memory_space<hbm>>
        tpu.wait_dma2 semaphore(%arg28 : memref<!tpu.dma_semaphore, #tpu.memory_space<semaphore_mem>>) src(%dma_wait3A_468 : memref<2x40xi32, #tpu.memory_space<hbm>>) dst(%arg12 : memref<2x40xi32, #tpu.memory_space<vmem>>)
        %dma_start3A_469 = arith.constant 0 : i32
        %dma_start3A_470 = arith.constant 0 : i32
        %dma_start3A_471 = tpu.memref_slice %arg12[%dma_start3A_469, %dma_start3A_470] : memref<2x40xi32, #tpu.memory_space<vmem>> -> memref<1x40xi32, #tpu.memory_space<vmem>>
        %dma_start3A_472 = tpu.memref_squeeze %dma_start3A_471 : memref<1x40xi32, #tpu.memory_space<vmem>> -> memref<40xi32, #tpu.memory_space<vmem>>
        %dma_start3A_473 = arith.constant 0 : i32
        %dma_start3A_474 = arith.constant 0 : i32
        %dma_start3A_475 = tpu.memref_slice %arg2[%dma_start3A_473, %dma_start3A_474] : memref<10000x128xf32, #tpu.memory_space<hbm>> -> memref<10000x128xf32, #tpu.memory_space<hbm>>
        tpu.enqueue_indirect_dma source(%dma_start3A_475 : memref<10000x128xf32, #tpu.memory_space<hbm>>) target(%arg17 : memref<40x128xf32, #tpu.memory_space<vmem>>) offsets(%dma_start3A_472 : memref<40xi32, #tpu.memory_space<vmem>>) semaphore(%arg33 : memref<!tpu.dma_semaphore, #tpu.memory_space<semaphore_mem>>)
      } else {
      }
      %mul3A_225 = arith.constant 10 : i32
      %mul3A_226 = arith.muli %add3A_202, %mul3A_225 : i32
      %add3A_227 = arith.constant 1 : i32
      %add3A_228 = arith.addi %mul3A_226, %add3A_227 : i32
      %dma_wait3A_229 = arith.constant 0 : i32
      %dma_wait3A_230 = arith.constant 0 : i32
      %dma_wait3A_231 = tpu.memref_slice %arg7[%dma_wait3A_229, %dma_wait3A_230] : memref<2x40xi32, #tpu.memory_space<vmem>> -> memref<1x40xi32, #tpu.memory_space<vmem>>
      %dma_wait3A_232 = tpu.memref_squeeze %dma_wait3A_231 : memref<1x40xi32, #tpu.memory_space<vmem>> -> memref<40xi32, #tpu.memory_space<vmem>>
      %dma_wait3A_233 = arith.constant 0 : i32
      %dma_wait3A_234 = arith.constant 0 : i32
      %dma_wait3A_235 = tpu.memref_slice %arg2[%dma_wait3A_233, %dma_wait3A_234] : memref<10000x128xf32, #tpu.memory_space<hbm>> -> memref<10000x128xf32, #tpu.memory_space<hbm>>
      tpu.wait_indirect_dma semaphore(%arg34 : memref<!tpu.dma_semaphore, #tpu.memory_space<semaphore_mem>>) src(%dma_wait3A_235 : memref<10000x128xf32, #tpu.memory_space<hbm>>) dst(%arg18 : memref<40x128xf32, #tpu.memory_space<vmem>>)
      %run_scoped3A_236 = arith.constant 1 : i32
      "tpu.region"() ({
        %run_scoped3A_459 = tpu.sem_alloc : memref<!tpu.dma_semaphore, #tpu.memory_space<semaphore_mem>>
        %dma_start3A_460 = arith.constant 0 : i32
        %dma_start3A_461 = tpu.memref_slice %arg8[%run_scoped3A_236, %dma_start3A_460] : memref<2x40xi32, #tpu.memory_space<vmem>> -> memref<1x40xi32, #tpu.memory_space<vmem>>
        %dma_start3A_462 = tpu.memref_squeeze %dma_start3A_461 : memref<1x40xi32, #tpu.memory_space<vmem>> -> memref<40xi32, #tpu.memory_space<vmem>>
        %dma_start3A_463 = arith.constant 0 : i32
        %dma_start3A_464 = arith.constant 0 : i32
        %dma_start3A_465 = tpu.memref_slice %arg6[%dma_start3A_463, %dma_start3A_464] : memref<10240x128xf32, #tpu.memory_space<vmem_shared>> -> memref<10240x128xf32, #tpu.memory_space<vmem_shared>>
        tpu.enqueue_indirect_dma source(%arg18 : memref<40x128xf32, #tpu.memory_space<vmem>>) target(%dma_start3A_465 : memref<10240x128xf32, #tpu.memory_space<vmem_shared>>) offsets(%dma_start3A_462 : memref<40xi32, #tpu.memory_space<vmem>>) semaphore(%run_scoped3A_459 : memref<!tpu.dma_semaphore, #tpu.memory_space<semaphore_mem>>) {add = true}
        %dma_wait3A_466 = arith.constant 0 : i32
        %dma_wait3A_467 = tpu.memref_slice %arg8[%run_scoped3A_236, %dma_wait3A_466] : memref<2x40xi32, #tpu.memory_space<vmem>> -> memref<1x40xi32, #tpu.memory_space<vmem>>
        %dma_wait3A_468 = tpu.memref_squeeze %dma_wait3A_467 : memref<1x40xi32, #tpu.memory_space<vmem>> -> memref<40xi32, #tpu.memory_space<vmem>>
        %dma_wait3A_469 = arith.constant 0 : i32
        %dma_wait3A_470 = arith.constant 0 : i32
        %dma_wait3A_471 = tpu.memref_slice %arg6[%dma_wait3A_469, %dma_wait3A_470] : memref<10240x128xf32, #tpu.memory_space<vmem_shared>> -> memref<10240x128xf32, #tpu.memory_space<vmem_shared>>
        tpu.wait_indirect_dma semaphore(%run_scoped3A_459 : memref<!tpu.dma_semaphore, #tpu.memory_space<semaphore_mem>>) src(%arg18 : memref<40x128xf32, #tpu.memory_space<vmem>>) dst(%dma_wait3A_471 : memref<10240x128xf32, #tpu.memory_space<vmem_shared>>)
        tpu.yield
      }) : () -> ()
      %add3A_237 = arith.constant 10 : i32
      %add3A_238 = arith.addi %add3A_228, %add3A_237 : i32
      %lt3A_239 = arith.constant 250 : i32
      %lt3A_240 = arith.cmpi slt, %add3A_238, %lt3A_239 : i32
      %convert_element_type3A_241 = arith.extui %lt3A_240 : i1 to i32
      %cond3A_242 = arith.constant 0 : i32
      %cond3A_243 = arith.cmpi ne, %convert_element_type3A_241, %cond3A_242 : i32
      scf.if %cond3A_243 {
        %add3A_459 = arith.constant 10 : i32
        %add3A_460 = arith.addi %add3A_228, %add3A_459 : i32
        %dma_start3A_461 = arith.constant 0 : i32
        %dma_start3A_462 = arith.constant 0 : i32
        %dma_start3A_463 = tpu.memref_slice %arg3[%add3A, %add3A_460, %dma_start3A_461, %dma_start3A_462] : memref<32x250x2x40xi32, #tpu.memory_space<hbm>> -> memref<1x1x2x40xi32, #tpu.memory_space<hbm>>
        %dma_start3A_464 = tpu.memref_squeeze %dma_start3A_463 : memref<1x1x2x40xi32, #tpu.memory_space<hbm>> -> memref<2x40xi32, #tpu.memory_space<hbm>>
        %dma_start3A_465 = arith.constant 0 : i32
        %dma_start3A_466 = arith.constant 0 : i32
        %dma_start3A_467 = tpu.memref_slice %arg3[%add3A, %add3A_460, %dma_start3A_465, %dma_start3A_466] : memref<32x250x2x40xi32, #tpu.memory_space<hbm>> -> memref<1x1x2x40xi32, #tpu.memory_space<hbm>>
        %dma_start3A_468 = tpu.memref_squeeze %dma_start3A_467 : memref<1x1x2x40xi32, #tpu.memory_space<hbm>> -> memref<2x40xi32, #tpu.memory_space<hbm>>
        tpu.enqueue_dma source(%dma_start3A_468 : memref<2x40xi32, #tpu.memory_space<hbm>>) target(%arg8 : memref<2x40xi32, #tpu.memory_space<vmem>>) target_semaphore(%arg24 : memref<!tpu.dma_semaphore, #tpu.memory_space<semaphore_mem>>)
      } else {
      }
      %add3A_244 = arith.constant 5 : i32
      %add3A_245 = arith.addi %add3A_228, %add3A_244 : i32
      %lt3A_246 = arith.constant 250 : i32
      %lt3A_247 = arith.cmpi slt, %add3A_245, %lt3A_246 : i32
      %convert_element_type3A_248 = arith.extui %lt3A_247 : i1 to i32
      %cond3A_249 = arith.constant 0 : i32
      %cond3A_250 = arith.cmpi ne, %convert_element_type3A_248, %cond3A_249 : i32
      scf.if %cond3A_250 {
        %dma_wait3A_459 = arith.constant 0 : i32
        %dma_wait3A_460 = arith.constant 0 : i32
        %dma_wait3A_461 = arith.constant 0 : i32
        %dma_wait3A_462 = arith.constant 0 : i32
        %dma_wait3A_463 = tpu.memref_slice %arg3[%dma_wait3A_459, %dma_wait3A_460, %dma_wait3A_461, %dma_wait3A_462] : memref<32x250x2x40xi32, #tpu.memory_space<hbm>> -> memref<1x1x2x40xi32, #tpu.memory_space<hbm>>
        %dma_wait3A_464 = tpu.memref_squeeze %dma_wait3A_463 : memref<1x1x2x40xi32, #tpu.memory_space<hbm>> -> memref<2x40xi32, #tpu.memory_space<hbm>>
        %dma_wait3A_465 = arith.constant 0 : i32
        %dma_wait3A_466 = arith.constant 0 : i32
        %dma_wait3A_467 = tpu.memref_slice %arg3[%dma_wait3A_459, %dma_wait3A_460, %dma_wait3A_465, %dma_wait3A_466] : memref<32x250x2x40xi32, #tpu.memory_space<hbm>> -> memref<1x1x2x40xi32, #tpu.memory_space<hbm>>
        %dma_wait3A_468 = tpu.memref_squeeze %dma_wait3A_467 : memref<1x1x2x40xi32, #tpu.memory_space<hbm>> -> memref<2x40xi32, #tpu.memory_space<hbm>>
        tpu.wait_dma2 semaphore(%arg29 : memref<!tpu.dma_semaphore, #tpu.memory_space<semaphore_mem>>) src(%dma_wait3A_468 : memref<2x40xi32, #tpu.memory_space<hbm>>) dst(%arg13 : memref<2x40xi32, #tpu.memory_space<vmem>>)
        %dma_start3A_469 = arith.constant 0 : i32
        %dma_start3A_470 = arith.constant 0 : i32
        %dma_start3A_471 = tpu.memref_slice %arg13[%dma_start3A_469, %dma_start3A_470] : memref<2x40xi32, #tpu.memory_space<vmem>> -> memref<1x40xi32, #tpu.memory_space<vmem>>
        %dma_start3A_472 = tpu.memref_squeeze %dma_start3A_471 : memref<1x40xi32, #tpu.memory_space<vmem>> -> memref<40xi32, #tpu.memory_space<vmem>>
        %dma_start3A_473 = arith.constant 0 : i32
        %dma_start3A_474 = arith.constant 0 : i32
        %dma_start3A_475 = tpu.memref_slice %arg2[%dma_start3A_473, %dma_start3A_474] : memref<10000x128xf32, #tpu.memory_space<hbm>> -> memref<10000x128xf32, #tpu.memory_space<hbm>>
        tpu.enqueue_indirect_dma source(%dma_start3A_475 : memref<10000x128xf32, #tpu.memory_space<hbm>>) target(%arg18 : memref<40x128xf32, #tpu.memory_space<vmem>>) offsets(%dma_start3A_472 : memref<40xi32, #tpu.memory_space<vmem>>) semaphore(%arg34 : memref<!tpu.dma_semaphore, #tpu.memory_space<semaphore_mem>>)
      } else {
      }
      %mul3A_251 = arith.constant 10 : i32
      %mul3A_252 = arith.muli %add3A_202, %mul3A_251 : i32
      %add3A_253 = arith.constant 2 : i32
      %add3A_254 = arith.addi %mul3A_252, %add3A_253 : i32
      %dma_wait3A_255 = arith.constant 0 : i32
      %dma_wait3A_256 = arith.constant 0 : i32
      %dma_wait3A_257 = tpu.memref_slice %arg7[%dma_wait3A_255, %dma_wait3A_256] : memref<2x40xi32, #tpu.memory_space<vmem>> -> memref<1x40xi32, #tpu.memory_space<vmem>>
      %dma_wait3A_258 = tpu.memref_squeeze %dma_wait3A_257 : memref<1x40xi32, #tpu.memory_space<vmem>> -> memref<40xi32, #tpu.memory_space<vmem>>
      %dma_wait3A_259 = arith.constant 0 : i32
      %dma_wait3A_260 = arith.constant 0 : i32
      %dma_wait3A_261 = tpu.memref_slice %arg2[%dma_wait3A_259, %dma_wait3A_260] : memref<10000x128xf32, #tpu.memory_space<hbm>> -> memref<10000x128xf32, #tpu.memory_space<hbm>>
      tpu.wait_indirect_dma semaphore(%arg35 : memref<!tpu.dma_semaphore, #tpu.memory_space<semaphore_mem>>) src(%dma_wait3A_261 : memref<10000x128xf32, #tpu.memory_space<hbm>>) dst(%arg19 : memref<40x128xf32, #tpu.memory_space<vmem>>)
      %run_scoped3A_262 = arith.constant 1 : i32
      "tpu.region"() ({
        %run_scoped3A_459 = tpu.sem_alloc : memref<!tpu.dma_semaphore, #tpu.memory_space<semaphore_mem>>
        %dma_start3A_460 = arith.constant 0 : i32
        %dma_start3A_461 = tpu.memref_slice %arg9[%run_scoped3A_262, %dma_start3A_460] : memref<2x40xi32, #tpu.memory_space<vmem>> -> memref<1x40xi32, #tpu.memory_space<vmem>>
        %dma_start3A_462 = tpu.memref_squeeze %dma_start3A_461 : memref<1x40xi32, #tpu.memory_space<vmem>> -> memref<40xi32, #tpu.memory_space<vmem>>
        %dma_start3A_463 = arith.constant 0 : i32
        %dma_start3A_464 = arith.constant 0 : i32
        %dma_start3A_465 = tpu.memref_slice %arg6[%dma_start3A_463, %dma_start3A_464] : memref<10240x128xf32, #tpu.memory_space<vmem_shared>> -> memref<10240x128xf32, #tpu.memory_space<vmem_shared>>
        tpu.enqueue_indirect_dma source(%arg19 : memref<40x128xf32, #tpu.memory_space<vmem>>) target(%dma_start3A_465 : memref<10240x128xf32, #tpu.memory_space<vmem_shared>>) offsets(%dma_start3A_462 : memref<40xi32, #tpu.memory_space<vmem>>) semaphore(%run_scoped3A_459 : memref<!tpu.dma_semaphore, #tpu.memory_space<semaphore_mem>>) {add = true}
        %dma_wait3A_466 = arith.constant 0 : i32
        %dma_wait3A_467 = tpu.memref_slice %arg9[%run_scoped3A_262, %dma_wait3A_466] : memref<2x40xi32, #tpu.memory_space<vmem>> -> memref<1x40xi32, #tpu.memory_space<vmem>>
        %dma_wait3A_468 = tpu.memref_squeeze %dma_wait3A_467 : memref<1x40xi32, #tpu.memory_space<vmem>> -> memref<40xi32, #tpu.memory_space<vmem>>
        %dma_wait3A_469 = arith.constant 0 : i32
        %dma_wait3A_470 = arith.constant 0 : i32
        %dma_wait3A_471 = tpu.memref_slice %arg6[%dma_wait3A_469, %dma_wait3A_470] : memref<10240x128xf32, #tpu.memory_space<vmem_shared>> -> memref<10240x128xf32, #tpu.memory_space<vmem_shared>>
        tpu.wait_indirect_dma semaphore(%run_scoped3A_459 : memref<!tpu.dma_semaphore, #tpu.memory_space<semaphore_mem>>) src(%arg19 : memref<40x128xf32, #tpu.memory_space<vmem>>) dst(%dma_wait3A_471 : memref<10240x128xf32, #tpu.memory_space<vmem_shared>>)
        tpu.yield
      }) : () -> ()
      %add3A_263 = arith.constant 10 : i32
      %add3A_264 = arith.addi %add3A_254, %add3A_263 : i32
      %lt3A_265 = arith.constant 250 : i32
      %lt3A_266 = arith.cmpi slt, %add3A_264, %lt3A_265 : i32
      %convert_element_type3A_267 = arith.extui %lt3A_266 : i1 to i32
      %cond3A_268 = arith.constant 0 : i32
      %cond3A_269 = arith.cmpi ne, %convert_element_type3A_267, %cond3A_268 : i32
      scf.if %cond3A_269 {
        %add3A_459 = arith.constant 10 : i32
        %add3A_460 = arith.addi %add3A_254, %add3A_459 : i32
        %dma_start3A_461 = arith.constant 0 : i32
        %dma_start3A_462 = arith.constant 0 : i32
        %dma_start3A_463 = tpu.memref_slice %arg3[%add3A, %add3A_460, %dma_start3A_461, %dma_start3A_462] : memref<32x250x2x40xi32, #tpu.memory_space<hbm>> -> memref<1x1x2x40xi32, #tpu.memory_space<hbm>>
        %dma_start3A_464 = tpu.memref_squeeze %dma_start3A_463 : memref<1x1x2x40xi32, #tpu.memory_space<hbm>> -> memref<2x40xi32, #tpu.memory_space<hbm>>
        %dma_start3A_465 = arith.constant 0 : i32
        %dma_start3A_466 = arith.constant 0 : i32
        %dma_start3A_467 = tpu.memref_slice %arg3[%add3A, %add3A_460, %dma_start3A_465, %dma_start3A_466] : memref<32x250x2x40xi32, #tpu.memory_space<hbm>> -> memref<1x1x2x40xi32, #tpu.memory_space<hbm>>
        %dma_start3A_468 = tpu.memref_squeeze %dma_start3A_467 : memref<1x1x2x40xi32, #tpu.memory_space<hbm>> -> memref<2x40xi32, #tpu.memory_space<hbm>>
        tpu.enqueue_dma source(%dma_start3A_468 : memref<2x40xi32, #tpu.memory_space<hbm>>) target(%arg9 : memref<2x40xi32, #tpu.memory_space<vmem>>) target_semaphore(%arg25 : memref<!tpu.dma_semaphore, #tpu.memory_space<semaphore_mem>>)
      } else {
      }
      %add3A_270 = arith.constant 5 : i32
      %add3A_271 = arith.addi %add3A_254, %add3A_270 : i32
      %lt3A_272 = arith.constant 250 : i32
      %lt3A_273 = arith.cmpi slt, %add3A_271, %lt3A_272 : i32
      %convert_element_type3A_274 = arith.extui %lt3A_273 : i1 to i32
      %cond3A_275 = arith.constant 0 : i32
      %cond3A_276 = arith.cmpi ne, %convert_element_type3A_274, %cond3A_275 : i32
      scf.if %cond3A_276 {
        %dma_wait3A_459 = arith.constant 0 : i32
        %dma_wait3A_460 = arith.constant 0 : i32
        %dma_wait3A_461 = arith.constant 0 : i32
        %dma_wait3A_462 = arith.constant 0 : i32
        %dma_wait3A_463 = tpu.memref_slice %arg3[%dma_wait3A_459, %dma_wait3A_460, %dma_wait3A_461, %dma_wait3A_462] : memref<32x250x2x40xi32, #tpu.memory_space<hbm>> -> memref<1x1x2x40xi32, #tpu.memory_space<hbm>>
        %dma_wait3A_464 = tpu.memref_squeeze %dma_wait3A_463 : memref<1x1x2x40xi32, #tpu.memory_space<hbm>> -> memref<2x40xi32, #tpu.memory_space<hbm>>
        %dma_wait3A_465 = arith.constant 0 : i32
        %dma_wait3A_466 = arith.constant 0 : i32
        %dma_wait3A_467 = tpu.memref_slice %arg3[%dma_wait3A_459, %dma_wait3A_460, %dma_wait3A_465, %dma_wait3A_466] : memref<32x250x2x40xi32, #tpu.memory_space<hbm>> -> memref<1x1x2x40xi32, #tpu.memory_space<hbm>>
        %dma_wait3A_468 = tpu.memref_squeeze %dma_wait3A_467 : memref<1x1x2x40xi32, #tpu.memory_space<hbm>> -> memref<2x40xi32, #tpu.memory_space<hbm>>
        tpu.wait_dma2 semaphore(%arg30 : memref<!tpu.dma_semaphore, #tpu.memory_space<semaphore_mem>>) src(%dma_wait3A_468 : memref<2x40xi32, #tpu.memory_space<hbm>>) dst(%arg14 : memref<2x40xi32, #tpu.memory_space<vmem>>)
        %dma_start3A_469 = arith.constant 0 : i32
        %dma_start3A_470 = arith.constant 0 : i32
        %dma_start3A_471 = tpu.memref_slice %arg14[%dma_start3A_469, %dma_start3A_470] : memref<2x40xi32, #tpu.memory_space<vmem>> -> memref<1x40xi32, #tpu.memory_space<vmem>>
        %dma_start3A_472 = tpu.memref_squeeze %dma_start3A_471 : memref<1x40xi32, #tpu.memory_space<vmem>> -> memref<40xi32, #tpu.memory_space<vmem>>
        %dma_start3A_473 = arith.constant 0 : i32
        %dma_start3A_474 = arith.constant 0 : i32
        %dma_start3A_475 = tpu.memref_slice %arg2[%dma_start3A_473, %dma_start3A_474] : memref<10000x128xf32, #tpu.memory_space<hbm>> -> memref<10000x128xf32, #tpu.memory_space<hbm>>
        tpu.enqueue_indirect_dma source(%dma_start3A_475 : memref<10000x128xf32, #tpu.memory_space<hbm>>) target(%arg19 : memref<40x128xf32, #tpu.memory_space<vmem>>) offsets(%dma_start3A_472 : memref<40xi32, #tpu.memory_space<vmem>>) semaphore(%arg35 : memref<!tpu.dma_semaphore, #tpu.memory_space<semaphore_mem>>)
      } else {
      }
      %mul3A_277 = arith.constant 10 : i32
      %mul3A_278 = arith.muli %add3A_202, %mul3A_277 : i32
      %add3A_279 = arith.constant 3 : i32
      %add3A_280 = arith.addi %mul3A_278, %add3A_279 : i32
      %dma_wait3A_281 = arith.constant 0 : i32
      %dma_wait3A_282 = arith.constant 0 : i32
      %dma_wait3A_283 = tpu.memref_slice %arg7[%dma_wait3A_281, %dma_wait3A_282] : memref<2x40xi32, #tpu.memory_space<vmem>> -> memref<1x40xi32, #tpu.memory_space<vmem>>
      %dma_wait3A_284 = tpu.memref_squeeze %dma_wait3A_283 : memref<1x40xi32, #tpu.memory_space<vmem>> -> memref<40xi32, #tpu.memory_space<vmem>>
      %dma_wait3A_285 = arith.constant 0 : i32
      %dma_wait3A_286 = arith.constant 0 : i32
      %dma_wait3A_287 = tpu.memref_slice %arg2[%dma_wait3A_285, %dma_wait3A_286] : memref<10000x128xf32, #tpu.memory_space<hbm>> -> memref<10000x128xf32, #tpu.memory_space<hbm>>
      tpu.wait_indirect_dma semaphore(%arg36 : memref<!tpu.dma_semaphore, #tpu.memory_space<semaphore_mem>>) src(%dma_wait3A_287 : memref<10000x128xf32, #tpu.memory_space<hbm>>) dst(%arg20 : memref<40x128xf32, #tpu.memory_space<vmem>>)
      %run_scoped3A_288 = arith.constant 1 : i32
      "tpu.region"() ({
        %run_scoped3A_459 = tpu.sem_alloc : memref<!tpu.dma_semaphore, #tpu.memory_space<semaphore_mem>>
        %dma_start3A_460 = arith.constant 0 : i32
        %dma_start3A_461 = tpu.memref_slice %arg10[%run_scoped3A_288, %dma_start3A_460] : memref<2x40xi32, #tpu.memory_space<vmem>> -> memref<1x40xi32, #tpu.memory_space<vmem>>
        %dma_start3A_462 = tpu.memref_squeeze %dma_start3A_461 : memref<1x40xi32, #tpu.memory_space<vmem>> -> memref<40xi32, #tpu.memory_space<vmem>>
        %dma_start3A_463 = arith.constant 0 : i32
        %dma_start3A_464 = arith.constant 0 : i32
        %dma_start3A_465 = tpu.memref_slice %arg6[%dma_start3A_463, %dma_start3A_464] : memref<10240x128xf32, #tpu.memory_space<vmem_shared>> -> memref<10240x128xf32, #tpu.memory_space<vmem_shared>>
        tpu.enqueue_indirect_dma source(%arg20 : memref<40x128xf32, #tpu.memory_space<vmem>>) target(%dma_start3A_465 : memref<10240x128xf32, #tpu.memory_space<vmem_shared>>) offsets(%dma_start3A_462 : memref<40xi32, #tpu.memory_space<vmem>>) semaphore(%run_scoped3A_459 : memref<!tpu.dma_semaphore, #tpu.memory_space<semaphore_mem>>) {add = true}
        %dma_wait3A_466 = arith.constant 0 : i32
        %dma_wait3A_467 = tpu.memref_slice %arg10[%run_scoped3A_288, %dma_wait3A_466] : memref<2x40xi32, #tpu.memory_space<vmem>> -> memref<1x40xi32, #tpu.memory_space<vmem>>
        %dma_wait3A_468 = tpu.memref_squeeze %dma_wait3A_467 : memref<1x40xi32, #tpu.memory_space<vmem>> -> memref<40xi32, #tpu.memory_space<vmem>>
        %dma_wait3A_469 = arith.constant 0 : i32
        %dma_wait3A_470 = arith.constant 0 : i32
        %dma_wait3A_471 = tpu.memref_slice %arg6[%dma_wait3A_469, %dma_wait3A_470] : memref<10240x128xf32, #tpu.memory_space<vmem_shared>> -> memref<10240x128xf32, #tpu.memory_space<vmem_shared>>
        tpu.wait_indirect_dma semaphore(%run_scoped3A_459 : memref<!tpu.dma_semaphore, #tpu.memory_space<semaphore_mem>>) src(%arg20 : memref<40x128xf32, #tpu.memory_space<vmem>>) dst(%dma_wait3A_471 : memref<10240x128xf32, #tpu.memory_space<vmem_shared>>)
        tpu.yield
      }) : () -> ()
      %add3A_289 = arith.constant 10 : i32
      %add3A_290 = arith.addi %add3A_280, %add3A_289 : i32
      %lt3A_291 = arith.constant 250 : i32
      %lt3A_292 = arith.cmpi slt, %add3A_290, %lt3A_291 : i32
      %convert_element_type3A_293 = arith.extui %lt3A_292 : i1 to i32
      %cond3A_294 = arith.constant 0 : i32
      %cond3A_295 = arith.cmpi ne, %convert_element_type3A_293, %cond3A_294 : i32
      scf.if %cond3A_295 {
        %add3A_459 = arith.constant 10 : i32
        %add3A_460 = arith.addi %add3A_280, %add3A_459 : i32
        %dma_start3A_461 = arith.constant 0 : i32
        %dma_start3A_462 = arith.constant 0 : i32
        %dma_start3A_463 = tpu.memref_slice %arg3[%add3A, %add3A_460, %dma_start3A_461, %dma_start3A_462] : memref<32x250x2x40xi32, #tpu.memory_space<hbm>> -> memref<1x1x2x40xi32, #tpu.memory_space<hbm>>
        %dma_start3A_464 = tpu.memref_squeeze %dma_start3A_463 : memref<1x1x2x40xi32, #tpu.memory_space<hbm>> -> memref<2x40xi32, #tpu.memory_space<hbm>>
        %dma_start3A_465 = arith.constant 0 : i32
        %dma_start3A_466 = arith.constant 0 : i32
        %dma_start3A_467 = tpu.memref_slice %arg3[%add3A, %add3A_460, %dma_start3A_465, %dma_start3A_466] : memref<32x250x2x40xi32, #tpu.memory_space<hbm>> -> memref<1x1x2x40xi32, #tpu.memory_space<hbm>>
        %dma_start3A_468 = tpu.memref_squeeze %dma_start3A_467 : memref<1x1x2x40xi32, #tpu.memory_space<hbm>> -> memref<2x40xi32, #tpu.memory_space<hbm>>
        tpu.enqueue_dma source(%dma_start3A_468 : memref<2x40xi32, #tpu.memory_space<hbm>>) target(%arg10 : memref<2x40xi32, #tpu.memory_space<vmem>>) target_semaphore(%arg26 : memref<!tpu.dma_semaphore, #tpu.memory_space<semaphore_mem>>)
      } else {
      }
      %add3A_296 = arith.constant 5 : i32
      %add3A_297 = arith.addi %add3A_280, %add3A_296 : i32
      %lt3A_298 = arith.constant 250 : i32
      %lt3A_299 = arith.cmpi slt, %add3A_297, %lt3A_298 : i32
      %convert_element_type3A_300 = arith.extui %lt3A_299 : i1 to i32
      %cond3A_301 = arith.constant 0 : i32
      %cond3A_302 = arith.cmpi ne, %convert_element_type3A_300, %cond3A_301 : i32
      scf.if %cond3A_302 {
        %dma_wait3A_459 = arith.constant 0 : i32
        %dma_wait3A_460 = arith.constant 0 : i32
        %dma_wait3A_461 = arith.constant 0 : i32
        %dma_wait3A_462 = arith.constant 0 : i32
        %dma_wait3A_463 = tpu.memref_slice %arg3[%dma_wait3A_459, %dma_wait3A_460, %dma_wait3A_461, %dma_wait3A_462] : memref<32x250x2x40xi32, #tpu.memory_space<hbm>> -> memref<1x1x2x40xi32, #tpu.memory_space<hbm>>
        %dma_wait3A_464 = tpu.memref_squeeze %dma_wait3A_463 : memref<1x1x2x40xi32, #tpu.memory_space<hbm>> -> memref<2x40xi32, #tpu.memory_space<hbm>>
        %dma_wait3A_465 = arith.constant 0 : i32
        %dma_wait3A_466 = arith.constant 0 : i32
        %dma_wait3A_467 = tpu.memref_slice %arg3[%dma_wait3A_459, %dma_wait3A_460, %dma_wait3A_465, %dma_wait3A_466] : memref<32x250x2x40xi32, #tpu.memory_space<hbm>> -> memref<1x1x2x40xi32, #tpu.memory_space<hbm>>
        %dma_wait3A_468 = tpu.memref_squeeze %dma_wait3A_467 : memref<1x1x2x40xi32, #tpu.memory_space<hbm>> -> memref<2x40xi32, #tpu.memory_space<hbm>>
        tpu.wait_dma2 semaphore(%arg31 : memref<!tpu.dma_semaphore, #tpu.memory_space<semaphore_mem>>) src(%dma_wait3A_468 : memref<2x40xi32, #tpu.memory_space<hbm>>) dst(%arg15 : memref<2x40xi32, #tpu.memory_space<vmem>>)
        %dma_start3A_469 = arith.constant 0 : i32
        %dma_start3A_470 = arith.constant 0 : i32
        %dma_start3A_471 = tpu.memref_slice %arg15[%dma_start3A_469, %dma_start3A_470] : memref<2x40xi32, #tpu.memory_space<vmem>> -> memref<1x40xi32, #tpu.memory_space<vmem>>
        %dma_start3A_472 = tpu.memref_squeeze %dma_start3A_471 : memref<1x40xi32, #tpu.memory_space<vmem>> -> memref<40xi32, #tpu.memory_space<vmem>>
        %dma_start3A_473 = arith.constant 0 : i32
        %dma_start3A_474 = arith.constant 0 : i32
        %dma_start3A_475 = tpu.memref_slice %arg2[%dma_start3A_473, %dma_start3A_474] : memref<10000x128xf32, #tpu.memory_space<hbm>> -> memref<10000x128xf32, #tpu.memory_space<hbm>>
        tpu.enqueue_indirect_dma source(%dma_start3A_475 : memref<10000x128xf32, #tpu.memory_space<hbm>>) target(%arg20 : memref<40x128xf32, #tpu.memory_space<vmem>>) offsets(%dma_start3A_472 : memref<40xi32, #tpu.memory_space<vmem>>) semaphore(%arg36 : memref<!tpu.dma_semaphore, #tpu.memory_space<semaphore_mem>>)
      } else {
      }
      %mul3A_303 = arith.constant 10 : i32
      %mul3A_304 = arith.muli %add3A_202, %mul3A_303 : i32
      %add3A_305 = arith.constant 4 : i32
      %add3A_306 = arith.addi %mul3A_304, %add3A_305 : i32
      %dma_wait3A_307 = arith.constant 0 : i32
      %dma_wait3A_308 = arith.constant 0 : i32
      %dma_wait3A_309 = tpu.memref_slice %arg7[%dma_wait3A_307, %dma_wait3A_308] : memref<2x40xi32, #tpu.memory_space<vmem>> -> memref<1x40xi32, #tpu.memory_space<vmem>>
      %dma_wait3A_310 = tpu.memref_squeeze %dma_wait3A_309 : memref<1x40xi32, #tpu.memory_space<vmem>> -> memref<40xi32, #tpu.memory_space<vmem>>
      %dma_wait3A_311 = arith.constant 0 : i32
      %dma_wait3A_312 = arith.constant 0 : i32
      %dma_wait3A_313 = tpu.memref_slice %arg2[%dma_wait3A_311, %dma_wait3A_312] : memref<10000x128xf32, #tpu.memory_space<hbm>> -> memref<10000x128xf32, #tpu.memory_space<hbm>>
      tpu.wait_indirect_dma semaphore(%arg37 : memref<!tpu.dma_semaphore, #tpu.memory_space<semaphore_mem>>) src(%dma_wait3A_313 : memref<10000x128xf32, #tpu.memory_space<hbm>>) dst(%arg21 : memref<40x128xf32, #tpu.memory_space<vmem>>)
      %run_scoped3A_314 = arith.constant 1 : i32
      "tpu.region"() ({
        %run_scoped3A_459 = tpu.sem_alloc : memref<!tpu.dma_semaphore, #tpu.memory_space<semaphore_mem>>
        %dma_start3A_460 = arith.constant 0 : i32
        %dma_start3A_461 = tpu.memref_slice %arg11[%run_scoped3A_314, %dma_start3A_460] : memref<2x40xi32, #tpu.memory_space<vmem>> -> memref<1x40xi32, #tpu.memory_space<vmem>>
        %dma_start3A_462 = tpu.memref_squeeze %dma_start3A_461 : memref<1x40xi32, #tpu.memory_space<vmem>> -> memref<40xi32, #tpu.memory_space<vmem>>
        %dma_start3A_463 = arith.constant 0 : i32
        %dma_start3A_464 = arith.constant 0 : i32
        %dma_start3A_465 = tpu.memref_slice %arg6[%dma_start3A_463, %dma_start3A_464] : memref<10240x128xf32, #tpu.memory_space<vmem_shared>> -> memref<10240x128xf32, #tpu.memory_space<vmem_shared>>
        tpu.enqueue_indirect_dma source(%arg21 : memref<40x128xf32, #tpu.memory_space<vmem>>) target(%dma_start3A_465 : memref<10240x128xf32, #tpu.memory_space<vmem_shared>>) offsets(%dma_start3A_462 : memref<40xi32, #tpu.memory_space<vmem>>) semaphore(%run_scoped3A_459 : memref<!tpu.dma_semaphore, #tpu.memory_space<semaphore_mem>>) {add = true}
        %dma_wait3A_466 = arith.constant 0 : i32
        %dma_wait3A_467 = tpu.memref_slice %arg11[%run_scoped3A_314, %dma_wait3A_466] : memref<2x40xi32, #tpu.memory_space<vmem>> -> memref<1x40xi32, #tpu.memory_space<vmem>>
        %dma_wait3A_468 = tpu.memref_squeeze %dma_wait3A_467 : memref<1x40xi32, #tpu.memory_space<vmem>> -> memref<40xi32, #tpu.memory_space<vmem>>
        %dma_wait3A_469 = arith.constant 0 : i32
        %dma_wait3A_470 = arith.constant 0 : i32
        %dma_wait3A_471 = tpu.memref_slice %arg6[%dma_wait3A_469, %dma_wait3A_470] : memref<10240x128xf32, #tpu.memory_space<vmem_shared>> -> memref<10240x128xf32, #tpu.memory_space<vmem_shared>>
        tpu.wait_indirect_dma semaphore(%run_scoped3A_459 : memref<!tpu.dma_semaphore, #tpu.memory_space<semaphore_mem>>) src(%arg21 : memref<40x128xf32, #tpu.memory_space<vmem>>) dst(%dma_wait3A_471 : memref<10240x128xf32, #tpu.memory_space<vmem_shared>>)
        tpu.yield
      }) : () -> ()
      %add3A_315 = arith.constant 10 : i32
      %add3A_316 = arith.addi %add3A_306, %add3A_315 : i32
      %lt3A_317 = arith.constant 250 : i32
      %lt3A_318 = arith.cmpi slt, %add3A_316, %lt3A_317 : i32
      %convert_element_type3A_319 = arith.extui %lt3A_318 : i1 to i32
      %cond3A_320 = arith.constant 0 : i32
      %cond3A_321 = arith.cmpi ne, %convert_element_type3A_319, %cond3A_320 : i32
      scf.if %cond3A_321 {
        %add3A_459 = arith.constant 10 : i32
        %add3A_460 = arith.addi %add3A_306, %add3A_459 : i32
        %dma_start3A_461 = arith.constant 0 : i32
        %dma_start3A_462 = arith.constant 0 : i32
        %dma_start3A_463 = tpu.memref_slice %arg3[%add3A, %add3A_460, %dma_start3A_461, %dma_start3A_462] : memref<32x250x2x40xi32, #tpu.memory_space<hbm>> -> memref<1x1x2x40xi32, #tpu.memory_space<hbm>>
        %dma_start3A_464 = tpu.memref_squeeze %dma_start3A_463 : memref<1x1x2x40xi32, #tpu.memory_space<hbm>> -> memref<2x40xi32, #tpu.memory_space<hbm>>
        %dma_start3A_465 = arith.constant 0 : i32
        %dma_start3A_466 = arith.constant 0 : i32
        %dma_start3A_467 = tpu.memref_slice %arg3[%add3A, %add3A_460, %dma_start3A_465, %dma_start3A_466] : memref<32x250x2x40xi32, #tpu.memory_space<hbm>> -> memref<1x1x2x40xi32, #tpu.memory_space<hbm>>
        %dma_start3A_468 = tpu.memref_squeeze %dma_start3A_467 : memref<1x1x2x40xi32, #tpu.memory_space<hbm>> -> memref<2x40xi32, #tpu.memory_space<hbm>>
        tpu.enqueue_dma source(%dma_start3A_468 : memref<2x40xi32, #tpu.memory_space<hbm>>) target(%arg11 : memref<2x40xi32, #tpu.memory_space<vmem>>) target_semaphore(%arg27 : memref<!tpu.dma_semaphore, #tpu.memory_space<semaphore_mem>>)
      } else {
      }
      %add3A_322 = arith.constant 5 : i32
      %add3A_323 = arith.addi %add3A_306, %add3A_322 : i32
      %lt3A_324 = arith.constant 250 : i32
      %lt3A_325 = arith.cmpi slt, %add3A_323, %lt3A_324 : i32
      %convert_element_type3A_326 = arith.extui %lt3A_325 : i1 to i32
      %cond3A_327 = arith.constant 0 : i32
      %cond3A_328 = arith.cmpi ne, %convert_element_type3A_326, %cond3A_327 : i32
      scf.if %cond3A_328 {
        %dma_wait3A_459 = arith.constant 0 : i32
        %dma_wait3A_460 = arith.constant 0 : i32
        %dma_wait3A_461 = arith.constant 0 : i32
        %dma_wait3A_462 = arith.constant 0 : i32
        %dma_wait3A_463 = tpu.memref_slice %arg3[%dma_wait3A_459, %dma_wait3A_460, %dma_wait3A_461, %dma_wait3A_462] : memref<32x250x2x40xi32, #tpu.memory_space<hbm>> -> memref<1x1x2x40xi32, #tpu.memory_space<hbm>>
        %dma_wait3A_464 = tpu.memref_squeeze %dma_wait3A_463 : memref<1x1x2x40xi32, #tpu.memory_space<hbm>> -> memref<2x40xi32, #tpu.memory_space<hbm>>
        %dma_wait3A_465 = arith.constant 0 : i32
        %dma_wait3A_466 = arith.constant 0 : i32
        %dma_wait3A_467 = tpu.memref_slice %arg3[%dma_wait3A_459, %dma_wait3A_460, %dma_wait3A_465, %dma_wait3A_466] : memref<32x250x2x40xi32, #tpu.memory_space<hbm>> -> memref<1x1x2x40xi32, #tpu.memory_space<hbm>>
        %dma_wait3A_468 = tpu.memref_squeeze %dma_wait3A_467 : memref<1x1x2x40xi32, #tpu.memory_space<hbm>> -> memref<2x40xi32, #tpu.memory_space<hbm>>
        tpu.wait_dma2 semaphore(%arg32 : memref<!tpu.dma_semaphore, #tpu.memory_space<semaphore_mem>>) src(%dma_wait3A_468 : memref<2x40xi32, #tpu.memory_space<hbm>>) dst(%arg16 : memref<2x40xi32, #tpu.memory_space<vmem>>)
        %dma_start3A_469 = arith.constant 0 : i32
        %dma_start3A_470 = arith.constant 0 : i32
        %dma_start3A_471 = tpu.memref_slice %arg16[%dma_start3A_469, %dma_start3A_470] : memref<2x40xi32, #tpu.memory_space<vmem>> -> memref<1x40xi32, #tpu.memory_space<vmem>>
        %dma_start3A_472 = tpu.memref_squeeze %dma_start3A_471 : memref<1x40xi32, #tpu.memory_space<vmem>> -> memref<40xi32, #tpu.memory_space<vmem>>
        %dma_start3A_473 = arith.constant 0 : i32
        %dma_start3A_474 = arith.constant 0 : i32
        %dma_start3A_475 = tpu.memref_slice %arg2[%dma_start3A_473, %dma_start3A_474] : memref<10000x128xf32, #tpu.memory_space<hbm>> -> memref<10000x128xf32, #tpu.memory_space<hbm>>
        tpu.enqueue_indirect_dma source(%dma_start3A_475 : memref<10000x128xf32, #tpu.memory_space<hbm>>) target(%arg21 : memref<40x128xf32, #tpu.memory_space<vmem>>) offsets(%dma_start3A_472 : memref<40xi32, #tpu.memory_space<vmem>>) semaphore(%arg37 : memref<!tpu.dma_semaphore, #tpu.memory_space<semaphore_mem>>)
      } else {
      }
      %mul3A_329 = arith.constant 10 : i32
      %mul3A_330 = arith.muli %add3A_202, %mul3A_329 : i32
      %add3A_331 = arith.constant 5 : i32
      %add3A_332 = arith.addi %mul3A_330, %add3A_331 : i32
      %dma_wait3A_333 = arith.constant 0 : i32
      %dma_wait3A_334 = arith.constant 0 : i32
      %dma_wait3A_335 = tpu.memref_slice %arg7[%dma_wait3A_333, %dma_wait3A_334] : memref<2x40xi32, #tpu.memory_space<vmem>> -> memref<1x40xi32, #tpu.memory_space<vmem>>
      %dma_wait3A_336 = tpu.memref_squeeze %dma_wait3A_335 : memref<1x40xi32, #tpu.memory_space<vmem>> -> memref<40xi32, #tpu.memory_space<vmem>>
      %dma_wait3A_337 = arith.constant 0 : i32
      %dma_wait3A_338 = arith.constant 0 : i32
      %dma_wait3A_339 = tpu.memref_slice %arg2[%dma_wait3A_337, %dma_wait3A_338] : memref<10000x128xf32, #tpu.memory_space<hbm>> -> memref<10000x128xf32, #tpu.memory_space<hbm>>
      tpu.wait_indirect_dma semaphore(%arg33 : memref<!tpu.dma_semaphore, #tpu.memory_space<semaphore_mem>>) src(%dma_wait3A_339 : memref<10000x128xf32, #tpu.memory_space<hbm>>) dst(%arg17 : memref<40x128xf32, #tpu.memory_space<vmem>>)
      %run_scoped3A_340 = arith.constant 1 : i32
      "tpu.region"() ({
        %run_scoped3A_459 = tpu.sem_alloc : memref<!tpu.dma_semaphore, #tpu.memory_space<semaphore_mem>>
        %dma_start3A_460 = arith.constant 0 : i32
        %dma_start3A_461 = tpu.memref_slice %arg12[%run_scoped3A_340, %dma_start3A_460] : memref<2x40xi32, #tpu.memory_space<vmem>> -> memref<1x40xi32, #tpu.memory_space<vmem>>
        %dma_start3A_462 = tpu.memref_squeeze %dma_start3A_461 : memref<1x40xi32, #tpu.memory_space<vmem>> -> memref<40xi32, #tpu.memory_space<vmem>>
        %dma_start3A_463 = arith.constant 0 : i32
        %dma_start3A_464 = arith.constant 0 : i32
        %dma_start3A_465 = tpu.memref_slice %arg6[%dma_start3A_463, %dma_start3A_464] : memref<10240x128xf32, #tpu.memory_space<vmem_shared>> -> memref<10240x128xf32, #tpu.memory_space<vmem_shared>>
        tpu.enqueue_indirect_dma source(%arg17 : memref<40x128xf32, #tpu.memory_space<vmem>>) target(%dma_start3A_465 : memref<10240x128xf32, #tpu.memory_space<vmem_shared>>) offsets(%dma_start3A_462 : memref<40xi32, #tpu.memory_space<vmem>>) semaphore(%run_scoped3A_459 : memref<!tpu.dma_semaphore, #tpu.memory_space<semaphore_mem>>) {add = true}
        %dma_wait3A_466 = arith.constant 0 : i32
        %dma_wait3A_467 = tpu.memref_slice %arg12[%run_scoped3A_340, %dma_wait3A_466] : memref<2x40xi32, #tpu.memory_space<vmem>> -> memref<1x40xi32, #tpu.memory_space<vmem>>
        %dma_wait3A_468 = tpu.memref_squeeze %dma_wait3A_467 : memref<1x40xi32, #tpu.memory_space<vmem>> -> memref<40xi32, #tpu.memory_space<vmem>>
        %dma_wait3A_469 = arith.constant 0 : i32
        %dma_wait3A_470 = arith.constant 0 : i32
        %dma_wait3A_471 = tpu.memref_slice %arg6[%dma_wait3A_469, %dma_wait3A_470] : memref<10240x128xf32, #tpu.memory_space<vmem_shared>> -> memref<10240x128xf32, #tpu.memory_space<vmem_shared>>
        tpu.wait_indirect_dma semaphore(%run_scoped3A_459 : memref<!tpu.dma_semaphore, #tpu.memory_space<semaphore_mem>>) src(%arg17 : memref<40x128xf32, #tpu.memory_space<vmem>>) dst(%dma_wait3A_471 : memref<10240x128xf32, #tpu.memory_space<vmem_shared>>)
        tpu.yield
      }) : () -> ()
      %add3A_341 = arith.constant 10 : i32
      %add3A_342 = arith.addi %add3A_332, %add3A_341 : i32
      %lt3A_343 = arith.constant 250 : i32
      %lt3A_344 = arith.cmpi slt, %add3A_342, %lt3A_343 : i32
      %convert_element_type3A_345 = arith.extui %lt3A_344 : i1 to i32
      %cond3A_346 = arith.constant 0 : i32
      %cond3A_347 = arith.cmpi ne, %convert_element_type3A_345, %cond3A_346 : i32
      scf.if %cond3A_347 {
        %add3A_459 = arith.constant 10 : i32
        %add3A_460 = arith.addi %add3A_332, %add3A_459 : i32
        %dma_start3A_461 = arith.constant 0 : i32
        %dma_start3A_462 = arith.constant 0 : i32
        %dma_start3A_463 = tpu.memref_slice %arg3[%add3A, %add3A_460, %dma_start3A_461, %dma_start3A_462] : memref<32x250x2x40xi32, #tpu.memory_space<hbm>> -> memref<1x1x2x40xi32, #tpu.memory_space<hbm>>
        %dma_start3A_464 = tpu.memref_squeeze %dma_start3A_463 : memref<1x1x2x40xi32, #tpu.memory_space<hbm>> -> memref<2x40xi32, #tpu.memory_space<hbm>>
        %dma_start3A_465 = arith.constant 0 : i32
        %dma_start3A_466 = arith.constant 0 : i32
        %dma_start3A_467 = tpu.memref_slice %arg3[%add3A, %add3A_460, %dma_start3A_465, %dma_start3A_466] : memref<32x250x2x40xi32, #tpu.memory_space<hbm>> -> memref<1x1x2x40xi32, #tpu.memory_space<hbm>>
        %dma_start3A_468 = tpu.memref_squeeze %dma_start3A_467 : memref<1x1x2x40xi32, #tpu.memory_space<hbm>> -> memref<2x40xi32, #tpu.memory_space<hbm>>
        tpu.enqueue_dma source(%dma_start3A_468 : memref<2x40xi32, #tpu.memory_space<hbm>>) target(%arg12 : memref<2x40xi32, #tpu.memory_space<vmem>>) target_semaphore(%arg28 : memref<!tpu.dma_semaphore, #tpu.memory_space<semaphore_mem>>)
      } else {
      }
      %add3A_348 = arith.constant 5 : i32
      %add3A_349 = arith.addi %add3A_332, %add3A_348 : i32
      %lt3A_350 = arith.constant 250 : i32
      %lt3A_351 = arith.cmpi slt, %add3A_349, %lt3A_350 : i32
      %convert_element_type3A_352 = arith.extui %lt3A_351 : i1 to i32
      %cond3A_353 = arith.constant 0 : i32
      %cond3A_354 = arith.cmpi ne, %convert_element_type3A_352, %cond3A_353 : i32
      scf.if %cond3A_354 {
        %dma_wait3A_459 = arith.constant 0 : i32
        %dma_wait3A_460 = arith.constant 0 : i32
        %dma_wait3A_461 = arith.constant 0 : i32
        %dma_wait3A_462 = arith.constant 0 : i32
        %dma_wait3A_463 = tpu.memref_slice %arg3[%dma_wait3A_459, %dma_wait3A_460, %dma_wait3A_461, %dma_wait3A_462] : memref<32x250x2x40xi32, #tpu.memory_space<hbm>> -> memref<1x1x2x40xi32, #tpu.memory_space<hbm>>
        %dma_wait3A_464 = tpu.memref_squeeze %dma_wait3A_463 : memref<1x1x2x40xi32, #tpu.memory_space<hbm>> -> memref<2x40xi32, #tpu.memory_space<hbm>>
        %dma_wait3A_465 = arith.constant 0 : i32
        %dma_wait3A_466 = arith.constant 0 : i32
        %dma_wait3A_467 = tpu.memref_slice %arg3[%dma_wait3A_459, %dma_wait3A_460, %dma_wait3A_465, %dma_wait3A_466] : memref<32x250x2x40xi32, #tpu.memory_space<hbm>> -> memref<1x1x2x40xi32, #tpu.memory_space<hbm>>
        %dma_wait3A_468 = tpu.memref_squeeze %dma_wait3A_467 : memref<1x1x2x40xi32, #tpu.memory_space<hbm>> -> memref<2x40xi32, #tpu.memory_space<hbm>>
        tpu.wait_dma2 semaphore(%arg23 : memref<!tpu.dma_semaphore, #tpu.memory_space<semaphore_mem>>) src(%dma_wait3A_468 : memref<2x40xi32, #tpu.memory_space<hbm>>) dst(%arg7 : memref<2x40xi32, #tpu.memory_space<vmem>>)
        %dma_start3A_469 = arith.constant 0 : i32
        %dma_start3A_470 = arith.constant 0 : i32
        %dma_start3A_471 = tpu.memref_slice %arg7[%dma_start3A_469, %dma_start3A_470] : memref<2x40xi32, #tpu.memory_space<vmem>> -> memref<1x40xi32, #tpu.memory_space<vmem>>
        %dma_start3A_472 = tpu.memref_squeeze %dma_start3A_471 : memref<1x40xi32, #tpu.memory_space<vmem>> -> memref<40xi32, #tpu.memory_space<vmem>>
        %dma_start3A_473 = arith.constant 0 : i32
        %dma_start3A_474 = arith.constant 0 : i32
        %dma_start3A_475 = tpu.memref_slice %arg2[%dma_start3A_473, %dma_start3A_474] : memref<10000x128xf32, #tpu.memory_space<hbm>> -> memref<10000x128xf32, #tpu.memory_space<hbm>>
        tpu.enqueue_indirect_dma source(%dma_start3A_475 : memref<10000x128xf32, #tpu.memory_space<hbm>>) target(%arg17 : memref<40x128xf32, #tpu.memory_space<vmem>>) offsets(%dma_start3A_472 : memref<40xi32, #tpu.memory_space<vmem>>) semaphore(%arg33 : memref<!tpu.dma_semaphore, #tpu.memory_space<semaphore_mem>>)
      } else {
      }
      %mul3A_355 = arith.constant 10 : i32
      %mul3A_356 = arith.muli %add3A_202, %mul3A_355 : i32
      %add3A_357 = arith.constant 6 : i32
      %add3A_358 = arith.addi %mul3A_356, %add3A_357 : i32
      %dma_wait3A_359 = arith.constant 0 : i32
      %dma_wait3A_360 = arith.constant 0 : i32
      %dma_wait3A_361 = tpu.memref_slice %arg7[%dma_wait3A_359, %dma_wait3A_360] : memref<2x40xi32, #tpu.memory_space<vmem>> -> memref<1x40xi32, #tpu.memory_space<vmem>>
      %dma_wait3A_362 = tpu.memref_squeeze %dma_wait3A_361 : memref<1x40xi32, #tpu.memory_space<vmem>> -> memref<40xi32, #tpu.memory_space<vmem>>
      %dma_wait3A_363 = arith.constant 0 : i32
      %dma_wait3A_364 = arith.constant 0 : i32
      %dma_wait3A_365 = tpu.memref_slice %arg2[%dma_wait3A_363, %dma_wait3A_364] : memref<10000x128xf32, #tpu.memory_space<hbm>> -> memref<10000x128xf32, #tpu.memory_space<hbm>>
      tpu.wait_indirect_dma semaphore(%arg34 : memref<!tpu.dma_semaphore, #tpu.memory_space<semaphore_mem>>) src(%dma_wait3A_365 : memref<10000x128xf32, #tpu.memory_space<hbm>>) dst(%arg18 : memref<40x128xf32, #tpu.memory_space<vmem>>)
      %run_scoped3A_366 = arith.constant 1 : i32
      "tpu.region"() ({
        %run_scoped3A_459 = tpu.sem_alloc : memref<!tpu.dma_semaphore, #tpu.memory_space<semaphore_mem>>
        %dma_start3A_460 = arith.constant 0 : i32
        %dma_start3A_461 = tpu.memref_slice %arg13[%run_scoped3A_366, %dma_start3A_460] : memref<2x40xi32, #tpu.memory_space<vmem>> -> memref<1x40xi32, #tpu.memory_space<vmem>>
        %dma_start3A_462 = tpu.memref_squeeze %dma_start3A_461 : memref<1x40xi32, #tpu.memory_space<vmem>> -> memref<40xi32, #tpu.memory_space<vmem>>
        %dma_start3A_463 = arith.constant 0 : i32
        %dma_start3A_464 = arith.constant 0 : i32
        %dma_start3A_465 = tpu.memref_slice %arg6[%dma_start3A_463, %dma_start3A_464] : memref<10240x128xf32, #tpu.memory_space<vmem_shared>> -> memref<10240x128xf32, #tpu.memory_space<vmem_shared>>
        tpu.enqueue_indirect_dma source(%arg18 : memref<40x128xf32, #tpu.memory_space<vmem>>) target(%dma_start3A_465 : memref<10240x128xf32, #tpu.memory_space<vmem_shared>>) offsets(%dma_start3A_462 : memref<40xi32, #tpu.memory_space<vmem>>) semaphore(%run_scoped3A_459 : memref<!tpu.dma_semaphore, #tpu.memory_space<semaphore_mem>>) {add = true}
        %dma_wait3A_466 = arith.constant 0 : i32
        %dma_wait3A_467 = tpu.memref_slice %arg13[%run_scoped3A_366, %dma_wait3A_466] : memref<2x40xi32, #tpu.memory_space<vmem>> -> memref<1x40xi32, #tpu.memory_space<vmem>>
        %dma_wait3A_468 = tpu.memref_squeeze %dma_wait3A_467 : memref<1x40xi32, #tpu.memory_space<vmem>> -> memref<40xi32, #tpu.memory_space<vmem>>
        %dma_wait3A_469 = arith.constant 0 : i32
        %dma_wait3A_470 = arith.constant 0 : i32
        %dma_wait3A_471 = tpu.memref_slice %arg6[%dma_wait3A_469, %dma_wait3A_470] : memref<10240x128xf32, #tpu.memory_space<vmem_shared>> -> memref<10240x128xf32, #tpu.memory_space<vmem_shared>>
        tpu.wait_indirect_dma semaphore(%run_scoped3A_459 : memref<!tpu.dma_semaphore, #tpu.memory_space<semaphore_mem>>) src(%arg18 : memref<40x128xf32, #tpu.memory_space<vmem>>) dst(%dma_wait3A_471 : memref<10240x128xf32, #tpu.memory_space<vmem_shared>>)
        tpu.yield
      }) : () -> ()
      %add3A_367 = arith.constant 10 : i32
      %add3A_368 = arith.addi %add3A_358, %add3A_367 : i32
      %lt3A_369 = arith.constant 250 : i32
      %lt3A_370 = arith.cmpi slt, %add3A_368, %lt3A_369 : i32
      %convert_element_type3A_371 = arith.extui %lt3A_370 : i1 to i32
      %cond3A_372 = arith.constant 0 : i32
      %cond3A_373 = arith.cmpi ne, %convert_element_type3A_371, %cond3A_372 : i32
      scf.if %cond3A_373 {
        %add3A_459 = arith.constant 10 : i32
        %add3A_460 = arith.addi %add3A_358, %add3A_459 : i32
        %dma_start3A_461 = arith.constant 0 : i32
        %dma_start3A_462 = arith.constant 0 : i32
        %dma_start3A_463 = tpu.memref_slice %arg3[%add3A, %add3A_460, %dma_start3A_461, %dma_start3A_462] : memref<32x250x2x40xi32, #tpu.memory_space<hbm>> -> memref<1x1x2x40xi32, #tpu.memory_space<hbm>>
        %dma_start3A_464 = tpu.memref_squeeze %dma_start3A_463 : memref<1x1x2x40xi32, #tpu.memory_space<hbm>> -> memref<2x40xi32, #tpu.memory_space<hbm>>
        %dma_start3A_465 = arith.constant 0 : i32
        %dma_start3A_466 = arith.constant 0 : i32
        %dma_start3A_467 = tpu.memref_slice %arg3[%add3A, %add3A_460, %dma_start3A_465, %dma_start3A_466] : memref<32x250x2x40xi32, #tpu.memory_space<hbm>> -> memref<1x1x2x40xi32, #tpu.memory_space<hbm>>
        %dma_start3A_468 = tpu.memref_squeeze %dma_start3A_467 : memref<1x1x2x40xi32, #tpu.memory_space<hbm>> -> memref<2x40xi32, #tpu.memory_space<hbm>>
        tpu.enqueue_dma source(%dma_start3A_468 : memref<2x40xi32, #tpu.memory_space<hbm>>) target(%arg13 : memref<2x40xi32, #tpu.memory_space<vmem>>) target_semaphore(%arg29 : memref<!tpu.dma_semaphore, #tpu.memory_space<semaphore_mem>>)
      } else {
      }
      %add3A_374 = arith.constant 5 : i32
      %add3A_375 = arith.addi %add3A_358, %add3A_374 : i32
      %lt3A_376 = arith.constant 250 : i32
      %lt3A_377 = arith.cmpi slt, %add3A_375, %lt3A_376 : i32
      %convert_element_type3A_378 = arith.extui %lt3A_377 : i1 to i32
      %cond3A_379 = arith.constant 0 : i32
      %cond3A_380 = arith.cmpi ne, %convert_element_type3A_378, %cond3A_379 : i32
      scf.if %cond3A_380 {
        %dma_wait3A_459 = arith.constant 0 : i32
        %dma_wait3A_460 = arith.constant 0 : i32
        %dma_wait3A_461 = arith.constant 0 : i32
        %dma_wait3A_462 = arith.constant 0 : i32
        %dma_wait3A_463 = tpu.memref_slice %arg3[%dma_wait3A_459, %dma_wait3A_460, %dma_wait3A_461, %dma_wait3A_462] : memref<32x250x2x40xi32, #tpu.memory_space<hbm>> -> memref<1x1x2x40xi32, #tpu.memory_space<hbm>>
        %dma_wait3A_464 = tpu.memref_squeeze %dma_wait3A_463 : memref<1x1x2x40xi32, #tpu.memory_space<hbm>> -> memref<2x40xi32, #tpu.memory_space<hbm>>
        %dma_wait3A_465 = arith.constant 0 : i32
        %dma_wait3A_466 = arith.constant 0 : i32
        %dma_wait3A_467 = tpu.memref_slice %arg3[%dma_wait3A_459, %dma_wait3A_460, %dma_wait3A_465, %dma_wait3A_466] : memref<32x250x2x40xi32, #tpu.memory_space<hbm>> -> memref<1x1x2x40xi32, #tpu.memory_space<hbm>>
        %dma_wait3A_468 = tpu.memref_squeeze %dma_wait3A_467 : memref<1x1x2x40xi32, #tpu.memory_space<hbm>> -> memref<2x40xi32, #tpu.memory_space<hbm>>
        tpu.wait_dma2 semaphore(%arg24 : memref<!tpu.dma_semaphore, #tpu.memory_space<semaphore_mem>>) src(%dma_wait3A_468 : memref<2x40xi32, #tpu.memory_space<hbm>>) dst(%arg8 : memref<2x40xi32, #tpu.memory_space<vmem>>)
        %dma_start3A_469 = arith.constant 0 : i32
        %dma_start3A_470 = arith.constant 0 : i32
        %dma_start3A_471 = tpu.memref_slice %arg8[%dma_start3A_469, %dma_start3A_470] : memref<2x40xi32, #tpu.memory_space<vmem>> -> memref<1x40xi32, #tpu.memory_space<vmem>>
        %dma_start3A_472 = tpu.memref_squeeze %dma_start3A_471 : memref<1x40xi32, #tpu.memory_space<vmem>> -> memref<40xi32, #tpu.memory_space<vmem>>
        %dma_start3A_473 = arith.constant 0 : i32
        %dma_start3A_474 = arith.constant 0 : i32
        %dma_start3A_475 = tpu.memref_slice %arg2[%dma_start3A_473, %dma_start3A_474] : memref<10000x128xf32, #tpu.memory_space<hbm>> -> memref<10000x128xf32, #tpu.memory_space<hbm>>
        tpu.enqueue_indirect_dma source(%dma_start3A_475 : memref<10000x128xf32, #tpu.memory_space<hbm>>) target(%arg18 : memref<40x128xf32, #tpu.memory_space<vmem>>) offsets(%dma_start3A_472 : memref<40xi32, #tpu.memory_space<vmem>>) semaphore(%arg34 : memref<!tpu.dma_semaphore, #tpu.memory_space<semaphore_mem>>)
      } else {
      }
      %mul3A_381 = arith.constant 10 : i32
      %mul3A_382 = arith.muli %add3A_202, %mul3A_381 : i32
      %add3A_383 = arith.constant 7 : i32
      %add3A_384 = arith.addi %mul3A_382, %add3A_383 : i32
      %dma_wait3A_385 = arith.constant 0 : i32
      %dma_wait3A_386 = arith.constant 0 : i32
      %dma_wait3A_387 = tpu.memref_slice %arg7[%dma_wait3A_385, %dma_wait3A_386] : memref<2x40xi32, #tpu.memory_space<vmem>> -> memref<1x40xi32, #tpu.memory_space<vmem>>
      %dma_wait3A_388 = tpu.memref_squeeze %dma_wait3A_387 : memref<1x40xi32, #tpu.memory_space<vmem>> -> memref<40xi32, #tpu.memory_space<vmem>>
      %dma_wait3A_389 = arith.constant 0 : i32
      %dma_wait3A_390 = arith.constant 0 : i32
      %dma_wait3A_391 = tpu.memref_slice %arg2[%dma_wait3A_389, %dma_wait3A_390] : memref<10000x128xf32, #tpu.memory_space<hbm>> -> memref<10000x128xf32, #tpu.memory_space<hbm>>
      tpu.wait_indirect_dma semaphore(%arg35 : memref<!tpu.dma_semaphore, #tpu.memory_space<semaphore_mem>>) src(%dma_wait3A_391 : memref<10000x128xf32, #tpu.memory_space<hbm>>) dst(%arg19 : memref<40x128xf32, #tpu.memory_space<vmem>>)
      %run_scoped3A_392 = arith.constant 1 : i32
      "tpu.region"() ({
        %run_scoped3A_459 = tpu.sem_alloc : memref<!tpu.dma_semaphore, #tpu.memory_space<semaphore_mem>>
        %dma_start3A_460 = arith.constant 0 : i32
        %dma_start3A_461 = tpu.memref_slice %arg14[%run_scoped3A_392, %dma_start3A_460] : memref<2x40xi32, #tpu.memory_space<vmem>> -> memref<1x40xi32, #tpu.memory_space<vmem>>
        %dma_start3A_462 = tpu.memref_squeeze %dma_start3A_461 : memref<1x40xi32, #tpu.memory_space<vmem>> -> memref<40xi32, #tpu.memory_space<vmem>>
        %dma_start3A_463 = arith.constant 0 : i32
        %dma_start3A_464 = arith.constant 0 : i32
        %dma_start3A_465 = tpu.memref_slice %arg6[%dma_start3A_463, %dma_start3A_464] : memref<10240x128xf32, #tpu.memory_space<vmem_shared>> -> memref<10240x128xf32, #tpu.memory_space<vmem_shared>>
        tpu.enqueue_indirect_dma source(%arg19 : memref<40x128xf32, #tpu.memory_space<vmem>>) target(%dma_start3A_465 : memref<10240x128xf32, #tpu.memory_space<vmem_shared>>) offsets(%dma_start3A_462 : memref<40xi32, #tpu.memory_space<vmem>>) semaphore(%run_scoped3A_459 : memref<!tpu.dma_semaphore, #tpu.memory_space<semaphore_mem>>) {add = true}
        %dma_wait3A_466 = arith.constant 0 : i32
        %dma_wait3A_467 = tpu.memref_slice %arg14[%run_scoped3A_392, %dma_wait3A_466] : memref<2x40xi32, #tpu.memory_space<vmem>> -> memref<1x40xi32, #tpu.memory_space<vmem>>
        %dma_wait3A_468 = tpu.memref_squeeze %dma_wait3A_467 : memref<1x40xi32, #tpu.memory_space<vmem>> -> memref<40xi32, #tpu.memory_space<vmem>>
        %dma_wait3A_469 = arith.constant 0 : i32
        %dma_wait3A_470 = arith.constant 0 : i32
        %dma_wait3A_471 = tpu.memref_slice %arg6[%dma_wait3A_469, %dma_wait3A_470] : memref<10240x128xf32, #tpu.memory_space<vmem_shared>> -> memref<10240x128xf32, #tpu.memory_space<vmem_shared>>
        tpu.wait_indirect_dma semaphore(%run_scoped3A_459 : memref<!tpu.dma_semaphore, #tpu.memory_space<semaphore_mem>>) src(%arg19 : memref<40x128xf32, #tpu.memory_space<vmem>>) dst(%dma_wait3A_471 : memref<10240x128xf32, #tpu.memory_space<vmem_shared>>)
        tpu.yield
      }) : () -> ()
      %add3A_393 = arith.constant 10 : i32
      %add3A_394 = arith.addi %add3A_384, %add3A_393 : i32
      %lt3A_395 = arith.constant 250 : i32
      %lt3A_396 = arith.cmpi slt, %add3A_394, %lt3A_395 : i32
      %convert_element_type3A_397 = arith.extui %lt3A_396 : i1 to i32
      %cond3A_398 = arith.constant 0 : i32
      %cond3A_399 = arith.cmpi ne, %convert_element_type3A_397, %cond3A_398 : i32
      scf.if %cond3A_399 {
        %add3A_459 = arith.constant 10 : i32
        %add3A_460 = arith.addi %add3A_384, %add3A_459 : i32
        %dma_start3A_461 = arith.constant 0 : i32
        %dma_start3A_462 = arith.constant 0 : i32
        %dma_start3A_463 = tpu.memref_slice %arg3[%add3A, %add3A_460, %dma_start3A_461, %dma_start3A_462] : memref<32x250x2x40xi32, #tpu.memory_space<hbm>> -> memref<1x1x2x40xi32, #tpu.memory_space<hbm>>
        %dma_start3A_464 = tpu.memref_squeeze %dma_start3A_463 : memref<1x1x2x40xi32, #tpu.memory_space<hbm>> -> memref<2x40xi32, #tpu.memory_space<hbm>>
        %dma_start3A_465 = arith.constant 0 : i32
        %dma_start3A_466 = arith.constant 0 : i32
        %dma_start3A_467 = tpu.memref_slice %arg3[%add3A, %add3A_460, %dma_start3A_465, %dma_start3A_466] : memref<32x250x2x40xi32, #tpu.memory_space<hbm>> -> memref<1x1x2x40xi32, #tpu.memory_space<hbm>>
        %dma_start3A_468 = tpu.memref_squeeze %dma_start3A_467 : memref<1x1x2x40xi32, #tpu.memory_space<hbm>> -> memref<2x40xi32, #tpu.memory_space<hbm>>
        tpu.enqueue_dma source(%dma_start3A_468 : memref<2x40xi32, #tpu.memory_space<hbm>>) target(%arg14 : memref<2x40xi32, #tpu.memory_space<vmem>>) target_semaphore(%arg30 : memref<!tpu.dma_semaphore, #tpu.memory_space<semaphore_mem>>)
      } else {
      }
      %add3A_400 = arith.constant 5 : i32
      %add3A_401 = arith.addi %add3A_384, %add3A_400 : i32
      %lt3A_402 = arith.constant 250 : i32
      %lt3A_403 = arith.cmpi slt, %add3A_401, %lt3A_402 : i32
      %convert_element_type3A_404 = arith.extui %lt3A_403 : i1 to i32
      %cond3A_405 = arith.constant 0 : i32
      %cond3A_406 = arith.cmpi ne, %convert_element_type3A_404, %cond3A_405 : i32
      scf.if %cond3A_406 {
        %dma_wait3A_459 = arith.constant 0 : i32
        %dma_wait3A_460 = arith.constant 0 : i32
        %dma_wait3A_461 = arith.constant 0 : i32
        %dma_wait3A_462 = arith.constant 0 : i32
        %dma_wait3A_463 = tpu.memref_slice %arg3[%dma_wait3A_459, %dma_wait3A_460, %dma_wait3A_461, %dma_wait3A_462] : memref<32x250x2x40xi32, #tpu.memory_space<hbm>> -> memref<1x1x2x40xi32, #tpu.memory_space<hbm>>
        %dma_wait3A_464 = tpu.memref_squeeze %dma_wait3A_463 : memref<1x1x2x40xi32, #tpu.memory_space<hbm>> -> memref<2x40xi32, #tpu.memory_space<hbm>>
        %dma_wait3A_465 = arith.constant 0 : i32
        %dma_wait3A_466 = arith.constant 0 : i32
        %dma_wait3A_467 = tpu.memref_slice %arg3[%dma_wait3A_459, %dma_wait3A_460, %dma_wait3A_465, %dma_wait3A_466] : memref<32x250x2x40xi32, #tpu.memory_space<hbm>> -> memref<1x1x2x40xi32, #tpu.memory_space<hbm>>
        %dma_wait3A_468 = tpu.memref_squeeze %dma_wait3A_467 : memref<1x1x2x40xi32, #tpu.memory_space<hbm>> -> memref<2x40xi32, #tpu.memory_space<hbm>>
        tpu.wait_dma2 semaphore(%arg25 : memref<!tpu.dma_semaphore, #tpu.memory_space<semaphore_mem>>) src(%dma_wait3A_468 : memref<2x40xi32, #tpu.memory_space<hbm>>) dst(%arg9 : memref<2x40xi32, #tpu.memory_space<vmem>>)
        %dma_start3A_469 = arith.constant 0 : i32
        %dma_start3A_470 = arith.constant 0 : i32
        %dma_start3A_471 = tpu.memref_slice %arg9[%dma_start3A_469, %dma_start3A_470] : memref<2x40xi32, #tpu.memory_space<vmem>> -> memref<1x40xi32, #tpu.memory_space<vmem>>
        %dma_start3A_472 = tpu.memref_squeeze %dma_start3A_471 : memref<1x40xi32, #tpu.memory_space<vmem>> -> memref<40xi32, #tpu.memory_space<vmem>>
        %dma_start3A_473 = arith.constant 0 : i32
        %dma_start3A_474 = arith.constant 0 : i32
        %dma_start3A_475 = tpu.memref_slice %arg2[%dma_start3A_473, %dma_start3A_474] : memref<10000x128xf32, #tpu.memory_space<hbm>> -> memref<10000x128xf32, #tpu.memory_space<hbm>>
        tpu.enqueue_indirect_dma source(%dma_start3A_475 : memref<10000x128xf32, #tpu.memory_space<hbm>>) target(%arg19 : memref<40x128xf32, #tpu.memory_space<vmem>>) offsets(%dma_start3A_472 : memref<40xi32, #tpu.memory_space<vmem>>) semaphore(%arg35 : memref<!tpu.dma_semaphore, #tpu.memory_space<semaphore_mem>>)
      } else {
      }
      %mul3A_407 = arith.constant 10 : i32
      %mul3A_408 = arith.muli %add3A_202, %mul3A_407 : i32
      %add3A_409 = arith.constant 8 : i32
      %add3A_410 = arith.addi %mul3A_408, %add3A_409 : i32
      %dma_wait3A_411 = arith.constant 0 : i32
      %dma_wait3A_412 = arith.constant 0 : i32
      %dma_wait3A_413 = tpu.memref_slice %arg7[%dma_wait3A_411, %dma_wait3A_412] : memref<2x40xi32, #tpu.memory_space<vmem>> -> memref<1x40xi32, #tpu.memory_space<vmem>>
      %dma_wait3A_414 = tpu.memref_squeeze %dma_wait3A_413 : memref<1x40xi32, #tpu.memory_space<vmem>> -> memref<40xi32, #tpu.memory_space<vmem>>
      %dma_wait3A_415 = arith.constant 0 : i32
      %dma_wait3A_416 = arith.constant 0 : i32
      %dma_wait3A_417 = tpu.memref_slice %arg2[%dma_wait3A_415, %dma_wait3A_416] : memref<10000x128xf32, #tpu.memory_space<hbm>> -> memref<10000x128xf32, #tpu.memory_space<hbm>>
      tpu.wait_indirect_dma semaphore(%arg36 : memref<!tpu.dma_semaphore, #tpu.memory_space<semaphore_mem>>) src(%dma_wait3A_417 : memref<10000x128xf32, #tpu.memory_space<hbm>>) dst(%arg20 : memref<40x128xf32, #tpu.memory_space<vmem>>)
      %run_scoped3A_418 = arith.constant 1 : i32
      "tpu.region"() ({
        %run_scoped3A_459 = tpu.sem_alloc : memref<!tpu.dma_semaphore, #tpu.memory_space<semaphore_mem>>
        %dma_start3A_460 = arith.constant 0 : i32
        %dma_start3A_461 = tpu.memref_slice %arg15[%run_scoped3A_418, %dma_start3A_460] : memref<2x40xi32, #tpu.memory_space<vmem>> -> memref<1x40xi32, #tpu.memory_space<vmem>>
        %dma_start3A_462 = tpu.memref_squeeze %dma_start3A_461 : memref<1x40xi32, #tpu.memory_space<vmem>> -> memref<40xi32, #tpu.memory_space<vmem>>
        %dma_start3A_463 = arith.constant 0 : i32
        %dma_start3A_464 = arith.constant 0 : i32
        %dma_start3A_465 = tpu.memref_slice %arg6[%dma_start3A_463, %dma_start3A_464] : memref<10240x128xf32, #tpu.memory_space<vmem_shared>> -> memref<10240x128xf32, #tpu.memory_space<vmem_shared>>
        tpu.enqueue_indirect_dma source(%arg20 : memref<40x128xf32, #tpu.memory_space<vmem>>) target(%dma_start3A_465 : memref<10240x128xf32, #tpu.memory_space<vmem_shared>>) offsets(%dma_start3A_462 : memref<40xi32, #tpu.memory_space<vmem>>) semaphore(%run_scoped3A_459 : memref<!tpu.dma_semaphore, #tpu.memory_space<semaphore_mem>>) {add = true}
        %dma_wait3A_466 = arith.constant 0 : i32
        %dma_wait3A_467 = tpu.memref_slice %arg15[%run_scoped3A_418, %dma_wait3A_466] : memref<2x40xi32, #tpu.memory_space<vmem>> -> memref<1x40xi32, #tpu.memory_space<vmem>>
        %dma_wait3A_468 = tpu.memref_squeeze %dma_wait3A_467 : memref<1x40xi32, #tpu.memory_space<vmem>> -> memref<40xi32, #tpu.memory_space<vmem>>
        %dma_wait3A_469 = arith.constant 0 : i32
        %dma_wait3A_470 = arith.constant 0 : i32
        %dma_wait3A_471 = tpu.memref_slice %arg6[%dma_wait3A_469, %dma_wait3A_470] : memref<10240x128xf32, #tpu.memory_space<vmem_shared>> -> memref<10240x128xf32, #tpu.memory_space<vmem_shared>>
        tpu.wait_indirect_dma semaphore(%run_scoped3A_459 : memref<!tpu.dma_semaphore, #tpu.memory_space<semaphore_mem>>) src(%arg20 : memref<40x128xf32, #tpu.memory_space<vmem>>) dst(%dma_wait3A_471 : memref<10240x128xf32, #tpu.memory_space<vmem_shared>>)
        tpu.yield
      }) : () -> ()
      %add3A_419 = arith.constant 10 : i32
      %add3A_420 = arith.addi %add3A_410, %add3A_419 : i32
      %lt3A_421 = arith.constant 250 : i32
      %lt3A_422 = arith.cmpi slt, %add3A_420, %lt3A_421 : i32
      %convert_element_type3A_423 = arith.extui %lt3A_422 : i1 to i32
      %cond3A_424 = arith.constant 0 : i32
      %cond3A_425 = arith.cmpi ne, %convert_element_type3A_423, %cond3A_424 : i32
      scf.if %cond3A_425 {
        %add3A_459 = arith.constant 10 : i32
        %add3A_460 = arith.addi %add3A_410, %add3A_459 : i32
        %dma_start3A_461 = arith.constant 0 : i32
        %dma_start3A_462 = arith.constant 0 : i32
        %dma_start3A_463 = tpu.memref_slice %arg3[%add3A, %add3A_460, %dma_start3A_461, %dma_start3A_462] : memref<32x250x2x40xi32, #tpu.memory_space<hbm>> -> memref<1x1x2x40xi32, #tpu.memory_space<hbm>>
        %dma_start3A_464 = tpu.memref_squeeze %dma_start3A_463 : memref<1x1x2x40xi32, #tpu.memory_space<hbm>> -> memref<2x40xi32, #tpu.memory_space<hbm>>
        %dma_start3A_465 = arith.constant 0 : i32
        %dma_start3A_466 = arith.constant 0 : i32
        %dma_start3A_467 = tpu.memref_slice %arg3[%add3A, %add3A_460, %dma_start3A_465, %dma_start3A_466] : memref<32x250x2x40xi32, #tpu.memory_space<hbm>> -> memref<1x1x2x40xi32, #tpu.memory_space<hbm>>
        %dma_start3A_468 = tpu.memref_squeeze %dma_start3A_467 : memref<1x1x2x40xi32, #tpu.memory_space<hbm>> -> memref<2x40xi32, #tpu.memory_space<hbm>>
        tpu.enqueue_dma source(%dma_start3A_468 : memref<2x40xi32, #tpu.memory_space<hbm>>) target(%arg15 : memref<2x40xi32, #tpu.memory_space<vmem>>) target_semaphore(%arg31 : memref<!tpu.dma_semaphore, #tpu.memory_space<semaphore_mem>>)
      } else {
      }
      %add3A_426 = arith.constant 5 : i32
      %add3A_427 = arith.addi %add3A_410, %add3A_426 : i32
      %lt3A_428 = arith.constant 250 : i32
      %lt3A_429 = arith.cmpi slt, %add3A_427, %lt3A_428 : i32
      %convert_element_type3A_430 = arith.extui %lt3A_429 : i1 to i32
      %cond3A_431 = arith.constant 0 : i32
      %cond3A_432 = arith.cmpi ne, %convert_element_type3A_430, %cond3A_431 : i32
      scf.if %cond3A_432 {
        %dma_wait3A_459 = arith.constant 0 : i32
        %dma_wait3A_460 = arith.constant 0 : i32
        %dma_wait3A_461 = arith.constant 0 : i32
        %dma_wait3A_462 = arith.constant 0 : i32
        %dma_wait3A_463 = tpu.memref_slice %arg3[%dma_wait3A_459, %dma_wait3A_460, %dma_wait3A_461, %dma_wait3A_462] : memref<32x250x2x40xi32, #tpu.memory_space<hbm>> -> memref<1x1x2x40xi32, #tpu.memory_space<hbm>>
        %dma_wait3A_464 = tpu.memref_squeeze %dma_wait3A_463 : memref<1x1x2x40xi32, #tpu.memory_space<hbm>> -> memref<2x40xi32, #tpu.memory_space<hbm>>
        %dma_wait3A_465 = arith.constant 0 : i32
        %dma_wait3A_466 = arith.constant 0 : i32
        %dma_wait3A_467 = tpu.memref_slice %arg3[%dma_wait3A_459, %dma_wait3A_460, %dma_wait3A_465, %dma_wait3A_466] : memref<32x250x2x40xi32, #tpu.memory_space<hbm>> -> memref<1x1x2x40xi32, #tpu.memory_space<hbm>>
        %dma_wait3A_468 = tpu.memref_squeeze %dma_wait3A_467 : memref<1x1x2x40xi32, #tpu.memory_space<hbm>> -> memref<2x40xi32, #tpu.memory_space<hbm>>
        tpu.wait_dma2 semaphore(%arg26 : memref<!tpu.dma_semaphore, #tpu.memory_space<semaphore_mem>>) src(%dma_wait3A_468 : memref<2x40xi32, #tpu.memory_space<hbm>>) dst(%arg10 : memref<2x40xi32, #tpu.memory_space<vmem>>)
        %dma_start3A_469 = arith.constant 0 : i32
        %dma_start3A_470 = arith.constant 0 : i32
        %dma_start3A_471 = tpu.memref_slice %arg10[%dma_start3A_469, %dma_start3A_470] : memref<2x40xi32, #tpu.memory_space<vmem>> -> memref<1x40xi32, #tpu.memory_space<vmem>>
        %dma_start3A_472 = tpu.memref_squeeze %dma_start3A_471 : memref<1x40xi32, #tpu.memory_space<vmem>> -> memref<40xi32, #tpu.memory_space<vmem>>
        %dma_start3A_473 = arith.constant 0 : i32
        %dma_start3A_474 = arith.constant 0 : i32
        %dma_start3A_475 = tpu.memref_slice %arg2[%dma_start3A_473, %dma_start3A_474] : memref<10000x128xf32, #tpu.memory_space<hbm>> -> memref<10000x128xf32, #tpu.memory_space<hbm>>
        tpu.enqueue_indirect_dma source(%dma_start3A_475 : memref<10000x128xf32, #tpu.memory_space<hbm>>) target(%arg20 : memref<40x128xf32, #tpu.memory_space<vmem>>) offsets(%dma_start3A_472 : memref<40xi32, #tpu.memory_space<vmem>>) semaphore(%arg36 : memref<!tpu.dma_semaphore, #tpu.memory_space<semaphore_mem>>)
      } else {
      }
      %mul3A_433 = arith.constant 10 : i32
      %mul3A_434 = arith.muli %add3A_202, %mul3A_433 : i32
      %add3A_435 = arith.constant 9 : i32
      %add3A_436 = arith.addi %mul3A_434, %add3A_435 : i32
      %dma_wait3A_437 = arith.constant 0 : i32
      %dma_wait3A_438 = arith.constant 0 : i32
      %dma_wait3A_439 = tpu.memref_slice %arg7[%dma_wait3A_437, %dma_wait3A_438] : memref<2x40xi32, #tpu.memory_space<vmem>> -> memref<1x40xi32, #tpu.memory_space<vmem>>
      %dma_wait3A_440 = tpu.memref_squeeze %dma_wait3A_439 : memref<1x40xi32, #tpu.memory_space<vmem>> -> memref<40xi32, #tpu.memory_space<vmem>>
      %dma_wait3A_441 = arith.constant 0 : i32
      %dma_wait3A_442 = arith.constant 0 : i32
      %dma_wait3A_443 = tpu.memref_slice %arg2[%dma_wait3A_441, %dma_wait3A_442] : memref<10000x128xf32, #tpu.memory_space<hbm>> -> memref<10000x128xf32, #tpu.memory_space<hbm>>
      tpu.wait_indirect_dma semaphore(%arg37 : memref<!tpu.dma_semaphore, #tpu.memory_space<semaphore_mem>>) src(%dma_wait3A_443 : memref<10000x128xf32, #tpu.memory_space<hbm>>) dst(%arg21 : memref<40x128xf32, #tpu.memory_space<vmem>>)
      %run_scoped3A_444 = arith.constant 1 : i32
      "tpu.region"() ({
        %run_scoped3A_459 = tpu.sem_alloc : memref<!tpu.dma_semaphore, #tpu.memory_space<semaphore_mem>>
        %dma_start3A_460 = arith.constant 0 : i32
        %dma_start3A_461 = tpu.memref_slice %arg16[%run_scoped3A_444, %dma_start3A_460] : memref<2x40xi32, #tpu.memory_space<vmem>> -> memref<1x40xi32, #tpu.memory_space<vmem>>
        %dma_start3A_462 = tpu.memref_squeeze %dma_start3A_461 : memref<1x40xi32, #tpu.memory_space<vmem>> -> memref<40xi32, #tpu.memory_space<vmem>>
        %dma_start3A_463 = arith.constant 0 : i32
        %dma_start3A_464 = arith.constant 0 : i32
        %dma_start3A_465 = tpu.memref_slice %arg6[%dma_start3A_463, %dma_start3A_464] : memref<10240x128xf32, #tpu.memory_space<vmem_shared>> -> memref<10240x128xf32, #tpu.memory_space<vmem_shared>>
        tpu.enqueue_indirect_dma source(%arg21 : memref<40x128xf32, #tpu.memory_space<vmem>>) target(%dma_start3A_465 : memref<10240x128xf32, #tpu.memory_space<vmem_shared>>) offsets(%dma_start3A_462 : memref<40xi32, #tpu.memory_space<vmem>>) semaphore(%run_scoped3A_459 : memref<!tpu.dma_semaphore, #tpu.memory_space<semaphore_mem>>) {add = true}
        %dma_wait3A_466 = arith.constant 0 : i32
        %dma_wait3A_467 = tpu.memref_slice %arg16[%run_scoped3A_444, %dma_wait3A_466] : memref<2x40xi32, #tpu.memory_space<vmem>> -> memref<1x40xi32, #tpu.memory_space<vmem>>
        %dma_wait3A_468 = tpu.memref_squeeze %dma_wait3A_467 : memref<1x40xi32, #tpu.memory_space<vmem>> -> memref<40xi32, #tpu.memory_space<vmem>>
        %dma_wait3A_469 = arith.constant 0 : i32
        %dma_wait3A_470 = arith.constant 0 : i32
        %dma_wait3A_471 = tpu.memref_slice %arg6[%dma_wait3A_469, %dma_wait3A_470] : memref<10240x128xf32, #tpu.memory_space<vmem_shared>> -> memref<10240x128xf32, #tpu.memory_space<vmem_shared>>
        tpu.wait_indirect_dma semaphore(%run_scoped3A_459 : memref<!tpu.dma_semaphore, #tpu.memory_space<semaphore_mem>>) src(%arg21 : memref<40x128xf32, #tpu.memory_space<vmem>>) dst(%dma_wait3A_471 : memref<10240x128xf32, #tpu.memory_space<vmem_shared>>)
        tpu.yield
      }) : () -> ()
      %add3A_445 = arith.constant 10 : i32
      %add3A_446 = arith.addi %add3A_436, %add3A_445 : i32
      %lt3A_447 = arith.constant 250 : i32
      %lt3A_448 = arith.cmpi slt, %add3A_446, %lt3A_447 : i32
      %convert_element_type3A_449 = arith.extui %lt3A_448 : i1 to i32
      %cond3A_450 = arith.constant 0 : i32
      %cond3A_451 = arith.cmpi ne, %convert_element_type3A_449, %cond3A_450 : i32
      scf.if %cond3A_451 {
        %add3A_459 = arith.constant 10 : i32
        %add3A_460 = arith.addi %add3A_436, %add3A_459 : i32
        %dma_start3A_461 = arith.constant 0 : i32
        %dma_start3A_462 = arith.constant 0 : i32
        %dma_start3A_463 = tpu.memref_slice %arg3[%add3A, %add3A_460, %dma_start3A_461, %dma_start3A_462] : memref<32x250x2x40xi32, #tpu.memory_space<hbm>> -> memref<1x1x2x40xi32, #tpu.memory_space<hbm>>
        %dma_start3A_464 = tpu.memref_squeeze %dma_start3A_463 : memref<1x1x2x40xi32, #tpu.memory_space<hbm>> -> memref<2x40xi32, #tpu.memory_space<hbm>>
        %dma_start3A_465 = arith.constant 0 : i32
        %dma_start3A_466 = arith.constant 0 : i32
        %dma_start3A_467 = tpu.memref_slice %arg3[%add3A, %add3A_460, %dma_start3A_465, %dma_start3A_466] : memref<32x250x2x40xi32, #tpu.memory_space<hbm>> -> memref<1x1x2x40xi32, #tpu.memory_space<hbm>>
        %dma_start3A_468 = tpu.memref_squeeze %dma_start3A_467 : memref<1x1x2x40xi32, #tpu.memory_space<hbm>> -> memref<2x40xi32, #tpu.memory_space<hbm>>
        tpu.enqueue_dma source(%dma_start3A_468 : memref<2x40xi32, #tpu.memory_space<hbm>>) target(%arg16 : memref<2x40xi32, #tpu.memory_space<vmem>>) target_semaphore(%arg32 : memref<!tpu.dma_semaphore, #tpu.memory_space<semaphore_mem>>)
      } else {
      }
      %add3A_452 = arith.constant 5 : i32
      %add3A_453 = arith.addi %add3A_436, %add3A_452 : i32
      %lt3A_454 = arith.constant 250 : i32
      %lt3A_455 = arith.cmpi slt, %add3A_453, %lt3A_454 : i32
      %convert_element_type3A_456 = arith.extui %lt3A_455 : i1 to i32
      %cond3A_457 = arith.constant 0 : i32
      %cond3A_458 = arith.cmpi ne, %convert_element_type3A_456, %cond3A_457 : i32
      scf.if %cond3A_458 {
        %dma_wait3A_459 = arith.constant 0 : i32
        %dma_wait3A_460 = arith.constant 0 : i32
        %dma_wait3A_461 = arith.constant 0 : i32
        %dma_wait3A_462 = arith.constant 0 : i32
        %dma_wait3A_463 = tpu.memref_slice %arg3[%dma_wait3A_459, %dma_wait3A_460, %dma_wait3A_461, %dma_wait3A_462] : memref<32x250x2x40xi32, #tpu.memory_space<hbm>> -> memref<1x1x2x40xi32, #tpu.memory_space<hbm>>
        %dma_wait3A_464 = tpu.memref_squeeze %dma_wait3A_463 : memref<1x1x2x40xi32, #tpu.memory_space<hbm>> -> memref<2x40xi32, #tpu.memory_space<hbm>>
        %dma_wait3A_465 = arith.constant 0 : i32
        %dma_wait3A_466 = arith.constant 0 : i32
        %dma_wait3A_467 = tpu.memref_slice %arg3[%dma_wait3A_459, %dma_wait3A_460, %dma_wait3A_465, %dma_wait3A_466] : memref<32x250x2x40xi32, #tpu.memory_space<hbm>> -> memref<1x1x2x40xi32, #tpu.memory_space<hbm>>
        %dma_wait3A_468 = tpu.memref_squeeze %dma_wait3A_467 : memref<1x1x2x40xi32, #tpu.memory_space<hbm>> -> memref<2x40xi32, #tpu.memory_space<hbm>>
        tpu.wait_dma2 semaphore(%arg27 : memref<!tpu.dma_semaphore, #tpu.memory_space<semaphore_mem>>) src(%dma_wait3A_468 : memref<2x40xi32, #tpu.memory_space<hbm>>) dst(%arg11 : memref<2x40xi32, #tpu.memory_space<vmem>>)
        %dma_start3A_469 = arith.constant 0 : i32
        %dma_start3A_470 = arith.constant 0 : i32
        %dma_start3A_471 = tpu.memref_slice %arg11[%dma_start3A_469, %dma_start3A_470] : memref<2x40xi32, #tpu.memory_space<vmem>> -> memref<1x40xi32, #tpu.memory_space<vmem>>
        %dma_start3A_472 = tpu.memref_squeeze %dma_start3A_471 : memref<1x40xi32, #tpu.memory_space<vmem>> -> memref<40xi32, #tpu.memory_space<vmem>>
        %dma_start3A_473 = arith.constant 0 : i32
        %dma_start3A_474 = arith.constant 0 : i32
        %dma_start3A_475 = tpu.memref_slice %arg2[%dma_start3A_473, %dma_start3A_474] : memref<10000x128xf32, #tpu.memory_space<hbm>> -> memref<10000x128xf32, #tpu.memory_space<hbm>>
        tpu.enqueue_indirect_dma source(%dma_start3A_475 : memref<10000x128xf32, #tpu.memory_space<hbm>>) target(%arg21 : memref<40x128xf32, #tpu.memory_space<vmem>>) offsets(%dma_start3A_472 : memref<40xi32, #tpu.memory_space<vmem>>) semaphore(%arg37 : memref<!tpu.dma_semaphore, #tpu.memory_space<semaphore_mem>>)
      } else {
      }
    }
    %scan3A_187 = arith.constant 25 : i32
    %barrier3A_188 = arith.constant 0 : index
    tpu.barrier barrier_id(%barrier3A_188)
    %scan3A_189 = arith.constant 0 : i32
    %mul3A_190 = arith.constant 1 : i32
    %mul3A_191 = arith.muli %scan3A_189, %mul3A_190 : i32
    %add3A_192 = arith.constant 0 : i32
    %add3A_193 = arith.addi %add3A_192, %mul3A_191 : i32
    %mul3A_194 = arith.constant 640 : i32
    %mul3A_195 = arith.muli %add3A_193, %mul3A_194 : i32
    %add3A_196 = arith.addi %mul3A_2, %mul3A_195 : i32
    "tpu.region"() ({
      %run_scoped3A = tpu.sem_alloc : memref<!tpu.dma_semaphore, #tpu.memory_space<semaphore_mem>>
      %dma_start3A_198 = arith.constant 0 : i32
      %dma_start3A_199 = tpu.memref_slice %arg5[%arg0, %add3A_196, %dma_start3A_198] : memref<2x10240x128xf32, #tpu.memory_space<hbm>> -> memref<1x640x128xf32, #tpu.memory_space<hbm>>
      %dma_start3A_200 = tpu.memref_squeeze %dma_start3A_199 : memref<1x640x128xf32, #tpu.memory_space<hbm>> -> memref<640x128xf32, #tpu.memory_space<hbm>>
      %dma_start3A_201 = arith.constant 0 : i32
      %dma_start3A_202 = tpu.memref_slice %arg6[%add3A_196, %dma_start3A_201] : memref<10240x128xf32, #tpu.memory_space<vmem_shared>> -> memref<640x128xf32, #tpu.memory_space<vmem_shared>>
      tpu.enqueue_dma source(%dma_start3A_202 : memref<640x128xf32, #tpu.memory_space<vmem_shared>>) target(%dma_start3A_200 : memref<640x128xf32, #tpu.memory_space<hbm>>) target_semaphore(%run_scoped3A : memref<!tpu.dma_semaphore, #tpu.memory_space<semaphore_mem>>)
      %dma_wait3A_203 = arith.constant 0 : i32
      %dma_wait3A_204 = tpu.memref_slice %arg5[%arg0, %add3A_196, %dma_wait3A_203] : memref<2x10240x128xf32, #tpu.memory_space<hbm>> -> memref<1x640x128xf32, #tpu.memory_space<hbm>>
      %dma_wait3A_205 = tpu.memref_squeeze %dma_wait3A_204 : memref<1x640x128xf32, #tpu.memory_space<hbm>> -> memref<640x128xf32, #tpu.memory_space<hbm>>
      %dma_wait3A_206 = arith.constant 0 : i32
      %dma_wait3A_207 = tpu.memref_slice %arg6[%add3A_196, %dma_wait3A_206] : memref<10240x128xf32, #tpu.memory_space<vmem_shared>> -> memref<640x128xf32, #tpu.memory_space<vmem_shared>>
      tpu.wait_dma2 semaphore(%run_scoped3A : memref<!tpu.dma_semaphore, #tpu.memory_space<semaphore_mem>>) src(%dma_wait3A_207 : memref<640x128xf32, #tpu.memory_space<vmem_shared>>) dst(%dma_wait3A_205 : memref<640x128xf32, #tpu.memory_space<hbm>>)
      tpu.yield
    }) : () -> ()
    %scan3A_197 = arith.constant 1 : i32
    return
  }
}

#map = affine_map<(d0, d1) -> (0, 0, 0)>
#map1 = affine_map<(d0, d1) -> (0, 0)>
module attributes {stable_mosaic.version = 14 : i64} {
  func.func @_deg_kernel(%arg0: i32, %arg1: i32, %arg2: memref<32x250x40xi32, #tpu.memory_space<hbm>>, %arg3: memref<10240x128xf32, #tpu.memory_space<hbm>>, %arg4: memref<40x128xf32, #tpu.memory_space<hbm>>, %arg5: memref<2x10240x128xf32, #tpu.memory_space<hbm>>, %arg6: memref<10240x128xf32, #tpu.memory_space<vmem_shared>>, %arg7: memref<250x40xi32, #tpu.memory_space<vmem>>, %arg8: memref<40x128xf32, #tpu.memory_space<vmem>>, %arg9: memref<!tpu.dma_semaphore, #tpu.memory_space<semaphore_mem>>, %arg10: memref<!tpu.dma_semaphore, #tpu.memory_space<semaphore_mem>>, %arg11: memref<!tpu.dma_semaphore, #tpu.memory_space<semaphore_mem>>) attributes {dimension_semantics = [#tpu.dimension_semantics<core_parallel>, #tpu.dimension_semantics<subcore_parallel>], iteration_bounds = array<i64: 2, 16>, scalar_prefetch = 0 : i64, scratch_operands = 6 : i64, tpu.core_type = #tpu.core_type<sc_vector_subcore>, window_params = [{transform_indices = #map}, {transform_indices = #map1}, {transform_indices = #map1}, {transform_indices = #map}]} {
    %mul3A = arith.constant 16 : i32
    %mul3A_0 = arith.muli %arg0, %mul3A : i32
    %add3A = arith.addi %mul3A_0, %arg1 : i32
    %mul3A_1 = arith.constant 640 : i32
    %mul3A_2 = arith.muli %arg1, %mul3A_1 : i32
    %dma_start3A = arith.constant 0 : i32
    %dma_start3A_3 = arith.constant 0 : i32
    %dma_start3A_4 = tpu.memref_slice %arg2[%add3A, %dma_start3A, %dma_start3A_3] : memref<32x250x40xi32, #tpu.memory_space<hbm>> -> memref<1x250x40xi32, #tpu.memory_space<hbm>>
    %dma_start3A_5 = tpu.memref_squeeze %dma_start3A_4 : memref<1x250x40xi32, #tpu.memory_space<hbm>> -> memref<250x40xi32, #tpu.memory_space<hbm>>
    %dma_start3A_6 = arith.constant 0 : i32
    %dma_start3A_7 = arith.constant 0 : i32
    %dma_start3A_8 = tpu.memref_slice %arg2[%add3A, %dma_start3A_6, %dma_start3A_7] : memref<32x250x40xi32, #tpu.memory_space<hbm>> -> memref<1x250x40xi32, #tpu.memory_space<hbm>>
    %dma_start3A_9 = tpu.memref_squeeze %dma_start3A_8 : memref<1x250x40xi32, #tpu.memory_space<hbm>> -> memref<250x40xi32, #tpu.memory_space<hbm>>
    tpu.enqueue_dma source(%dma_start3A_9 : memref<250x40xi32, #tpu.memory_space<hbm>>) target(%arg7 : memref<250x40xi32, #tpu.memory_space<vmem>>) target_semaphore(%arg9 : memref<!tpu.dma_semaphore, #tpu.memory_space<semaphore_mem>>)
    tpu.enqueue_dma source(%arg4 : memref<40x128xf32, #tpu.memory_space<hbm>>) target(%arg8 : memref<40x128xf32, #tpu.memory_space<vmem>>) target_semaphore(%arg9 : memref<!tpu.dma_semaphore, #tpu.memory_space<semaphore_mem>>)
    %dma_start3A_10 = arith.constant 0 : i32
    %dma_start3A_11 = tpu.memref_slice %arg6[%mul3A_2, %dma_start3A_10] : memref<10240x128xf32, #tpu.memory_space<vmem_shared>> -> memref<640x128xf32, #tpu.memory_space<vmem_shared>>
    %dma_start3A_12 = arith.constant 0 : i32
    %dma_start3A_13 = tpu.memref_slice %arg3[%mul3A_2, %dma_start3A_12] : memref<10240x128xf32, #tpu.memory_space<hbm>> -> memref<640x128xf32, #tpu.memory_space<hbm>>
    tpu.enqueue_dma source(%dma_start3A_13 : memref<640x128xf32, #tpu.memory_space<hbm>>) target(%dma_start3A_11 : memref<640x128xf32, #tpu.memory_space<vmem_shared>>) target_semaphore(%arg10 : memref<!tpu.dma_semaphore, #tpu.memory_space<semaphore_mem>>)
    %dma_wait3A = arith.constant 0 : i32
    %dma_wait3A_14 = arith.constant 0 : i32
    %dma_wait3A_15 = tpu.memref_slice %arg2[%add3A, %dma_wait3A, %dma_wait3A_14] : memref<32x250x40xi32, #tpu.memory_space<hbm>> -> memref<1x250x40xi32, #tpu.memory_space<hbm>>
    %dma_wait3A_16 = tpu.memref_squeeze %dma_wait3A_15 : memref<1x250x40xi32, #tpu.memory_space<hbm>> -> memref<250x40xi32, #tpu.memory_space<hbm>>
    %dma_wait3A_17 = arith.constant 0 : i32
    %dma_wait3A_18 = arith.constant 0 : i32
    %dma_wait3A_19 = tpu.memref_slice %arg2[%add3A, %dma_wait3A_17, %dma_wait3A_18] : memref<32x250x40xi32, #tpu.memory_space<hbm>> -> memref<1x250x40xi32, #tpu.memory_space<hbm>>
    %dma_wait3A_20 = tpu.memref_squeeze %dma_wait3A_19 : memref<1x250x40xi32, #tpu.memory_space<hbm>> -> memref<250x40xi32, #tpu.memory_space<hbm>>
    tpu.wait_dma2 semaphore(%arg9 : memref<!tpu.dma_semaphore, #tpu.memory_space<semaphore_mem>>) src(%dma_wait3A_20 : memref<250x40xi32, #tpu.memory_space<hbm>>) dst(%arg7 : memref<250x40xi32, #tpu.memory_space<vmem>>)
    tpu.wait_dma2 semaphore(%arg9 : memref<!tpu.dma_semaphore, #tpu.memory_space<semaphore_mem>>) src(%arg4 : memref<40x128xf32, #tpu.memory_space<hbm>>) dst(%arg8 : memref<40x128xf32, #tpu.memory_space<vmem>>)
    %dma_wait3A_21 = arith.constant 0 : i32
    %dma_wait3A_22 = tpu.memref_slice %arg6[%mul3A_2, %dma_wait3A_21] : memref<10240x128xf32, #tpu.memory_space<vmem_shared>> -> memref<640x128xf32, #tpu.memory_space<vmem_shared>>
    %dma_wait3A_23 = arith.constant 0 : i32
    %dma_wait3A_24 = tpu.memref_slice %arg3[%mul3A_2, %dma_wait3A_23] : memref<10240x128xf32, #tpu.memory_space<hbm>> -> memref<640x128xf32, #tpu.memory_space<hbm>>
    tpu.wait_dma2 semaphore(%arg10 : memref<!tpu.dma_semaphore, #tpu.memory_space<semaphore_mem>>) src(%dma_wait3A_24 : memref<640x128xf32, #tpu.memory_space<hbm>>) dst(%dma_wait3A_22 : memref<640x128xf32, #tpu.memory_space<vmem_shared>>)
    %barrier3A = arith.constant 0 : index
    tpu.barrier barrier_id(%barrier3A)
    %scan3A = arith.constant 0 : i32
    %scan3A_25 = arith.constant 25 : i32
    %scan3A_26 = arith.addi %scan3A, %scan3A_25 : i32
    %scan3A_27 = arith.constant 1 : i32
    scf.for %scan3A_39 = %scan3A to %scan3A_26 step %scan3A_27  : i32 {
      %mul3A_40 = arith.constant 1 : i32
      %mul3A_41 = arith.muli %scan3A_39, %mul3A_40 : i32
      %add3A_42 = arith.constant 0 : i32
      %add3A_43 = arith.addi %add3A_42, %mul3A_41 : i32
      %mul3A_44 = arith.constant 10 : i32
      %mul3A_45 = arith.muli %add3A_43, %mul3A_44 : i32
      %add3A_46 = arith.constant 0 : i32
      %add3A_47 = arith.addi %mul3A_45, %add3A_46 : i32
      %dma_start3A_48 = arith.constant 0 : i32
      %dma_start3A_49 = tpu.memref_slice %arg7[%add3A_47, %dma_start3A_48] : memref<250x40xi32, #tpu.memory_space<vmem>> -> memref<1x40xi32, #tpu.memory_space<vmem>>
      %dma_start3A_50 = tpu.memref_squeeze %dma_start3A_49 : memref<1x40xi32, #tpu.memory_space<vmem>> -> memref<40xi32, #tpu.memory_space<vmem>>
      %dma_start3A_51 = arith.constant 0 : i32
      %dma_start3A_52 = arith.constant 0 : i32
      %dma_start3A_53 = tpu.memref_slice %arg6[%dma_start3A_51, %dma_start3A_52] : memref<10240x128xf32, #tpu.memory_space<vmem_shared>> -> memref<10240x128xf32, #tpu.memory_space<vmem_shared>>
      tpu.enqueue_indirect_dma source(%arg8 : memref<40x128xf32, #tpu.memory_space<vmem>>) target(%dma_start3A_53 : memref<10240x128xf32, #tpu.memory_space<vmem_shared>>) offsets(%dma_start3A_50 : memref<40xi32, #tpu.memory_space<vmem>>) semaphore(%arg11 : memref<!tpu.dma_semaphore, #tpu.memory_space<semaphore_mem>>) {add = true}
      %mul3A_54 = arith.constant 10 : i32
      %mul3A_55 = arith.muli %add3A_43, %mul3A_54 : i32
      %add3A_56 = arith.constant 1 : i32
      %add3A_57 = arith.addi %mul3A_55, %add3A_56 : i32
      %dma_start3A_58 = arith.constant 0 : i32
      %dma_start3A_59 = tpu.memref_slice %arg7[%add3A_57, %dma_start3A_58] : memref<250x40xi32, #tpu.memory_space<vmem>> -> memref<1x40xi32, #tpu.memory_space<vmem>>
      %dma_start3A_60 = tpu.memref_squeeze %dma_start3A_59 : memref<1x40xi32, #tpu.memory_space<vmem>> -> memref<40xi32, #tpu.memory_space<vmem>>
      %dma_start3A_61 = arith.constant 0 : i32
      %dma_start3A_62 = arith.constant 0 : i32
      %dma_start3A_63 = tpu.memref_slice %arg6[%dma_start3A_61, %dma_start3A_62] : memref<10240x128xf32, #tpu.memory_space<vmem_shared>> -> memref<10240x128xf32, #tpu.memory_space<vmem_shared>>
      tpu.enqueue_indirect_dma source(%arg8 : memref<40x128xf32, #tpu.memory_space<vmem>>) target(%dma_start3A_63 : memref<10240x128xf32, #tpu.memory_space<vmem_shared>>) offsets(%dma_start3A_60 : memref<40xi32, #tpu.memory_space<vmem>>) semaphore(%arg11 : memref<!tpu.dma_semaphore, #tpu.memory_space<semaphore_mem>>) {add = true}
      %mul3A_64 = arith.constant 10 : i32
      %mul3A_65 = arith.muli %add3A_43, %mul3A_64 : i32
      %add3A_66 = arith.constant 2 : i32
      %add3A_67 = arith.addi %mul3A_65, %add3A_66 : i32
      %dma_start3A_68 = arith.constant 0 : i32
      %dma_start3A_69 = tpu.memref_slice %arg7[%add3A_67, %dma_start3A_68] : memref<250x40xi32, #tpu.memory_space<vmem>> -> memref<1x40xi32, #tpu.memory_space<vmem>>
      %dma_start3A_70 = tpu.memref_squeeze %dma_start3A_69 : memref<1x40xi32, #tpu.memory_space<vmem>> -> memref<40xi32, #tpu.memory_space<vmem>>
      %dma_start3A_71 = arith.constant 0 : i32
      %dma_start3A_72 = arith.constant 0 : i32
      %dma_start3A_73 = tpu.memref_slice %arg6[%dma_start3A_71, %dma_start3A_72] : memref<10240x128xf32, #tpu.memory_space<vmem_shared>> -> memref<10240x128xf32, #tpu.memory_space<vmem_shared>>
      tpu.enqueue_indirect_dma source(%arg8 : memref<40x128xf32, #tpu.memory_space<vmem>>) target(%dma_start3A_73 : memref<10240x128xf32, #tpu.memory_space<vmem_shared>>) offsets(%dma_start3A_70 : memref<40xi32, #tpu.memory_space<vmem>>) semaphore(%arg11 : memref<!tpu.dma_semaphore, #tpu.memory_space<semaphore_mem>>) {add = true}
      %mul3A_74 = arith.constant 10 : i32
      %mul3A_75 = arith.muli %add3A_43, %mul3A_74 : i32
      %add3A_76 = arith.constant 3 : i32
      %add3A_77 = arith.addi %mul3A_75, %add3A_76 : i32
      %dma_start3A_78 = arith.constant 0 : i32
      %dma_start3A_79 = tpu.memref_slice %arg7[%add3A_77, %dma_start3A_78] : memref<250x40xi32, #tpu.memory_space<vmem>> -> memref<1x40xi32, #tpu.memory_space<vmem>>
      %dma_start3A_80 = tpu.memref_squeeze %dma_start3A_79 : memref<1x40xi32, #tpu.memory_space<vmem>> -> memref<40xi32, #tpu.memory_space<vmem>>
      %dma_start3A_81 = arith.constant 0 : i32
      %dma_start3A_82 = arith.constant 0 : i32
      %dma_start3A_83 = tpu.memref_slice %arg6[%dma_start3A_81, %dma_start3A_82] : memref<10240x128xf32, #tpu.memory_space<vmem_shared>> -> memref<10240x128xf32, #tpu.memory_space<vmem_shared>>
      tpu.enqueue_indirect_dma source(%arg8 : memref<40x128xf32, #tpu.memory_space<vmem>>) target(%dma_start3A_83 : memref<10240x128xf32, #tpu.memory_space<vmem_shared>>) offsets(%dma_start3A_80 : memref<40xi32, #tpu.memory_space<vmem>>) semaphore(%arg11 : memref<!tpu.dma_semaphore, #tpu.memory_space<semaphore_mem>>) {add = true}
      %mul3A_84 = arith.constant 10 : i32
      %mul3A_85 = arith.muli %add3A_43, %mul3A_84 : i32
      %add3A_86 = arith.constant 4 : i32
      %add3A_87 = arith.addi %mul3A_85, %add3A_86 : i32
      %dma_start3A_88 = arith.constant 0 : i32
      %dma_start3A_89 = tpu.memref_slice %arg7[%add3A_87, %dma_start3A_88] : memref<250x40xi32, #tpu.memory_space<vmem>> -> memref<1x40xi32, #tpu.memory_space<vmem>>
      %dma_start3A_90 = tpu.memref_squeeze %dma_start3A_89 : memref<1x40xi32, #tpu.memory_space<vmem>> -> memref<40xi32, #tpu.memory_space<vmem>>
      %dma_start3A_91 = arith.constant 0 : i32
      %dma_start3A_92 = arith.constant 0 : i32
      %dma_start3A_93 = tpu.memref_slice %arg6[%dma_start3A_91, %dma_start3A_92] : memref<10240x128xf32, #tpu.memory_space<vmem_shared>> -> memref<10240x128xf32, #tpu.memory_space<vmem_shared>>
      tpu.enqueue_indirect_dma source(%arg8 : memref<40x128xf32, #tpu.memory_space<vmem>>) target(%dma_start3A_93 : memref<10240x128xf32, #tpu.memory_space<vmem_shared>>) offsets(%dma_start3A_90 : memref<40xi32, #tpu.memory_space<vmem>>) semaphore(%arg11 : memref<!tpu.dma_semaphore, #tpu.memory_space<semaphore_mem>>) {add = true}
      %mul3A_94 = arith.constant 10 : i32
      %mul3A_95 = arith.muli %add3A_43, %mul3A_94 : i32
      %add3A_96 = arith.constant 5 : i32
      %add3A_97 = arith.addi %mul3A_95, %add3A_96 : i32
      %dma_start3A_98 = arith.constant 0 : i32
      %dma_start3A_99 = tpu.memref_slice %arg7[%add3A_97, %dma_start3A_98] : memref<250x40xi32, #tpu.memory_space<vmem>> -> memref<1x40xi32, #tpu.memory_space<vmem>>
      %dma_start3A_100 = tpu.memref_squeeze %dma_start3A_99 : memref<1x40xi32, #tpu.memory_space<vmem>> -> memref<40xi32, #tpu.memory_space<vmem>>
      %dma_start3A_101 = arith.constant 0 : i32
      %dma_start3A_102 = arith.constant 0 : i32
      %dma_start3A_103 = tpu.memref_slice %arg6[%dma_start3A_101, %dma_start3A_102] : memref<10240x128xf32, #tpu.memory_space<vmem_shared>> -> memref<10240x128xf32, #tpu.memory_space<vmem_shared>>
      tpu.enqueue_indirect_dma source(%arg8 : memref<40x128xf32, #tpu.memory_space<vmem>>) target(%dma_start3A_103 : memref<10240x128xf32, #tpu.memory_space<vmem_shared>>) offsets(%dma_start3A_100 : memref<40xi32, #tpu.memory_space<vmem>>) semaphore(%arg11 : memref<!tpu.dma_semaphore, #tpu.memory_space<semaphore_mem>>) {add = true}
      %mul3A_104 = arith.constant 10 : i32
      %mul3A_105 = arith.muli %add3A_43, %mul3A_104 : i32
      %add3A_106 = arith.constant 6 : i32
      %add3A_107 = arith.addi %mul3A_105, %add3A_106 : i32
      %dma_start3A_108 = arith.constant 0 : i32
      %dma_start3A_109 = tpu.memref_slice %arg7[%add3A_107, %dma_start3A_108] : memref<250x40xi32, #tpu.memory_space<vmem>> -> memref<1x40xi32, #tpu.memory_space<vmem>>
      %dma_start3A_110 = tpu.memref_squeeze %dma_start3A_109 : memref<1x40xi32, #tpu.memory_space<vmem>> -> memref<40xi32, #tpu.memory_space<vmem>>
      %dma_start3A_111 = arith.constant 0 : i32
      %dma_start3A_112 = arith.constant 0 : i32
      %dma_start3A_113 = tpu.memref_slice %arg6[%dma_start3A_111, %dma_start3A_112] : memref<10240x128xf32, #tpu.memory_space<vmem_shared>> -> memref<10240x128xf32, #tpu.memory_space<vmem_shared>>
      tpu.enqueue_indirect_dma source(%arg8 : memref<40x128xf32, #tpu.memory_space<vmem>>) target(%dma_start3A_113 : memref<10240x128xf32, #tpu.memory_space<vmem_shared>>) offsets(%dma_start3A_110 : memref<40xi32, #tpu.memory_space<vmem>>) semaphore(%arg11 : memref<!tpu.dma_semaphore, #tpu.memory_space<semaphore_mem>>) {add = true}
      %mul3A_114 = arith.constant 10 : i32
      %mul3A_115 = arith.muli %add3A_43, %mul3A_114 : i32
      %add3A_116 = arith.constant 7 : i32
      %add3A_117 = arith.addi %mul3A_115, %add3A_116 : i32
      %dma_start3A_118 = arith.constant 0 : i32
      %dma_start3A_119 = tpu.memref_slice %arg7[%add3A_117, %dma_start3A_118] : memref<250x40xi32, #tpu.memory_space<vmem>> -> memref<1x40xi32, #tpu.memory_space<vmem>>
      %dma_start3A_120 = tpu.memref_squeeze %dma_start3A_119 : memref<1x40xi32, #tpu.memory_space<vmem>> -> memref<40xi32, #tpu.memory_space<vmem>>
      %dma_start3A_121 = arith.constant 0 : i32
      %dma_start3A_122 = arith.constant 0 : i32
      %dma_start3A_123 = tpu.memref_slice %arg6[%dma_start3A_121, %dma_start3A_122] : memref<10240x128xf32, #tpu.memory_space<vmem_shared>> -> memref<10240x128xf32, #tpu.memory_space<vmem_shared>>
      tpu.enqueue_indirect_dma source(%arg8 : memref<40x128xf32, #tpu.memory_space<vmem>>) target(%dma_start3A_123 : memref<10240x128xf32, #tpu.memory_space<vmem_shared>>) offsets(%dma_start3A_120 : memref<40xi32, #tpu.memory_space<vmem>>) semaphore(%arg11 : memref<!tpu.dma_semaphore, #tpu.memory_space<semaphore_mem>>) {add = true}
      %mul3A_124 = arith.constant 10 : i32
      %mul3A_125 = arith.muli %add3A_43, %mul3A_124 : i32
      %add3A_126 = arith.constant 8 : i32
      %add3A_127 = arith.addi %mul3A_125, %add3A_126 : i32
      %dma_start3A_128 = arith.constant 0 : i32
      %dma_start3A_129 = tpu.memref_slice %arg7[%add3A_127, %dma_start3A_128] : memref<250x40xi32, #tpu.memory_space<vmem>> -> memref<1x40xi32, #tpu.memory_space<vmem>>
      %dma_start3A_130 = tpu.memref_squeeze %dma_start3A_129 : memref<1x40xi32, #tpu.memory_space<vmem>> -> memref<40xi32, #tpu.memory_space<vmem>>
      %dma_start3A_131 = arith.constant 0 : i32
      %dma_start3A_132 = arith.constant 0 : i32
      %dma_start3A_133 = tpu.memref_slice %arg6[%dma_start3A_131, %dma_start3A_132] : memref<10240x128xf32, #tpu.memory_space<vmem_shared>> -> memref<10240x128xf32, #tpu.memory_space<vmem_shared>>
      tpu.enqueue_indirect_dma source(%arg8 : memref<40x128xf32, #tpu.memory_space<vmem>>) target(%dma_start3A_133 : memref<10240x128xf32, #tpu.memory_space<vmem_shared>>) offsets(%dma_start3A_130 : memref<40xi32, #tpu.memory_space<vmem>>) semaphore(%arg11 : memref<!tpu.dma_semaphore, #tpu.memory_space<semaphore_mem>>) {add = true}
      %mul3A_134 = arith.constant 10 : i32
      %mul3A_135 = arith.muli %add3A_43, %mul3A_134 : i32
      %add3A_136 = arith.constant 9 : i32
      %add3A_137 = arith.addi %mul3A_135, %add3A_136 : i32
      %dma_start3A_138 = arith.constant 0 : i32
      %dma_start3A_139 = tpu.memref_slice %arg7[%add3A_137, %dma_start3A_138] : memref<250x40xi32, #tpu.memory_space<vmem>> -> memref<1x40xi32, #tpu.memory_space<vmem>>
      %dma_start3A_140 = tpu.memref_squeeze %dma_start3A_139 : memref<1x40xi32, #tpu.memory_space<vmem>> -> memref<40xi32, #tpu.memory_space<vmem>>
      %dma_start3A_141 = arith.constant 0 : i32
      %dma_start3A_142 = arith.constant 0 : i32
      %dma_start3A_143 = tpu.memref_slice %arg6[%dma_start3A_141, %dma_start3A_142] : memref<10240x128xf32, #tpu.memory_space<vmem_shared>> -> memref<10240x128xf32, #tpu.memory_space<vmem_shared>>
      tpu.enqueue_indirect_dma source(%arg8 : memref<40x128xf32, #tpu.memory_space<vmem>>) target(%dma_start3A_143 : memref<10240x128xf32, #tpu.memory_space<vmem_shared>>) offsets(%dma_start3A_140 : memref<40xi32, #tpu.memory_space<vmem>>) semaphore(%arg11 : memref<!tpu.dma_semaphore, #tpu.memory_space<semaphore_mem>>) {add = true}
      %dma_wait3A_144 = arith.constant 0 : i32
      %dma_wait3A_145 = tpu.memref_slice %arg7[%add3A_47, %dma_wait3A_144] : memref<250x40xi32, #tpu.memory_space<vmem>> -> memref<1x40xi32, #tpu.memory_space<vmem>>
      %dma_wait3A_146 = tpu.memref_squeeze %dma_wait3A_145 : memref<1x40xi32, #tpu.memory_space<vmem>> -> memref<40xi32, #tpu.memory_space<vmem>>
      %dma_wait3A_147 = arith.constant 0 : i32
      %dma_wait3A_148 = arith.constant 0 : i32
      %dma_wait3A_149 = tpu.memref_slice %arg6[%dma_wait3A_147, %dma_wait3A_148] : memref<10240x128xf32, #tpu.memory_space<vmem_shared>> -> memref<10240x128xf32, #tpu.memory_space<vmem_shared>>
      tpu.wait_indirect_dma semaphore(%arg11 : memref<!tpu.dma_semaphore, #tpu.memory_space<semaphore_mem>>) src(%arg8 : memref<40x128xf32, #tpu.memory_space<vmem>>) dst(%dma_wait3A_149 : memref<10240x128xf32, #tpu.memory_space<vmem_shared>>)
      %dma_wait3A_150 = arith.constant 0 : i32
      %dma_wait3A_151 = tpu.memref_slice %arg7[%add3A_57, %dma_wait3A_150] : memref<250x40xi32, #tpu.memory_space<vmem>> -> memref<1x40xi32, #tpu.memory_space<vmem>>
      %dma_wait3A_152 = tpu.memref_squeeze %dma_wait3A_151 : memref<1x40xi32, #tpu.memory_space<vmem>> -> memref<40xi32, #tpu.memory_space<vmem>>
      %dma_wait3A_153 = arith.constant 0 : i32
      %dma_wait3A_154 = arith.constant 0 : i32
      %dma_wait3A_155 = tpu.memref_slice %arg6[%dma_wait3A_153, %dma_wait3A_154] : memref<10240x128xf32, #tpu.memory_space<vmem_shared>> -> memref<10240x128xf32, #tpu.memory_space<vmem_shared>>
      tpu.wait_indirect_dma semaphore(%arg11 : memref<!tpu.dma_semaphore, #tpu.memory_space<semaphore_mem>>) src(%arg8 : memref<40x128xf32, #tpu.memory_space<vmem>>) dst(%dma_wait3A_155 : memref<10240x128xf32, #tpu.memory_space<vmem_shared>>)
      %dma_wait3A_156 = arith.constant 0 : i32
      %dma_wait3A_157 = tpu.memref_slice %arg7[%add3A_67, %dma_wait3A_156] : memref<250x40xi32, #tpu.memory_space<vmem>> -> memref<1x40xi32, #tpu.memory_space<vmem>>
      %dma_wait3A_158 = tpu.memref_squeeze %dma_wait3A_157 : memref<1x40xi32, #tpu.memory_space<vmem>> -> memref<40xi32, #tpu.memory_space<vmem>>
      %dma_wait3A_159 = arith.constant 0 : i32
      %dma_wait3A_160 = arith.constant 0 : i32
      %dma_wait3A_161 = tpu.memref_slice %arg6[%dma_wait3A_159, %dma_wait3A_160] : memref<10240x128xf32, #tpu.memory_space<vmem_shared>> -> memref<10240x128xf32, #tpu.memory_space<vmem_shared>>
      tpu.wait_indirect_dma semaphore(%arg11 : memref<!tpu.dma_semaphore, #tpu.memory_space<semaphore_mem>>) src(%arg8 : memref<40x128xf32, #tpu.memory_space<vmem>>) dst(%dma_wait3A_161 : memref<10240x128xf32, #tpu.memory_space<vmem_shared>>)
      %dma_wait3A_162 = arith.constant 0 : i32
      %dma_wait3A_163 = tpu.memref_slice %arg7[%add3A_77, %dma_wait3A_162] : memref<250x40xi32, #tpu.memory_space<vmem>> -> memref<1x40xi32, #tpu.memory_space<vmem>>
      %dma_wait3A_164 = tpu.memref_squeeze %dma_wait3A_163 : memref<1x40xi32, #tpu.memory_space<vmem>> -> memref<40xi32, #tpu.memory_space<vmem>>
      %dma_wait3A_165 = arith.constant 0 : i32
      %dma_wait3A_166 = arith.constant 0 : i32
      %dma_wait3A_167 = tpu.memref_slice %arg6[%dma_wait3A_165, %dma_wait3A_166] : memref<10240x128xf32, #tpu.memory_space<vmem_shared>> -> memref<10240x128xf32, #tpu.memory_space<vmem_shared>>
      tpu.wait_indirect_dma semaphore(%arg11 : memref<!tpu.dma_semaphore, #tpu.memory_space<semaphore_mem>>) src(%arg8 : memref<40x128xf32, #tpu.memory_space<vmem>>) dst(%dma_wait3A_167 : memref<10240x128xf32, #tpu.memory_space<vmem_shared>>)
      %dma_wait3A_168 = arith.constant 0 : i32
      %dma_wait3A_169 = tpu.memref_slice %arg7[%add3A_87, %dma_wait3A_168] : memref<250x40xi32, #tpu.memory_space<vmem>> -> memref<1x40xi32, #tpu.memory_space<vmem>>
      %dma_wait3A_170 = tpu.memref_squeeze %dma_wait3A_169 : memref<1x40xi32, #tpu.memory_space<vmem>> -> memref<40xi32, #tpu.memory_space<vmem>>
      %dma_wait3A_171 = arith.constant 0 : i32
      %dma_wait3A_172 = arith.constant 0 : i32
      %dma_wait3A_173 = tpu.memref_slice %arg6[%dma_wait3A_171, %dma_wait3A_172] : memref<10240x128xf32, #tpu.memory_space<vmem_shared>> -> memref<10240x128xf32, #tpu.memory_space<vmem_shared>>
      tpu.wait_indirect_dma semaphore(%arg11 : memref<!tpu.dma_semaphore, #tpu.memory_space<semaphore_mem>>) src(%arg8 : memref<40x128xf32, #tpu.memory_space<vmem>>) dst(%dma_wait3A_173 : memref<10240x128xf32, #tpu.memory_space<vmem_shared>>)
      %dma_wait3A_174 = arith.constant 0 : i32
      %dma_wait3A_175 = tpu.memref_slice %arg7[%add3A_97, %dma_wait3A_174] : memref<250x40xi32, #tpu.memory_space<vmem>> -> memref<1x40xi32, #tpu.memory_space<vmem>>
      %dma_wait3A_176 = tpu.memref_squeeze %dma_wait3A_175 : memref<1x40xi32, #tpu.memory_space<vmem>> -> memref<40xi32, #tpu.memory_space<vmem>>
      %dma_wait3A_177 = arith.constant 0 : i32
      %dma_wait3A_178 = arith.constant 0 : i32
      %dma_wait3A_179 = tpu.memref_slice %arg6[%dma_wait3A_177, %dma_wait3A_178] : memref<10240x128xf32, #tpu.memory_space<vmem_shared>> -> memref<10240x128xf32, #tpu.memory_space<vmem_shared>>
      tpu.wait_indirect_dma semaphore(%arg11 : memref<!tpu.dma_semaphore, #tpu.memory_space<semaphore_mem>>) src(%arg8 : memref<40x128xf32, #tpu.memory_space<vmem>>) dst(%dma_wait3A_179 : memref<10240x128xf32, #tpu.memory_space<vmem_shared>>)
      %dma_wait3A_180 = arith.constant 0 : i32
      %dma_wait3A_181 = tpu.memref_slice %arg7[%add3A_107, %dma_wait3A_180] : memref<250x40xi32, #tpu.memory_space<vmem>> -> memref<1x40xi32, #tpu.memory_space<vmem>>
      %dma_wait3A_182 = tpu.memref_squeeze %dma_wait3A_181 : memref<1x40xi32, #tpu.memory_space<vmem>> -> memref<40xi32, #tpu.memory_space<vmem>>
      %dma_wait3A_183 = arith.constant 0 : i32
      %dma_wait3A_184 = arith.constant 0 : i32
      %dma_wait3A_185 = tpu.memref_slice %arg6[%dma_wait3A_183, %dma_wait3A_184] : memref<10240x128xf32, #tpu.memory_space<vmem_shared>> -> memref<10240x128xf32, #tpu.memory_space<vmem_shared>>
      tpu.wait_indirect_dma semaphore(%arg11 : memref<!tpu.dma_semaphore, #tpu.memory_space<semaphore_mem>>) src(%arg8 : memref<40x128xf32, #tpu.memory_space<vmem>>) dst(%dma_wait3A_185 : memref<10240x128xf32, #tpu.memory_space<vmem_shared>>)
      %dma_wait3A_186 = arith.constant 0 : i32
      %dma_wait3A_187 = tpu.memref_slice %arg7[%add3A_117, %dma_wait3A_186] : memref<250x40xi32, #tpu.memory_space<vmem>> -> memref<1x40xi32, #tpu.memory_space<vmem>>
      %dma_wait3A_188 = tpu.memref_squeeze %dma_wait3A_187 : memref<1x40xi32, #tpu.memory_space<vmem>> -> memref<40xi32, #tpu.memory_space<vmem>>
      %dma_wait3A_189 = arith.constant 0 : i32
      %dma_wait3A_190 = arith.constant 0 : i32
      %dma_wait3A_191 = tpu.memref_slice %arg6[%dma_wait3A_189, %dma_wait3A_190] : memref<10240x128xf32, #tpu.memory_space<vmem_shared>> -> memref<10240x128xf32, #tpu.memory_space<vmem_shared>>
      tpu.wait_indirect_dma semaphore(%arg11 : memref<!tpu.dma_semaphore, #tpu.memory_space<semaphore_mem>>) src(%arg8 : memref<40x128xf32, #tpu.memory_space<vmem>>) dst(%dma_wait3A_191 : memref<10240x128xf32, #tpu.memory_space<vmem_shared>>)
      %dma_wait3A_192 = arith.constant 0 : i32
      %dma_wait3A_193 = tpu.memref_slice %arg7[%add3A_127, %dma_wait3A_192] : memref<250x40xi32, #tpu.memory_space<vmem>> -> memref<1x40xi32, #tpu.memory_space<vmem>>
      %dma_wait3A_194 = tpu.memref_squeeze %dma_wait3A_193 : memref<1x40xi32, #tpu.memory_space<vmem>> -> memref<40xi32, #tpu.memory_space<vmem>>
      %dma_wait3A_195 = arith.constant 0 : i32
      %dma_wait3A_196 = arith.constant 0 : i32
      %dma_wait3A_197 = tpu.memref_slice %arg6[%dma_wait3A_195, %dma_wait3A_196] : memref<10240x128xf32, #tpu.memory_space<vmem_shared>> -> memref<10240x128xf32, #tpu.memory_space<vmem_shared>>
      tpu.wait_indirect_dma semaphore(%arg11 : memref<!tpu.dma_semaphore, #tpu.memory_space<semaphore_mem>>) src(%arg8 : memref<40x128xf32, #tpu.memory_space<vmem>>) dst(%dma_wait3A_197 : memref<10240x128xf32, #tpu.memory_space<vmem_shared>>)
      %dma_wait3A_198 = arith.constant 0 : i32
      %dma_wait3A_199 = tpu.memref_slice %arg7[%add3A_137, %dma_wait3A_198] : memref<250x40xi32, #tpu.memory_space<vmem>> -> memref<1x40xi32, #tpu.memory_space<vmem>>
      %dma_wait3A_200 = tpu.memref_squeeze %dma_wait3A_199 : memref<1x40xi32, #tpu.memory_space<vmem>> -> memref<40xi32, #tpu.memory_space<vmem>>
      %dma_wait3A_201 = arith.constant 0 : i32
      %dma_wait3A_202 = arith.constant 0 : i32
      %dma_wait3A_203 = tpu.memref_slice %arg6[%dma_wait3A_201, %dma_wait3A_202] : memref<10240x128xf32, #tpu.memory_space<vmem_shared>> -> memref<10240x128xf32, #tpu.memory_space<vmem_shared>>
      tpu.wait_indirect_dma semaphore(%arg11 : memref<!tpu.dma_semaphore, #tpu.memory_space<semaphore_mem>>) src(%arg8 : memref<40x128xf32, #tpu.memory_space<vmem>>) dst(%dma_wait3A_203 : memref<10240x128xf32, #tpu.memory_space<vmem_shared>>)
    }
    %scan3A_28 = arith.constant 25 : i32
    %barrier3A_29 = arith.constant 0 : index
    tpu.barrier barrier_id(%barrier3A_29)
    %scan3A_30 = arith.constant 0 : i32
    %mul3A_31 = arith.constant 1 : i32
    %mul3A_32 = arith.muli %scan3A_30, %mul3A_31 : i32
    %add3A_33 = arith.constant 0 : i32
    %add3A_34 = arith.addi %add3A_33, %mul3A_32 : i32
    %mul3A_35 = arith.constant 640 : i32
    %mul3A_36 = arith.muli %add3A_34, %mul3A_35 : i32
    %add3A_37 = arith.addi %mul3A_2, %mul3A_36 : i32
    "tpu.region"() ({
      %run_scoped3A = tpu.sem_alloc : memref<!tpu.dma_semaphore, #tpu.memory_space<semaphore_mem>>
      %dma_start3A_39 = arith.constant 0 : i32
      %dma_start3A_40 = tpu.memref_slice %arg5[%arg0, %add3A_37, %dma_start3A_39] : memref<2x10240x128xf32, #tpu.memory_space<hbm>> -> memref<1x640x128xf32, #tpu.memory_space<hbm>>
      %dma_start3A_41 = tpu.memref_squeeze %dma_start3A_40 : memref<1x640x128xf32, #tpu.memory_space<hbm>> -> memref<640x128xf32, #tpu.memory_space<hbm>>
      %dma_start3A_42 = arith.constant 0 : i32
      %dma_start3A_43 = tpu.memref_slice %arg6[%add3A_37, %dma_start3A_42] : memref<10240x128xf32, #tpu.memory_space<vmem_shared>> -> memref<640x128xf32, #tpu.memory_space<vmem_shared>>
      tpu.enqueue_dma source(%dma_start3A_43 : memref<640x128xf32, #tpu.memory_space<vmem_shared>>) target(%dma_start3A_41 : memref<640x128xf32, #tpu.memory_space<hbm>>) target_semaphore(%run_scoped3A : memref<!tpu.dma_semaphore, #tpu.memory_space<semaphore_mem>>)
      %dma_wait3A_44 = arith.constant 0 : i32
      %dma_wait3A_45 = tpu.memref_slice %arg5[%arg0, %add3A_37, %dma_wait3A_44] : memref<2x10240x128xf32, #tpu.memory_space<hbm>> -> memref<1x640x128xf32, #tpu.memory_space<hbm>>
      %dma_wait3A_46 = tpu.memref_squeeze %dma_wait3A_45 : memref<1x640x128xf32, #tpu.memory_space<hbm>> -> memref<640x128xf32, #tpu.memory_space<hbm>>
      %dma_wait3A_47 = arith.constant 0 : i32
      %dma_wait3A_48 = tpu.memref_slice %arg6[%add3A_37, %dma_wait3A_47] : memref<10240x128xf32, #tpu.memory_space<vmem_shared>> -> memref<640x128xf32, #tpu.memory_space<vmem_shared>>
      tpu.wait_dma2 semaphore(%run_scoped3A : memref<!tpu.dma_semaphore, #tpu.memory_space<semaphore_mem>>) src(%dma_wait3A_48 : memref<640x128xf32, #tpu.memory_space<vmem_shared>>) dst(%dma_wait3A_46 : memref<640x128xf32, #tpu.memory_space<hbm>>)
      tpu.yield
    }) : () -> ()
    %scan3A_38 = arith.constant 1 : i32
    return
  }
}

#map = affine_map<(d0, d1) -> (0, 0)>
#map1 = affine_map<(d0, d1) -> (0, 0, 0, 0)>
#map2 = affine_map<(d0, d1) -> (0, 0, 0)>
module attributes {stable_mosaic.version = 14 : i64} {
  func.func @_agg_kernel(%arg0: i32, %arg1: i32, %arg2: memref<10000x128xf32, #tpu.memory_space<hbm>>, %arg3: memref<32x250x2x40xi32, #tpu.memory_space<hbm>>, %arg4: memref<10240x128xf32, #tpu.memory_space<hbm>>, %arg5: memref<2x10240x128xf32, #tpu.memory_space<hbm>>, %arg6: memref<10240x128xf32, #tpu.memory_space<vmem_shared>>, %arg7: memref<2x40xi32, #tpu.memory_space<vmem>>, %arg8: memref<2x40xi32, #tpu.memory_space<vmem>>, %arg9: memref<2x40xi32, #tpu.memory_space<vmem>>, %arg10: memref<2x40xi32, #tpu.memory_space<vmem>>, %arg11: memref<2x40xi32, #tpu.memory_space<vmem>>, %arg12: memref<2x40xi32, #tpu.memory_space<vmem>>, %arg13: memref<2x40xi32, #tpu.memory_space<vmem>>, %arg14: memref<2x40xi32, #tpu.memory_space<vmem>>, %arg15: memref<2x40xi32, #tpu.memory_space<vmem>>, %arg16: memref<2x40xi32, #tpu.memory_space<vmem>>, %arg17: memref<40x128xf32, #tpu.memory_space<vmem>>, %arg18: memref<40x128xf32, #tpu.memory_space<vmem>>, %arg19: memref<40x128xf32, #tpu.memory_space<vmem>>, %arg20: memref<40x128xf32, #tpu.memory_space<vmem>>, %arg21: memref<40x128xf32, #tpu.memory_space<vmem>>, %arg22: memref<!tpu.dma_semaphore, #tpu.memory_space<semaphore_mem>>, %arg23: memref<!tpu.dma_semaphore, #tpu.memory_space<semaphore_mem>>, %arg24: memref<!tpu.dma_semaphore, #tpu.memory_space<semaphore_mem>>, %arg25: memref<!tpu.dma_semaphore, #tpu.memory_space<semaphore_mem>>, %arg26: memref<!tpu.dma_semaphore, #tpu.memory_space<semaphore_mem>>, %arg27: memref<!tpu.dma_semaphore, #tpu.memory_space<semaphore_mem>>, %arg28: memref<!tpu.dma_semaphore, #tpu.memory_space<semaphore_mem>>, %arg29: memref<!tpu.dma_semaphore, #tpu.memory_space<semaphore_mem>>, %arg30: memref<!tpu.dma_semaphore, #tpu.memory_space<semaphore_mem>>, %arg31: memref<!tpu.dma_semaphore, #tpu.memory_space<semaphore_mem>>, %arg32: memref<!tpu.dma_semaphore, #tpu.memory_space<semaphore_mem>>, %arg33: memref<!tpu.dma_semaphore, #tpu.memory_space<semaphore_mem>>, %arg34: memref<!tpu.dma_semaphore, #tpu.memory_space<semaphore_mem>>, %arg35: memref<!tpu.dma_semaphore, #tpu.memory_space<semaphore_mem>>, %arg36: memref<!tpu.dma_semaphore, #tpu.memory_space<semaphore_mem>>, %arg37: memref<!tpu.dma_semaphore, #tpu.memory_space<semaphore_mem>>) attributes {dimension_semantics = [#tpu.dimension_semantics<core_parallel>, #tpu.dimension_semantics<subcore_parallel>], iteration_bounds = array<i64: 2, 16>, scalar_prefetch = 0 : i64, scratch_operands = 32 : i64, tpu.core_type = #tpu.core_type<sc_vector_subcore>, window_params = [{transform_indices = #map}, {transform_indices = #map1}, {transform_indices = #map}, {transform_indices = #map2}]} {
    %mul3A = arith.constant 16 : i32
    %mul3A_0 = arith.muli %arg0, %mul3A : i32
    %add3A = arith.addi %mul3A_0, %arg1 : i32
    %mul3A_1 = arith.constant 640 : i32
    %mul3A_2 = arith.muli %arg1, %mul3A_1 : i32
    %dma_start3A = arith.constant 0 : i32
    %dma_start3A_3 = tpu.memref_slice %arg6[%mul3A_2, %dma_start3A] : memref<10240x128xf32, #tpu.memory_space<vmem_shared>> -> memref<640x128xf32, #tpu.memory_space<vmem_shared>>
    %dma_start3A_4 = arith.constant 0 : i32
    %dma_start3A_5 = tpu.memref_slice %arg4[%mul3A_2, %dma_start3A_4] : memref<10240x128xf32, #tpu.memory_space<hbm>> -> memref<640x128xf32, #tpu.memory_space<hbm>>
    tpu.enqueue_dma source(%dma_start3A_5 : memref<640x128xf32, #tpu.memory_space<hbm>>) target(%dma_start3A_3 : memref<640x128xf32, #tpu.memory_space<vmem_shared>>) target_semaphore(%arg22 : memref<!tpu.dma_semaphore, #tpu.memory_space<semaphore_mem>>)
    %dma_start3A_6 = arith.constant 0 : i32
    %dma_start3A_7 = arith.constant 0 : i32
    %dma_start3A_8 = arith.constant 0 : i32
    %dma_start3A_9 = tpu.memref_slice %arg3[%add3A, %dma_start3A_6, %dma_start3A_7, %dma_start3A_8] : memref<32x250x2x40xi32, #tpu.memory_space<hbm>> -> memref<1x1x2x40xi32, #tpu.memory_space<hbm>>
    %dma_start3A_10 = tpu.memref_squeeze %dma_start3A_9 : memref<1x1x2x40xi32, #tpu.memory_space<hbm>> -> memref<2x40xi32, #tpu.memory_space<hbm>>
    %dma_start3A_11 = arith.constant 0 : i32
    %dma_start3A_12 = arith.constant 0 : i32
    %dma_start3A_13 = tpu.memref_slice %arg3[%add3A, %dma_start3A_6, %dma_start3A_11, %dma_start3A_12] : memref<32x250x2x40xi32, #tpu.memory_space<hbm>> -> memref<1x1x2x40xi32, #tpu.memory_space<hbm>>
    %dma_start3A_14 = tpu.memref_squeeze %dma_start3A_13 : memref<1x1x2x40xi32, #tpu.memory_space<hbm>> -> memref<2x40xi32, #tpu.memory_space<hbm>>
    tpu.enqueue_dma source(%dma_start3A_14 : memref<2x40xi32, #tpu.memory_space<hbm>>) target(%arg7 : memref<2x40xi32, #tpu.memory_space<vmem>>) target_semaphore(%arg23 : memref<!tpu.dma_semaphore, #tpu.memory_space<semaphore_mem>>)
    %dma_start3A_15 = arith.constant 1 : i32
    %dma_start3A_16 = arith.constant 0 : i32
    %dma_start3A_17 = arith.constant 0 : i32
    %dma_start3A_18 = tpu.memref_slice %arg3[%add3A, %dma_start3A_15, %dma_start3A_16, %dma_start3A_17] : memref<32x250x2x40xi32, #tpu.memory_space<hbm>> -> memref<1x1x2x40xi32, #tpu.memory_space<hbm>>
    %dma_start3A_19 = tpu.memref_squeeze %dma_start3A_18 : memref<1x1x2x40xi32, #tpu.memory_space<hbm>> -> memref<2x40xi32, #tpu.memory_space<hbm>>
    %dma_start3A_20 = arith.constant 0 : i32
    %dma_start3A_21 = arith.constant 0 : i32
    %dma_start3A_22 = tpu.memref_slice %arg3[%add3A, %dma_start3A_15, %dma_start3A_20, %dma_start3A_21] : memref<32x250x2x40xi32, #tpu.memory_space<hbm>> -> memref<1x1x2x40xi32, #tpu.memory_space<hbm>>
    %dma_start3A_23 = tpu.memref_squeeze %dma_start3A_22 : memref<1x1x2x40xi32, #tpu.memory_space<hbm>> -> memref<2x40xi32, #tpu.memory_space<hbm>>
    tpu.enqueue_dma source(%dma_start3A_23 : memref<2x40xi32, #tpu.memory_space<hbm>>) target(%arg8 : memref<2x40xi32, #tpu.memory_space<vmem>>) target_semaphore(%arg24 : memref<!tpu.dma_semaphore, #tpu.memory_space<semaphore_mem>>)
    %dma_start3A_24 = arith.constant 2 : i32
    %dma_start3A_25 = arith.constant 0 : i32
    %dma_start3A_26 = arith.constant 0 : i32
    %dma_start3A_27 = tpu.memref_slice %arg3[%add3A, %dma_start3A_24, %dma_start3A_25, %dma_start3A_26] : memref<32x250x2x40xi32, #tpu.memory_space<hbm>> -> memref<1x1x2x40xi32, #tpu.memory_space<hbm>>
    %dma_start3A_28 = tpu.memref_squeeze %dma_start3A_27 : memref<1x1x2x40xi32, #tpu.memory_space<hbm>> -> memref<2x40xi32, #tpu.memory_space<hbm>>
    %dma_start3A_29 = arith.constant 0 : i32
    %dma_start3A_30 = arith.constant 0 : i32
    %dma_start3A_31 = tpu.memref_slice %arg3[%add3A, %dma_start3A_24, %dma_start3A_29, %dma_start3A_30] : memref<32x250x2x40xi32, #tpu.memory_space<hbm>> -> memref<1x1x2x40xi32, #tpu.memory_space<hbm>>
    %dma_start3A_32 = tpu.memref_squeeze %dma_start3A_31 : memref<1x1x2x40xi32, #tpu.memory_space<hbm>> -> memref<2x40xi32, #tpu.memory_space<hbm>>
    tpu.enqueue_dma source(%dma_start3A_32 : memref<2x40xi32, #tpu.memory_space<hbm>>) target(%arg9 : memref<2x40xi32, #tpu.memory_space<vmem>>) target_semaphore(%arg25 : memref<!tpu.dma_semaphore, #tpu.memory_space<semaphore_mem>>)
    %dma_start3A_33 = arith.constant 3 : i32
    %dma_start3A_34 = arith.constant 0 : i32
    %dma_start3A_35 = arith.constant 0 : i32
    %dma_start3A_36 = tpu.memref_slice %arg3[%add3A, %dma_start3A_33, %dma_start3A_34, %dma_start3A_35] : memref<32x250x2x40xi32, #tpu.memory_space<hbm>> -> memref<1x1x2x40xi32, #tpu.memory_space<hbm>>
    %dma_start3A_37 = tpu.memref_squeeze %dma_start3A_36 : memref<1x1x2x40xi32, #tpu.memory_space<hbm>> -> memref<2x40xi32, #tpu.memory_space<hbm>>
    %dma_start3A_38 = arith.constant 0 : i32
    %dma_start3A_39 = arith.constant 0 : i32
    %dma_start3A_40 = tpu.memref_slice %arg3[%add3A, %dma_start3A_33, %dma_start3A_38, %dma_start3A_39] : memref<32x250x2x40xi32, #tpu.memory_space<hbm>> -> memref<1x1x2x40xi32, #tpu.memory_space<hbm>>
    %dma_start3A_41 = tpu.memref_squeeze %dma_start3A_40 : memref<1x1x2x40xi32, #tpu.memory_space<hbm>> -> memref<2x40xi32, #tpu.memory_space<hbm>>
    tpu.enqueue_dma source(%dma_start3A_41 : memref<2x40xi32, #tpu.memory_space<hbm>>) target(%arg10 : memref<2x40xi32, #tpu.memory_space<vmem>>) target_semaphore(%arg26 : memref<!tpu.dma_semaphore, #tpu.memory_space<semaphore_mem>>)
    %dma_start3A_42 = arith.constant 4 : i32
    %dma_start3A_43 = arith.constant 0 : i32
    %dma_start3A_44 = arith.constant 0 : i32
    %dma_start3A_45 = tpu.memref_slice %arg3[%add3A, %dma_start3A_42, %dma_start3A_43, %dma_start3A_44] : memref<32x250x2x40xi32, #tpu.memory_space<hbm>> -> memref<1x1x2x40xi32, #tpu.memory_space<hbm>>
    %dma_start3A_46 = tpu.memref_squeeze %dma_start3A_45 : memref<1x1x2x40xi32, #tpu.memory_space<hbm>> -> memref<2x40xi32, #tpu.memory_space<hbm>>
    %dma_start3A_47 = arith.constant 0 : i32
    %dma_start3A_48 = arith.constant 0 : i32
    %dma_start3A_49 = tpu.memref_slice %arg3[%add3A, %dma_start3A_42, %dma_start3A_47, %dma_start3A_48] : memref<32x250x2x40xi32, #tpu.memory_space<hbm>> -> memref<1x1x2x40xi32, #tpu.memory_space<hbm>>
    %dma_start3A_50 = tpu.memref_squeeze %dma_start3A_49 : memref<1x1x2x40xi32, #tpu.memory_space<hbm>> -> memref<2x40xi32, #tpu.memory_space<hbm>>
    tpu.enqueue_dma source(%dma_start3A_50 : memref<2x40xi32, #tpu.memory_space<hbm>>) target(%arg11 : memref<2x40xi32, #tpu.memory_space<vmem>>) target_semaphore(%arg27 : memref<!tpu.dma_semaphore, #tpu.memory_space<semaphore_mem>>)
    %dma_start3A_51 = arith.constant 5 : i32
    %dma_start3A_52 = arith.constant 0 : i32
    %dma_start3A_53 = arith.constant 0 : i32
    %dma_start3A_54 = tpu.memref_slice %arg3[%add3A, %dma_start3A_51, %dma_start3A_52, %dma_start3A_53] : memref<32x250x2x40xi32, #tpu.memory_space<hbm>> -> memref<1x1x2x40xi32, #tpu.memory_space<hbm>>
    %dma_start3A_55 = tpu.memref_squeeze %dma_start3A_54 : memref<1x1x2x40xi32, #tpu.memory_space<hbm>> -> memref<2x40xi32, #tpu.memory_space<hbm>>
    %dma_start3A_56 = arith.constant 0 : i32
    %dma_start3A_57 = arith.constant 0 : i32
    %dma_start3A_58 = tpu.memref_slice %arg3[%add3A, %dma_start3A_51, %dma_start3A_56, %dma_start3A_57] : memref<32x250x2x40xi32, #tpu.memory_space<hbm>> -> memref<1x1x2x40xi32, #tpu.memory_space<hbm>>
    %dma_start3A_59 = tpu.memref_squeeze %dma_start3A_58 : memref<1x1x2x40xi32, #tpu.memory_space<hbm>> -> memref<2x40xi32, #tpu.memory_space<hbm>>
    tpu.enqueue_dma source(%dma_start3A_59 : memref<2x40xi32, #tpu.memory_space<hbm>>) target(%arg12 : memref<2x40xi32, #tpu.memory_space<vmem>>) target_semaphore(%arg28 : memref<!tpu.dma_semaphore, #tpu.memory_space<semaphore_mem>>)
    %dma_start3A_60 = arith.constant 6 : i32
    %dma_start3A_61 = arith.constant 0 : i32
    %dma_start3A_62 = arith.constant 0 : i32
    %dma_start3A_63 = tpu.memref_slice %arg3[%add3A, %dma_start3A_60, %dma_start3A_61, %dma_start3A_62] : memref<32x250x2x40xi32, #tpu.memory_space<hbm>> -> memref<1x1x2x40xi32, #tpu.memory_space<hbm>>
    %dma_start3A_64 = tpu.memref_squeeze %dma_start3A_63 : memref<1x1x2x40xi32, #tpu.memory_space<hbm>> -> memref<2x40xi32, #tpu.memory_space<hbm>>
    %dma_start3A_65 = arith.constant 0 : i32
    %dma_start3A_66 = arith.constant 0 : i32
    %dma_start3A_67 = tpu.memref_slice %arg3[%add3A, %dma_start3A_60, %dma_start3A_65, %dma_start3A_66] : memref<32x250x2x40xi32, #tpu.memory_space<hbm>> -> memref<1x1x2x40xi32, #tpu.memory_space<hbm>>
    %dma_start3A_68 = tpu.memref_squeeze %dma_start3A_67 : memref<1x1x2x40xi32, #tpu.memory_space<hbm>> -> memref<2x40xi32, #tpu.memory_space<hbm>>
    tpu.enqueue_dma source(%dma_start3A_68 : memref<2x40xi32, #tpu.memory_space<hbm>>) target(%arg13 : memref<2x40xi32, #tpu.memory_space<vmem>>) target_semaphore(%arg29 : memref<!tpu.dma_semaphore, #tpu.memory_space<semaphore_mem>>)
    %dma_start3A_69 = arith.constant 7 : i32
    %dma_start3A_70 = arith.constant 0 : i32
    %dma_start3A_71 = arith.constant 0 : i32
    %dma_start3A_72 = tpu.memref_slice %arg3[%add3A, %dma_start3A_69, %dma_start3A_70, %dma_start3A_71] : memref<32x250x2x40xi32, #tpu.memory_space<hbm>> -> memref<1x1x2x40xi32, #tpu.memory_space<hbm>>
    %dma_start3A_73 = tpu.memref_squeeze %dma_start3A_72 : memref<1x1x2x40xi32, #tpu.memory_space<hbm>> -> memref<2x40xi32, #tpu.memory_space<hbm>>
    %dma_start3A_74 = arith.constant 0 : i32
    %dma_start3A_75 = arith.constant 0 : i32
    %dma_start3A_76 = tpu.memref_slice %arg3[%add3A, %dma_start3A_69, %dma_start3A_74, %dma_start3A_75] : memref<32x250x2x40xi32, #tpu.memory_space<hbm>> -> memref<1x1x2x40xi32, #tpu.memory_space<hbm>>
    %dma_start3A_77 = tpu.memref_squeeze %dma_start3A_76 : memref<1x1x2x40xi32, #tpu.memory_space<hbm>> -> memref<2x40xi32, #tpu.memory_space<hbm>>
    tpu.enqueue_dma source(%dma_start3A_77 : memref<2x40xi32, #tpu.memory_space<hbm>>) target(%arg14 : memref<2x40xi32, #tpu.memory_space<vmem>>) target_semaphore(%arg30 : memref<!tpu.dma_semaphore, #tpu.memory_space<semaphore_mem>>)
    %dma_start3A_78 = arith.constant 8 : i32
    %dma_start3A_79 = arith.constant 0 : i32
    %dma_start3A_80 = arith.constant 0 : i32
    %dma_start3A_81 = tpu.memref_slice %arg3[%add3A, %dma_start3A_78, %dma_start3A_79, %dma_start3A_80] : memref<32x250x2x40xi32, #tpu.memory_space<hbm>> -> memref<1x1x2x40xi32, #tpu.memory_space<hbm>>
    %dma_start3A_82 = tpu.memref_squeeze %dma_start3A_81 : memref<1x1x2x40xi32, #tpu.memory_space<hbm>> -> memref<2x40xi32, #tpu.memory_space<hbm>>
    %dma_start3A_83 = arith.constant 0 : i32
    %dma_start3A_84 = arith.constant 0 : i32
    %dma_start3A_85 = tpu.memref_slice %arg3[%add3A, %dma_start3A_78, %dma_start3A_83, %dma_start3A_84] : memref<32x250x2x40xi32, #tpu.memory_space<hbm>> -> memref<1x1x2x40xi32, #tpu.memory_space<hbm>>
    %dma_start3A_86 = tpu.memref_squeeze %dma_start3A_85 : memref<1x1x2x40xi32, #tpu.memory_space<hbm>> -> memref<2x40xi32, #tpu.memory_space<hbm>>
    tpu.enqueue_dma source(%dma_start3A_86 : memref<2x40xi32, #tpu.memory_space<hbm>>) target(%arg15 : memref<2x40xi32, #tpu.memory_space<vmem>>) target_semaphore(%arg31 : memref<!tpu.dma_semaphore, #tpu.memory_space<semaphore_mem>>)
    %dma_start3A_87 = arith.constant 9 : i32
    %dma_start3A_88 = arith.constant 0 : i32
    %dma_start3A_89 = arith.constant 0 : i32
    %dma_start3A_90 = tpu.memref_slice %arg3[%add3A, %dma_start3A_87, %dma_start3A_88, %dma_start3A_89] : memref<32x250x2x40xi32, #tpu.memory_space<hbm>> -> memref<1x1x2x40xi32, #tpu.memory_space<hbm>>
    %dma_start3A_91 = tpu.memref_squeeze %dma_start3A_90 : memref<1x1x2x40xi32, #tpu.memory_space<hbm>> -> memref<2x40xi32, #tpu.memory_space<hbm>>
    %dma_start3A_92 = arith.constant 0 : i32
    %dma_start3A_93 = arith.constant 0 : i32
    %dma_start3A_94 = tpu.memref_slice %arg3[%add3A, %dma_start3A_87, %dma_start3A_92, %dma_start3A_93] : memref<32x250x2x40xi32, #tpu.memory_space<hbm>> -> memref<1x1x2x40xi32, #tpu.memory_space<hbm>>
    %dma_start3A_95 = tpu.memref_squeeze %dma_start3A_94 : memref<1x1x2x40xi32, #tpu.memory_space<hbm>> -> memref<2x40xi32, #tpu.memory_space<hbm>>
    tpu.enqueue_dma source(%dma_start3A_95 : memref<2x40xi32, #tpu.memory_space<hbm>>) target(%arg16 : memref<2x40xi32, #tpu.memory_space<vmem>>) target_semaphore(%arg32 : memref<!tpu.dma_semaphore, #tpu.memory_space<semaphore_mem>>)
    %dma_wait3A = arith.constant 0 : i32
    %dma_wait3A_96 = arith.constant 0 : i32
    %dma_wait3A_97 = arith.constant 0 : i32
    %dma_wait3A_98 = arith.constant 0 : i32
    %dma_wait3A_99 = tpu.memref_slice %arg3[%dma_wait3A, %dma_wait3A_96, %dma_wait3A_97, %dma_wait3A_98] : memref<32x250x2x40xi32, #tpu.memory_space<hbm>> -> memref<1x1x2x40xi32, #tpu.memory_space<hbm>>
    %dma_wait3A_100 = tpu.memref_squeeze %dma_wait3A_99 : memref<1x1x2x40xi32, #tpu.memory_space<hbm>> -> memref<2x40xi32, #tpu.memory_space<hbm>>
    %dma_wait3A_101 = arith.constant 0 : i32
    %dma_wait3A_102 = arith.constant 0 : i32
    %dma_wait3A_103 = tpu.memref_slice %arg3[%dma_wait3A, %dma_wait3A_96, %dma_wait3A_101, %dma_wait3A_102] : memref<32x250x2x40xi32, #tpu.memory_space<hbm>> -> memref<1x1x2x40xi32, #tpu.memory_space<hbm>>
    %dma_wait3A_104 = tpu.memref_squeeze %dma_wait3A_103 : memref<1x1x2x40xi32, #tpu.memory_space<hbm>> -> memref<2x40xi32, #tpu.memory_space<hbm>>
    tpu.wait_dma2 semaphore(%arg23 : memref<!tpu.dma_semaphore, #tpu.memory_space<semaphore_mem>>) src(%dma_wait3A_104 : memref<2x40xi32, #tpu.memory_space<hbm>>) dst(%arg7 : memref<2x40xi32, #tpu.memory_space<vmem>>)
    %dma_start3A_105 = arith.constant 0 : i32
    %dma_start3A_106 = arith.constant 0 : i32
    %dma_start3A_107 = tpu.memref_slice %arg7[%dma_start3A_105, %dma_start3A_106] : memref<2x40xi32, #tpu.memory_space<vmem>> -> memref<1x40xi32, #tpu.memory_space<vmem>>
    %dma_start3A_108 = tpu.memref_squeeze %dma_start3A_107 : memref<1x40xi32, #tpu.memory_space<vmem>> -> memref<40xi32, #tpu.memory_space<vmem>>
    %dma_start3A_109 = arith.constant 0 : i32
    %dma_start3A_110 = arith.constant 0 : i32
    %dma_start3A_111 = tpu.memref_slice %arg2[%dma_start3A_109, %dma_start3A_110] : memref<10000x128xf32, #tpu.memory_space<hbm>> -> memref<10000x128xf32, #tpu.memory_space<hbm>>
    tpu.enqueue_indirect_dma source(%dma_start3A_111 : memref<10000x128xf32, #tpu.memory_space<hbm>>) target(%arg17 : memref<40x128xf32, #tpu.memory_space<vmem>>) offsets(%dma_start3A_108 : memref<40xi32, #tpu.memory_space<vmem>>) semaphore(%arg33 : memref<!tpu.dma_semaphore, #tpu.memory_space<semaphore_mem>>)
    %dma_wait3A_112 = arith.constant 0 : i32
    %dma_wait3A_113 = arith.constant 0 : i32
    %dma_wait3A_114 = arith.constant 0 : i32
    %dma_wait3A_115 = arith.constant 0 : i32
    %dma_wait3A_116 = tpu.memref_slice %arg3[%dma_wait3A_112, %dma_wait3A_113, %dma_wait3A_114, %dma_wait3A_115] : memref<32x250x2x40xi32, #tpu.memory_space<hbm>> -> memref<1x1x2x40xi32, #tpu.memory_space<hbm>>
    %dma_wait3A_117 = tpu.memref_squeeze %dma_wait3A_116 : memref<1x1x2x40xi32, #tpu.memory_space<hbm>> -> memref<2x40xi32, #tpu.memory_space<hbm>>
    %dma_wait3A_118 = arith.constant 0 : i32
    %dma_wait3A_119 = arith.constant 0 : i32
    %dma_wait3A_120 = tpu.memref_slice %arg3[%dma_wait3A_112, %dma_wait3A_113, %dma_wait3A_118, %dma_wait3A_119] : memref<32x250x2x40xi32, #tpu.memory_space<hbm>> -> memref<1x1x2x40xi32, #tpu.memory_space<hbm>>
    %dma_wait3A_121 = tpu.memref_squeeze %dma_wait3A_120 : memref<1x1x2x40xi32, #tpu.memory_space<hbm>> -> memref<2x40xi32, #tpu.memory_space<hbm>>
    tpu.wait_dma2 semaphore(%arg24 : memref<!tpu.dma_semaphore, #tpu.memory_space<semaphore_mem>>) src(%dma_wait3A_121 : memref<2x40xi32, #tpu.memory_space<hbm>>) dst(%arg8 : memref<2x40xi32, #tpu.memory_space<vmem>>)
    %dma_start3A_122 = arith.constant 0 : i32
    %dma_start3A_123 = arith.constant 0 : i32
    %dma_start3A_124 = tpu.memref_slice %arg8[%dma_start3A_122, %dma_start3A_123] : memref<2x40xi32, #tpu.memory_space<vmem>> -> memref<1x40xi32, #tpu.memory_space<vmem>>
    %dma_start3A_125 = tpu.memref_squeeze %dma_start3A_124 : memref<1x40xi32, #tpu.memory_space<vmem>> -> memref<40xi32, #tpu.memory_space<vmem>>
    %dma_start3A_126 = arith.constant 0 : i32
    %dma_start3A_127 = arith.constant 0 : i32
    %dma_start3A_128 = tpu.memref_slice %arg2[%dma_start3A_126, %dma_start3A_127] : memref<10000x128xf32, #tpu.memory_space<hbm>> -> memref<10000x128xf32, #tpu.memory_space<hbm>>
    tpu.enqueue_indirect_dma source(%dma_start3A_128 : memref<10000x128xf32, #tpu.memory_space<hbm>>) target(%arg18 : memref<40x128xf32, #tpu.memory_space<vmem>>) offsets(%dma_start3A_125 : memref<40xi32, #tpu.memory_space<vmem>>) semaphore(%arg34 : memref<!tpu.dma_semaphore, #tpu.memory_space<semaphore_mem>>)
    %dma_wait3A_129 = arith.constant 0 : i32
    %dma_wait3A_130 = arith.constant 0 : i32
    %dma_wait3A_131 = arith.constant 0 : i32
    %dma_wait3A_132 = arith.constant 0 : i32
    %dma_wait3A_133 = tpu.memref_slice %arg3[%dma_wait3A_129, %dma_wait3A_130, %dma_wait3A_131, %dma_wait3A_132] : memref<32x250x2x40xi32, #tpu.memory_space<hbm>> -> memref<1x1x2x40xi32, #tpu.memory_space<hbm>>
    %dma_wait3A_134 = tpu.memref_squeeze %dma_wait3A_133 : memref<1x1x2x40xi32, #tpu.memory_space<hbm>> -> memref<2x40xi32, #tpu.memory_space<hbm>>
    %dma_wait3A_135 = arith.constant 0 : i32
    %dma_wait3A_136 = arith.constant 0 : i32
    %dma_wait3A_137 = tpu.memref_slice %arg3[%dma_wait3A_129, %dma_wait3A_130, %dma_wait3A_135, %dma_wait3A_136] : memref<32x250x2x40xi32, #tpu.memory_space<hbm>> -> memref<1x1x2x40xi32, #tpu.memory_space<hbm>>
    %dma_wait3A_138 = tpu.memref_squeeze %dma_wait3A_137 : memref<1x1x2x40xi32, #tpu.memory_space<hbm>> -> memref<2x40xi32, #tpu.memory_space<hbm>>
    tpu.wait_dma2 semaphore(%arg25 : memref<!tpu.dma_semaphore, #tpu.memory_space<semaphore_mem>>) src(%dma_wait3A_138 : memref<2x40xi32, #tpu.memory_space<hbm>>) dst(%arg9 : memref<2x40xi32, #tpu.memory_space<vmem>>)
    %dma_start3A_139 = arith.constant 0 : i32
    %dma_start3A_140 = arith.constant 0 : i32
    %dma_start3A_141 = tpu.memref_slice %arg9[%dma_start3A_139, %dma_start3A_140] : memref<2x40xi32, #tpu.memory_space<vmem>> -> memref<1x40xi32, #tpu.memory_space<vmem>>
    %dma_start3A_142 = tpu.memref_squeeze %dma_start3A_141 : memref<1x40xi32, #tpu.memory_space<vmem>> -> memref<40xi32, #tpu.memory_space<vmem>>
    %dma_start3A_143 = arith.constant 0 : i32
    %dma_start3A_144 = arith.constant 0 : i32
    %dma_start3A_145 = tpu.memref_slice %arg2[%dma_start3A_143, %dma_start3A_144] : memref<10000x128xf32, #tpu.memory_space<hbm>> -> memref<10000x128xf32, #tpu.memory_space<hbm>>
    tpu.enqueue_indirect_dma source(%dma_start3A_145 : memref<10000x128xf32, #tpu.memory_space<hbm>>) target(%arg19 : memref<40x128xf32, #tpu.memory_space<vmem>>) offsets(%dma_start3A_142 : memref<40xi32, #tpu.memory_space<vmem>>) semaphore(%arg35 : memref<!tpu.dma_semaphore, #tpu.memory_space<semaphore_mem>>)
    %dma_wait3A_146 = arith.constant 0 : i32
    %dma_wait3A_147 = arith.constant 0 : i32
    %dma_wait3A_148 = arith.constant 0 : i32
    %dma_wait3A_149 = arith.constant 0 : i32
    %dma_wait3A_150 = tpu.memref_slice %arg3[%dma_wait3A_146, %dma_wait3A_147, %dma_wait3A_148, %dma_wait3A_149] : memref<32x250x2x40xi32, #tpu.memory_space<hbm>> -> memref<1x1x2x40xi32, #tpu.memory_space<hbm>>
    %dma_wait3A_151 = tpu.memref_squeeze %dma_wait3A_150 : memref<1x1x2x40xi32, #tpu.memory_space<hbm>> -> memref<2x40xi32, #tpu.memory_space<hbm>>
    %dma_wait3A_152 = arith.constant 0 : i32
    %dma_wait3A_153 = arith.constant 0 : i32
    %dma_wait3A_154 = tpu.memref_slice %arg3[%dma_wait3A_146, %dma_wait3A_147, %dma_wait3A_152, %dma_wait3A_153] : memref<32x250x2x40xi32, #tpu.memory_space<hbm>> -> memref<1x1x2x40xi32, #tpu.memory_space<hbm>>
    %dma_wait3A_155 = tpu.memref_squeeze %dma_wait3A_154 : memref<1x1x2x40xi32, #tpu.memory_space<hbm>> -> memref<2x40xi32, #tpu.memory_space<hbm>>
    tpu.wait_dma2 semaphore(%arg26 : memref<!tpu.dma_semaphore, #tpu.memory_space<semaphore_mem>>) src(%dma_wait3A_155 : memref<2x40xi32, #tpu.memory_space<hbm>>) dst(%arg10 : memref<2x40xi32, #tpu.memory_space<vmem>>)
    %dma_start3A_156 = arith.constant 0 : i32
    %dma_start3A_157 = arith.constant 0 : i32
    %dma_start3A_158 = tpu.memref_slice %arg10[%dma_start3A_156, %dma_start3A_157] : memref<2x40xi32, #tpu.memory_space<vmem>> -> memref<1x40xi32, #tpu.memory_space<vmem>>
    %dma_start3A_159 = tpu.memref_squeeze %dma_start3A_158 : memref<1x40xi32, #tpu.memory_space<vmem>> -> memref<40xi32, #tpu.memory_space<vmem>>
    %dma_start3A_160 = arith.constant 0 : i32
    %dma_start3A_161 = arith.constant 0 : i32
    %dma_start3A_162 = tpu.memref_slice %arg2[%dma_start3A_160, %dma_start3A_161] : memref<10000x128xf32, #tpu.memory_space<hbm>> -> memref<10000x128xf32, #tpu.memory_space<hbm>>
    tpu.enqueue_indirect_dma source(%dma_start3A_162 : memref<10000x128xf32, #tpu.memory_space<hbm>>) target(%arg20 : memref<40x128xf32, #tpu.memory_space<vmem>>) offsets(%dma_start3A_159 : memref<40xi32, #tpu.memory_space<vmem>>) semaphore(%arg36 : memref<!tpu.dma_semaphore, #tpu.memory_space<semaphore_mem>>)
    %dma_wait3A_163 = arith.constant 0 : i32
    %dma_wait3A_164 = arith.constant 0 : i32
    %dma_wait3A_165 = arith.constant 0 : i32
    %dma_wait3A_166 = arith.constant 0 : i32
    %dma_wait3A_167 = tpu.memref_slice %arg3[%dma_wait3A_163, %dma_wait3A_164, %dma_wait3A_165, %dma_wait3A_166] : memref<32x250x2x40xi32, #tpu.memory_space<hbm>> -> memref<1x1x2x40xi32, #tpu.memory_space<hbm>>
    %dma_wait3A_168 = tpu.memref_squeeze %dma_wait3A_167 : memref<1x1x2x40xi32, #tpu.memory_space<hbm>> -> memref<2x40xi32, #tpu.memory_space<hbm>>
    %dma_wait3A_169 = arith.constant 0 : i32
    %dma_wait3A_170 = arith.constant 0 : i32
    %dma_wait3A_171 = tpu.memref_slice %arg3[%dma_wait3A_163, %dma_wait3A_164, %dma_wait3A_169, %dma_wait3A_170] : memref<32x250x2x40xi32, #tpu.memory_space<hbm>> -> memref<1x1x2x40xi32, #tpu.memory_space<hbm>>
    %dma_wait3A_172 = tpu.memref_squeeze %dma_wait3A_171 : memref<1x1x2x40xi32, #tpu.memory_space<hbm>> -> memref<2x40xi32, #tpu.memory_space<hbm>>
    tpu.wait_dma2 semaphore(%arg27 : memref<!tpu.dma_semaphore, #tpu.memory_space<semaphore_mem>>) src(%dma_wait3A_172 : memref<2x40xi32, #tpu.memory_space<hbm>>) dst(%arg11 : memref<2x40xi32, #tpu.memory_space<vmem>>)
    %dma_start3A_173 = arith.constant 0 : i32
    %dma_start3A_174 = arith.constant 0 : i32
    %dma_start3A_175 = tpu.memref_slice %arg11[%dma_start3A_173, %dma_start3A_174] : memref<2x40xi32, #tpu.memory_space<vmem>> -> memref<1x40xi32, #tpu.memory_space<vmem>>
    %dma_start3A_176 = tpu.memref_squeeze %dma_start3A_175 : memref<1x40xi32, #tpu.memory_space<vmem>> -> memref<40xi32, #tpu.memory_space<vmem>>
    %dma_start3A_177 = arith.constant 0 : i32
    %dma_start3A_178 = arith.constant 0 : i32
    %dma_start3A_179 = tpu.memref_slice %arg2[%dma_start3A_177, %dma_start3A_178] : memref<10000x128xf32, #tpu.memory_space<hbm>> -> memref<10000x128xf32, #tpu.memory_space<hbm>>
    tpu.enqueue_indirect_dma source(%dma_start3A_179 : memref<10000x128xf32, #tpu.memory_space<hbm>>) target(%arg21 : memref<40x128xf32, #tpu.memory_space<vmem>>) offsets(%dma_start3A_176 : memref<40xi32, #tpu.memory_space<vmem>>) semaphore(%arg37 : memref<!tpu.dma_semaphore, #tpu.memory_space<semaphore_mem>>)
    %dma_wait3A_180 = arith.constant 0 : i32
    %dma_wait3A_181 = tpu.memref_slice %arg6[%mul3A_2, %dma_wait3A_180] : memref<10240x128xf32, #tpu.memory_space<vmem_shared>> -> memref<640x128xf32, #tpu.memory_space<vmem_shared>>
    %dma_wait3A_182 = arith.constant 0 : i32
    %dma_wait3A_183 = tpu.memref_slice %arg4[%mul3A_2, %dma_wait3A_182] : memref<10240x128xf32, #tpu.memory_space<hbm>> -> memref<640x128xf32, #tpu.memory_space<hbm>>
    tpu.wait_dma2 semaphore(%arg22 : memref<!tpu.dma_semaphore, #tpu.memory_space<semaphore_mem>>) src(%dma_wait3A_183 : memref<640x128xf32, #tpu.memory_space<hbm>>) dst(%dma_wait3A_181 : memref<640x128xf32, #tpu.memory_space<vmem_shared>>)
    %barrier3A = arith.constant 0 : index
    tpu.barrier barrier_id(%barrier3A)
    %scan3A = arith.constant 0 : i32
    %scan3A_184 = arith.constant 25 : i32
    %scan3A_185 = arith.addi %scan3A, %scan3A_184 : i32
    %scan3A_186 = arith.constant 1 : i32
    scf.for %scan3A_198 = %scan3A to %scan3A_185 step %scan3A_186  : i32 {
      %mul3A_199 = arith.constant 1 : i32
      %mul3A_200 = arith.muli %scan3A_198, %mul3A_199 : i32
      %add3A_201 = arith.constant 0 : i32
      %add3A_202 = arith.addi %add3A_201, %mul3A_200 : i32
      %mul3A_203 = arith.constant 10 : i32
      %mul3A_204 = arith.muli %add3A_202, %mul3A_203 : i32
      %add3A_205 = arith.constant 0 : i32
      %add3A_206 = arith.addi %mul3A_204, %add3A_205 : i32
      %dma_wait3A_207 = arith.constant 0 : i32
      %dma_wait3A_208 = arith.constant 0 : i32
      %dma_wait3A_209 = tpu.memref_slice %arg7[%dma_wait3A_207, %dma_wait3A_208] : memref<2x40xi32, #tpu.memory_space<vmem>> -> memref<1x40xi32, #tpu.memory_space<vmem>>
      %dma_wait3A_210 = tpu.memref_squeeze %dma_wait3A_209 : memref<1x40xi32, #tpu.memory_space<vmem>> -> memref<40xi32, #tpu.memory_space<vmem>>
      %dma_wait3A_211 = arith.constant 0 : i32
      %dma_wait3A_212 = arith.constant 0 : i32
      %dma_wait3A_213 = tpu.memref_slice %arg2[%dma_wait3A_211, %dma_wait3A_212] : memref<10000x128xf32, #tpu.memory_space<hbm>> -> memref<10000x128xf32, #tpu.memory_space<hbm>>
      tpu.wait_indirect_dma semaphore(%arg33 : memref<!tpu.dma_semaphore, #tpu.memory_space<semaphore_mem>>) src(%dma_wait3A_213 : memref<10000x128xf32, #tpu.memory_space<hbm>>) dst(%arg17 : memref<40x128xf32, #tpu.memory_space<vmem>>)
      %run_scoped3A = arith.constant 1 : i32
      "tpu.region"() ({
        %run_scoped3A_459 = tpu.sem_alloc : memref<!tpu.dma_semaphore, #tpu.memory_space<semaphore_mem>>
        %dma_start3A_460 = arith.constant 0 : i32
        %dma_start3A_461 = tpu.memref_slice %arg7[%run_scoped3A, %dma_start3A_460] : memref<2x40xi32, #tpu.memory_space<vmem>> -> memref<1x40xi32, #tpu.memory_space<vmem>>
        %dma_start3A_462 = tpu.memref_squeeze %dma_start3A_461 : memref<1x40xi32, #tpu.memory_space<vmem>> -> memref<40xi32, #tpu.memory_space<vmem>>
        %dma_start3A_463 = arith.constant 0 : i32
        %dma_start3A_464 = arith.constant 0 : i32
        %dma_start3A_465 = tpu.memref_slice %arg6[%dma_start3A_463, %dma_start3A_464] : memref<10240x128xf32, #tpu.memory_space<vmem_shared>> -> memref<10240x128xf32, #tpu.memory_space<vmem_shared>>
        tpu.enqueue_indirect_dma source(%arg17 : memref<40x128xf32, #tpu.memory_space<vmem>>) target(%dma_start3A_465 : memref<10240x128xf32, #tpu.memory_space<vmem_shared>>) offsets(%dma_start3A_462 : memref<40xi32, #tpu.memory_space<vmem>>) semaphore(%run_scoped3A_459 : memref<!tpu.dma_semaphore, #tpu.memory_space<semaphore_mem>>) {add = true}
        %dma_wait3A_466 = arith.constant 0 : i32
        %dma_wait3A_467 = tpu.memref_slice %arg7[%run_scoped3A, %dma_wait3A_466] : memref<2x40xi32, #tpu.memory_space<vmem>> -> memref<1x40xi32, #tpu.memory_space<vmem>>
        %dma_wait3A_468 = tpu.memref_squeeze %dma_wait3A_467 : memref<1x40xi32, #tpu.memory_space<vmem>> -> memref<40xi32, #tpu.memory_space<vmem>>
        %dma_wait3A_469 = arith.constant 0 : i32
        %dma_wait3A_470 = arith.constant 0 : i32
        %dma_wait3A_471 = tpu.memref_slice %arg6[%dma_wait3A_469, %dma_wait3A_470] : memref<10240x128xf32, #tpu.memory_space<vmem_shared>> -> memref<10240x128xf32, #tpu.memory_space<vmem_shared>>
        tpu.wait_indirect_dma semaphore(%run_scoped3A_459 : memref<!tpu.dma_semaphore, #tpu.memory_space<semaphore_mem>>) src(%arg17 : memref<40x128xf32, #tpu.memory_space<vmem>>) dst(%dma_wait3A_471 : memref<10240x128xf32, #tpu.memory_space<vmem_shared>>)
        tpu.yield
      }) : () -> ()
      %add3A_214 = arith.constant 10 : i32
      %add3A_215 = arith.addi %add3A_206, %add3A_214 : i32
      %lt3A = arith.constant 250 : i32
      %lt3A_216 = arith.cmpi slt, %add3A_215, %lt3A : i32
      %convert_element_type3A = arith.extui %lt3A_216 : i1 to i32
      %cond3A = arith.constant 0 : i32
      %cond3A_217 = arith.cmpi ne, %convert_element_type3A, %cond3A : i32
      scf.if %cond3A_217 {
        %add3A_459 = arith.constant 10 : i32
        %add3A_460 = arith.addi %add3A_206, %add3A_459 : i32
        %dma_start3A_461 = arith.constant 0 : i32
        %dma_start3A_462 = arith.constant 0 : i32
        %dma_start3A_463 = tpu.memref_slice %arg3[%add3A, %add3A_460, %dma_start3A_461, %dma_start3A_462] : memref<32x250x2x40xi32, #tpu.memory_space<hbm>> -> memref<1x1x2x40xi32, #tpu.memory_space<hbm>>
        %dma_start3A_464 = tpu.memref_squeeze %dma_start3A_463 : memref<1x1x2x40xi32, #tpu.memory_space<hbm>> -> memref<2x40xi32, #tpu.memory_space<hbm>>
        %dma_start3A_465 = arith.constant 0 : i32
        %dma_start3A_466 = arith.constant 0 : i32
        %dma_start3A_467 = tpu.memref_slice %arg3[%add3A, %add3A_460, %dma_start3A_465, %dma_start3A_466] : memref<32x250x2x40xi32, #tpu.memory_space<hbm>> -> memref<1x1x2x40xi32, #tpu.memory_space<hbm>>
        %dma_start3A_468 = tpu.memref_squeeze %dma_start3A_467 : memref<1x1x2x40xi32, #tpu.memory_space<hbm>> -> memref<2x40xi32, #tpu.memory_space<hbm>>
        tpu.enqueue_dma source(%dma_start3A_468 : memref<2x40xi32, #tpu.memory_space<hbm>>) target(%arg7 : memref<2x40xi32, #tpu.memory_space<vmem>>) target_semaphore(%arg23 : memref<!tpu.dma_semaphore, #tpu.memory_space<semaphore_mem>>)
      } else {
      }
      %add3A_218 = arith.constant 5 : i32
      %add3A_219 = arith.addi %add3A_206, %add3A_218 : i32
      %lt3A_220 = arith.constant 250 : i32
      %lt3A_221 = arith.cmpi slt, %add3A_219, %lt3A_220 : i32
      %convert_element_type3A_222 = arith.extui %lt3A_221 : i1 to i32
      %cond3A_223 = arith.constant 0 : i32
      %cond3A_224 = arith.cmpi ne, %convert_element_type3A_222, %cond3A_223 : i32
      scf.if %cond3A_224 {
        %dma_wait3A_459 = arith.constant 0 : i32
        %dma_wait3A_460 = arith.constant 0 : i32
        %dma_wait3A_461 = arith.constant 0 : i32
        %dma_wait3A_462 = arith.constant 0 : i32
        %dma_wait3A_463 = tpu.memref_slice %arg3[%dma_wait3A_459, %dma_wait3A_460, %dma_wait3A_461, %dma_wait3A_462] : memref<32x250x2x40xi32, #tpu.memory_space<hbm>> -> memref<1x1x2x40xi32, #tpu.memory_space<hbm>>
        %dma_wait3A_464 = tpu.memref_squeeze %dma_wait3A_463 : memref<1x1x2x40xi32, #tpu.memory_space<hbm>> -> memref<2x40xi32, #tpu.memory_space<hbm>>
        %dma_wait3A_465 = arith.constant 0 : i32
        %dma_wait3A_466 = arith.constant 0 : i32
        %dma_wait3A_467 = tpu.memref_slice %arg3[%dma_wait3A_459, %dma_wait3A_460, %dma_wait3A_465, %dma_wait3A_466] : memref<32x250x2x40xi32, #tpu.memory_space<hbm>> -> memref<1x1x2x40xi32, #tpu.memory_space<hbm>>
        %dma_wait3A_468 = tpu.memref_squeeze %dma_wait3A_467 : memref<1x1x2x40xi32, #tpu.memory_space<hbm>> -> memref<2x40xi32, #tpu.memory_space<hbm>>
        tpu.wait_dma2 semaphore(%arg28 : memref<!tpu.dma_semaphore, #tpu.memory_space<semaphore_mem>>) src(%dma_wait3A_468 : memref<2x40xi32, #tpu.memory_space<hbm>>) dst(%arg12 : memref<2x40xi32, #tpu.memory_space<vmem>>)
        %dma_start3A_469 = arith.constant 0 : i32
        %dma_start3A_470 = arith.constant 0 : i32
        %dma_start3A_471 = tpu.memref_slice %arg12[%dma_start3A_469, %dma_start3A_470] : memref<2x40xi32, #tpu.memory_space<vmem>> -> memref<1x40xi32, #tpu.memory_space<vmem>>
        %dma_start3A_472 = tpu.memref_squeeze %dma_start3A_471 : memref<1x40xi32, #tpu.memory_space<vmem>> -> memref<40xi32, #tpu.memory_space<vmem>>
        %dma_start3A_473 = arith.constant 0 : i32
        %dma_start3A_474 = arith.constant 0 : i32
        %dma_start3A_475 = tpu.memref_slice %arg2[%dma_start3A_473, %dma_start3A_474] : memref<10000x128xf32, #tpu.memory_space<hbm>> -> memref<10000x128xf32, #tpu.memory_space<hbm>>
        tpu.enqueue_indirect_dma source(%dma_start3A_475 : memref<10000x128xf32, #tpu.memory_space<hbm>>) target(%arg17 : memref<40x128xf32, #tpu.memory_space<vmem>>) offsets(%dma_start3A_472 : memref<40xi32, #tpu.memory_space<vmem>>) semaphore(%arg33 : memref<!tpu.dma_semaphore, #tpu.memory_space<semaphore_mem>>)
      } else {
      }
      %mul3A_225 = arith.constant 10 : i32
      %mul3A_226 = arith.muli %add3A_202, %mul3A_225 : i32
      %add3A_227 = arith.constant 1 : i32
      %add3A_228 = arith.addi %mul3A_226, %add3A_227 : i32
      %dma_wait3A_229 = arith.constant 0 : i32
      %dma_wait3A_230 = arith.constant 0 : i32
      %dma_wait3A_231 = tpu.memref_slice %arg7[%dma_wait3A_229, %dma_wait3A_230] : memref<2x40xi32, #tpu.memory_space<vmem>> -> memref<1x40xi32, #tpu.memory_space<vmem>>
      %dma_wait3A_232 = tpu.memref_squeeze %dma_wait3A_231 : memref<1x40xi32, #tpu.memory_space<vmem>> -> memref<40xi32, #tpu.memory_space<vmem>>
      %dma_wait3A_233 = arith.constant 0 : i32
      %dma_wait3A_234 = arith.constant 0 : i32
      %dma_wait3A_235 = tpu.memref_slice %arg2[%dma_wait3A_233, %dma_wait3A_234] : memref<10000x128xf32, #tpu.memory_space<hbm>> -> memref<10000x128xf32, #tpu.memory_space<hbm>>
      tpu.wait_indirect_dma semaphore(%arg34 : memref<!tpu.dma_semaphore, #tpu.memory_space<semaphore_mem>>) src(%dma_wait3A_235 : memref<10000x128xf32, #tpu.memory_space<hbm>>) dst(%arg18 : memref<40x128xf32, #tpu.memory_space<vmem>>)
      %run_scoped3A_236 = arith.constant 1 : i32
      "tpu.region"() ({
        %run_scoped3A_459 = tpu.sem_alloc : memref<!tpu.dma_semaphore, #tpu.memory_space<semaphore_mem>>
        %dma_start3A_460 = arith.constant 0 : i32
        %dma_start3A_461 = tpu.memref_slice %arg8[%run_scoped3A_236, %dma_start3A_460] : memref<2x40xi32, #tpu.memory_space<vmem>> -> memref<1x40xi32, #tpu.memory_space<vmem>>
        %dma_start3A_462 = tpu.memref_squeeze %dma_start3A_461 : memref<1x40xi32, #tpu.memory_space<vmem>> -> memref<40xi32, #tpu.memory_space<vmem>>
        %dma_start3A_463 = arith.constant 0 : i32
        %dma_start3A_464 = arith.constant 0 : i32
        %dma_start3A_465 = tpu.memref_slice %arg6[%dma_start3A_463, %dma_start3A_464] : memref<10240x128xf32, #tpu.memory_space<vmem_shared>> -> memref<10240x128xf32, #tpu.memory_space<vmem_shared>>
        tpu.enqueue_indirect_dma source(%arg18 : memref<40x128xf32, #tpu.memory_space<vmem>>) target(%dma_start3A_465 : memref<10240x128xf32, #tpu.memory_space<vmem_shared>>) offsets(%dma_start3A_462 : memref<40xi32, #tpu.memory_space<vmem>>) semaphore(%run_scoped3A_459 : memref<!tpu.dma_semaphore, #tpu.memory_space<semaphore_mem>>) {add = true}
        %dma_wait3A_466 = arith.constant 0 : i32
        %dma_wait3A_467 = tpu.memref_slice %arg8[%run_scoped3A_236, %dma_wait3A_466] : memref<2x40xi32, #tpu.memory_space<vmem>> -> memref<1x40xi32, #tpu.memory_space<vmem>>
        %dma_wait3A_468 = tpu.memref_squeeze %dma_wait3A_467 : memref<1x40xi32, #tpu.memory_space<vmem>> -> memref<40xi32, #tpu.memory_space<vmem>>
        %dma_wait3A_469 = arith.constant 0 : i32
        %dma_wait3A_470 = arith.constant 0 : i32
        %dma_wait3A_471 = tpu.memref_slice %arg6[%dma_wait3A_469, %dma_wait3A_470] : memref<10240x128xf32, #tpu.memory_space<vmem_shared>> -> memref<10240x128xf32, #tpu.memory_space<vmem_shared>>
        tpu.wait_indirect_dma semaphore(%run_scoped3A_459 : memref<!tpu.dma_semaphore, #tpu.memory_space<semaphore_mem>>) src(%arg18 : memref<40x128xf32, #tpu.memory_space<vmem>>) dst(%dma_wait3A_471 : memref<10240x128xf32, #tpu.memory_space<vmem_shared>>)
        tpu.yield
      }) : () -> ()
      %add3A_237 = arith.constant 10 : i32
      %add3A_238 = arith.addi %add3A_228, %add3A_237 : i32
      %lt3A_239 = arith.constant 250 : i32
      %lt3A_240 = arith.cmpi slt, %add3A_238, %lt3A_239 : i32
      %convert_element_type3A_241 = arith.extui %lt3A_240 : i1 to i32
      %cond3A_242 = arith.constant 0 : i32
      %cond3A_243 = arith.cmpi ne, %convert_element_type3A_241, %cond3A_242 : i32
      scf.if %cond3A_243 {
        %add3A_459 = arith.constant 10 : i32
        %add3A_460 = arith.addi %add3A_228, %add3A_459 : i32
        %dma_start3A_461 = arith.constant 0 : i32
        %dma_start3A_462 = arith.constant 0 : i32
        %dma_start3A_463 = tpu.memref_slice %arg3[%add3A, %add3A_460, %dma_start3A_461, %dma_start3A_462] : memref<32x250x2x40xi32, #tpu.memory_space<hbm>> -> memref<1x1x2x40xi32, #tpu.memory_space<hbm>>
        %dma_start3A_464 = tpu.memref_squeeze %dma_start3A_463 : memref<1x1x2x40xi32, #tpu.memory_space<hbm>> -> memref<2x40xi32, #tpu.memory_space<hbm>>
        %dma_start3A_465 = arith.constant 0 : i32
        %dma_start3A_466 = arith.constant 0 : i32
        %dma_start3A_467 = tpu.memref_slice %arg3[%add3A, %add3A_460, %dma_start3A_465, %dma_start3A_466] : memref<32x250x2x40xi32, #tpu.memory_space<hbm>> -> memref<1x1x2x40xi32, #tpu.memory_space<hbm>>
        %dma_start3A_468 = tpu.memref_squeeze %dma_start3A_467 : memref<1x1x2x40xi32, #tpu.memory_space<hbm>> -> memref<2x40xi32, #tpu.memory_space<hbm>>
        tpu.enqueue_dma source(%dma_start3A_468 : memref<2x40xi32, #tpu.memory_space<hbm>>) target(%arg8 : memref<2x40xi32, #tpu.memory_space<vmem>>) target_semaphore(%arg24 : memref<!tpu.dma_semaphore, #tpu.memory_space<semaphore_mem>>)
      } else {
      }
      %add3A_244 = arith.constant 5 : i32
      %add3A_245 = arith.addi %add3A_228, %add3A_244 : i32
      %lt3A_246 = arith.constant 250 : i32
      %lt3A_247 = arith.cmpi slt, %add3A_245, %lt3A_246 : i32
      %convert_element_type3A_248 = arith.extui %lt3A_247 : i1 to i32
      %cond3A_249 = arith.constant 0 : i32
      %cond3A_250 = arith.cmpi ne, %convert_element_type3A_248, %cond3A_249 : i32
      scf.if %cond3A_250 {
        %dma_wait3A_459 = arith.constant 0 : i32
        %dma_wait3A_460 = arith.constant 0 : i32
        %dma_wait3A_461 = arith.constant 0 : i32
        %dma_wait3A_462 = arith.constant 0 : i32
        %dma_wait3A_463 = tpu.memref_slice %arg3[%dma_wait3A_459, %dma_wait3A_460, %dma_wait3A_461, %dma_wait3A_462] : memref<32x250x2x40xi32, #tpu.memory_space<hbm>> -> memref<1x1x2x40xi32, #tpu.memory_space<hbm>>
        %dma_wait3A_464 = tpu.memref_squeeze %dma_wait3A_463 : memref<1x1x2x40xi32, #tpu.memory_space<hbm>> -> memref<2x40xi32, #tpu.memory_space<hbm>>
        %dma_wait3A_465 = arith.constant 0 : i32
        %dma_wait3A_466 = arith.constant 0 : i32
        %dma_wait3A_467 = tpu.memref_slice %arg3[%dma_wait3A_459, %dma_wait3A_460, %dma_wait3A_465, %dma_wait3A_466] : memref<32x250x2x40xi32, #tpu.memory_space<hbm>> -> memref<1x1x2x40xi32, #tpu.memory_space<hbm>>
        %dma_wait3A_468 = tpu.memref_squeeze %dma_wait3A_467 : memref<1x1x2x40xi32, #tpu.memory_space<hbm>> -> memref<2x40xi32, #tpu.memory_space<hbm>>
        tpu.wait_dma2 semaphore(%arg29 : memref<!tpu.dma_semaphore, #tpu.memory_space<semaphore_mem>>) src(%dma_wait3A_468 : memref<2x40xi32, #tpu.memory_space<hbm>>) dst(%arg13 : memref<2x40xi32, #tpu.memory_space<vmem>>)
        %dma_start3A_469 = arith.constant 0 : i32
        %dma_start3A_470 = arith.constant 0 : i32
        %dma_start3A_471 = tpu.memref_slice %arg13[%dma_start3A_469, %dma_start3A_470] : memref<2x40xi32, #tpu.memory_space<vmem>> -> memref<1x40xi32, #tpu.memory_space<vmem>>
        %dma_start3A_472 = tpu.memref_squeeze %dma_start3A_471 : memref<1x40xi32, #tpu.memory_space<vmem>> -> memref<40xi32, #tpu.memory_space<vmem>>
        %dma_start3A_473 = arith.constant 0 : i32
        %dma_start3A_474 = arith.constant 0 : i32
        %dma_start3A_475 = tpu.memref_slice %arg2[%dma_start3A_473, %dma_start3A_474] : memref<10000x128xf32, #tpu.memory_space<hbm>> -> memref<10000x128xf32, #tpu.memory_space<hbm>>
        tpu.enqueue_indirect_dma source(%dma_start3A_475 : memref<10000x128xf32, #tpu.memory_space<hbm>>) target(%arg18 : memref<40x128xf32, #tpu.memory_space<vmem>>) offsets(%dma_start3A_472 : memref<40xi32, #tpu.memory_space<vmem>>) semaphore(%arg34 : memref<!tpu.dma_semaphore, #tpu.memory_space<semaphore_mem>>)
      } else {
      }
      %mul3A_251 = arith.constant 10 : i32
      %mul3A_252 = arith.muli %add3A_202, %mul3A_251 : i32
      %add3A_253 = arith.constant 2 : i32
      %add3A_254 = arith.addi %mul3A_252, %add3A_253 : i32
      %dma_wait3A_255 = arith.constant 0 : i32
      %dma_wait3A_256 = arith.constant 0 : i32
      %dma_wait3A_257 = tpu.memref_slice %arg7[%dma_wait3A_255, %dma_wait3A_256] : memref<2x40xi32, #tpu.memory_space<vmem>> -> memref<1x40xi32, #tpu.memory_space<vmem>>
      %dma_wait3A_258 = tpu.memref_squeeze %dma_wait3A_257 : memref<1x40xi32, #tpu.memory_space<vmem>> -> memref<40xi32, #tpu.memory_space<vmem>>
      %dma_wait3A_259 = arith.constant 0 : i32
      %dma_wait3A_260 = arith.constant 0 : i32
      %dma_wait3A_261 = tpu.memref_slice %arg2[%dma_wait3A_259, %dma_wait3A_260] : memref<10000x128xf32, #tpu.memory_space<hbm>> -> memref<10000x128xf32, #tpu.memory_space<hbm>>
      tpu.wait_indirect_dma semaphore(%arg35 : memref<!tpu.dma_semaphore, #tpu.memory_space<semaphore_mem>>) src(%dma_wait3A_261 : memref<10000x128xf32, #tpu.memory_space<hbm>>) dst(%arg19 : memref<40x128xf32, #tpu.memory_space<vmem>>)
      %run_scoped3A_262 = arith.constant 1 : i32
      "tpu.region"() ({
        %run_scoped3A_459 = tpu.sem_alloc : memref<!tpu.dma_semaphore, #tpu.memory_space<semaphore_mem>>
        %dma_start3A_460 = arith.constant 0 : i32
        %dma_start3A_461 = tpu.memref_slice %arg9[%run_scoped3A_262, %dma_start3A_460] : memref<2x40xi32, #tpu.memory_space<vmem>> -> memref<1x40xi32, #tpu.memory_space<vmem>>
        %dma_start3A_462 = tpu.memref_squeeze %dma_start3A_461 : memref<1x40xi32, #tpu.memory_space<vmem>> -> memref<40xi32, #tpu.memory_space<vmem>>
        %dma_start3A_463 = arith.constant 0 : i32
        %dma_start3A_464 = arith.constant 0 : i32
        %dma_start3A_465 = tpu.memref_slice %arg6[%dma_start3A_463, %dma_start3A_464] : memref<10240x128xf32, #tpu.memory_space<vmem_shared>> -> memref<10240x128xf32, #tpu.memory_space<vmem_shared>>
        tpu.enqueue_indirect_dma source(%arg19 : memref<40x128xf32, #tpu.memory_space<vmem>>) target(%dma_start3A_465 : memref<10240x128xf32, #tpu.memory_space<vmem_shared>>) offsets(%dma_start3A_462 : memref<40xi32, #tpu.memory_space<vmem>>) semaphore(%run_scoped3A_459 : memref<!tpu.dma_semaphore, #tpu.memory_space<semaphore_mem>>) {add = true}
        %dma_wait3A_466 = arith.constant 0 : i32
        %dma_wait3A_467 = tpu.memref_slice %arg9[%run_scoped3A_262, %dma_wait3A_466] : memref<2x40xi32, #tpu.memory_space<vmem>> -> memref<1x40xi32, #tpu.memory_space<vmem>>
        %dma_wait3A_468 = tpu.memref_squeeze %dma_wait3A_467 : memref<1x40xi32, #tpu.memory_space<vmem>> -> memref<40xi32, #tpu.memory_space<vmem>>
        %dma_wait3A_469 = arith.constant 0 : i32
        %dma_wait3A_470 = arith.constant 0 : i32
        %dma_wait3A_471 = tpu.memref_slice %arg6[%dma_wait3A_469, %dma_wait3A_470] : memref<10240x128xf32, #tpu.memory_space<vmem_shared>> -> memref<10240x128xf32, #tpu.memory_space<vmem_shared>>
        tpu.wait_indirect_dma semaphore(%run_scoped3A_459 : memref<!tpu.dma_semaphore, #tpu.memory_space<semaphore_mem>>) src(%arg19 : memref<40x128xf32, #tpu.memory_space<vmem>>) dst(%dma_wait3A_471 : memref<10240x128xf32, #tpu.memory_space<vmem_shared>>)
        tpu.yield
      }) : () -> ()
      %add3A_263 = arith.constant 10 : i32
      %add3A_264 = arith.addi %add3A_254, %add3A_263 : i32
      %lt3A_265 = arith.constant 250 : i32
      %lt3A_266 = arith.cmpi slt, %add3A_264, %lt3A_265 : i32
      %convert_element_type3A_267 = arith.extui %lt3A_266 : i1 to i32
      %cond3A_268 = arith.constant 0 : i32
      %cond3A_269 = arith.cmpi ne, %convert_element_type3A_267, %cond3A_268 : i32
      scf.if %cond3A_269 {
        %add3A_459 = arith.constant 10 : i32
        %add3A_460 = arith.addi %add3A_254, %add3A_459 : i32
        %dma_start3A_461 = arith.constant 0 : i32
        %dma_start3A_462 = arith.constant 0 : i32
        %dma_start3A_463 = tpu.memref_slice %arg3[%add3A, %add3A_460, %dma_start3A_461, %dma_start3A_462] : memref<32x250x2x40xi32, #tpu.memory_space<hbm>> -> memref<1x1x2x40xi32, #tpu.memory_space<hbm>>
        %dma_start3A_464 = tpu.memref_squeeze %dma_start3A_463 : memref<1x1x2x40xi32, #tpu.memory_space<hbm>> -> memref<2x40xi32, #tpu.memory_space<hbm>>
        %dma_start3A_465 = arith.constant 0 : i32
        %dma_start3A_466 = arith.constant 0 : i32
        %dma_start3A_467 = tpu.memref_slice %arg3[%add3A, %add3A_460, %dma_start3A_465, %dma_start3A_466] : memref<32x250x2x40xi32, #tpu.memory_space<hbm>> -> memref<1x1x2x40xi32, #tpu.memory_space<hbm>>
        %dma_start3A_468 = tpu.memref_squeeze %dma_start3A_467 : memref<1x1x2x40xi32, #tpu.memory_space<hbm>> -> memref<2x40xi32, #tpu.memory_space<hbm>>
        tpu.enqueue_dma source(%dma_start3A_468 : memref<2x40xi32, #tpu.memory_space<hbm>>) target(%arg9 : memref<2x40xi32, #tpu.memory_space<vmem>>) target_semaphore(%arg25 : memref<!tpu.dma_semaphore, #tpu.memory_space<semaphore_mem>>)
      } else {
      }
      %add3A_270 = arith.constant 5 : i32
      %add3A_271 = arith.addi %add3A_254, %add3A_270 : i32
      %lt3A_272 = arith.constant 250 : i32
      %lt3A_273 = arith.cmpi slt, %add3A_271, %lt3A_272 : i32
      %convert_element_type3A_274 = arith.extui %lt3A_273 : i1 to i32
      %cond3A_275 = arith.constant 0 : i32
      %cond3A_276 = arith.cmpi ne, %convert_element_type3A_274, %cond3A_275 : i32
      scf.if %cond3A_276 {
        %dma_wait3A_459 = arith.constant 0 : i32
        %dma_wait3A_460 = arith.constant 0 : i32
        %dma_wait3A_461 = arith.constant 0 : i32
        %dma_wait3A_462 = arith.constant 0 : i32
        %dma_wait3A_463 = tpu.memref_slice %arg3[%dma_wait3A_459, %dma_wait3A_460, %dma_wait3A_461, %dma_wait3A_462] : memref<32x250x2x40xi32, #tpu.memory_space<hbm>> -> memref<1x1x2x40xi32, #tpu.memory_space<hbm>>
        %dma_wait3A_464 = tpu.memref_squeeze %dma_wait3A_463 : memref<1x1x2x40xi32, #tpu.memory_space<hbm>> -> memref<2x40xi32, #tpu.memory_space<hbm>>
        %dma_wait3A_465 = arith.constant 0 : i32
        %dma_wait3A_466 = arith.constant 0 : i32
        %dma_wait3A_467 = tpu.memref_slice %arg3[%dma_wait3A_459, %dma_wait3A_460, %dma_wait3A_465, %dma_wait3A_466] : memref<32x250x2x40xi32, #tpu.memory_space<hbm>> -> memref<1x1x2x40xi32, #tpu.memory_space<hbm>>
        %dma_wait3A_468 = tpu.memref_squeeze %dma_wait3A_467 : memref<1x1x2x40xi32, #tpu.memory_space<hbm>> -> memref<2x40xi32, #tpu.memory_space<hbm>>
        tpu.wait_dma2 semaphore(%arg30 : memref<!tpu.dma_semaphore, #tpu.memory_space<semaphore_mem>>) src(%dma_wait3A_468 : memref<2x40xi32, #tpu.memory_space<hbm>>) dst(%arg14 : memref<2x40xi32, #tpu.memory_space<vmem>>)
        %dma_start3A_469 = arith.constant 0 : i32
        %dma_start3A_470 = arith.constant 0 : i32
        %dma_start3A_471 = tpu.memref_slice %arg14[%dma_start3A_469, %dma_start3A_470] : memref<2x40xi32, #tpu.memory_space<vmem>> -> memref<1x40xi32, #tpu.memory_space<vmem>>
        %dma_start3A_472 = tpu.memref_squeeze %dma_start3A_471 : memref<1x40xi32, #tpu.memory_space<vmem>> -> memref<40xi32, #tpu.memory_space<vmem>>
        %dma_start3A_473 = arith.constant 0 : i32
        %dma_start3A_474 = arith.constant 0 : i32
        %dma_start3A_475 = tpu.memref_slice %arg2[%dma_start3A_473, %dma_start3A_474] : memref<10000x128xf32, #tpu.memory_space<hbm>> -> memref<10000x128xf32, #tpu.memory_space<hbm>>
        tpu.enqueue_indirect_dma source(%dma_start3A_475 : memref<10000x128xf32, #tpu.memory_space<hbm>>) target(%arg19 : memref<40x128xf32, #tpu.memory_space<vmem>>) offsets(%dma_start3A_472 : memref<40xi32, #tpu.memory_space<vmem>>) semaphore(%arg35 : memref<!tpu.dma_semaphore, #tpu.memory_space<semaphore_mem>>)
      } else {
      }
      %mul3A_277 = arith.constant 10 : i32
      %mul3A_278 = arith.muli %add3A_202, %mul3A_277 : i32
      %add3A_279 = arith.constant 3 : i32
      %add3A_280 = arith.addi %mul3A_278, %add3A_279 : i32
      %dma_wait3A_281 = arith.constant 0 : i32
      %dma_wait3A_282 = arith.constant 0 : i32
      %dma_wait3A_283 = tpu.memref_slice %arg7[%dma_wait3A_281, %dma_wait3A_282] : memref<2x40xi32, #tpu.memory_space<vmem>> -> memref<1x40xi32, #tpu.memory_space<vmem>>
      %dma_wait3A_284 = tpu.memref_squeeze %dma_wait3A_283 : memref<1x40xi32, #tpu.memory_space<vmem>> -> memref<40xi32, #tpu.memory_space<vmem>>
      %dma_wait3A_285 = arith.constant 0 : i32
      %dma_wait3A_286 = arith.constant 0 : i32
      %dma_wait3A_287 = tpu.memref_slice %arg2[%dma_wait3A_285, %dma_wait3A_286] : memref<10000x128xf32, #tpu.memory_space<hbm>> -> memref<10000x128xf32, #tpu.memory_space<hbm>>
      tpu.wait_indirect_dma semaphore(%arg36 : memref<!tpu.dma_semaphore, #tpu.memory_space<semaphore_mem>>) src(%dma_wait3A_287 : memref<10000x128xf32, #tpu.memory_space<hbm>>) dst(%arg20 : memref<40x128xf32, #tpu.memory_space<vmem>>)
      %run_scoped3A_288 = arith.constant 1 : i32
      "tpu.region"() ({
        %run_scoped3A_459 = tpu.sem_alloc : memref<!tpu.dma_semaphore, #tpu.memory_space<semaphore_mem>>
        %dma_start3A_460 = arith.constant 0 : i32
        %dma_start3A_461 = tpu.memref_slice %arg10[%run_scoped3A_288, %dma_start3A_460] : memref<2x40xi32, #tpu.memory_space<vmem>> -> memref<1x40xi32, #tpu.memory_space<vmem>>
        %dma_start3A_462 = tpu.memref_squeeze %dma_start3A_461 : memref<1x40xi32, #tpu.memory_space<vmem>> -> memref<40xi32, #tpu.memory_space<vmem>>
        %dma_start3A_463 = arith.constant 0 : i32
        %dma_start3A_464 = arith.constant 0 : i32
        %dma_start3A_465 = tpu.memref_slice %arg6[%dma_start3A_463, %dma_start3A_464] : memref<10240x128xf32, #tpu.memory_space<vmem_shared>> -> memref<10240x128xf32, #tpu.memory_space<vmem_shared>>
        tpu.enqueue_indirect_dma source(%arg20 : memref<40x128xf32, #tpu.memory_space<vmem>>) target(%dma_start3A_465 : memref<10240x128xf32, #tpu.memory_space<vmem_shared>>) offsets(%dma_start3A_462 : memref<40xi32, #tpu.memory_space<vmem>>) semaphore(%run_scoped3A_459 : memref<!tpu.dma_semaphore, #tpu.memory_space<semaphore_mem>>) {add = true}
        %dma_wait3A_466 = arith.constant 0 : i32
        %dma_wait3A_467 = tpu.memref_slice %arg10[%run_scoped3A_288, %dma_wait3A_466] : memref<2x40xi32, #tpu.memory_space<vmem>> -> memref<1x40xi32, #tpu.memory_space<vmem>>
        %dma_wait3A_468 = tpu.memref_squeeze %dma_wait3A_467 : memref<1x40xi32, #tpu.memory_space<vmem>> -> memref<40xi32, #tpu.memory_space<vmem>>
        %dma_wait3A_469 = arith.constant 0 : i32
        %dma_wait3A_470 = arith.constant 0 : i32
        %dma_wait3A_471 = tpu.memref_slice %arg6[%dma_wait3A_469, %dma_wait3A_470] : memref<10240x128xf32, #tpu.memory_space<vmem_shared>> -> memref<10240x128xf32, #tpu.memory_space<vmem_shared>>
        tpu.wait_indirect_dma semaphore(%run_scoped3A_459 : memref<!tpu.dma_semaphore, #tpu.memory_space<semaphore_mem>>) src(%arg20 : memref<40x128xf32, #tpu.memory_space<vmem>>) dst(%dma_wait3A_471 : memref<10240x128xf32, #tpu.memory_space<vmem_shared>>)
        tpu.yield
      }) : () -> ()
      %add3A_289 = arith.constant 10 : i32
      %add3A_290 = arith.addi %add3A_280, %add3A_289 : i32
      %lt3A_291 = arith.constant 250 : i32
      %lt3A_292 = arith.cmpi slt, %add3A_290, %lt3A_291 : i32
      %convert_element_type3A_293 = arith.extui %lt3A_292 : i1 to i32
      %cond3A_294 = arith.constant 0 : i32
      %cond3A_295 = arith.cmpi ne, %convert_element_type3A_293, %cond3A_294 : i32
      scf.if %cond3A_295 {
        %add3A_459 = arith.constant 10 : i32
        %add3A_460 = arith.addi %add3A_280, %add3A_459 : i32
        %dma_start3A_461 = arith.constant 0 : i32
        %dma_start3A_462 = arith.constant 0 : i32
        %dma_start3A_463 = tpu.memref_slice %arg3[%add3A, %add3A_460, %dma_start3A_461, %dma_start3A_462] : memref<32x250x2x40xi32, #tpu.memory_space<hbm>> -> memref<1x1x2x40xi32, #tpu.memory_space<hbm>>
        %dma_start3A_464 = tpu.memref_squeeze %dma_start3A_463 : memref<1x1x2x40xi32, #tpu.memory_space<hbm>> -> memref<2x40xi32, #tpu.memory_space<hbm>>
        %dma_start3A_465 = arith.constant 0 : i32
        %dma_start3A_466 = arith.constant 0 : i32
        %dma_start3A_467 = tpu.memref_slice %arg3[%add3A, %add3A_460, %dma_start3A_465, %dma_start3A_466] : memref<32x250x2x40xi32, #tpu.memory_space<hbm>> -> memref<1x1x2x40xi32, #tpu.memory_space<hbm>>
        %dma_start3A_468 = tpu.memref_squeeze %dma_start3A_467 : memref<1x1x2x40xi32, #tpu.memory_space<hbm>> -> memref<2x40xi32, #tpu.memory_space<hbm>>
        tpu.enqueue_dma source(%dma_start3A_468 : memref<2x40xi32, #tpu.memory_space<hbm>>) target(%arg10 : memref<2x40xi32, #tpu.memory_space<vmem>>) target_semaphore(%arg26 : memref<!tpu.dma_semaphore, #tpu.memory_space<semaphore_mem>>)
      } else {
      }
      %add3A_296 = arith.constant 5 : i32
      %add3A_297 = arith.addi %add3A_280, %add3A_296 : i32
      %lt3A_298 = arith.constant 250 : i32
      %lt3A_299 = arith.cmpi slt, %add3A_297, %lt3A_298 : i32
      %convert_element_type3A_300 = arith.extui %lt3A_299 : i1 to i32
      %cond3A_301 = arith.constant 0 : i32
      %cond3A_302 = arith.cmpi ne, %convert_element_type3A_300, %cond3A_301 : i32
      scf.if %cond3A_302 {
        %dma_wait3A_459 = arith.constant 0 : i32
        %dma_wait3A_460 = arith.constant 0 : i32
        %dma_wait3A_461 = arith.constant 0 : i32
        %dma_wait3A_462 = arith.constant 0 : i32
        %dma_wait3A_463 = tpu.memref_slice %arg3[%dma_wait3A_459, %dma_wait3A_460, %dma_wait3A_461, %dma_wait3A_462] : memref<32x250x2x40xi32, #tpu.memory_space<hbm>> -> memref<1x1x2x40xi32, #tpu.memory_space<hbm>>
        %dma_wait3A_464 = tpu.memref_squeeze %dma_wait3A_463 : memref<1x1x2x40xi32, #tpu.memory_space<hbm>> -> memref<2x40xi32, #tpu.memory_space<hbm>>
        %dma_wait3A_465 = arith.constant 0 : i32
        %dma_wait3A_466 = arith.constant 0 : i32
        %dma_wait3A_467 = tpu.memref_slice %arg3[%dma_wait3A_459, %dma_wait3A_460, %dma_wait3A_465, %dma_wait3A_466] : memref<32x250x2x40xi32, #tpu.memory_space<hbm>> -> memref<1x1x2x40xi32, #tpu.memory_space<hbm>>
        %dma_wait3A_468 = tpu.memref_squeeze %dma_wait3A_467 : memref<1x1x2x40xi32, #tpu.memory_space<hbm>> -> memref<2x40xi32, #tpu.memory_space<hbm>>
        tpu.wait_dma2 semaphore(%arg31 : memref<!tpu.dma_semaphore, #tpu.memory_space<semaphore_mem>>) src(%dma_wait3A_468 : memref<2x40xi32, #tpu.memory_space<hbm>>) dst(%arg15 : memref<2x40xi32, #tpu.memory_space<vmem>>)
        %dma_start3A_469 = arith.constant 0 : i32
        %dma_start3A_470 = arith.constant 0 : i32
        %dma_start3A_471 = tpu.memref_slice %arg15[%dma_start3A_469, %dma_start3A_470] : memref<2x40xi32, #tpu.memory_space<vmem>> -> memref<1x40xi32, #tpu.memory_space<vmem>>
        %dma_start3A_472 = tpu.memref_squeeze %dma_start3A_471 : memref<1x40xi32, #tpu.memory_space<vmem>> -> memref<40xi32, #tpu.memory_space<vmem>>
        %dma_start3A_473 = arith.constant 0 : i32
        %dma_start3A_474 = arith.constant 0 : i32
        %dma_start3A_475 = tpu.memref_slice %arg2[%dma_start3A_473, %dma_start3A_474] : memref<10000x128xf32, #tpu.memory_space<hbm>> -> memref<10000x128xf32, #tpu.memory_space<hbm>>
        tpu.enqueue_indirect_dma source(%dma_start3A_475 : memref<10000x128xf32, #tpu.memory_space<hbm>>) target(%arg20 : memref<40x128xf32, #tpu.memory_space<vmem>>) offsets(%dma_start3A_472 : memref<40xi32, #tpu.memory_space<vmem>>) semaphore(%arg36 : memref<!tpu.dma_semaphore, #tpu.memory_space<semaphore_mem>>)
      } else {
      }
      %mul3A_303 = arith.constant 10 : i32
      %mul3A_304 = arith.muli %add3A_202, %mul3A_303 : i32
      %add3A_305 = arith.constant 4 : i32
      %add3A_306 = arith.addi %mul3A_304, %add3A_305 : i32
      %dma_wait3A_307 = arith.constant 0 : i32
      %dma_wait3A_308 = arith.constant 0 : i32
      %dma_wait3A_309 = tpu.memref_slice %arg7[%dma_wait3A_307, %dma_wait3A_308] : memref<2x40xi32, #tpu.memory_space<vmem>> -> memref<1x40xi32, #tpu.memory_space<vmem>>
      %dma_wait3A_310 = tpu.memref_squeeze %dma_wait3A_309 : memref<1x40xi32, #tpu.memory_space<vmem>> -> memref<40xi32, #tpu.memory_space<vmem>>
      %dma_wait3A_311 = arith.constant 0 : i32
      %dma_wait3A_312 = arith.constant 0 : i32
      %dma_wait3A_313 = tpu.memref_slice %arg2[%dma_wait3A_311, %dma_wait3A_312] : memref<10000x128xf32, #tpu.memory_space<hbm>> -> memref<10000x128xf32, #tpu.memory_space<hbm>>
      tpu.wait_indirect_dma semaphore(%arg37 : memref<!tpu.dma_semaphore, #tpu.memory_space<semaphore_mem>>) src(%dma_wait3A_313 : memref<10000x128xf32, #tpu.memory_space<hbm>>) dst(%arg21 : memref<40x128xf32, #tpu.memory_space<vmem>>)
      %run_scoped3A_314 = arith.constant 1 : i32
      "tpu.region"() ({
        %run_scoped3A_459 = tpu.sem_alloc : memref<!tpu.dma_semaphore, #tpu.memory_space<semaphore_mem>>
        %dma_start3A_460 = arith.constant 0 : i32
        %dma_start3A_461 = tpu.memref_slice %arg11[%run_scoped3A_314, %dma_start3A_460] : memref<2x40xi32, #tpu.memory_space<vmem>> -> memref<1x40xi32, #tpu.memory_space<vmem>>
        %dma_start3A_462 = tpu.memref_squeeze %dma_start3A_461 : memref<1x40xi32, #tpu.memory_space<vmem>> -> memref<40xi32, #tpu.memory_space<vmem>>
        %dma_start3A_463 = arith.constant 0 : i32
        %dma_start3A_464 = arith.constant 0 : i32
        %dma_start3A_465 = tpu.memref_slice %arg6[%dma_start3A_463, %dma_start3A_464] : memref<10240x128xf32, #tpu.memory_space<vmem_shared>> -> memref<10240x128xf32, #tpu.memory_space<vmem_shared>>
        tpu.enqueue_indirect_dma source(%arg21 : memref<40x128xf32, #tpu.memory_space<vmem>>) target(%dma_start3A_465 : memref<10240x128xf32, #tpu.memory_space<vmem_shared>>) offsets(%dma_start3A_462 : memref<40xi32, #tpu.memory_space<vmem>>) semaphore(%run_scoped3A_459 : memref<!tpu.dma_semaphore, #tpu.memory_space<semaphore_mem>>) {add = true}
        %dma_wait3A_466 = arith.constant 0 : i32
        %dma_wait3A_467 = tpu.memref_slice %arg11[%run_scoped3A_314, %dma_wait3A_466] : memref<2x40xi32, #tpu.memory_space<vmem>> -> memref<1x40xi32, #tpu.memory_space<vmem>>
        %dma_wait3A_468 = tpu.memref_squeeze %dma_wait3A_467 : memref<1x40xi32, #tpu.memory_space<vmem>> -> memref<40xi32, #tpu.memory_space<vmem>>
        %dma_wait3A_469 = arith.constant 0 : i32
        %dma_wait3A_470 = arith.constant 0 : i32
        %dma_wait3A_471 = tpu.memref_slice %arg6[%dma_wait3A_469, %dma_wait3A_470] : memref<10240x128xf32, #tpu.memory_space<vmem_shared>> -> memref<10240x128xf32, #tpu.memory_space<vmem_shared>>
        tpu.wait_indirect_dma semaphore(%run_scoped3A_459 : memref<!tpu.dma_semaphore, #tpu.memory_space<semaphore_mem>>) src(%arg21 : memref<40x128xf32, #tpu.memory_space<vmem>>) dst(%dma_wait3A_471 : memref<10240x128xf32, #tpu.memory_space<vmem_shared>>)
        tpu.yield
      }) : () -> ()
      %add3A_315 = arith.constant 10 : i32
      %add3A_316 = arith.addi %add3A_306, %add3A_315 : i32
      %lt3A_317 = arith.constant 250 : i32
      %lt3A_318 = arith.cmpi slt, %add3A_316, %lt3A_317 : i32
      %convert_element_type3A_319 = arith.extui %lt3A_318 : i1 to i32
      %cond3A_320 = arith.constant 0 : i32
      %cond3A_321 = arith.cmpi ne, %convert_element_type3A_319, %cond3A_320 : i32
      scf.if %cond3A_321 {
        %add3A_459 = arith.constant 10 : i32
        %add3A_460 = arith.addi %add3A_306, %add3A_459 : i32
        %dma_start3A_461 = arith.constant 0 : i32
        %dma_start3A_462 = arith.constant 0 : i32
        %dma_start3A_463 = tpu.memref_slice %arg3[%add3A, %add3A_460, %dma_start3A_461, %dma_start3A_462] : memref<32x250x2x40xi32, #tpu.memory_space<hbm>> -> memref<1x1x2x40xi32, #tpu.memory_space<hbm>>
        %dma_start3A_464 = tpu.memref_squeeze %dma_start3A_463 : memref<1x1x2x40xi32, #tpu.memory_space<hbm>> -> memref<2x40xi32, #tpu.memory_space<hbm>>
        %dma_start3A_465 = arith.constant 0 : i32
        %dma_start3A_466 = arith.constant 0 : i32
        %dma_start3A_467 = tpu.memref_slice %arg3[%add3A, %add3A_460, %dma_start3A_465, %dma_start3A_466] : memref<32x250x2x40xi32, #tpu.memory_space<hbm>> -> memref<1x1x2x40xi32, #tpu.memory_space<hbm>>
        %dma_start3A_468 = tpu.memref_squeeze %dma_start3A_467 : memref<1x1x2x40xi32, #tpu.memory_space<hbm>> -> memref<2x40xi32, #tpu.memory_space<hbm>>
        tpu.enqueue_dma source(%dma_start3A_468 : memref<2x40xi32, #tpu.memory_space<hbm>>) target(%arg11 : memref<2x40xi32, #tpu.memory_space<vmem>>) target_semaphore(%arg27 : memref<!tpu.dma_semaphore, #tpu.memory_space<semaphore_mem>>)
      } else {
      }
      %add3A_322 = arith.constant 5 : i32
      %add3A_323 = arith.addi %add3A_306, %add3A_322 : i32
      %lt3A_324 = arith.constant 250 : i32
      %lt3A_325 = arith.cmpi slt, %add3A_323, %lt3A_324 : i32
      %convert_element_type3A_326 = arith.extui %lt3A_325 : i1 to i32
      %cond3A_327 = arith.constant 0 : i32
      %cond3A_328 = arith.cmpi ne, %convert_element_type3A_326, %cond3A_327 : i32
      scf.if %cond3A_328 {
        %dma_wait3A_459 = arith.constant 0 : i32
        %dma_wait3A_460 = arith.constant 0 : i32
        %dma_wait3A_461 = arith.constant 0 : i32
        %dma_wait3A_462 = arith.constant 0 : i32
        %dma_wait3A_463 = tpu.memref_slice %arg3[%dma_wait3A_459, %dma_wait3A_460, %dma_wait3A_461, %dma_wait3A_462] : memref<32x250x2x40xi32, #tpu.memory_space<hbm>> -> memref<1x1x2x40xi32, #tpu.memory_space<hbm>>
        %dma_wait3A_464 = tpu.memref_squeeze %dma_wait3A_463 : memref<1x1x2x40xi32, #tpu.memory_space<hbm>> -> memref<2x40xi32, #tpu.memory_space<hbm>>
        %dma_wait3A_465 = arith.constant 0 : i32
        %dma_wait3A_466 = arith.constant 0 : i32
        %dma_wait3A_467 = tpu.memref_slice %arg3[%dma_wait3A_459, %dma_wait3A_460, %dma_wait3A_465, %dma_wait3A_466] : memref<32x250x2x40xi32, #tpu.memory_space<hbm>> -> memref<1x1x2x40xi32, #tpu.memory_space<hbm>>
        %dma_wait3A_468 = tpu.memref_squeeze %dma_wait3A_467 : memref<1x1x2x40xi32, #tpu.memory_space<hbm>> -> memref<2x40xi32, #tpu.memory_space<hbm>>
        tpu.wait_dma2 semaphore(%arg32 : memref<!tpu.dma_semaphore, #tpu.memory_space<semaphore_mem>>) src(%dma_wait3A_468 : memref<2x40xi32, #tpu.memory_space<hbm>>) dst(%arg16 : memref<2x40xi32, #tpu.memory_space<vmem>>)
        %dma_start3A_469 = arith.constant 0 : i32
        %dma_start3A_470 = arith.constant 0 : i32
        %dma_start3A_471 = tpu.memref_slice %arg16[%dma_start3A_469, %dma_start3A_470] : memref<2x40xi32, #tpu.memory_space<vmem>> -> memref<1x40xi32, #tpu.memory_space<vmem>>
        %dma_start3A_472 = tpu.memref_squeeze %dma_start3A_471 : memref<1x40xi32, #tpu.memory_space<vmem>> -> memref<40xi32, #tpu.memory_space<vmem>>
        %dma_start3A_473 = arith.constant 0 : i32
        %dma_start3A_474 = arith.constant 0 : i32
        %dma_start3A_475 = tpu.memref_slice %arg2[%dma_start3A_473, %dma_start3A_474] : memref<10000x128xf32, #tpu.memory_space<hbm>> -> memref<10000x128xf32, #tpu.memory_space<hbm>>
        tpu.enqueue_indirect_dma source(%dma_start3A_475 : memref<10000x128xf32, #tpu.memory_space<hbm>>) target(%arg21 : memref<40x128xf32, #tpu.memory_space<vmem>>) offsets(%dma_start3A_472 : memref<40xi32, #tpu.memory_space<vmem>>) semaphore(%arg37 : memref<!tpu.dma_semaphore, #tpu.memory_space<semaphore_mem>>)
      } else {
      }
      %mul3A_329 = arith.constant 10 : i32
      %mul3A_330 = arith.muli %add3A_202, %mul3A_329 : i32
      %add3A_331 = arith.constant 5 : i32
      %add3A_332 = arith.addi %mul3A_330, %add3A_331 : i32
      %dma_wait3A_333 = arith.constant 0 : i32
      %dma_wait3A_334 = arith.constant 0 : i32
      %dma_wait3A_335 = tpu.memref_slice %arg7[%dma_wait3A_333, %dma_wait3A_334] : memref<2x40xi32, #tpu.memory_space<vmem>> -> memref<1x40xi32, #tpu.memory_space<vmem>>
      %dma_wait3A_336 = tpu.memref_squeeze %dma_wait3A_335 : memref<1x40xi32, #tpu.memory_space<vmem>> -> memref<40xi32, #tpu.memory_space<vmem>>
      %dma_wait3A_337 = arith.constant 0 : i32
      %dma_wait3A_338 = arith.constant 0 : i32
      %dma_wait3A_339 = tpu.memref_slice %arg2[%dma_wait3A_337, %dma_wait3A_338] : memref<10000x128xf32, #tpu.memory_space<hbm>> -> memref<10000x128xf32, #tpu.memory_space<hbm>>
      tpu.wait_indirect_dma semaphore(%arg33 : memref<!tpu.dma_semaphore, #tpu.memory_space<semaphore_mem>>) src(%dma_wait3A_339 : memref<10000x128xf32, #tpu.memory_space<hbm>>) dst(%arg17 : memref<40x128xf32, #tpu.memory_space<vmem>>)
      %run_scoped3A_340 = arith.constant 1 : i32
      "tpu.region"() ({
        %run_scoped3A_459 = tpu.sem_alloc : memref<!tpu.dma_semaphore, #tpu.memory_space<semaphore_mem>>
        %dma_start3A_460 = arith.constant 0 : i32
        %dma_start3A_461 = tpu.memref_slice %arg12[%run_scoped3A_340, %dma_start3A_460] : memref<2x40xi32, #tpu.memory_space<vmem>> -> memref<1x40xi32, #tpu.memory_space<vmem>>
        %dma_start3A_462 = tpu.memref_squeeze %dma_start3A_461 : memref<1x40xi32, #tpu.memory_space<vmem>> -> memref<40xi32, #tpu.memory_space<vmem>>
        %dma_start3A_463 = arith.constant 0 : i32
        %dma_start3A_464 = arith.constant 0 : i32
        %dma_start3A_465 = tpu.memref_slice %arg6[%dma_start3A_463, %dma_start3A_464] : memref<10240x128xf32, #tpu.memory_space<vmem_shared>> -> memref<10240x128xf32, #tpu.memory_space<vmem_shared>>
        tpu.enqueue_indirect_dma source(%arg17 : memref<40x128xf32, #tpu.memory_space<vmem>>) target(%dma_start3A_465 : memref<10240x128xf32, #tpu.memory_space<vmem_shared>>) offsets(%dma_start3A_462 : memref<40xi32, #tpu.memory_space<vmem>>) semaphore(%run_scoped3A_459 : memref<!tpu.dma_semaphore, #tpu.memory_space<semaphore_mem>>) {add = true}
        %dma_wait3A_466 = arith.constant 0 : i32
        %dma_wait3A_467 = tpu.memref_slice %arg12[%run_scoped3A_340, %dma_wait3A_466] : memref<2x40xi32, #tpu.memory_space<vmem>> -> memref<1x40xi32, #tpu.memory_space<vmem>>
        %dma_wait3A_468 = tpu.memref_squeeze %dma_wait3A_467 : memref<1x40xi32, #tpu.memory_space<vmem>> -> memref<40xi32, #tpu.memory_space<vmem>>
        %dma_wait3A_469 = arith.constant 0 : i32
        %dma_wait3A_470 = arith.constant 0 : i32
        %dma_wait3A_471 = tpu.memref_slice %arg6[%dma_wait3A_469, %dma_wait3A_470] : memref<10240x128xf32, #tpu.memory_space<vmem_shared>> -> memref<10240x128xf32, #tpu.memory_space<vmem_shared>>
        tpu.wait_indirect_dma semaphore(%run_scoped3A_459 : memref<!tpu.dma_semaphore, #tpu.memory_space<semaphore_mem>>) src(%arg17 : memref<40x128xf32, #tpu.memory_space<vmem>>) dst(%dma_wait3A_471 : memref<10240x128xf32, #tpu.memory_space<vmem_shared>>)
        tpu.yield
      }) : () -> ()
      %add3A_341 = arith.constant 10 : i32
      %add3A_342 = arith.addi %add3A_332, %add3A_341 : i32
      %lt3A_343 = arith.constant 250 : i32
      %lt3A_344 = arith.cmpi slt, %add3A_342, %lt3A_343 : i32
      %convert_element_type3A_345 = arith.extui %lt3A_344 : i1 to i32
      %cond3A_346 = arith.constant 0 : i32
      %cond3A_347 = arith.cmpi ne, %convert_element_type3A_345, %cond3A_346 : i32
      scf.if %cond3A_347 {
        %add3A_459 = arith.constant 10 : i32
        %add3A_460 = arith.addi %add3A_332, %add3A_459 : i32
        %dma_start3A_461 = arith.constant 0 : i32
        %dma_start3A_462 = arith.constant 0 : i32
        %dma_start3A_463 = tpu.memref_slice %arg3[%add3A, %add3A_460, %dma_start3A_461, %dma_start3A_462] : memref<32x250x2x40xi32, #tpu.memory_space<hbm>> -> memref<1x1x2x40xi32, #tpu.memory_space<hbm>>
        %dma_start3A_464 = tpu.memref_squeeze %dma_start3A_463 : memref<1x1x2x40xi32, #tpu.memory_space<hbm>> -> memref<2x40xi32, #tpu.memory_space<hbm>>
        %dma_start3A_465 = arith.constant 0 : i32
        %dma_start3A_466 = arith.constant 0 : i32
        %dma_start3A_467 = tpu.memref_slice %arg3[%add3A, %add3A_460, %dma_start3A_465, %dma_start3A_466] : memref<32x250x2x40xi32, #tpu.memory_space<hbm>> -> memref<1x1x2x40xi32, #tpu.memory_space<hbm>>
        %dma_start3A_468 = tpu.memref_squeeze %dma_start3A_467 : memref<1x1x2x40xi32, #tpu.memory_space<hbm>> -> memref<2x40xi32, #tpu.memory_space<hbm>>
        tpu.enqueue_dma source(%dma_start3A_468 : memref<2x40xi32, #tpu.memory_space<hbm>>) target(%arg12 : memref<2x40xi32, #tpu.memory_space<vmem>>) target_semaphore(%arg28 : memref<!tpu.dma_semaphore, #tpu.memory_space<semaphore_mem>>)
      } else {
      }
      %add3A_348 = arith.constant 5 : i32
      %add3A_349 = arith.addi %add3A_332, %add3A_348 : i32
      %lt3A_350 = arith.constant 250 : i32
      %lt3A_351 = arith.cmpi slt, %add3A_349, %lt3A_350 : i32
      %convert_element_type3A_352 = arith.extui %lt3A_351 : i1 to i32
      %cond3A_353 = arith.constant 0 : i32
      %cond3A_354 = arith.cmpi ne, %convert_element_type3A_352, %cond3A_353 : i32
      scf.if %cond3A_354 {
        %dma_wait3A_459 = arith.constant 0 : i32
        %dma_wait3A_460 = arith.constant 0 : i32
        %dma_wait3A_461 = arith.constant 0 : i32
        %dma_wait3A_462 = arith.constant 0 : i32
        %dma_wait3A_463 = tpu.memref_slice %arg3[%dma_wait3A_459, %dma_wait3A_460, %dma_wait3A_461, %dma_wait3A_462] : memref<32x250x2x40xi32, #tpu.memory_space<hbm>> -> memref<1x1x2x40xi32, #tpu.memory_space<hbm>>
        %dma_wait3A_464 = tpu.memref_squeeze %dma_wait3A_463 : memref<1x1x2x40xi32, #tpu.memory_space<hbm>> -> memref<2x40xi32, #tpu.memory_space<hbm>>
        %dma_wait3A_465 = arith.constant 0 : i32
        %dma_wait3A_466 = arith.constant 0 : i32
        %dma_wait3A_467 = tpu.memref_slice %arg3[%dma_wait3A_459, %dma_wait3A_460, %dma_wait3A_465, %dma_wait3A_466] : memref<32x250x2x40xi32, #tpu.memory_space<hbm>> -> memref<1x1x2x40xi32, #tpu.memory_space<hbm>>
        %dma_wait3A_468 = tpu.memref_squeeze %dma_wait3A_467 : memref<1x1x2x40xi32, #tpu.memory_space<hbm>> -> memref<2x40xi32, #tpu.memory_space<hbm>>
        tpu.wait_dma2 semaphore(%arg23 : memref<!tpu.dma_semaphore, #tpu.memory_space<semaphore_mem>>) src(%dma_wait3A_468 : memref<2x40xi32, #tpu.memory_space<hbm>>) dst(%arg7 : memref<2x40xi32, #tpu.memory_space<vmem>>)
        %dma_start3A_469 = arith.constant 0 : i32
        %dma_start3A_470 = arith.constant 0 : i32
        %dma_start3A_471 = tpu.memref_slice %arg7[%dma_start3A_469, %dma_start3A_470] : memref<2x40xi32, #tpu.memory_space<vmem>> -> memref<1x40xi32, #tpu.memory_space<vmem>>
        %dma_start3A_472 = tpu.memref_squeeze %dma_start3A_471 : memref<1x40xi32, #tpu.memory_space<vmem>> -> memref<40xi32, #tpu.memory_space<vmem>>
        %dma_start3A_473 = arith.constant 0 : i32
        %dma_start3A_474 = arith.constant 0 : i32
        %dma_start3A_475 = tpu.memref_slice %arg2[%dma_start3A_473, %dma_start3A_474] : memref<10000x128xf32, #tpu.memory_space<hbm>> -> memref<10000x128xf32, #tpu.memory_space<hbm>>
        tpu.enqueue_indirect_dma source(%dma_start3A_475 : memref<10000x128xf32, #tpu.memory_space<hbm>>) target(%arg17 : memref<40x128xf32, #tpu.memory_space<vmem>>) offsets(%dma_start3A_472 : memref<40xi32, #tpu.memory_space<vmem>>) semaphore(%arg33 : memref<!tpu.dma_semaphore, #tpu.memory_space<semaphore_mem>>)
      } else {
      }
      %mul3A_355 = arith.constant 10 : i32
      %mul3A_356 = arith.muli %add3A_202, %mul3A_355 : i32
      %add3A_357 = arith.constant 6 : i32
      %add3A_358 = arith.addi %mul3A_356, %add3A_357 : i32
      %dma_wait3A_359 = arith.constant 0 : i32
      %dma_wait3A_360 = arith.constant 0 : i32
      %dma_wait3A_361 = tpu.memref_slice %arg7[%dma_wait3A_359, %dma_wait3A_360] : memref<2x40xi32, #tpu.memory_space<vmem>> -> memref<1x40xi32, #tpu.memory_space<vmem>>
      %dma_wait3A_362 = tpu.memref_squeeze %dma_wait3A_361 : memref<1x40xi32, #tpu.memory_space<vmem>> -> memref<40xi32, #tpu.memory_space<vmem>>
      %dma_wait3A_363 = arith.constant 0 : i32
      %dma_wait3A_364 = arith.constant 0 : i32
      %dma_wait3A_365 = tpu.memref_slice %arg2[%dma_wait3A_363, %dma_wait3A_364] : memref<10000x128xf32, #tpu.memory_space<hbm>> -> memref<10000x128xf32, #tpu.memory_space<hbm>>
      tpu.wait_indirect_dma semaphore(%arg34 : memref<!tpu.dma_semaphore, #tpu.memory_space<semaphore_mem>>) src(%dma_wait3A_365 : memref<10000x128xf32, #tpu.memory_space<hbm>>) dst(%arg18 : memref<40x128xf32, #tpu.memory_space<vmem>>)
      %run_scoped3A_366 = arith.constant 1 : i32
      "tpu.region"() ({
        %run_scoped3A_459 = tpu.sem_alloc : memref<!tpu.dma_semaphore, #tpu.memory_space<semaphore_mem>>
        %dma_start3A_460 = arith.constant 0 : i32
        %dma_start3A_461 = tpu.memref_slice %arg13[%run_scoped3A_366, %dma_start3A_460] : memref<2x40xi32, #tpu.memory_space<vmem>> -> memref<1x40xi32, #tpu.memory_space<vmem>>
        %dma_start3A_462 = tpu.memref_squeeze %dma_start3A_461 : memref<1x40xi32, #tpu.memory_space<vmem>> -> memref<40xi32, #tpu.memory_space<vmem>>
        %dma_start3A_463 = arith.constant 0 : i32
        %dma_start3A_464 = arith.constant 0 : i32
        %dma_start3A_465 = tpu.memref_slice %arg6[%dma_start3A_463, %dma_start3A_464] : memref<10240x128xf32, #tpu.memory_space<vmem_shared>> -> memref<10240x128xf32, #tpu.memory_space<vmem_shared>>
        tpu.enqueue_indirect_dma source(%arg18 : memref<40x128xf32, #tpu.memory_space<vmem>>) target(%dma_start3A_465 : memref<10240x128xf32, #tpu.memory_space<vmem_shared>>) offsets(%dma_start3A_462 : memref<40xi32, #tpu.memory_space<vmem>>) semaphore(%run_scoped3A_459 : memref<!tpu.dma_semaphore, #tpu.memory_space<semaphore_mem>>) {add = true}
        %dma_wait3A_466 = arith.constant 0 : i32
        %dma_wait3A_467 = tpu.memref_slice %arg13[%run_scoped3A_366, %dma_wait3A_466] : memref<2x40xi32, #tpu.memory_space<vmem>> -> memref<1x40xi32, #tpu.memory_space<vmem>>
        %dma_wait3A_468 = tpu.memref_squeeze %dma_wait3A_467 : memref<1x40xi32, #tpu.memory_space<vmem>> -> memref<40xi32, #tpu.memory_space<vmem>>
        %dma_wait3A_469 = arith.constant 0 : i32
        %dma_wait3A_470 = arith.constant 0 : i32
        %dma_wait3A_471 = tpu.memref_slice %arg6[%dma_wait3A_469, %dma_wait3A_470] : memref<10240x128xf32, #tpu.memory_space<vmem_shared>> -> memref<10240x128xf32, #tpu.memory_space<vmem_shared>>
        tpu.wait_indirect_dma semaphore(%run_scoped3A_459 : memref<!tpu.dma_semaphore, #tpu.memory_space<semaphore_mem>>) src(%arg18 : memref<40x128xf32, #tpu.memory_space<vmem>>) dst(%dma_wait3A_471 : memref<10240x128xf32, #tpu.memory_space<vmem_shared>>)
        tpu.yield
      }) : () -> ()
      %add3A_367 = arith.constant 10 : i32
      %add3A_368 = arith.addi %add3A_358, %add3A_367 : i32
      %lt3A_369 = arith.constant 250 : i32
      %lt3A_370 = arith.cmpi slt, %add3A_368, %lt3A_369 : i32
      %convert_element_type3A_371 = arith.extui %lt3A_370 : i1 to i32
      %cond3A_372 = arith.constant 0 : i32
      %cond3A_373 = arith.cmpi ne, %convert_element_type3A_371, %cond3A_372 : i32
      scf.if %cond3A_373 {
        %add3A_459 = arith.constant 10 : i32
        %add3A_460 = arith.addi %add3A_358, %add3A_459 : i32
        %dma_start3A_461 = arith.constant 0 : i32
        %dma_start3A_462 = arith.constant 0 : i32
        %dma_start3A_463 = tpu.memref_slice %arg3[%add3A, %add3A_460, %dma_start3A_461, %dma_start3A_462] : memref<32x250x2x40xi32, #tpu.memory_space<hbm>> -> memref<1x1x2x40xi32, #tpu.memory_space<hbm>>
        %dma_start3A_464 = tpu.memref_squeeze %dma_start3A_463 : memref<1x1x2x40xi32, #tpu.memory_space<hbm>> -> memref<2x40xi32, #tpu.memory_space<hbm>>
        %dma_start3A_465 = arith.constant 0 : i32
        %dma_start3A_466 = arith.constant 0 : i32
        %dma_start3A_467 = tpu.memref_slice %arg3[%add3A, %add3A_460, %dma_start3A_465, %dma_start3A_466] : memref<32x250x2x40xi32, #tpu.memory_space<hbm>> -> memref<1x1x2x40xi32, #tpu.memory_space<hbm>>
        %dma_start3A_468 = tpu.memref_squeeze %dma_start3A_467 : memref<1x1x2x40xi32, #tpu.memory_space<hbm>> -> memref<2x40xi32, #tpu.memory_space<hbm>>
        tpu.enqueue_dma source(%dma_start3A_468 : memref<2x40xi32, #tpu.memory_space<hbm>>) target(%arg13 : memref<2x40xi32, #tpu.memory_space<vmem>>) target_semaphore(%arg29 : memref<!tpu.dma_semaphore, #tpu.memory_space<semaphore_mem>>)
      } else {
      }
      %add3A_374 = arith.constant 5 : i32
      %add3A_375 = arith.addi %add3A_358, %add3A_374 : i32
      %lt3A_376 = arith.constant 250 : i32
      %lt3A_377 = arith.cmpi slt, %add3A_375, %lt3A_376 : i32
      %convert_element_type3A_378 = arith.extui %lt3A_377 : i1 to i32
      %cond3A_379 = arith.constant 0 : i32
      %cond3A_380 = arith.cmpi ne, %convert_element_type3A_378, %cond3A_379 : i32
      scf.if %cond3A_380 {
        %dma_wait3A_459 = arith.constant 0 : i32
        %dma_wait3A_460 = arith.constant 0 : i32
        %dma_wait3A_461 = arith.constant 0 : i32
        %dma_wait3A_462 = arith.constant 0 : i32
        %dma_wait3A_463 = tpu.memref_slice %arg3[%dma_wait3A_459, %dma_wait3A_460, %dma_wait3A_461, %dma_wait3A_462] : memref<32x250x2x40xi32, #tpu.memory_space<hbm>> -> memref<1x1x2x40xi32, #tpu.memory_space<hbm>>
        %dma_wait3A_464 = tpu.memref_squeeze %dma_wait3A_463 : memref<1x1x2x40xi32, #tpu.memory_space<hbm>> -> memref<2x40xi32, #tpu.memory_space<hbm>>
        %dma_wait3A_465 = arith.constant 0 : i32
        %dma_wait3A_466 = arith.constant 0 : i32
        %dma_wait3A_467 = tpu.memref_slice %arg3[%dma_wait3A_459, %dma_wait3A_460, %dma_wait3A_465, %dma_wait3A_466] : memref<32x250x2x40xi32, #tpu.memory_space<hbm>> -> memref<1x1x2x40xi32, #tpu.memory_space<hbm>>
        %dma_wait3A_468 = tpu.memref_squeeze %dma_wait3A_467 : memref<1x1x2x40xi32, #tpu.memory_space<hbm>> -> memref<2x40xi32, #tpu.memory_space<hbm>>
        tpu.wait_dma2 semaphore(%arg24 : memref<!tpu.dma_semaphore, #tpu.memory_space<semaphore_mem>>) src(%dma_wait3A_468 : memref<2x40xi32, #tpu.memory_space<hbm>>) dst(%arg8 : memref<2x40xi32, #tpu.memory_space<vmem>>)
        %dma_start3A_469 = arith.constant 0 : i32
        %dma_start3A_470 = arith.constant 0 : i32
        %dma_start3A_471 = tpu.memref_slice %arg8[%dma_start3A_469, %dma_start3A_470] : memref<2x40xi32, #tpu.memory_space<vmem>> -> memref<1x40xi32, #tpu.memory_space<vmem>>
        %dma_start3A_472 = tpu.memref_squeeze %dma_start3A_471 : memref<1x40xi32, #tpu.memory_space<vmem>> -> memref<40xi32, #tpu.memory_space<vmem>>
        %dma_start3A_473 = arith.constant 0 : i32
        %dma_start3A_474 = arith.constant 0 : i32
        %dma_start3A_475 = tpu.memref_slice %arg2[%dma_start3A_473, %dma_start3A_474] : memref<10000x128xf32, #tpu.memory_space<hbm>> -> memref<10000x128xf32, #tpu.memory_space<hbm>>
        tpu.enqueue_indirect_dma source(%dma_start3A_475 : memref<10000x128xf32, #tpu.memory_space<hbm>>) target(%arg18 : memref<40x128xf32, #tpu.memory_space<vmem>>) offsets(%dma_start3A_472 : memref<40xi32, #tpu.memory_space<vmem>>) semaphore(%arg34 : memref<!tpu.dma_semaphore, #tpu.memory_space<semaphore_mem>>)
      } else {
      }
      %mul3A_381 = arith.constant 10 : i32
      %mul3A_382 = arith.muli %add3A_202, %mul3A_381 : i32
      %add3A_383 = arith.constant 7 : i32
      %add3A_384 = arith.addi %mul3A_382, %add3A_383 : i32
      %dma_wait3A_385 = arith.constant 0 : i32
      %dma_wait3A_386 = arith.constant 0 : i32
      %dma_wait3A_387 = tpu.memref_slice %arg7[%dma_wait3A_385, %dma_wait3A_386] : memref<2x40xi32, #tpu.memory_space<vmem>> -> memref<1x40xi32, #tpu.memory_space<vmem>>
      %dma_wait3A_388 = tpu.memref_squeeze %dma_wait3A_387 : memref<1x40xi32, #tpu.memory_space<vmem>> -> memref<40xi32, #tpu.memory_space<vmem>>
      %dma_wait3A_389 = arith.constant 0 : i32
      %dma_wait3A_390 = arith.constant 0 : i32
      %dma_wait3A_391 = tpu.memref_slice %arg2[%dma_wait3A_389, %dma_wait3A_390] : memref<10000x128xf32, #tpu.memory_space<hbm>> -> memref<10000x128xf32, #tpu.memory_space<hbm>>
      tpu.wait_indirect_dma semaphore(%arg35 : memref<!tpu.dma_semaphore, #tpu.memory_space<semaphore_mem>>) src(%dma_wait3A_391 : memref<10000x128xf32, #tpu.memory_space<hbm>>) dst(%arg19 : memref<40x128xf32, #tpu.memory_space<vmem>>)
      %run_scoped3A_392 = arith.constant 1 : i32
      "tpu.region"() ({
        %run_scoped3A_459 = tpu.sem_alloc : memref<!tpu.dma_semaphore, #tpu.memory_space<semaphore_mem>>
        %dma_start3A_460 = arith.constant 0 : i32
        %dma_start3A_461 = tpu.memref_slice %arg14[%run_scoped3A_392, %dma_start3A_460] : memref<2x40xi32, #tpu.memory_space<vmem>> -> memref<1x40xi32, #tpu.memory_space<vmem>>
        %dma_start3A_462 = tpu.memref_squeeze %dma_start3A_461 : memref<1x40xi32, #tpu.memory_space<vmem>> -> memref<40xi32, #tpu.memory_space<vmem>>
        %dma_start3A_463 = arith.constant 0 : i32
        %dma_start3A_464 = arith.constant 0 : i32
        %dma_start3A_465 = tpu.memref_slice %arg6[%dma_start3A_463, %dma_start3A_464] : memref<10240x128xf32, #tpu.memory_space<vmem_shared>> -> memref<10240x128xf32, #tpu.memory_space<vmem_shared>>
        tpu.enqueue_indirect_dma source(%arg19 : memref<40x128xf32, #tpu.memory_space<vmem>>) target(%dma_start3A_465 : memref<10240x128xf32, #tpu.memory_space<vmem_shared>>) offsets(%dma_start3A_462 : memref<40xi32, #tpu.memory_space<vmem>>) semaphore(%run_scoped3A_459 : memref<!tpu.dma_semaphore, #tpu.memory_space<semaphore_mem>>) {add = true}
        %dma_wait3A_466 = arith.constant 0 : i32
        %dma_wait3A_467 = tpu.memref_slice %arg14[%run_scoped3A_392, %dma_wait3A_466] : memref<2x40xi32, #tpu.memory_space<vmem>> -> memref<1x40xi32, #tpu.memory_space<vmem>>
        %dma_wait3A_468 = tpu.memref_squeeze %dma_wait3A_467 : memref<1x40xi32, #tpu.memory_space<vmem>> -> memref<40xi32, #tpu.memory_space<vmem>>
        %dma_wait3A_469 = arith.constant 0 : i32
        %dma_wait3A_470 = arith.constant 0 : i32
        %dma_wait3A_471 = tpu.memref_slice %arg6[%dma_wait3A_469, %dma_wait3A_470] : memref<10240x128xf32, #tpu.memory_space<vmem_shared>> -> memref<10240x128xf32, #tpu.memory_space<vmem_shared>>
        tpu.wait_indirect_dma semaphore(%run_scoped3A_459 : memref<!tpu.dma_semaphore, #tpu.memory_space<semaphore_mem>>) src(%arg19 : memref<40x128xf32, #tpu.memory_space<vmem>>) dst(%dma_wait3A_471 : memref<10240x128xf32, #tpu.memory_space<vmem_shared>>)
        tpu.yield
      }) : () -> ()
      %add3A_393 = arith.constant 10 : i32
      %add3A_394 = arith.addi %add3A_384, %add3A_393 : i32
      %lt3A_395 = arith.constant 250 : i32
      %lt3A_396 = arith.cmpi slt, %add3A_394, %lt3A_395 : i32
      %convert_element_type3A_397 = arith.extui %lt3A_396 : i1 to i32
      %cond3A_398 = arith.constant 0 : i32
      %cond3A_399 = arith.cmpi ne, %convert_element_type3A_397, %cond3A_398 : i32
      scf.if %cond3A_399 {
        %add3A_459 = arith.constant 10 : i32
        %add3A_460 = arith.addi %add3A_384, %add3A_459 : i32
        %dma_start3A_461 = arith.constant 0 : i32
        %dma_start3A_462 = arith.constant 0 : i32
        %dma_start3A_463 = tpu.memref_slice %arg3[%add3A, %add3A_460, %dma_start3A_461, %dma_start3A_462] : memref<32x250x2x40xi32, #tpu.memory_space<hbm>> -> memref<1x1x2x40xi32, #tpu.memory_space<hbm>>
        %dma_start3A_464 = tpu.memref_squeeze %dma_start3A_463 : memref<1x1x2x40xi32, #tpu.memory_space<hbm>> -> memref<2x40xi32, #tpu.memory_space<hbm>>
        %dma_start3A_465 = arith.constant 0 : i32
        %dma_start3A_466 = arith.constant 0 : i32
        %dma_start3A_467 = tpu.memref_slice %arg3[%add3A, %add3A_460, %dma_start3A_465, %dma_start3A_466] : memref<32x250x2x40xi32, #tpu.memory_space<hbm>> -> memref<1x1x2x40xi32, #tpu.memory_space<hbm>>
        %dma_start3A_468 = tpu.memref_squeeze %dma_start3A_467 : memref<1x1x2x40xi32, #tpu.memory_space<hbm>> -> memref<2x40xi32, #tpu.memory_space<hbm>>
        tpu.enqueue_dma source(%dma_start3A_468 : memref<2x40xi32, #tpu.memory_space<hbm>>) target(%arg14 : memref<2x40xi32, #tpu.memory_space<vmem>>) target_semaphore(%arg30 : memref<!tpu.dma_semaphore, #tpu.memory_space<semaphore_mem>>)
      } else {
      }
      %add3A_400 = arith.constant 5 : i32
      %add3A_401 = arith.addi %add3A_384, %add3A_400 : i32
      %lt3A_402 = arith.constant 250 : i32
      %lt3A_403 = arith.cmpi slt, %add3A_401, %lt3A_402 : i32
      %convert_element_type3A_404 = arith.extui %lt3A_403 : i1 to i32
      %cond3A_405 = arith.constant 0 : i32
      %cond3A_406 = arith.cmpi ne, %convert_element_type3A_404, %cond3A_405 : i32
      scf.if %cond3A_406 {
        %dma_wait3A_459 = arith.constant 0 : i32
        %dma_wait3A_460 = arith.constant 0 : i32
        %dma_wait3A_461 = arith.constant 0 : i32
        %dma_wait3A_462 = arith.constant 0 : i32
        %dma_wait3A_463 = tpu.memref_slice %arg3[%dma_wait3A_459, %dma_wait3A_460, %dma_wait3A_461, %dma_wait3A_462] : memref<32x250x2x40xi32, #tpu.memory_space<hbm>> -> memref<1x1x2x40xi32, #tpu.memory_space<hbm>>
        %dma_wait3A_464 = tpu.memref_squeeze %dma_wait3A_463 : memref<1x1x2x40xi32, #tpu.memory_space<hbm>> -> memref<2x40xi32, #tpu.memory_space<hbm>>
        %dma_wait3A_465 = arith.constant 0 : i32
        %dma_wait3A_466 = arith.constant 0 : i32
        %dma_wait3A_467 = tpu.memref_slice %arg3[%dma_wait3A_459, %dma_wait3A_460, %dma_wait3A_465, %dma_wait3A_466] : memref<32x250x2x40xi32, #tpu.memory_space<hbm>> -> memref<1x1x2x40xi32, #tpu.memory_space<hbm>>
        %dma_wait3A_468 = tpu.memref_squeeze %dma_wait3A_467 : memref<1x1x2x40xi32, #tpu.memory_space<hbm>> -> memref<2x40xi32, #tpu.memory_space<hbm>>
        tpu.wait_dma2 semaphore(%arg25 : memref<!tpu.dma_semaphore, #tpu.memory_space<semaphore_mem>>) src(%dma_wait3A_468 : memref<2x40xi32, #tpu.memory_space<hbm>>) dst(%arg9 : memref<2x40xi32, #tpu.memory_space<vmem>>)
        %dma_start3A_469 = arith.constant 0 : i32
        %dma_start3A_470 = arith.constant 0 : i32
        %dma_start3A_471 = tpu.memref_slice %arg9[%dma_start3A_469, %dma_start3A_470] : memref<2x40xi32, #tpu.memory_space<vmem>> -> memref<1x40xi32, #tpu.memory_space<vmem>>
        %dma_start3A_472 = tpu.memref_squeeze %dma_start3A_471 : memref<1x40xi32, #tpu.memory_space<vmem>> -> memref<40xi32, #tpu.memory_space<vmem>>
        %dma_start3A_473 = arith.constant 0 : i32
        %dma_start3A_474 = arith.constant 0 : i32
        %dma_start3A_475 = tpu.memref_slice %arg2[%dma_start3A_473, %dma_start3A_474] : memref<10000x128xf32, #tpu.memory_space<hbm>> -> memref<10000x128xf32, #tpu.memory_space<hbm>>
        tpu.enqueue_indirect_dma source(%dma_start3A_475 : memref<10000x128xf32, #tpu.memory_space<hbm>>) target(%arg19 : memref<40x128xf32, #tpu.memory_space<vmem>>) offsets(%dma_start3A_472 : memref<40xi32, #tpu.memory_space<vmem>>) semaphore(%arg35 : memref<!tpu.dma_semaphore, #tpu.memory_space<semaphore_mem>>)
      } else {
      }
      %mul3A_407 = arith.constant 10 : i32
      %mul3A_408 = arith.muli %add3A_202, %mul3A_407 : i32
      %add3A_409 = arith.constant 8 : i32
      %add3A_410 = arith.addi %mul3A_408, %add3A_409 : i32
      %dma_wait3A_411 = arith.constant 0 : i32
      %dma_wait3A_412 = arith.constant 0 : i32
      %dma_wait3A_413 = tpu.memref_slice %arg7[%dma_wait3A_411, %dma_wait3A_412] : memref<2x40xi32, #tpu.memory_space<vmem>> -> memref<1x40xi32, #tpu.memory_space<vmem>>
      %dma_wait3A_414 = tpu.memref_squeeze %dma_wait3A_413 : memref<1x40xi32, #tpu.memory_space<vmem>> -> memref<40xi32, #tpu.memory_space<vmem>>
      %dma_wait3A_415 = arith.constant 0 : i32
      %dma_wait3A_416 = arith.constant 0 : i32
      %dma_wait3A_417 = tpu.memref_slice %arg2[%dma_wait3A_415, %dma_wait3A_416] : memref<10000x128xf32, #tpu.memory_space<hbm>> -> memref<10000x128xf32, #tpu.memory_space<hbm>>
      tpu.wait_indirect_dma semaphore(%arg36 : memref<!tpu.dma_semaphore, #tpu.memory_space<semaphore_mem>>) src(%dma_wait3A_417 : memref<10000x128xf32, #tpu.memory_space<hbm>>) dst(%arg20 : memref<40x128xf32, #tpu.memory_space<vmem>>)
      %run_scoped3A_418 = arith.constant 1 : i32
      "tpu.region"() ({
        %run_scoped3A_459 = tpu.sem_alloc : memref<!tpu.dma_semaphore, #tpu.memory_space<semaphore_mem>>
        %dma_start3A_460 = arith.constant 0 : i32
        %dma_start3A_461 = tpu.memref_slice %arg15[%run_scoped3A_418, %dma_start3A_460] : memref<2x40xi32, #tpu.memory_space<vmem>> -> memref<1x40xi32, #tpu.memory_space<vmem>>
        %dma_start3A_462 = tpu.memref_squeeze %dma_start3A_461 : memref<1x40xi32, #tpu.memory_space<vmem>> -> memref<40xi32, #tpu.memory_space<vmem>>
        %dma_start3A_463 = arith.constant 0 : i32
        %dma_start3A_464 = arith.constant 0 : i32
        %dma_start3A_465 = tpu.memref_slice %arg6[%dma_start3A_463, %dma_start3A_464] : memref<10240x128xf32, #tpu.memory_space<vmem_shared>> -> memref<10240x128xf32, #tpu.memory_space<vmem_shared>>
        tpu.enqueue_indirect_dma source(%arg20 : memref<40x128xf32, #tpu.memory_space<vmem>>) target(%dma_start3A_465 : memref<10240x128xf32, #tpu.memory_space<vmem_shared>>) offsets(%dma_start3A_462 : memref<40xi32, #tpu.memory_space<vmem>>) semaphore(%run_scoped3A_459 : memref<!tpu.dma_semaphore, #tpu.memory_space<semaphore_mem>>) {add = true}
        %dma_wait3A_466 = arith.constant 0 : i32
        %dma_wait3A_467 = tpu.memref_slice %arg15[%run_scoped3A_418, %dma_wait3A_466] : memref<2x40xi32, #tpu.memory_space<vmem>> -> memref<1x40xi32, #tpu.memory_space<vmem>>
        %dma_wait3A_468 = tpu.memref_squeeze %dma_wait3A_467 : memref<1x40xi32, #tpu.memory_space<vmem>> -> memref<40xi32, #tpu.memory_space<vmem>>
        %dma_wait3A_469 = arith.constant 0 : i32
        %dma_wait3A_470 = arith.constant 0 : i32
        %dma_wait3A_471 = tpu.memref_slice %arg6[%dma_wait3A_469, %dma_wait3A_470] : memref<10240x128xf32, #tpu.memory_space<vmem_shared>> -> memref<10240x128xf32, #tpu.memory_space<vmem_shared>>
        tpu.wait_indirect_dma semaphore(%run_scoped3A_459 : memref<!tpu.dma_semaphore, #tpu.memory_space<semaphore_mem>>) src(%arg20 : memref<40x128xf32, #tpu.memory_space<vmem>>) dst(%dma_wait3A_471 : memref<10240x128xf32, #tpu.memory_space<vmem_shared>>)
        tpu.yield
      }) : () -> ()
      %add3A_419 = arith.constant 10 : i32
      %add3A_420 = arith.addi %add3A_410, %add3A_419 : i32
      %lt3A_421 = arith.constant 250 : i32
      %lt3A_422 = arith.cmpi slt, %add3A_420, %lt3A_421 : i32
      %convert_element_type3A_423 = arith.extui %lt3A_422 : i1 to i32
      %cond3A_424 = arith.constant 0 : i32
      %cond3A_425 = arith.cmpi ne, %convert_element_type3A_423, %cond3A_424 : i32
      scf.if %cond3A_425 {
        %add3A_459 = arith.constant 10 : i32
        %add3A_460 = arith.addi %add3A_410, %add3A_459 : i32
        %dma_start3A_461 = arith.constant 0 : i32
        %dma_start3A_462 = arith.constant 0 : i32
        %dma_start3A_463 = tpu.memref_slice %arg3[%add3A, %add3A_460, %dma_start3A_461, %dma_start3A_462] : memref<32x250x2x40xi32, #tpu.memory_space<hbm>> -> memref<1x1x2x40xi32, #tpu.memory_space<hbm>>
        %dma_start3A_464 = tpu.memref_squeeze %dma_start3A_463 : memref<1x1x2x40xi32, #tpu.memory_space<hbm>> -> memref<2x40xi32, #tpu.memory_space<hbm>>
        %dma_start3A_465 = arith.constant 0 : i32
        %dma_start3A_466 = arith.constant 0 : i32
        %dma_start3A_467 = tpu.memref_slice %arg3[%add3A, %add3A_460, %dma_start3A_465, %dma_start3A_466] : memref<32x250x2x40xi32, #tpu.memory_space<hbm>> -> memref<1x1x2x40xi32, #tpu.memory_space<hbm>>
        %dma_start3A_468 = tpu.memref_squeeze %dma_start3A_467 : memref<1x1x2x40xi32, #tpu.memory_space<hbm>> -> memref<2x40xi32, #tpu.memory_space<hbm>>
        tpu.enqueue_dma source(%dma_start3A_468 : memref<2x40xi32, #tpu.memory_space<hbm>>) target(%arg15 : memref<2x40xi32, #tpu.memory_space<vmem>>) target_semaphore(%arg31 : memref<!tpu.dma_semaphore, #tpu.memory_space<semaphore_mem>>)
      } else {
      }
      %add3A_426 = arith.constant 5 : i32
      %add3A_427 = arith.addi %add3A_410, %add3A_426 : i32
      %lt3A_428 = arith.constant 250 : i32
      %lt3A_429 = arith.cmpi slt, %add3A_427, %lt3A_428 : i32
      %convert_element_type3A_430 = arith.extui %lt3A_429 : i1 to i32
      %cond3A_431 = arith.constant 0 : i32
      %cond3A_432 = arith.cmpi ne, %convert_element_type3A_430, %cond3A_431 : i32
      scf.if %cond3A_432 {
        %dma_wait3A_459 = arith.constant 0 : i32
        %dma_wait3A_460 = arith.constant 0 : i32
        %dma_wait3A_461 = arith.constant 0 : i32
        %dma_wait3A_462 = arith.constant 0 : i32
        %dma_wait3A_463 = tpu.memref_slice %arg3[%dma_wait3A_459, %dma_wait3A_460, %dma_wait3A_461, %dma_wait3A_462] : memref<32x250x2x40xi32, #tpu.memory_space<hbm>> -> memref<1x1x2x40xi32, #tpu.memory_space<hbm>>
        %dma_wait3A_464 = tpu.memref_squeeze %dma_wait3A_463 : memref<1x1x2x40xi32, #tpu.memory_space<hbm>> -> memref<2x40xi32, #tpu.memory_space<hbm>>
        %dma_wait3A_465 = arith.constant 0 : i32
        %dma_wait3A_466 = arith.constant 0 : i32
        %dma_wait3A_467 = tpu.memref_slice %arg3[%dma_wait3A_459, %dma_wait3A_460, %dma_wait3A_465, %dma_wait3A_466] : memref<32x250x2x40xi32, #tpu.memory_space<hbm>> -> memref<1x1x2x40xi32, #tpu.memory_space<hbm>>
        %dma_wait3A_468 = tpu.memref_squeeze %dma_wait3A_467 : memref<1x1x2x40xi32, #tpu.memory_space<hbm>> -> memref<2x40xi32, #tpu.memory_space<hbm>>
        tpu.wait_dma2 semaphore(%arg26 : memref<!tpu.dma_semaphore, #tpu.memory_space<semaphore_mem>>) src(%dma_wait3A_468 : memref<2x40xi32, #tpu.memory_space<hbm>>) dst(%arg10 : memref<2x40xi32, #tpu.memory_space<vmem>>)
        %dma_start3A_469 = arith.constant 0 : i32
        %dma_start3A_470 = arith.constant 0 : i32
        %dma_start3A_471 = tpu.memref_slice %arg10[%dma_start3A_469, %dma_start3A_470] : memref<2x40xi32, #tpu.memory_space<vmem>> -> memref<1x40xi32, #tpu.memory_space<vmem>>
        %dma_start3A_472 = tpu.memref_squeeze %dma_start3A_471 : memref<1x40xi32, #tpu.memory_space<vmem>> -> memref<40xi32, #tpu.memory_space<vmem>>
        %dma_start3A_473 = arith.constant 0 : i32
        %dma_start3A_474 = arith.constant 0 : i32
        %dma_start3A_475 = tpu.memref_slice %arg2[%dma_start3A_473, %dma_start3A_474] : memref<10000x128xf32, #tpu.memory_space<hbm>> -> memref<10000x128xf32, #tpu.memory_space<hbm>>
        tpu.enqueue_indirect_dma source(%dma_start3A_475 : memref<10000x128xf32, #tpu.memory_space<hbm>>) target(%arg20 : memref<40x128xf32, #tpu.memory_space<vmem>>) offsets(%dma_start3A_472 : memref<40xi32, #tpu.memory_space<vmem>>) semaphore(%arg36 : memref<!tpu.dma_semaphore, #tpu.memory_space<semaphore_mem>>)
      } else {
      }
      %mul3A_433 = arith.constant 10 : i32
      %mul3A_434 = arith.muli %add3A_202, %mul3A_433 : i32
      %add3A_435 = arith.constant 9 : i32
      %add3A_436 = arith.addi %mul3A_434, %add3A_435 : i32
      %dma_wait3A_437 = arith.constant 0 : i32
      %dma_wait3A_438 = arith.constant 0 : i32
      %dma_wait3A_439 = tpu.memref_slice %arg7[%dma_wait3A_437, %dma_wait3A_438] : memref<2x40xi32, #tpu.memory_space<vmem>> -> memref<1x40xi32, #tpu.memory_space<vmem>>
      %dma_wait3A_440 = tpu.memref_squeeze %dma_wait3A_439 : memref<1x40xi32, #tpu.memory_space<vmem>> -> memref<40xi32, #tpu.memory_space<vmem>>
      %dma_wait3A_441 = arith.constant 0 : i32
      %dma_wait3A_442 = arith.constant 0 : i32
      %dma_wait3A_443 = tpu.memref_slice %arg2[%dma_wait3A_441, %dma_wait3A_442] : memref<10000x128xf32, #tpu.memory_space<hbm>> -> memref<10000x128xf32, #tpu.memory_space<hbm>>
      tpu.wait_indirect_dma semaphore(%arg37 : memref<!tpu.dma_semaphore, #tpu.memory_space<semaphore_mem>>) src(%dma_wait3A_443 : memref<10000x128xf32, #tpu.memory_space<hbm>>) dst(%arg21 : memref<40x128xf32, #tpu.memory_space<vmem>>)
      %run_scoped3A_444 = arith.constant 1 : i32
      "tpu.region"() ({
        %run_scoped3A_459 = tpu.sem_alloc : memref<!tpu.dma_semaphore, #tpu.memory_space<semaphore_mem>>
        %dma_start3A_460 = arith.constant 0 : i32
        %dma_start3A_461 = tpu.memref_slice %arg16[%run_scoped3A_444, %dma_start3A_460] : memref<2x40xi32, #tpu.memory_space<vmem>> -> memref<1x40xi32, #tpu.memory_space<vmem>>
        %dma_start3A_462 = tpu.memref_squeeze %dma_start3A_461 : memref<1x40xi32, #tpu.memory_space<vmem>> -> memref<40xi32, #tpu.memory_space<vmem>>
        %dma_start3A_463 = arith.constant 0 : i32
        %dma_start3A_464 = arith.constant 0 : i32
        %dma_start3A_465 = tpu.memref_slice %arg6[%dma_start3A_463, %dma_start3A_464] : memref<10240x128xf32, #tpu.memory_space<vmem_shared>> -> memref<10240x128xf32, #tpu.memory_space<vmem_shared>>
        tpu.enqueue_indirect_dma source(%arg21 : memref<40x128xf32, #tpu.memory_space<vmem>>) target(%dma_start3A_465 : memref<10240x128xf32, #tpu.memory_space<vmem_shared>>) offsets(%dma_start3A_462 : memref<40xi32, #tpu.memory_space<vmem>>) semaphore(%run_scoped3A_459 : memref<!tpu.dma_semaphore, #tpu.memory_space<semaphore_mem>>) {add = true}
        %dma_wait3A_466 = arith.constant 0 : i32
        %dma_wait3A_467 = tpu.memref_slice %arg16[%run_scoped3A_444, %dma_wait3A_466] : memref<2x40xi32, #tpu.memory_space<vmem>> -> memref<1x40xi32, #tpu.memory_space<vmem>>
        %dma_wait3A_468 = tpu.memref_squeeze %dma_wait3A_467 : memref<1x40xi32, #tpu.memory_space<vmem>> -> memref<40xi32, #tpu.memory_space<vmem>>
        %dma_wait3A_469 = arith.constant 0 : i32
        %dma_wait3A_470 = arith.constant 0 : i32
        %dma_wait3A_471 = tpu.memref_slice %arg6[%dma_wait3A_469, %dma_wait3A_470] : memref<10240x128xf32, #tpu.memory_space<vmem_shared>> -> memref<10240x128xf32, #tpu.memory_space<vmem_shared>>
        tpu.wait_indirect_dma semaphore(%run_scoped3A_459 : memref<!tpu.dma_semaphore, #tpu.memory_space<semaphore_mem>>) src(%arg21 : memref<40x128xf32, #tpu.memory_space<vmem>>) dst(%dma_wait3A_471 : memref<10240x128xf32, #tpu.memory_space<vmem_shared>>)
        tpu.yield
      }) : () -> ()
      %add3A_445 = arith.constant 10 : i32
      %add3A_446 = arith.addi %add3A_436, %add3A_445 : i32
      %lt3A_447 = arith.constant 250 : i32
      %lt3A_448 = arith.cmpi slt, %add3A_446, %lt3A_447 : i32
      %convert_element_type3A_449 = arith.extui %lt3A_448 : i1 to i32
      %cond3A_450 = arith.constant 0 : i32
      %cond3A_451 = arith.cmpi ne, %convert_element_type3A_449, %cond3A_450 : i32
      scf.if %cond3A_451 {
        %add3A_459 = arith.constant 10 : i32
        %add3A_460 = arith.addi %add3A_436, %add3A_459 : i32
        %dma_start3A_461 = arith.constant 0 : i32
        %dma_start3A_462 = arith.constant 0 : i32
        %dma_start3A_463 = tpu.memref_slice %arg3[%add3A, %add3A_460, %dma_start3A_461, %dma_start3A_462] : memref<32x250x2x40xi32, #tpu.memory_space<hbm>> -> memref<1x1x2x40xi32, #tpu.memory_space<hbm>>
        %dma_start3A_464 = tpu.memref_squeeze %dma_start3A_463 : memref<1x1x2x40xi32, #tpu.memory_space<hbm>> -> memref<2x40xi32, #tpu.memory_space<hbm>>
        %dma_start3A_465 = arith.constant 0 : i32
        %dma_start3A_466 = arith.constant 0 : i32
        %dma_start3A_467 = tpu.memref_slice %arg3[%add3A, %add3A_460, %dma_start3A_465, %dma_start3A_466] : memref<32x250x2x40xi32, #tpu.memory_space<hbm>> -> memref<1x1x2x40xi32, #tpu.memory_space<hbm>>
        %dma_start3A_468 = tpu.memref_squeeze %dma_start3A_467 : memref<1x1x2x40xi32, #tpu.memory_space<hbm>> -> memref<2x40xi32, #tpu.memory_space<hbm>>
        tpu.enqueue_dma source(%dma_start3A_468 : memref<2x40xi32, #tpu.memory_space<hbm>>) target(%arg16 : memref<2x40xi32, #tpu.memory_space<vmem>>) target_semaphore(%arg32 : memref<!tpu.dma_semaphore, #tpu.memory_space<semaphore_mem>>)
      } else {
      }
      %add3A_452 = arith.constant 5 : i32
      %add3A_453 = arith.addi %add3A_436, %add3A_452 : i32
      %lt3A_454 = arith.constant 250 : i32
      %lt3A_455 = arith.cmpi slt, %add3A_453, %lt3A_454 : i32
      %convert_element_type3A_456 = arith.extui %lt3A_455 : i1 to i32
      %cond3A_457 = arith.constant 0 : i32
      %cond3A_458 = arith.cmpi ne, %convert_element_type3A_456, %cond3A_457 : i32
      scf.if %cond3A_458 {
        %dma_wait3A_459 = arith.constant 0 : i32
        %dma_wait3A_460 = arith.constant 0 : i32
        %dma_wait3A_461 = arith.constant 0 : i32
        %dma_wait3A_462 = arith.constant 0 : i32
        %dma_wait3A_463 = tpu.memref_slice %arg3[%dma_wait3A_459, %dma_wait3A_460, %dma_wait3A_461, %dma_wait3A_462] : memref<32x250x2x40xi32, #tpu.memory_space<hbm>> -> memref<1x1x2x40xi32, #tpu.memory_space<hbm>>
        %dma_wait3A_464 = tpu.memref_squeeze %dma_wait3A_463 : memref<1x1x2x40xi32, #tpu.memory_space<hbm>> -> memref<2x40xi32, #tpu.memory_space<hbm>>
        %dma_wait3A_465 = arith.constant 0 : i32
        %dma_wait3A_466 = arith.constant 0 : i32
        %dma_wait3A_467 = tpu.memref_slice %arg3[%dma_wait3A_459, %dma_wait3A_460, %dma_wait3A_465, %dma_wait3A_466] : memref<32x250x2x40xi32, #tpu.memory_space<hbm>> -> memref<1x1x2x40xi32, #tpu.memory_space<hbm>>
        %dma_wait3A_468 = tpu.memref_squeeze %dma_wait3A_467 : memref<1x1x2x40xi32, #tpu.memory_space<hbm>> -> memref<2x40xi32, #tpu.memory_space<hbm>>
        tpu.wait_dma2 semaphore(%arg27 : memref<!tpu.dma_semaphore, #tpu.memory_space<semaphore_mem>>) src(%dma_wait3A_468 : memref<2x40xi32, #tpu.memory_space<hbm>>) dst(%arg11 : memref<2x40xi32, #tpu.memory_space<vmem>>)
        %dma_start3A_469 = arith.constant 0 : i32
        %dma_start3A_470 = arith.constant 0 : i32
        %dma_start3A_471 = tpu.memref_slice %arg11[%dma_start3A_469, %dma_start3A_470] : memref<2x40xi32, #tpu.memory_space<vmem>> -> memref<1x40xi32, #tpu.memory_space<vmem>>
        %dma_start3A_472 = tpu.memref_squeeze %dma_start3A_471 : memref<1x40xi32, #tpu.memory_space<vmem>> -> memref<40xi32, #tpu.memory_space<vmem>>
        %dma_start3A_473 = arith.constant 0 : i32
        %dma_start3A_474 = arith.constant 0 : i32
        %dma_start3A_475 = tpu.memref_slice %arg2[%dma_start3A_473, %dma_start3A_474] : memref<10000x128xf32, #tpu.memory_space<hbm>> -> memref<10000x128xf32, #tpu.memory_space<hbm>>
        tpu.enqueue_indirect_dma source(%dma_start3A_475 : memref<10000x128xf32, #tpu.memory_space<hbm>>) target(%arg21 : memref<40x128xf32, #tpu.memory_space<vmem>>) offsets(%dma_start3A_472 : memref<40xi32, #tpu.memory_space<vmem>>) semaphore(%arg37 : memref<!tpu.dma_semaphore, #tpu.memory_space<semaphore_mem>>)
      } else {
      }
    }
    %scan3A_187 = arith.constant 25 : i32
    %barrier3A_188 = arith.constant 0 : index
    tpu.barrier barrier_id(%barrier3A_188)
    %scan3A_189 = arith.constant 0 : i32
    %mul3A_190 = arith.constant 1 : i32
    %mul3A_191 = arith.muli %scan3A_189, %mul3A_190 : i32
    %add3A_192 = arith.constant 0 : i32
    %add3A_193 = arith.addi %add3A_192, %mul3A_191 : i32
    %mul3A_194 = arith.constant 640 : i32
    %mul3A_195 = arith.muli %add3A_193, %mul3A_194 : i32
    %add3A_196 = arith.addi %mul3A_2, %mul3A_195 : i32
    "tpu.region"() ({
      %run_scoped3A = tpu.sem_alloc : memref<!tpu.dma_semaphore, #tpu.memory_space<semaphore_mem>>
      %dma_start3A_198 = arith.constant 0 : i32
      %dma_start3A_199 = tpu.memref_slice %arg5[%arg0, %add3A_196, %dma_start3A_198] : memref<2x10240x128xf32, #tpu.memory_space<hbm>> -> memref<1x640x128xf32, #tpu.memory_space<hbm>>
      %dma_start3A_200 = tpu.memref_squeeze %dma_start3A_199 : memref<1x640x128xf32, #tpu.memory_space<hbm>> -> memref<640x128xf32, #tpu.memory_space<hbm>>
      %dma_start3A_201 = arith.constant 0 : i32
      %dma_start3A_202 = tpu.memref_slice %arg6[%add3A_196, %dma_start3A_201] : memref<10240x128xf32, #tpu.memory_space<vmem_shared>> -> memref<640x128xf32, #tpu.memory_space<vmem_shared>>
      tpu.enqueue_dma source(%dma_start3A_202 : memref<640x128xf32, #tpu.memory_space<vmem_shared>>) target(%dma_start3A_200 : memref<640x128xf32, #tpu.memory_space<hbm>>) target_semaphore(%run_scoped3A : memref<!tpu.dma_semaphore, #tpu.memory_space<semaphore_mem>>)
      %dma_wait3A_203 = arith.constant 0 : i32
      %dma_wait3A_204 = tpu.memref_slice %arg5[%arg0, %add3A_196, %dma_wait3A_203] : memref<2x10240x128xf32, #tpu.memory_space<hbm>> -> memref<1x640x128xf32, #tpu.memory_space<hbm>>
      %dma_wait3A_205 = tpu.memref_squeeze %dma_wait3A_204 : memref<1x640x128xf32, #tpu.memory_space<hbm>> -> memref<640x128xf32, #tpu.memory_space<hbm>>
      %dma_wait3A_206 = arith.constant 0 : i32
      %dma_wait3A_207 = tpu.memref_slice %arg6[%add3A_196, %dma_wait3A_206] : memref<10240x128xf32, #tpu.memory_space<vmem_shared>> -> memref<640x128xf32, #tpu.memory_space<vmem_shared>>
      tpu.wait_dma2 semaphore(%run_scoped3A : memref<!tpu.dma_semaphore, #tpu.memory_space<semaphore_mem>>) src(%dma_wait3A_207 : memref<640x128xf32, #tpu.memory_space<vmem_shared>>) dst(%dma_wait3A_205 : memref<640x128xf32, #tpu.memory_space<hbm>>)
      tpu.yield
    }) : () -> ()
    %scan3A_197 = arith.constant 1 : i32
    return
  }
}

module attributes {stable_mosaic.version = 14 : i64} {
  func.func @_scale_matmul_body(%arg0: i32, %arg1: memref<1x2000x128xf32, #tpu.memory_space<vmem>>, %arg2: memref<1x2000x128xf32, #tpu.memory_space<vmem>>, %arg3: memref<2000x128xf32, #tpu.memory_space<vmem>>, %arg4: memref<128x128xf32, #tpu.memory_space<vmem>>, %arg5: memref<2000x128xf32, #tpu.memory_space<vmem>>) attributes {dimension_semantics = [#tpu.dimension_semantics<parallel>], iteration_bounds = array<i64: 5>, scalar_prefetch = 0 : i64, scratch_operands = 0 : i64, tpu.core_type = #tpu.core_type<tc>, window_params = [{transform_indices = @transform_0, window_bounds = array<i64: 1, 2000, 128>}, {transform_indices = @transform_1, window_bounds = array<i64: 1, 2000, 128>}, {transform_indices = @transform_2, window_bounds = array<i64: 2000, 128>}, {pipeline_mode = #tpu.pipeline_mode<synchronous>, transform_indices = @transform_3, window_bounds = array<i64: 128, 128>}, {transform_indices = @transform_4, window_bounds = array<i64: 2000, 128>}]} {
    %get3A = arith.constant 0 : index
    %get3A_0 = arith.constant 0 : index
    %get3A_1 = arith.constant 0 : index
    %get3A_2 = vector.load %arg1[%get3A, %get3A_0, %get3A_1] : memref<1x2000x128xf32, #tpu.memory_space<vmem>>, vector<1x2000x128xf32>
    %get3A_3 = vector.shape_cast %get3A_2 : vector<1x2000x128xf32> to vector<2000x128xf32>
    %get3A_4 = arith.constant 0 : index
    %get3A_5 = arith.constant 0 : index
    %get3A_6 = arith.constant 0 : index
    %get3A_7 = vector.load %arg2[%get3A_4, %get3A_5, %get3A_6] : memref<1x2000x128xf32, #tpu.memory_space<vmem>>, vector<1x2000x128xf32>
    %get3A_8 = vector.shape_cast %get3A_7 : vector<1x2000x128xf32> to vector<2000x128xf32>
    %reduce_max3A = arith.constant dense<0xFF800000> : vector<2000xf32>
    %reduce_max3A_9 = vector.multi_reduction <maximumf>, %get3A_3, %reduce_max3A [1] : vector<2000x128xf32> to vector<2000xf32>
    %broadcast_in_dim3A = vector.shape_cast %reduce_max3A_9 : vector<2000xf32> to vector<2000x1xf32>
    %reduce_max3A_10 = arith.constant dense<0xFF800000> : vector<2000xf32>
    %reduce_max3A_11 = vector.multi_reduction <maximumf>, %get3A_8, %reduce_max3A_10 [1] : vector<2000x128xf32> to vector<2000xf32>
    %broadcast_in_dim3A_12 = vector.shape_cast %reduce_max3A_11 : vector<2000xf32> to vector<2000x1xf32>
    %add3A = arith.addf %broadcast_in_dim3A, %broadcast_in_dim3A_12 : vector<2000x1xf32>
    %add3A_13 = arith.constant 1.000000e+00 : f32
    %add3A_14 = vector.broadcast %add3A_13 : f32 to vector<2000x1xf32>
    %add3A_15 = arith.addf %add3A, %add3A_14 : vector<2000x1xf32>
    %rsqrt3A = math.rsqrt %add3A_15 : vector<2000x1xf32>
    %get3A_16 = arith.constant 0 : index
    %get3A_17 = arith.constant 0 : index
    %get3A_18 = vector.load %arg3[%get3A_16, %get3A_17] : memref<2000x128xf32, #tpu.memory_space<vmem>>, vector<2000x128xf32>
    %get3A_19 = arith.constant 0 : index
    %get3A_20 = arith.constant 0 : index
    %get3A_21 = vector.load %arg4[%get3A_19, %get3A_20] : memref<128x128xf32, #tpu.memory_space<vmem>>, vector<128x128xf32>
    %dot_general3A = arith.constant dense<0.000000e+00> : vector<2000x128xf32>
    %dot_general3A_22 = tpu.matmul %get3A_18, %get3A_21, %dot_general3A {dimension_numbers = #tpu.dot_dimension_numbers<[1], [0], [0], [1], [0, 0, 1, 1], [], []>, transpose_lhs_hint = false} : vector<2000x128xf32>, vector<128x128xf32>, vector<2000x128xf32> -> vector<2000x128xf32>
    %mul3A = vector.broadcast %rsqrt3A : vector<2000x1xf32> to vector<2000x128xf32>
    %mul3A_23 = arith.mulf %dot_general3A_22, %mul3A : vector<2000x128xf32>
    %swap3A = arith.constant 0 : index
    %swap3A_24 = arith.constant 0 : index
    %swap3A_25 = vector.load %arg5[%swap3A, %swap3A_24] : memref<2000x128xf32, #tpu.memory_space<vmem>>, vector<2000x128xf32>
    tpu.vector_store %arg5[%swap3A, %swap3A_24], %mul3A_23 {strides = array<i32>} : memref<2000x128xf32, #tpu.memory_space<vmem>>, vector<2000x128xf32>,
    return
  }
  func.func @transform_0(%arg0: i32) -> (i32, i32, i32) {
    %c0_i32 = arith.constant 0 : i32
    %c0_i32_0 = arith.constant 0 : i32
    %c0_i32_1 = arith.constant 0 : i32
    return %c0_i32, %arg0, %c0_i32_0 : i32, i32, i32
  }
  func.func @transform_1(%arg0: i32) -> (i32, i32, i32) {
    %c1_i32 = arith.constant 1 : i32
    %c0_i32 = arith.constant 0 : i32
    %c0_i32_0 = arith.constant 0 : i32
    return %c1_i32, %arg0, %c0_i32 : i32, i32, i32
  }
  func.func @transform_2(%arg0: i32) -> (i32, i32) {
    %c0_i32 = arith.constant 0 : i32
    %c0_i32_0 = arith.constant 0 : i32
    return %arg0, %c0_i32 : i32, i32
  }
  func.func @transform_3(%arg0: i32) -> (i32, i32) {
    %c0_i32 = arith.constant 0 : i32
    %c0_i32_0 = arith.constant 0 : i32
    %c0_i32_1 = arith.constant 0 : i32
    return %c0_i32, %c0_i32_0 : i32, i32
  }
  func.func @transform_4(%arg0: i32) -> (i32, i32) {
    %c0_i32 = arith.constant 0 : i32
    %c0_i32_0 = arith.constant 0 : i32
    return %arg0, %c0_i32 : i32, i32
  }
}

module attributes {stable_mosaic.version = 14 : i64} {
  func.func @_mid_body(%arg0: i32, %arg1: memref<1x2000x128xf32, #tpu.memory_space<vmem>>, %arg2: memref<1x2000x128xf32, #tpu.memory_space<vmem>>, %arg3: memref<2x2000x128xf32, #tpu.memory_space<vmem>>, %arg4: memref<2000x128xf32, #tpu.memory_space<vmem>>, %arg5: memref<1x128xf32, #tpu.memory_space<vmem>>, %arg6: memref<128x128xf32, #tpu.memory_space<vmem>>, %arg7: memref<2000x128xf32, #tpu.memory_space<vmem>>) attributes {dimension_semantics = [#tpu.dimension_semantics<parallel>], iteration_bounds = array<i64: 5>, scalar_prefetch = 0 : i64, scratch_operands = 0 : i64, tpu.core_type = #tpu.core_type<tc>, window_params = [{transform_indices = @transform_0, window_bounds = array<i64: 1, 2000, 128>}, {transform_indices = @transform_1, window_bounds = array<i64: 1, 2000, 128>}, {transform_indices = @transform_2, window_bounds = array<i64: 2, 2000, 128>}, {transform_indices = @transform_3, window_bounds = array<i64: 2000, 128>}, {pipeline_mode = #tpu.pipeline_mode<synchronous>, transform_indices = @transform_4, window_bounds = array<i64: 1, 128>}, {pipeline_mode = #tpu.pipeline_mode<synchronous>, transform_indices = @transform_5, window_bounds = array<i64: 128, 128>}, {transform_indices = @transform_6, window_bounds = array<i64: 2000, 128>}]} {
    %get3A = arith.constant 0 : index
    %get3A_0 = arith.constant 0 : index
    %get3A_1 = arith.constant 0 : index
    %get3A_2 = vector.load %arg1[%get3A, %get3A_0, %get3A_1] : memref<1x2000x128xf32, #tpu.memory_space<vmem>>, vector<1x2000x128xf32>
    %get3A_3 = vector.shape_cast %get3A_2 : vector<1x2000x128xf32> to vector<2000x128xf32>
    %get3A_4 = arith.constant 0 : index
    %get3A_5 = arith.constant 0 : index
    %get3A_6 = arith.constant 0 : index
    %get3A_7 = vector.load %arg2[%get3A_4, %get3A_5, %get3A_6] : memref<1x2000x128xf32, #tpu.memory_space<vmem>>, vector<1x2000x128xf32>
    %get3A_8 = vector.shape_cast %get3A_7 : vector<1x2000x128xf32> to vector<2000x128xf32>
    %reduce_max3A = arith.constant dense<0xFF800000> : vector<2000xf32>
    %reduce_max3A_9 = vector.multi_reduction <maximumf>, %get3A_3, %reduce_max3A [1] : vector<2000x128xf32> to vector<2000xf32>
    %broadcast_in_dim3A = vector.shape_cast %reduce_max3A_9 : vector<2000xf32> to vector<2000x1xf32>
    %reduce_max3A_10 = arith.constant dense<0xFF800000> : vector<2000xf32>
    %reduce_max3A_11 = vector.multi_reduction <maximumf>, %get3A_8, %reduce_max3A_10 [1] : vector<2000x128xf32> to vector<2000xf32>
    %broadcast_in_dim3A_12 = vector.shape_cast %reduce_max3A_11 : vector<2000xf32> to vector<2000x1xf32>
    %add3A = arith.addf %broadcast_in_dim3A, %broadcast_in_dim3A_12 : vector<2000x1xf32>
    %add3A_13 = arith.constant 1.000000e+00 : f32
    %add3A_14 = vector.broadcast %add3A_13 : f32 to vector<2000x1xf32>
    %add3A_15 = arith.addf %add3A, %add3A_14 : vector<2000x1xf32>
    %rsqrt3A = math.rsqrt %add3A_15 : vector<2000x1xf32>
    %get3A_16 = arith.constant 0 : index
    %get3A_17 = arith.constant 0 : index
    %get3A_18 = arith.constant 0 : index
    %get3A_19 = vector.load %arg3[%get3A_16, %get3A_17, %get3A_18] : memref<2x2000x128xf32, #tpu.memory_space<vmem>>, vector<1x2000x128xf32>
    %get3A_20 = vector.shape_cast %get3A_19 : vector<1x2000x128xf32> to vector<2000x128xf32>
    %get3A_21 = arith.constant 1 : index
    %get3A_22 = arith.constant 0 : index
    %get3A_23 = arith.constant 0 : index
    %get3A_24 = vector.load %arg3[%get3A_21, %get3A_22, %get3A_23] : memref<2x2000x128xf32, #tpu.memory_space<vmem>>, vector<1x2000x128xf32>
    %get3A_25 = vector.shape_cast %get3A_24 : vector<1x2000x128xf32> to vector<2000x128xf32>
    %add3A_26 = arith.addf %get3A_20, %get3A_25 : vector<2000x128xf32>
    %get3A_27 = arith.constant 0 : index
    %get3A_28 = arith.constant 0 : index
    %get3A_29 = vector.load %arg4[%get3A_27, %get3A_28] : memref<2000x128xf32, #tpu.memory_space<vmem>>, vector<2000x128xf32>
    %add3A_30 = arith.addf %add3A_26, %get3A_29 : vector<2000x128xf32>
    %mul3A = vector.broadcast %rsqrt3A : vector<2000x1xf32> to vector<2000x128xf32>
    %mul3A_31 = arith.mulf %mul3A, %add3A_30 : vector<2000x128xf32>
    %get3A_32 = arith.constant 0 : index
    %get3A_33 = arith.constant 0 : index
    %get3A_34 = vector.load %arg5[%get3A_32, %get3A_33] : memref<1x128xf32, #tpu.memory_space<vmem>>, vector<1x128xf32>
    %add3A_35 = vector.broadcast %get3A_34 : vector<1x128xf32> to vector<2000x128xf32>
    %add3A_36 = arith.addf %mul3A_31, %add3A_35 : vector<2000x128xf32>
    %max3A = arith.constant 0.000000e+00 : f32
    %max3A_37 = vector.broadcast %max3A : f32 to vector<2000x128xf32>
    %max3A_38 = arith.maximumf %add3A_36, %max3A_37 : vector<2000x128xf32>
    %get3A_39 = arith.constant 0 : index
    %get3A_40 = arith.constant 0 : index
    %get3A_41 = vector.load %arg6[%get3A_39, %get3A_40] : memref<128x128xf32, #tpu.memory_space<vmem>>, vector<128x128xf32>
    %dot_general3A = arith.constant dense<0.000000e+00> : vector<2000x128xf32>
    %dot_general3A_42 = tpu.matmul %max3A_38, %get3A_41, %dot_general3A {dimension_numbers = #tpu.dot_dimension_numbers<[1], [0], [0], [1], [0, 0, 1, 1], [], []>, transpose_lhs_hint = false} : vector<2000x128xf32>, vector<128x128xf32>, vector<2000x128xf32> -> vector<2000x128xf32>
    %mul3A_43 = vector.broadcast %rsqrt3A : vector<2000x1xf32> to vector<2000x128xf32>
    %mul3A_44 = arith.mulf %dot_general3A_42, %mul3A_43 : vector<2000x128xf32>
    %swap3A = arith.constant 0 : index
    %swap3A_45 = arith.constant 0 : index
    %swap3A_46 = vector.load %arg7[%swap3A, %swap3A_45] : memref<2000x128xf32, #tpu.memory_space<vmem>>, vector<2000x128xf32>
    tpu.vector_store %arg7[%swap3A, %swap3A_45], %mul3A_44 {strides = array<i32>} : memref<2000x128xf32, #tpu.memory_space<vmem>>, vector<2000x128xf32>,
    return
  }
  func.func @transform_0(%arg0: i32) -> (i32, i32, i32) {
    %c0_i32 = arith.constant 0 : i32
    %c0_i32_0 = arith.constant 0 : i32
    %c0_i32_1 = arith.constant 0 : i32
    return %c0_i32, %arg0, %c0_i32_0 : i32, i32, i32
  }
  func.func @transform_1(%arg0: i32) -> (i32, i32, i32) {
    %c1_i32 = arith.constant 1 : i32
    %c0_i32 = arith.constant 0 : i32
    %c0_i32_0 = arith.constant 0 : i32
    return %c1_i32, %arg0, %c0_i32 : i32, i32, i32
  }
  func.func @transform_2(%arg0: i32) -> (i32, i32, i32) {
    %c0_i32 = arith.constant 0 : i32
    %c0_i32_0 = arith.constant 0 : i32
    %c0_i32_1 = arith.constant 0 : i32
    return %c0_i32, %arg0, %c0_i32_0 : i32, i32, i32
  }
  func.func @transform_3(%arg0: i32) -> (i32, i32) {
    %c0_i32 = arith.constant 0 : i32
    %c0_i32_0 = arith.constant 0 : i32
    return %arg0, %c0_i32 : i32, i32
  }
  func.func @transform_4(%arg0: i32) -> (i32, i32) {
    %c0_i32 = arith.constant 0 : i32
    %c0_i32_0 = arith.constant 0 : i32
    %c0_i32_1 = arith.constant 0 : i32
    return %c0_i32, %c0_i32_0 : i32, i32
  }
  func.func @transform_5(%arg0: i32) -> (i32, i32) {
    %c0_i32 = arith.constant 0 : i32
    %c0_i32_0 = arith.constant 0 : i32
    %c0_i32_1 = arith.constant 0 : i32
    return %c0_i32, %c0_i32_0 : i32, i32
  }
  func.func @transform_6(%arg0: i32) -> (i32, i32) {
    %c0_i32 = arith.constant 0 : i32
    %c0_i32_0 = arith.constant 0 : i32
    return %arg0, %c0_i32 : i32, i32
  }
}

module attributes {stable_mosaic.version = 14 : i64} {
  func.func @_final_body(%arg0: i32, %arg1: memref<1x2000x128xf32, #tpu.memory_space<vmem>>, %arg2: memref<1x2000x128xf32, #tpu.memory_space<vmem>>, %arg3: memref<2x2000x128xf32, #tpu.memory_space<vmem>>, %arg4: memref<2000x128xf32, #tpu.memory_space<vmem>>, %arg5: memref<1x128xf32, #tpu.memory_space<vmem>>, %arg6: memref<2000x128xf32, #tpu.memory_space<vmem>>) attributes {dimension_semantics = [#tpu.dimension_semantics<parallel>], iteration_bounds = array<i64: 5>, scalar_prefetch = 0 : i64, scratch_operands = 0 : i64, tpu.core_type = #tpu.core_type<tc>, window_params = [{transform_indices = @transform_0, window_bounds = array<i64: 1, 2000, 128>}, {transform_indices = @transform_1, window_bounds = array<i64: 1, 2000, 128>}, {transform_indices = @transform_2, window_bounds = array<i64: 2, 2000, 128>}, {transform_indices = @transform_3, window_bounds = array<i64: 2000, 128>}, {pipeline_mode = #tpu.pipeline_mode<synchronous>, transform_indices = @transform_4, window_bounds = array<i64: 1, 128>}, {transform_indices = @transform_5, window_bounds = array<i64: 2000, 128>}]} {
    %get3A = arith.constant 0 : index
    %get3A_0 = arith.constant 0 : index
    %get3A_1 = arith.constant 0 : index
    %get3A_2 = vector.load %arg1[%get3A, %get3A_0, %get3A_1] : memref<1x2000x128xf32, #tpu.memory_space<vmem>>, vector<1x2000x128xf32>
    %get3A_3 = vector.shape_cast %get3A_2 : vector<1x2000x128xf32> to vector<2000x128xf32>
    %get3A_4 = arith.constant 0 : index
    %get3A_5 = arith.constant 0 : index
    %get3A_6 = arith.constant 0 : index
    %get3A_7 = vector.load %arg2[%get3A_4, %get3A_5, %get3A_6] : memref<1x2000x128xf32, #tpu.memory_space<vmem>>, vector<1x2000x128xf32>
    %get3A_8 = vector.shape_cast %get3A_7 : vector<1x2000x128xf32> to vector<2000x128xf32>
    %reduce_max3A = arith.constant dense<0xFF800000> : vector<2000xf32>
    %reduce_max3A_9 = vector.multi_reduction <maximumf>, %get3A_3, %reduce_max3A [1] : vector<2000x128xf32> to vector<2000xf32>
    %broadcast_in_dim3A = vector.shape_cast %reduce_max3A_9 : vector<2000xf32> to vector<2000x1xf32>
    %reduce_max3A_10 = arith.constant dense<0xFF800000> : vector<2000xf32>
    %reduce_max3A_11 = vector.multi_reduction <maximumf>, %get3A_8, %reduce_max3A_10 [1] : vector<2000x128xf32> to vector<2000xf32>
    %broadcast_in_dim3A_12 = vector.shape_cast %reduce_max3A_11 : vector<2000xf32> to vector<2000x1xf32>
    %add3A = arith.addf %broadcast_in_dim3A, %broadcast_in_dim3A_12 : vector<2000x1xf32>
    %add3A_13 = arith.constant 1.000000e+00 : f32
    %add3A_14 = vector.broadcast %add3A_13 : f32 to vector<2000x1xf32>
    %add3A_15 = arith.addf %add3A, %add3A_14 : vector<2000x1xf32>
    %rsqrt3A = math.rsqrt %add3A_15 : vector<2000x1xf32>
    %get3A_16 = arith.constant 0 : index
    %get3A_17 = arith.constant 0 : index
    %get3A_18 = arith.constant 0 : index
    %get3A_19 = vector.load %arg3[%get3A_16, %get3A_17, %get3A_18] : memref<2x2000x128xf32, #tpu.memory_space<vmem>>, vector<1x2000x128xf32>
    %get3A_20 = vector.shape_cast %get3A_19 : vector<1x2000x128xf32> to vector<2000x128xf32>
    %get3A_21 = arith.constant 1 : index
    %get3A_22 = arith.constant 0 : index
    %get3A_23 = arith.constant 0 : index
    %get3A_24 = vector.load %arg3[%get3A_21, %get3A_22, %get3A_23] : memref<2x2000x128xf32, #tpu.memory_space<vmem>>, vector<1x2000x128xf32>
    %get3A_25 = vector.shape_cast %get3A_24 : vector<1x2000x128xf32> to vector<2000x128xf32>
    %add3A_26 = arith.addf %get3A_20, %get3A_25 : vector<2000x128xf32>
    %get3A_27 = arith.constant 0 : index
    %get3A_28 = arith.constant 0 : index
    %get3A_29 = vector.load %arg4[%get3A_27, %get3A_28] : memref<2000x128xf32, #tpu.memory_space<vmem>>, vector<2000x128xf32>
    %add3A_30 = arith.addf %add3A_26, %get3A_29 : vector<2000x128xf32>
    %mul3A = vector.broadcast %rsqrt3A : vector<2000x1xf32> to vector<2000x128xf32>
    %mul3A_31 = arith.mulf %mul3A, %add3A_30 : vector<2000x128xf32>
    %get3A_32 = arith.constant 0 : index
    %get3A_33 = arith.constant 0 : index
    %get3A_34 = vector.load %arg5[%get3A_32, %get3A_33] : memref<1x128xf32, #tpu.memory_space<vmem>>, vector<1x128xf32>
    %add3A_35 = vector.broadcast %get3A_34 : vector<1x128xf32> to vector<2000x128xf32>
    %add3A_36 = arith.addf %mul3A_31, %add3A_35 : vector<2000x128xf32>
    %reduce_max3A_37 = arith.constant dense<0xFF800000> : vector<2000xf32>
    %reduce_max3A_38 = vector.multi_reduction <maximumf>, %add3A_36, %reduce_max3A_37 [1] : vector<2000x128xf32> to vector<2000xf32>
    %broadcast_in_dim3A_39 = vector.shape_cast %reduce_max3A_38 : vector<2000xf32> to vector<2000x1xf32>
    %sub3A = vector.broadcast %broadcast_in_dim3A_39 : vector<2000x1xf32> to vector<2000x128xf32>
    %sub3A_40 = arith.subf %add3A_36, %sub3A : vector<2000x128xf32>
    %exp3A = math.exp %sub3A_40 : vector<2000x128xf32>
    %reduce_sum3A = arith.constant dense<0.000000e+00> : vector<2000xf32>
    %reduce_sum3A_41 = vector.multi_reduction <add>, %exp3A, %reduce_sum3A [1] : vector<2000x128xf32> to vector<2000xf32>
    %broadcast_in_dim3A_42 = vector.shape_cast %reduce_sum3A_41 : vector<2000xf32> to vector<2000x1xf32>
    %log3A = math.log %broadcast_in_dim3A_42 : vector<2000x1xf32>
    %sub3A_43 = vector.broadcast %log3A : vector<2000x1xf32> to vector<2000x128xf32>
    %sub3A_44 = arith.subf %sub3A_40, %sub3A_43 : vector<2000x128xf32>
    %swap3A = arith.constant 0 : index
    %swap3A_45 = arith.constant 0 : index
    %swap3A_46 = vector.load %arg6[%swap3A, %swap3A_45] : memref<2000x128xf32, #tpu.memory_space<vmem>>, vector<2000x128xf32>
    tpu.vector_store %arg6[%swap3A, %swap3A_45], %sub3A_44 {strides = array<i32>} : memref<2000x128xf32, #tpu.memory_space<vmem>>, vector<2000x128xf32>,
    return
  }
  func.func @transform_0(%arg0: i32) -> (i32, i32, i32) {
    %c0_i32 = arith.constant 0 : i32
    %c0_i32_0 = arith.constant 0 : i32
    %c0_i32_1 = arith.constant 0 : i32
    return %c0_i32, %arg0, %c0_i32_0 : i32, i32, i32
  }
  func.func @transform_1(%arg0: i32) -> (i32, i32, i32) {
    %c1_i32 = arith.constant 1 : i32
    %c0_i32 = arith.constant 0 : i32
    %c0_i32_0 = arith.constant 0 : i32
    return %c1_i32, %arg0, %c0_i32 : i32, i32, i32
  }
  func.func @transform_2(%arg0: i32) -> (i32, i32, i32) {
    %c0_i32 = arith.constant 0 : i32
    %c0_i32_0 = arith.constant 0 : i32
    %c0_i32_1 = arith.constant 0 : i32
    return %c0_i32, %arg0, %c0_i32_0 : i32, i32, i32
  }
  func.func @transform_3(%arg0: i32) -> (i32, i32) {
    %c0_i32 = arith.constant 0 : i32
    %c0_i32_0 = arith.constant 0 : i32
    return %arg0, %c0_i32 : i32, i32
  }
  func.func @transform_4(%arg0: i32) -> (i32, i32) {
    %c0_i32 = arith.constant 0 : i32
    %c0_i32_0 = arith.constant 0 : i32
    %c0_i32_1 = arith.constant 0 : i32
    return %c0_i32, %c0_i32_0 : i32, i32
  }
  func.func @transform_5(%arg0: i32) -> (i32, i32) {
    %c0_i32 = arith.constant 0 : i32
    %c0_i32_0 = arith.constant 0 : i32
    return %arg0, %c0_i32 : i32, i32
  }
}

</mosaic_0001>

<sc_bundles>
// kernel: kernel.11.cloned.1.call-start
scs
__scs_entry_jumppad:
0x0: {  	(pc) =	sbr.rel $0x88, $3  }
0x1: {  	(tag) =	ssettag $0x0;
	lr =	simm.s32 $0x1  }
0x2: {  	[smem:$0x3F9B] =	sst lr;
	_ =	strace $0xD0000000  }
0x3: {  	_ = 	snop  }
0x4: {  	_ = 	snop  }
0x5: {  	_ = 	snop  }
0x6: {  	_ = 	snop  }
0x7: {  	_ = 	snop  }
__scs_overlays_trampoline_lowered:
0x8: {  	[smem:$0x3FAA] =	sst s0  }
0x9: {  	[smem:$0x3FAB] =	sst s1  }
0xa: {  	[smem:$0x3FAC] =	sst s2  }
0xb: {  	[smem:$0x3FAD] =	sst s3  }
0xc: {  	[smem:$0x3FAE] =	sst s4  }
0xd: {  	[smem:$0x3FAF] =	sst s5  }
0xe: {  	[smem:$0x3FB0] =	sst s6  }
0xf: {  	[smem:$0x3FB1] =	sst s7  }
0x10: {  	[smem:$0x3FB2] =	sst s8  }
0x11: {  	[smem:$0x3FB3] =	sst s9;
	s0 =	simm.s32 @!p0 $0x0  }
0x12: {  	s1 =	sld [smem:$0x3F99];
	s0 =	simm.s32 @p0 $0x1  }
0x13: {  	[smem:$0x3FB4] =	sst s0;
	s0 =	simm.s32 @!p1 $0x0  }
0x14: {  	s2 =	sld [smem:$0x3F98];
	s0 =	simm.s32 @p1 $0x1  }
0x15: {  	[smem:$0x3FB5] =	sst s0;
	s0 =	simm.s32 @!p2 $0x0  }
0x16: {  	s3 =	sld [smem:$0x3FDB];
	s0 =	simm.s32 @p2 $0x1  }
0x17: {  	s4 =	simm.s32 $0x1BF5;
	[smem:$0x3FB7] =	sst s0  }
0x18: {  	s0 =	sld [smem:$0x3F9A];
	_ =	swait.ge [sflag:s4], $0x0  }
0x19: {  	s7 =	sld [smem:$0x3F9B]  }
0x1a: {  	s8 =	sadd.s32 $0xFFFFE003, lr  }
0x1b: {  	s9 =	sadd.s32 $0xFFFFFEF7, lr;
	s5 =	simm.s32 $0xFFFFFFFF;
	p2 =	slt.u32 s8, $0xFFFFF086  }
0x1c: {  	p1 =	slt.u32 s9, $0xF7A;
	s5 =	simm.s32 @!p2 $0x0  }
0x1d: {  	s5 =	simm.s32 @p1 $0x1;
	p0 =	seq.s32 s7, s2  }
0x1e: {  	s7 =	smul.u32 @!p0 $0xF7A, s2;
	p2 =	seq.s32 @!p0 s5, $0x0  }
0x1f: {  	s9 =	smul.u32 $0xF7A, s1;
	s8 =	simm.s32 @!p0 $0x1BF5;
	p2 =	por !p2, p0  }
0x20: {  	[sflag:s8] =	ssyncset.s32 @!p0 $0xFFFFF086;
	s6 =	sadd.s32 @!p0 s3, s7;
	s7 =	simm.s32 @!p0 $0x108  }
0x21: {  	s3 =	sadd.s32 s3, s9;
	s6 =	sadd.s32 @!p0 $0x88, s6;
	s7 =	simm.s32 @p2 $0x1082  }
0x22: {  	[simem:s7], [sflag:s8] =	dma.local @!p0 [hbm:s6], $0xF7A  }
0x23: {  	s9 =	sor.u32 $0xD0000000, s2;
	s6 =	simm.s32 $0x108;
	_ =	swait.ge @!p0 [sflag:s8], $0x0  }
0x24: {  	s3 =	sadd.s32 $0x88, s3;
	s6 =	simm.s32 @!p1 $0x1082;
	[sflag:s4] =	ssyncset.s32 $0xFFFFF086  }
0x25: {  	[simem:s6], [sflag:s4] =	dma.local [hbm:s3], $0xF7A  }
0x26: {  	[smem:$0x3F9B] =	sst s1;
	(tag) =	ssettag s2;
	_ =	strace s9  }
0x27: {  	s1 =	sld [smem:$0x3FAB]  }
0x28: {  	s2 =	sld [smem:$0x3FAC]  }
0x29: {  	s4 =	sld [smem:$0x3FAE]  }
0x2a: {  	p0 =	seq.s32 s5, $0x0;
	s5 =	sld [smem:$0x3FAF]  }
0x2b: {  	s6 =	sld [smem:$0x3FB0]  }
0x2c: {  	s7 =	sld [smem:$0x3FB1]  }
0x2d: {  	s3 =	simm.s32 $0x108;
	s8 =	sld [smem:$0x3FB2]  }
0x2e: {  	s3 =	simm.s32 @!p0 $0x1082;
	s9 =	sld [smem:$0x3FB3]  }
0x2f: {  	lr =	sadd.s32 s0, s3;
	s0 =	sld [smem:$0x3FAA]  }
0x30: {  	s3 =	sld [smem:$0x3FAD]  }
0x31: {  	[smem:$0x3FB6] =	sst s10  }
0x32: {  	s10 =	sld [smem:$0x3FB4];
	_ =	sdelay $0x3  }
0x33: {  	p0 =	seq.s32 s10, $0x1;
	s10 =	sld [smem:$0x3FB6];
	_ =	sdelay $0x3  }
0x34: {  	[smem:$0x3FB6] =	sst s10  }
0x35: {  	s10 =	sld [smem:$0x3FB5];
	_ =	sdelay $0x3  }
0x36: {  	p1 =	seq.s32 s10, $0x1;
	s10 =	sld [smem:$0x3FB6];
	_ =	sdelay $0x3  }
0x37: {  	[smem:$0x3FB6] =	sst s10  }
0x38: {  	s10 =	sld [smem:$0x3FB7]  }
0x39: {  	_ = 	snop;
	(pc) =	sbr.ind lr, $3  }
0x3a: {  	_ = 	snop  }
0x3b: {  	_ = 	snop  }
0x3c: {  	p2 =	seq.s32 s10, $0x1;
	s10 =	sld [smem:$0x3FB6]  }
0x3d: {  	_ =	shalt  }
0x3e: {  	_ =	shalt  }
0x3f: {  	_ =	shalt  }
0x40: {  	_ =	shalt  }
0x41: {  	_ =	shalt  }
0x42: {  	_ =	shalt  }
0x43: {  	_ =	shalt  }
0x44: {  	_ =	shalt  }
0x45: {  	_ =	shalt  }
0x46: {  	_ =	shalt  }
0x47: {  	_ =	shalt  }
0x48: {  	_ =	shalt  }
0x49: {  	_ =	shalt  }
0x4a: {  	_ =	shalt  }
0x4b: {  	_ =	shalt  }
0x4c: {  	_ =	shalt  }
0x4d: {  	_ =	shalt  }
0x4e: {  	_ =	shalt  }
0x4f: {  	_ =	shalt  }
0x50: {  	_ =	shalt  }
0x51: {  	_ =	shalt  }
0x52: {  	_ =	shalt  }
0x53: {  	_ =	shalt  }
0x54: {  	_ =	shalt  }
0x55: {  	_ =	shalt  }
0x56: {  	_ =	shalt  }
0x57: {  	_ =	shalt  }
0x58: {  	_ =	shalt  }
0x59: {  	_ =	shalt  }
0x5a: {  	_ =	shalt  }
0x5b: {  	_ =	shalt  }
0x5c: {  	_ =	shalt  }
0x5d: {  	_ =	shalt  }
0x5e: {  	_ =	shalt  }
0x5f: {  	_ =	shalt  }
0x60: {  	_ =	shalt  }
0x61: {  	_ =	shalt  }
0x62: {  	_ =	shalt  }
0x63: {  	_ =	shalt  }
0x64: {  	_ =	shalt  }
0x65: {  	_ =	shalt  }
0x66: {  	_ =	shalt  }
0x67: {  	_ =	shalt  }
0x68: {  	_ =	shalt  }
0x69: {  	_ =	shalt  }
0x6a: {  	_ =	shalt  }
0x6b: {  	_ =	shalt  }
0x6c: {  	_ =	shalt  }
0x6d: {  	_ =	shalt  }
0x6e: {  	_ =	shalt  }
0x6f: {  	_ =	shalt  }
0x70: {  	_ =	shalt  }
0x71: {  	_ =	shalt  }
0x72: {  	_ =	shalt  }
0x73: {  	_ =	shalt  }
0x74: {  	_ =	shalt  }
0x75: {  	_ =	shalt  }
0x76: {  	_ =	shalt  }
0x77: {  	_ =	shalt  }
0x78: {  	_ =	shalt  }
0x79: {  	_ =	shalt  }
0x7a: {  	_ =	shalt  }
0x7b: {  	_ =	shalt  }
0x7c: {  	_ =	shalt  }
0x7d: {  	_ =	shalt  }
0x7e: {  	_ =	shalt  }
0x7f: {  	_ =	shalt  }
0x80: {  	_ =	shalt  }
0x81: {  	_ =	shalt  }
0x82: {  	_ =	shalt  }
0x83: {  	_ =	shalt  }
0x84: {  	_ =	shalt  }
0x85: {  	_ =	shalt  }
0x86: {  	_ =	shalt  }
0x87: {  	_ =	shalt  }
.Lfunc_end0:
.L_simem_size_0:
called_computation.1_lowered:
.L_overlay_start_0:
0x88: {  	s2 =	sld [smem:$0x3FD9]  }
0x89: {  	s3 =	sld [smem:$0x3FFE];
	_ =	sdelay $0x1  }
0x8a: {  	s1 =	srdreg.scid  }
0x8b: {  	s0 =	sand.u32 $0x1, s1  }
0x8c: {  	s17 =	sshll.u32 s0, $0xA;
	s2 =	sadd.s32 s3, s2  }
0x8d: {  	s2 =	sadd.s32 s2, s17  }
0x8e: {  	[smem:$0x3FC2] =	sst s2  }
0x8f: {  	_ = 	snop  }
0x90: {  	s2 =	sld [smem:$0x3FD0];
	(tm) =	ssettm $0x1  }
0x91: {  	s18 =	sld [smem:$0x3FFB];
	_ =	sdelay $0x3  }
0x92: {  	_ =	strace s18  }
0x93: {  	s3 =	sld [smem:$0x3FFC];
	_ =	sdelay $0x3  }
0x94: {  	_ =	strace s3  }
0x95: {  	s3 =	sld [smem:$0x3FFD];
	_ =	sdelay $0x3  }
0x96: {  	_ =	strace s3  }
0x97: {  	_ =	strace $0x8FFFFFFF  }
0x98: {  	s19 =	sld [smem:$0x3FDB];
	_ =	sdelay $0x1  }
0x99: {  	s4 =	simm.s32 $_scs_section_size  }
0x9a: {  	s5 =	simm.s32 $_size__tile_overlayer_lowered;
	s6 =	simm.s32 $_tile_overlayer_lowered  }
0x9b: {  	s22 =	simm.s32 $0x1BFF;
	s21 =	sshll.u32 s6, $0x1;
	s3 =	sadd.s32 s4, s19  }
0x9c: {  	s7 =	simm.s32 $0x0;
	s20 =	sshll.u32 s5, $0x1;
	s5 =	sadd.s32 s21, s3  }
0x9d: {  	[timem:s7], [sflag:s22] =	dma.local [hbm:s5], s20  }
0x9e: {  	_ =	swait.ge [sflag:s22], s20  }
0x9f: {  	s4 =	ssub.s32 $0x0, s20;
	[sflag:s22] =	ssyncset.done $0x0  }
0xa0: {  	[sflag:s22] =	ssyncadd.s32 s4;
	_ =	sdelay $0x1  }
0xa1: {  	s23 =	simm.s32 $0x1B8B  }
0xa2: {  	_ =	swait.ge [sflag:s23], $0x1  }
0xa3: {  	[sflag:s23] =	ssyncset.done $0x0  }
0xa4: {  	s25 =	simm.s32 $0x1B8E;
	s24 =	sld [smem:$0x3FFE];
	[sflag:s23] =	ssyncadd.s32 $0xFFFFFFFF  }
0xa5: {  	s26 =	simm.s32 $execute0_lowered;
	[smem:$0x3FD2] =	sst s25  }
0xa6: {  	s5 =	sshll.u32 s26, $0x1;
	_ =	strace $0x80000049;
	[dreg:$0x1] =	wrdreg $0xFFFFFFFF  }
0xa7: {  	s28 =	simm.s32 $_size_execute0_lowered;
	s3 =	sadd.s32 s3, s5;
	[dreg:$0x0] =	wrdreg $0x0  }
0xa8: {  	s5 =	sshll.u32 s28, $0x1;
	[dreg:$0x2] =	wrdreg s3  }
0xa9: {  	[dreg:$0x3] =	wrdreg s5  }
0xaa: {  	[dreg:$0x4] =	wrdreg $0xC0  }
0xab: {  	_ =	task [dreg:s7], $0x5FFFF  }
0xac: {  	[dreg:$0x1] =	wrdreg $0xFFFFFFFF  }
0xad: {  	[dreg:$0x0] =	wrdreg $0x60  }
0xae: {  	[dreg:$0x2] =	wrdreg s2  }
0xaf: {  	[dreg:$0x3] =	wrdreg s24  }
0xb0: {  	[dreg:$0x4] =	wrdreg $0x0  }
0xb1: {  	[dreg:$0x5] =	wrdreg $0x9  }
0xb2: {  	_ =	task.clear_ibuf [dreg:s7], $0x6FFFF;
	_ =	strace $0x90000049  }
0xb3: {  	s29 =	simm.s32 $0x9;
	_ =	strace $0x8000004B  }
0xb4: {  	_ =	swait.ge [sflag:s29], $0x1  }
0xb5: {  	[sflag:s29] =	ssyncadd.s32 $0xFFFFFFFF  }
0xb6: {  	_ =	strace $0x9000004B  }
0xb7: {  	_ =	sfence  }
0xb8: {  	s30 =	sld [smem:$0x0];
	_ =	sdelay $0x2  }
0xb9: {  	s31 =	sshll.u32 s1, $0xD;
	s1 =	sshrl.u32 s1, $0x2  }
0xba: {  	s3 =	sand.u32 $0x4000, s31;
	s1 =	sadd.s32 s1, s30  }
0xbb: {  	s0 =	sor.u32 s3, s0;
	s1 =	sshll.u32 s1, $0x11  }
0xbc: {  	s0 =	sor.u32 s1, s0  }
0xbd: {  	s0 =	sadd.s32 $0x8F2B, s0  }
0xbe: {  	[sflag:s0] =	ssyncadd.remote.s32 $0x1  }
0xbf: {  	_ =	sfence.sel $0xFFFF  }
0xc0: {  	[dreg:$0x0] =	wrdreg $0xFFFFFFFF;
	(pc) =	sbr.abs _section_cstart, $3  }
0xc1: {  	[dreg:$0x1] =	wrdreg $0xFFFFFFFF  }
0xc2: {  	_ =	task.clear_ibuf [dreg:s7], $0x2FFFF;
	_ =	strace $0x9FFFFFFF  }
0xc3: {  	(tm) =	ssettm $0x7FFFFFFF  }
tec
execute0_lowered:
.L_overlay_start_1:
0x0: {  	(tag) =	ssettag $0x1  }
0x1: {  	s2 =	rddreg [dreg:$0x0]  }
0x2: {  	s0 =	rddreg [dreg:$0x1]  }
0x3: {  	s3 =	rddreg [dreg:$0x2]  }
0x4: {  	s10 =	stileid.u32;
	s1 =	srdreg.scid  }
0x5: {  	s5 =	simm.s32 $0x0;
	s28 =	simm.s32 $0x28;
	s4 =	smul.u32 $0x14000, s10  }
0x6: {  	s30 =	simm.s32 $0x14A00;
	s29 =	simm.s32 $0xB;
	s8 =	smul.u32 $0x50000, s10  }
0x7: {  	s1 =	sand.u32 $0x1, s1;
	[smem:$0x7FF] =	sst s5;
	s20 =	smul.u32 $0xFA00, s10  }
0x8: {  	s11 =	sadd.s32 $0x7A200, s0;
	s19 =	sshll.u32 s10, $0x6;
	s15 =	smul.u32 $0x140000, s1  }
0x9: {  	_ =	strace $0x8000004A;
	s16 =	sshll.u32 s1, $0x4;
	s7 =	ssub.s32 $0x2, s1  }
0xa: {  	s1 =	smul.u32 $0xFA000, s1;
	[dreg:$0x6] =	wrdreg s19;
	s21 =	sor.u32 $0x1C01, s19  }
0xb: {  	[dreg:$0x4] =	wrdreg s11;
	s6 =	sshrl.u32 s4, $0x3;
	s5 =	sor.u32 s10, s16  }
0xc: {  	s9 =	sshrl.u32 s7, $0x1;
	s18 =	sshrl.u32 s8, $0x2;
	[dreg:$0x9] =	wrdreg s21  }
0xd: {  	s6 =	sadd.s32 s6, s0;
	s4 =	sadd.s32 s4, s15;
	s5 =	smul.u32 $0xFA00, s5  }
0xe: {  	s17 =	ssub.s32 s7, s9;
	s7 =	sadd.s32 s18, s3;
	s1 =	sadd.s32 s20, s1  }
0xf: {  	s4 =	sshrl.u32 s4, $0x3;
	[dreg:$0x5] =	wrdreg s7;
	s6 =	sadd.s32 $0x2200, s6  }
0x10: {  	s25 =	smax.u32 s17, $0x1;
	s26 =	sadd.s32 $0x1300, s1;
	s31 =	sadd.s32 $0x1200, s1  }
0x11: {  	s7 =	sadd.s32 $0x1000, s1;
	s9 =	sadd.s32 $0xF00, s1;
	s10 =	sadd.s32 $0xE00, s1  }
0x12: {  	s15 =	sadd.s32 $0xD00, s1;
	s16 =	sadd.s32 $0xC00, s1;
	s17 =	sadd.s32 $0xB00, s1  }
0x13: {  	s21 =	sadd.s32 $0xA00, s1;
	s0 =	sadd.s32 s4, s0;
	[dreg:$0x8] =	wrdreg s6  }
0x14: {  	s5 =	sshrl.u32 s5, $0x3;
	[dreg:$0xe] =	wrdreg s25;
	s4 =	sshrl.u32 s31, $0x3  }
0x15: {  	s13 =	sshrl.u32 s10, $0x3;
	[dreg:$0x18] =	wrdreg s21;
	s0 =	sadd.s32 $0x2A200, s0  }
0x16: {  	s19 =	sshrl.u32 s17, $0x3;
	s14 =	sadd.s32 s13, s11;
	[dreg:$0xd] =	wrdreg s0  }
0x17: {  	s12 =	sshrl.u32 s9, $0x3;
	s20 =	sadd.s32 s19, s11;
	[dreg:$0x14] =	wrdreg s14  }
0x18: {  	s18 =	sshrl.u32 s16, $0x3;
	s8 =	sadd.s32 s11, s5;
	[dreg:$0x17] =	wrdreg s20  }
0x19: {  	s10 =	simm.s32 $0x15E00;
	s22 =	sadd.s32 $0x20, s8;
	[dreg:$0x7] =	wrdreg s8  }
0x1a: {  	s9 =	simm.s32 $0x17200;
	s23 =	sadd.s32 $0x40, s8;
	[dreg:$0xa] =	wrdreg s22  }
0x1b: {  	s5 =	sadd.s32 $0x1100, s1;
	s24 =	sadd.s32 $0x60, s8;
	[dreg:$0xb] =	wrdreg s23  }
0x1c: {  	s13 =	simm.s32 $0x10;
	s25 =	sadd.s32 $0xE0, s8;
	[dreg:$0xc] =	wrdreg s24  }
0x1d: {  	s0 =	sshrl.u32 s26, $0x3;
	s26 =	sadd.s32 $0x100, s8;
	[dreg:$0x1c] =	wrdreg s25  }
0x1e: {  	s1 =	simm.s32 $0x0;
	s31 =	sadd.s32 $0x120, s8;
	[dreg:$0x1d] =	wrdreg s26  }
0x1f: {  	s5 =	sshrl.u32 s5, $0x3;
	s0 =	sadd.s32 s0, s11;
	[dreg:$0x1e] =	wrdreg s31  }
0x20: {  	s14 =	simm.s32 $0x9;
	s6 =	sadd.s32 s5, s11;
	[dreg:$0xf] =	wrdreg s0  }
0x21: {  	s22 =	sadd.s32 $0x80, s8;
	s23 =	sadd.s32 $0xA0, s8;
	[dreg:$0x11] =	wrdreg s6  }
0x22: {  	s24 =	sadd.s32 $0xC0, s8;
	s25 =	simm.s32 $0x17200;
	[dreg:$0x19] =	wrdreg s22  }
0x23: {  	s8 =	simm.s32 $0x18600;
	s0 =	sadd.s32 s4, s11;
	[dreg:$0x1a] =	wrdreg s23  }
0x24: {  	s26 =	simm.s32 $0xC;
	[dreg:$0x10] =	wrdreg s0;
	s0 =	sshrl.u32 s7, $0x3  }
0x25: {  	[dreg:$0x1b] =	wrdreg s24;
	s24 =	simm.s32 $0x14900;
	s0 =	sadd.s32 s0, s11  }
.Ltmp0:
0x26: {  	[dreg:$0x12] =	wrdreg s0;
	s0 =	sadd.s32 s12, s11;
	(pc) =	sbr.rel .LBB2_1-.Ltmp0, $4  }
0x27: {  	s6 =	simm.s32 $0x11;
	[dreg:$0x13] =	wrdreg s0;
	s0 =	sshrl.u32 s15, $0x3  }
0x28: {  	s4 =	simm.s32 $0x8;
	s12 =	simm.s32 $0xE;
	s0 =	sadd.s32 s0, s11  }
0x29: {  	s15 =	simm.s32 $0xF;
	[dreg:$0x15] =	wrdreg s0;
	s0 =	sadd.s32 s18, s11  }
0x2a: {  	s11 =	simm.s32 $0xA;
	[dreg:$0x16] =	wrdreg s0;
	s0 =	simm.s32 $0x19A00  }
.LBB2_4:
0x2b: {  	[bflag:$0x0] =	sbarrier.arrive $0xFFFF  }
0x2c: {  	s1 =	sld [smem:$0x7FD]  }
0x2d: {  	s5 =	rddreg [dreg:$0x6]  }
0x2e: {  	s7 =	rddreg [dreg:$0xd];
	s5 =	sor.u32 $0x1C11, s5  }
0x2f: {  	[hbm:s7], [sflag:s5] =	dma.local [spmem:s1], $0x2800  }
0x30: {  	_ =	swait.ge [sflag:s6], $0x2800  }
0x31: {  	s24 =	rddreg [dreg:$0x1f]  }
0x32: {  	s31 =	rddreg [dreg:$0xe];
	s1 =	sadd.s32 $0x1, s24  }
0x33: {  	p0 =	sne.s32 s1, s31  }
.Ltmp1:
0x34: {  	_ = 	snop;
	(pc) =	sbr.rel @!p0 .LBB2_5-.Ltmp1, $3  }
0x35: {  	_ =	sdelay $0x1  }
0x36: {  	[sflag:s6] =	ssyncset.done $0x0  }
0x37: {  	[sflag:s6] =	ssyncadd.s32 $0xFFFFD800;
	s24 =	simm.s32 $0x14900  }
.LBB2_1:
0x38: {  	[dreg:$0x1f] =	wrdreg s1  }
0x39: {  	s5 =	rddreg [dreg:$0x5]  }
0x3a: {  	s18 =	rddreg [dreg:$0x8]  }
0x3b: {  	s7 =	rddreg [dreg:$0x9];
	s17 =	sshrl.u32 s5, $0x3  }
0x3c: {  	[smem:$0x7FD] =	sst s17  }
0x3d: {  	[spmem:s17], [sflag:s7] =	dma.local [hbm:s18], $0x2800  }
0x3e: {  	s16 =	simm.s32 $0x14000;
	s5 =	simm.s32 $0x0;
	s7 =	rddreg [dreg:$0x7]  }
0x3f: {  	[tilespmem:s16], [sflag:$0x2] =	stream.linear.gather [hbm4b:s7+s5], $0x100, $0x38;
	[tilespmem:$0x1AE00] =	vst v63  }
0x40: {  	s17 =	simm.s32 $0x14100;
	s19 =	rddreg [dreg:$0xa]  }
0x41: {  	[tilespmem:s17], [sflag:$0x3] =	stream.linear.gather [hbm4b:s19+s5], $0x100, $0x38;
	[tilespmem:$0x1AE00] =	vst v63  }
0x42: {  	s18 =	simm.s32 $0x14200;
	s20 =	rddreg [dreg:$0xb]  }
0x43: {  	[tilespmem:s18], [sflag:$0x4] =	stream.linear.gather [hbm4b:s20+s5], $0x100, $0x38;
	[tilespmem:$0x1AE00] =	vst v63  }
0x44: {  	s21 =	rddreg [dreg:$0xc];
	s19 =	simm.s32 $0x14300  }
0x45: {  	[tilespmem:s19], [sflag:$0x5] =	stream.linear.gather [hbm4b:s21+s5], $0x100, $0x38;
	[tilespmem:$0x1AE00] =	vst v63  }
0x46: {  	s22 =	rddreg [dreg:$0x19];
	s20 =	simm.s32 $0x14400  }
0x47: {  	[tilespmem:s20], [sflag:$0x6] =	stream.linear.gather [hbm4b:s22+s5], $0x100, $0x38;
	[tilespmem:$0x1AE00] =	vst v63  }
0x48: {  	s23 =	rddreg [dreg:$0x1a];
	s21 =	simm.s32 $0x14500  }
0x49: {  	[tilespmem:s21], [sflag:$0x7] =	stream.linear.gather [hbm4b:s23+s5], $0x100, $0x38;
	[tilespmem:$0x1AE00] =	vst v63  }
0x4a: {  	s1 =	simm.s32 $0x14600;
	s31 =	rddreg [dreg:$0x1b]  }
0x4b: {  	[tilespmem:s1], [sflag:$0x8] =	stream.linear.gather [hbm4b:s31+s5], $0x100, $0x38;
	[tilespmem:$0x1AE00] =	vst v63  }
0x4c: {  	s22 =	simm.s32 $0x14700;
	s21 =	rddreg [dreg:$0x1c]  }
0x4d: {  	[tilespmem:s22], [sflag:$0x9] =	stream.linear.gather [hbm4b:s21+s5], $0x100, $0x38;
	[tilespmem:$0x1AE00] =	vst v63  }
0x4e: {  	s23 =	rddreg [dreg:$0x1d];
	s31 =	simm.s32 $0x14800  }
0x4f: {  	[tilespmem:s31], [sflag:$0xA] =	stream.linear.gather [hbm4b:s23+s5], $0x100, $0x38;
	[tilespmem:$0x1AE00] =	vst v63  }
0x50: {  	s1 =	rddreg [dreg:$0x1e];
	s21 =	simm.s32 $0x2  }
0x51: {  	[tilespmem:s24], [sflag:$0xB] =	stream.linear.gather [hbm4b:s1+s5], $0x100, $0x38;
	[tilespmem:$0x1AE00] =	vst v63  }
0x52: {  	_ =	swait.ge [sflag:s21], $0x100  }
0x53: {  	[sflag:s21] =	ssyncset.done $0x0  }
0x54: {  	s22 =	simm.s32 $0x3;
	[sflag:s21] =	ssyncadd.s32 $0xFFFFFF00  }
0x55: {  	[tilespmem:s30], [sflag:$0xC] =	stream.indirect.gather [hbm4b:s2+s28], $0x80, s16, s28, $0xb8;
	[tilespmem:$0x1AE00] =	vst v63  }
0x56: {  	_ =	swait.ge [sflag:s22], $0x100  }
0x57: {  	[sflag:s22] =	ssyncset.done $0x0  }
0x58: {  	s23 =	simm.s32 $0x4;
	[sflag:s22] =	ssyncadd.s32 $0xFFFFFF00  }
0x59: {  	[tilespmem:s10], [sflag:$0xD] =	stream.indirect.gather [hbm4b:s2+s28], $0x80, s17, s28, $0xb8;
	[tilespmem:$0x1AE00] =	vst v63  }
0x5a: {  	_ =	swait.ge [sflag:s23], $0x100  }
0x5b: {  	[sflag:s23] =	ssyncset.done $0x0  }
0x5c: {  	[sflag:s23] =	ssyncadd.s32 $0xFFFFFF00  }
0x5d: {  	[tilespmem:s25], [sflag:$0xE] =	stream.indirect.gather [hbm4b:s2+s28], $0x80, s18, s28, $0xb8;
	[tilespmem:$0x1AE00] =	vst v63  }
0x5e: {  	s25 =	simm.s32 $0x5  }
0x5f: {  	_ =	swait.ge [sflag:s25], $0x100  }
0x60: {  	[sflag:s25] =	ssyncset.done $0x0  }
0x61: {  	s30 =	simm.s32 $0x6;
	[sflag:s25] =	ssyncadd.s32 $0xFFFFFF00  }
0x62: {  	[tilespmem:s8], [sflag:$0xF] =	stream.indirect.gather [hbm4b:s2+s28], $0x80, s19, s28, $0xb8;
	[tilespmem:$0x1AE00] =	vst v63  }
0x63: {  	_ =	swait.ge [sflag:s30], $0x100  }
0x64: {  	[sflag:s30] =	ssyncset.done $0x0  }
0x65: {  	s31 =	simm.s32 $0x1;
	[sflag:s30] =	ssyncadd.s32 $0xFFFFFF00  }
0x66: {  	[tilespmem:s0], [sflag:$0x10] =	stream.indirect.gather [hbm4b:s2+s28], $0x80, s20, s28, $0xb8;
	[tilespmem:$0x1AE00] =	vst v63  }
0x67: {  	_ =	swait.ge [sflag:s31], $0x2800  }
0x68: {  	[sflag:s31] =	ssyncset.done $0x0  }
0x69: {  	[sflag:s31] =	ssyncadd.s32 $0xFFFFD800  }
0x6a: {  	[bflag:$0x0] =	sbarrier.arrive $0xFFFF  }
0x6b: {  	s16 =	simm.s32 $0x0;
	s5 =	rddreg [dreg:$0x18]  }
.LBB2_2:
0x6c: {  	_ =	swait.ge [sflag:s26], $0x1400  }
0x6d: {  	s1 =	simm.s32 $0x14A00;
	[sflag:s26] =	ssyncset.done $0x0  }
0x6e: {  	s7 =	simm.s32 $0x14080;
	p0 =	seq.s32 s16, $0x1E00;
	[sflag:s26] =	ssyncadd.s32 $0xFFFFEC00  }
0x6f: {  	[spmem:s3] =	stream.indirect.scatter.add.f32 [tilespmem:s1], [sflag:$0x11], $0x80, s7, s28, $0xb8;
	[tilespmem:$0x1AE00] =	vst v63  }
0x70: {  	s19 =	simm.s32 $0x7;
	s17 =	sshrl.u32 @!p0 s5, $0x3;
	_ =	swait.ge [sflag:s6], $0x1400  }
0x71: {  	s21 =	simm.s32 @!p0 $0x14000;
	[sflag:s6] =	ssyncset.done $0x0;
	s7 =	rddreg [dreg:$0x4]  }
0x72: {  	[sflag:s6] =	ssyncadd.s32 $0xFFFFEC00;
	s18 =	sadd.s32 @!p0 s7, s17;
	s17 =	simm.s32 @!p0 $0x0  }
0x73: {  	[tilespmem:s21], [sflag:$0x2] =	stream.linear.gather @!p0 [hbm4b:s18+s17], $0x100, $0x38;
	[tilespmem:$0x1AE00] =	vst v63  }
0x74: {  	_ =	swait.ge [sflag:s19], $0x100  }
0x75: {  	[sflag:s19] =	ssyncset.done $0x0  }
0x76: {  	s20 =	simm.s32 $0x14500;
	s22 =	simm.s32 $0xD;
	[sflag:s19] =	ssyncadd.s32 $0xFFFFFF00  }
0x77: {  	[tilespmem:s1], [sflag:$0xC] =	stream.indirect.gather [hbm4b:s2+s28], $0x80, s20, s28, $0xb8;
	[tilespmem:$0x1AE00] =	vst v63  }
0x78: {  	_ =	swait.ge [sflag:s22], $0x1400  }
0x79: {  	[sflag:s22] =	ssyncset.done $0x0  }
0x7a: {  	s23 =	simm.s32 $0x14180;
	s19 =	simm.s32 $0x15E00;
	[sflag:s22] =	ssyncadd.s32 $0xFFFFEC00  }
0x7b: {  	[spmem:s3] =	stream.indirect.scatter.add.f32 [tilespmem:s19], [sflag:$0x11], $0x80, s23, s28, $0xb8;
	[tilespmem:$0x1AE00] =	vst v63  }
0x7c: {  	_ =	swait.ge [sflag:s6], $0x1400  }
0x7d: {  	[sflag:s6] =	ssyncset.done $0x0;
	s7 =	rddreg [dreg:$0x17]  }
0x7e: {  	s20 =	simm.s32 @!p0 $0x14100;
	[sflag:s6] =	ssyncadd.s32 $0xFFFFEC00;
	s18 =	sadd.s32 @!p0 s16, s7  }
0x7f: {  	[tilespmem:s20], [sflag:$0x3] =	stream.linear.gather @!p0 [hbm4b:s18+s17], $0x100, $0x38;
	[tilespmem:$0x1AE00] =	vst v63  }
0x80: {  	_ =	swait.ge [sflag:s4], $0x100  }
0x81: {  	[sflag:s4] =	ssyncset.done $0x0  }
0x82: {  	s25 =	simm.s32 $0x14600;
	[sflag:s4] =	ssyncadd.s32 $0xFFFFFF00  }
0x83: {  	[tilespmem:s19], [sflag:$0xD] =	stream.indirect.gather [hbm4b:s2+s28], $0x80, s25, s28, $0xb8;
	[tilespmem:$0x1AE00] =	vst v63  }
0x84: {  	_ =	swait.ge [sflag:s12], $0x1400  }
0x85: {  	[sflag:s12] =	ssyncset.done $0x0  }
0x86: {  	s31 =	simm.s32 $0x14280;
	[sflag:s12] =	ssyncadd.s32 $0xFFFFEC00  }
0x87: {  	[spmem:s3] =	stream.indirect.scatter.add.f32 [tilespmem:s9], [sflag:$0x11], $0x80, s31, s28, $0xb8;
	[tilespmem:$0x1AE00] =	vst v63  }
0x88: {  	_ =	swait.ge [sflag:s6], $0x1400  }
0x89: {  	[sflag:s6] =	ssyncset.done $0x0;
	s7 =	rddreg [dreg:$0x16]  }
0x8a: {  	s19 =	simm.s32 @!p0 $0x14200;
	[sflag:s6] =	ssyncadd.s32 $0xFFFFEC00;
	s18 =	sadd.s32 @!p0 s16, s7  }
0x8b: {  	[tilespmem:s19], [sflag:$0x4] =	stream.linear.gather @!p0 [hbm4b:s18+s17], $0x100, $0x38;
	[tilespmem:$0x1AE00] =	vst v63  }
0x8c: {  	_ =	swait.ge [sflag:s14], $0x100  }
0x8d: {  	[sflag:s14] =	ssyncset.done $0x0  }
0x8e: {  	s8 =	simm.s32 $0x14700;
	[sflag:s14] =	ssyncadd.s32 $0xFFFFFF00  }
0x8f: {  	[tilespmem:s9], [sflag:$0xE] =	stream.indirect.gather [hbm4b:s2+s28], $0x80, s8, s28, $0xb8;
	[tilespmem:$0x1AE00] =	vst v63  }
0x90: {  	_ =	swait.ge [sflag:s15], $0x1400  }
0x91: {  	[sflag:s15] =	ssyncset.done $0x0  }
0x92: {  	s23 =	simm.s32 $0x18600;
	s18 =	simm.s32 $0x14380;
	[sflag:s15] =	ssyncadd.s32 $0xFFFFEC00  }
0x93: {  	[spmem:s3] =	stream.indirect.scatter.add.f32 [tilespmem:s23], [sflag:$0x11], $0x80, s18, s28, $0xb8;
	[tilespmem:$0x1AE00] =	vst v63  }
0x94: {  	_ =	swait.ge [sflag:s6], $0x1400  }
0x95: {  	[sflag:s6] =	ssyncset.done $0x0;
	s7 =	rddreg [dreg:$0x15]  }
0x96: {  	s18 =	simm.s32 @!p0 $0x14300;
	[sflag:s6] =	ssyncadd.s32 $0xFFFFEC00;
	s22 =	sadd.s32 @!p0 s16, s7  }
0x97: {  	[tilespmem:s18], [sflag:$0x5] =	stream.linear.gather @!p0 [hbm4b:s22+s17], $0x100, $0x38;
	[tilespmem:$0x1AE00] =	vst v63  }
0x98: {  	_ =	swait.ge [sflag:s11], $0x100  }
0x99: {  	[sflag:s11] =	ssyncset.done $0x0  }
0x9a: {  	s22 =	simm.s32 $0x14800;
	[sflag:s11] =	ssyncadd.s32 $0xFFFFFF00  }
0x9b: {  	[tilespmem:s23], [sflag:$0xF] =	stream.indirect.gather [hbm4b:s2+s28], $0x80, s22, s28, $0xb8;
	[tilespmem:$0x1AE00] =	vst v63  }
0x9c: {  	_ =	swait.ge [sflag:s13], $0x1400  }
0x9d: {  	[sflag:s13] =	ssyncset.done $0x0  }
0x9e: {  	s25 =	simm.s32 $0x14480;
	[sflag:s13] =	ssyncadd.s32 $0xFFFFEC00  }
0x9f: {  	[spmem:s3] =	stream.indirect.scatter.add.f32 [tilespmem:s0], [sflag:$0x11], $0x80, s25, s28, $0xb8;
	[tilespmem:$0x1AE00] =	vst v63  }
0xa0: {  	_ =	swait.ge [sflag:s6], $0x1400  }
0xa1: {  	[sflag:s6] =	ssyncset.done $0x0;
	s7 =	rddreg [dreg:$0x14]  }
0xa2: {  	s23 =	simm.s32 @!p0 $0x14400;
	[sflag:s6] =	ssyncadd.s32 $0xFFFFEC00;
	s22 =	sadd.s32 @!p0 s16, s7  }
0xa3: {  	[tilespmem:s23], [sflag:$0x6] =	stream.linear.gather @!p0 [hbm4b:s22+s17], $0x100, $0x38;
	[tilespmem:$0x1AE00] =	vst v63  }
0xa4: {  	_ =	swait.ge [sflag:s29], $0x100  }
0xa5: {  	[sflag:s29] =	ssyncset.done $0x0  }
0xa6: {  	[sflag:s29] =	ssyncadd.s32 $0xFFFFFF00  }
0xa7: {  	[tilespmem:s0], [sflag:$0x10] =	stream.indirect.gather [hbm4b:s2+s28], $0x80, s24, s28, $0xb8;
	[tilespmem:$0x1AE00] =	vst v63  }
0xa8: {  	_ =	swait.ge [sflag:s26], $0x1400  }
0xa9: {  	[sflag:s26] =	ssyncset.done $0x0  }
0xaa: {  	s31 =	simm.s32 $0x14580;
	[sflag:s26] =	ssyncadd.s32 $0xFFFFEC00  }
0xab: {  	[spmem:s3] =	stream.indirect.scatter.add.f32 [tilespmem:s1], [sflag:$0x11], $0x80, s31, s28, $0xb8;
	[tilespmem:$0x1AE00] =	vst v63  }
0xac: {  	_ =	swait.ge [sflag:s6], $0x1400  }
0xad: {  	[sflag:s6] =	ssyncset.done $0x0  }
0xae: {  	s22 =	simm.s32 @p0 $0xD;
	[sflag:s6] =	ssyncadd.s32 $0xFFFFEC00  }
0xaf: {  	_ =	swait.ge @p0 [sflag:s22], $0x1400  }
0xb0: {  	s23 =	simm.s32 @p0 $0x28;
	[sflag:s22] =	ssyncset.done @p0 $0x0  }
0xb1: {  	s24 =	simm.s32 @p0 $0x15E00;
	[sflag:s22] =	ssyncadd.s32 @p0 $0xFFFFEC00;
	s22 =	simm.s32 @p0 $0x14680  }
0xb2: {  	[spmem:s3] =	stream.indirect.scatter.add.f32 @p0 [tilespmem:s24], [sflag:$0x11], $0x80, s22, s23, $0xb8;
	[tilespmem:$0x1AE00] =	vst v63  }
0xb3: {  	s24 =	simm.s32 @p0 $0x11  }
0xb4: {  	_ =	swait.ge @p0 [sflag:s24], $0x1400  }
0xb5: {  	[sflag:s24] =	ssyncset.done @p0 $0x0;
	s7 =	rddreg [dreg:$0x13]  }
0xb6: {  	[sflag:s24] =	ssyncadd.s32 @p0 $0xFFFFEC00;
	s22 =	sadd.s32 @!p0 s16, s7;
	s7 =	simm.s32 @!p0 $0x14500  }
0xb7: {  	[tilespmem:s7], [sflag:$0x7] =	stream.linear.gather @!p0 [hbm4b:s22+s17], $0x100, $0x38;
	[tilespmem:$0x1AE00] =	vst v63  }
0xb8: {  	s7 =	simm.s32 @!p0 $0x2  }
0xb9: {  	_ =	swait.ge @!p0 [sflag:s7], $0x100  }
0xba: {  	[sflag:s7] =	ssyncset.done @!p0 $0x0  }
0xbb: {  	s22 =	simm.s32 @!p0 $0x28;
	[sflag:s7] =	ssyncadd.s32 @!p0 $0xFFFFFF00;
	s7 =	simm.s32 @!p0 $0x14A00  }
0xbc: {  	[tilespmem:s7], [sflag:$0xC] =	stream.indirect.gather @!p0 [hbm4b:s2+s22], $0x80, s21, s22, $0xb8;
	[tilespmem:$0x1AE00] =	vst v63  }
0xbd: {  	s7 =	simm.s32 @!p0 $0xD  }
0xbe: {  	_ =	swait.ge @!p0 [sflag:s7], $0x1400  }
0xbf: {  	[sflag:s7] =	ssyncset.done @!p0 $0x0  }
0xc0: {  	s21 =	simm.s32 @!p0 $0x15E00;
	[sflag:s7] =	ssyncadd.s32 @!p0 $0xFFFFEC00;
	s7 =	simm.s32 @!p0 $0x14680  }
0xc1: {  	[spmem:s3] =	stream.indirect.scatter.add.f32 @!p0 [tilespmem:s21], [sflag:$0x11], $0x80, s7, s22, $0xb8;
	[tilespmem:$0x1AE00] =	vst v63  }
0xc2: {  	s7 =	simm.s32 @!p0 $0x11  }
0xc3: {  	_ =	swait.ge @!p0 [sflag:s7], $0x1400  }
0xc4: {  	[sflag:s7] =	ssyncset.done @!p0 $0x0;
	s25 =	rddreg [dreg:$0x12]  }
0xc5: {  	s31 =	simm.s32 @!p0 $0x14600;
	[sflag:s7] =	ssyncadd.s32 @!p0 $0xFFFFEC00;
	s25 =	sadd.s32 @!p0 s16, s25  }
0xc6: {  	[tilespmem:s31], [sflag:$0x8] =	stream.linear.gather @!p0 [hbm4b:s25+s17], $0x100, $0x38;
	[tilespmem:$0x1AE00] =	vst v63  }
0xc7: {  	s25 =	simm.s32 @!p0 $0x3  }
0xc8: {  	_ =	swait.ge @!p0 [sflag:s25], $0x100  }
0xc9: {  	[sflag:s25] =	ssyncset.done @!p0 $0x0  }
0xca: {  	[sflag:s25] =	ssyncadd.s32 @!p0 $0xFFFFFF00  }
0xcb: {  	[tilespmem:s21], [sflag:$0xD] =	stream.indirect.gather @!p0 [hbm4b:s2+s22], $0x80, s20, s22, $0xb8;
	[tilespmem:$0x1AE00] =	vst v63  }
0xcc: {  	_ =	swait.ge [sflag:s12], $0x1400  }
0xcd: {  	[sflag:s12] =	ssyncset.done $0x0  }
0xce: {  	s21 =	simm.s32 $0x14780;
	[sflag:s12] =	ssyncadd.s32 $0xFFFFEC00  }
0xcf: {  	[spmem:s3] =	stream.indirect.scatter.add.f32 [tilespmem:s9], [sflag:$0x11], $0x80, s21, s28, $0xb8;
	[tilespmem:$0x1AE00] =	vst v63  }
0xd0: {  	_ =	swait.ge [sflag:s6], $0x1400  }
0xd1: {  	[sflag:s6] =	ssyncset.done $0x0  }
0xd2: {  	s20 =	simm.s32 @p0 $0xF;
	[sflag:s6] =	ssyncadd.s32 $0xFFFFEC00  }
0xd3: {  	_ =	swait.ge @p0 [sflag:s20], $0x1400  }
0xd4: {  	[sflag:s20] =	ssyncset.done @p0 $0x0  }
0xd5: {  	s21 =	simm.s32 @p0 $0x18600;
	[sflag:s20] =	ssyncadd.s32 @p0 $0xFFFFEC00;
	s20 =	simm.s32 @p0 $0x14880  }
0xd6: {  	[spmem:s3] =	stream.indirect.scatter.add.f32 @p0 [tilespmem:s21], [sflag:$0x11], $0x80, s20, s23, $0xb8;
	[tilespmem:$0x1AE00] =	vst v63  }
0xd7: {  	_ =	swait.ge @p0 [sflag:s24], $0x1400  }
0xd8: {  	[sflag:s24] =	ssyncset.done @p0 $0x0;
	s20 =	rddreg [dreg:$0x11]  }
0xd9: {  	s21 =	simm.s32 @!p0 $0x14700;
	[sflag:s24] =	ssyncadd.s32 @p0 $0xFFFFEC00;
	s20 =	sadd.s32 @!p0 s16, s20  }
0xda: {  	[tilespmem:s21], [sflag:$0x9] =	stream.linear.gather @!p0 [hbm4b:s20+s17], $0x100, $0x38;
	[tilespmem:$0x1AE00] =	vst v63  }
0xdb: {  	s20 =	simm.s32 @!p0 $0x4  }
0xdc: {  	_ =	swait.ge @!p0 [sflag:s20], $0x100  }
0xdd: {  	[sflag:s20] =	ssyncset.done @!p0 $0x0  }
0xde: {  	[sflag:s20] =	ssyncadd.s32 @!p0 $0xFFFFFF00;
	s20 =	simm.s32 @!p0 $0x17200  }
0xdf: {  	[tilespmem:s20], [sflag:$0xE] =	stream.indirect.gather @!p0 [hbm4b:s2+s22], $0x80, s19, s22, $0xb8;
	[tilespmem:$0x1AE00] =	vst v63  }
0xe0: {  	s19 =	simm.s32 @!p0 $0xF  }
0xe1: {  	_ =	swait.ge @!p0 [sflag:s19], $0x1400  }
0xe2: {  	[sflag:s19] =	ssyncset.done @!p0 $0x0  }
0xe3: {  	s20 =	simm.s32 @!p0 $0x18600;
	[sflag:s19] =	ssyncadd.s32 @!p0 $0xFFFFEC00;
	s19 =	simm.s32 @!p0 $0x14880  }
0xe4: {  	[spmem:s3] =	stream.indirect.scatter.add.f32 @!p0 [tilespmem:s20], [sflag:$0x11], $0x80, s19, s22, $0xb8;
	[tilespmem:$0x1AE00] =	vst v63  }
0xe5: {  	_ =	swait.ge @!p0 [sflag:s7], $0x1400  }
0xe6: {  	[sflag:s7] =	ssyncset.done @!p0 $0x0  }
0xe7: {  	[sflag:s7] =	ssyncadd.s32 @!p0 $0xFFFFEC00;
	s7 =	rddreg [dreg:$0x10]  }
0xe8: {  	s19 =	simm.s32 @!p0 $0x14800;
	s7 =	sadd.s32 @!p0 s16, s7  }
0xe9: {  	[tilespmem:s19], [sflag:$0xA] =	stream.linear.gather @!p0 [hbm4b:s7+s17], $0x100, $0x38;
	[tilespmem:$0x1AE00] =	vst v63  }
0xea: {  	s7 =	simm.s32 @!p0 $0x5  }
0xeb: {  	_ =	swait.ge @!p0 [sflag:s7], $0x100  }
0xec: {  	[sflag:s7] =	ssyncset.done @!p0 $0x0  }
0xed: {  	[sflag:s7] =	ssyncadd.s32 @!p0 $0xFFFFFF00  }
0xee: {  	[tilespmem:s20], [sflag:$0xF] =	stream.indirect.gather @!p0 [hbm4b:s2+s22], $0x80, s18, s22, $0xb8;
	[tilespmem:$0x1AE00] =	vst v63  }
0xef: {  	_ =	swait.ge [sflag:s13], $0x1400  }
0xf0: {  	[sflag:s13] =	ssyncset.done $0x0  }
.Ltmp2:
0xf1: {  	s31 =	simm.s32 $0x14980;
	[sflag:s13] =	ssyncadd.s32 $0xFFFFEC00;
	(pc) =	sbr.rel @p0 .LBB2_4-.Ltmp2, $4  }
0xf2: {  	[spmem:s3] =	stream.indirect.scatter.add.f32 [tilespmem:s0], [sflag:$0x11], $0x80, s31, s28, $0xb8;
	[tilespmem:$0x1AE00] =	vst v63  }
0xf3: {  	s10 =	simm.s32 $0x15E00;
	_ =	swait.ge [sflag:s6], $0x1400  }
0xf4: {  	s30 =	simm.s32 $0x14A00;
	s8 =	simm.s32 $0x18600;
	[sflag:s6] =	ssyncset.done $0x0  }
0xf5: {  	s1 =	simm.s32 $0x14900;
	s25 =	simm.s32 $0x17200;
	[sflag:s6] =	ssyncadd.s32 $0xFFFFEC00  }
0xf6: {  	s7 =	rddreg [dreg:$0xf]  }
0xf7: {  	s17 =	simm.s32 $0x0;
	s7 =	sadd.s32 s16, s7  }
0xf8: {  	[tilespmem:s1], [sflag:$0xB] =	stream.linear.gather [hbm4b:s7+s17], $0x100, $0x38;
	[tilespmem:$0x1AE00] =	vst v63  }
.Ltmp3:
0xf9: {  	s30 =	simm.s32 $0x6;
	(pc) =	sbr.rel .LBB2_2-.Ltmp3, $4  }
0xfa: {  	_ =	swait.ge [sflag:s30], $0x100  }
0xfb: {  	s31 =	simm.s32 $0x14400;
	s5 =	sadd.s32 $0xA00, s5;
	[sflag:s30] =	ssyncset.done $0x0  }
0xfc: {  	s24 =	simm.s32 $0x14900;
	s16 =	sadd.s32 $0x140, s16;
	[sflag:s30] =	ssyncadd.s32 $0xFFFFFF00  }
0xfd: {  	[tilespmem:s0], [sflag:$0x10] =	stream.indirect.gather [hbm4b:s2+s28], $0x80, s31, s28, $0xb8;
	[tilespmem:$0x1AE00] =	vst v63  }
.LBB2_5:
0xfe: {  	_ =	sfence.sel $0x180000  }
0xff: {  	[bflag:$0x0] =	sbarrier.arrive $0xFFFF  }
0x100: {  	_ =	strace $0x9000004A  }
0x101: {  	s0 =	stileid.u32;
	[bflag:$0x2] =	sbarrier.arrive $0xFFFF  }
0x102: {  	p0 =	sne.s32 s0, $0x0;
	s0 =	rddreg [dreg:$0x3]  }
0x103: {  	s0 =	sadd.s32 @!p0 $0x100000, s0  }
0x104: {  	[sflag:s0] =	ssyncadd.tile.s32 @!p0 $0x1;
	_ =	shalt  }
.Lfunc_end2:
_tile_overlayer_lowered:
.L_overlay_start_2:
0x105: {  	(tag) =	ssettag $0x2  }
0x106: {  	s0 =	rddreg [dreg:$0x0];
	s2 =	stileid.u32  }
0x107: {  	s1 =	rddreg [dreg:$0x1];
	p0 =	sne.s32 s2, $0x0  }
0x108: {  	s3 =	rddreg [dreg:$0x2];
	[bflag:$0x3] =	sbarrier.arrive $0xFFFF;
	s2 =	simm.s32 @!p0 $0x1C11  }
0x109: {  	[timem:s3], [sflag:s2] =	dma.local @!p0 [hbm:s0], s1  }
0x10a: {  	s0 =	simm.s32 @!p0 $0x11  }
0x10b: {  	_ =	swait.ge @!p0 [sflag:s0], s1  }
0x10c: {  	s1 =	ssub.s32 @!p0 $0x0, s1;
	[sflag:s0] =	ssyncset.done @!p0 $0x0  }
0x10d: {  	[sflag:s0] =	ssyncadd.s32 @!p0 s1  }
0x10e: {  	[bflag:$0x3] =	sbarrier.arrive $0xFFFF  }
0x10f: {  	_ =	shalt  }

// kernel: kernel.14.cloned.1.call-start
scs
__scs_entry_jumppad:
0x0: {  	(pc) =	sbr.rel $0x88, $3  }
0x1: {  	(tag) =	ssettag $0x0;
	lr =	simm.s32 $0x1  }
0x2: {  	[smem:$0x3F9B] =	sst lr;
	_ =	strace $0xD0000000  }
0x3: {  	_ = 	snop  }
0x4: {  	_ = 	snop  }
0x5: {  	_ = 	snop  }
0x6: {  	_ = 	snop  }
0x7: {  	_ = 	snop  }
__scs_overlays_trampoline_lowered:
0x8: {  	[smem:$0x3FAA] =	sst s0  }
0x9: {  	[smem:$0x3FAB] =	sst s1  }
0xa: {  	[smem:$0x3FAC] =	sst s2  }
0xb: {  	[smem:$0x3FAD] =	sst s3  }
0xc: {  	[smem:$0x3FAE] =	sst s4  }
0xd: {  	[smem:$0x3FAF] =	sst s5  }
0xe: {  	[smem:$0x3FB0] =	sst s6  }
0xf: {  	[smem:$0x3FB1] =	sst s7  }
0x10: {  	[smem:$0x3FB2] =	sst s8  }
0x11: {  	[smem:$0x3FB3] =	sst s9;
	s0 =	simm.s32 @!p0 $0x0  }
0x12: {  	s1 =	sld [smem:$0x3F99];
	s0 =	simm.s32 @p0 $0x1  }
0x13: {  	[smem:$0x3FB4] =	sst s0;
	s0 =	simm.s32 @!p1 $0x0  }
0x14: {  	s2 =	sld [smem:$0x3F98];
	s0 =	simm.s32 @p1 $0x1  }
0x15: {  	[smem:$0x3FB5] =	sst s0;
	s0 =	simm.s32 @!p2 $0x0  }
0x16: {  	s3 =	sld [smem:$0x3FDB];
	s0 =	simm.s32 @p2 $0x1  }
0x17: {  	s4 =	simm.s32 $0x1BF5;
	[smem:$0x3FB7] =	sst s0  }
0x18: {  	s0 =	sld [smem:$0x3F9A];
	_ =	swait.ge [sflag:s4], $0x0  }
0x19: {  	s7 =	sld [smem:$0x3F9B]  }
0x1a: {  	s8 =	sadd.s32 $0xFFFFE003, lr  }
0x1b: {  	s9 =	sadd.s32 $0xFFFFFEF7, lr;
	s5 =	simm.s32 $0xFFFFFFFF;
	p2 =	slt.u32 s8, $0xFFFFF086  }
0x1c: {  	p1 =	slt.u32 s9, $0xF7A;
	s5 =	simm.s32 @!p2 $0x0  }
0x1d: {  	s5 =	simm.s32 @p1 $0x1;
	p0 =	seq.s32 s7, s2  }
0x1e: {  	s7 =	smul.u32 @!p0 $0xF7A, s2;
	p2 =	seq.s32 @!p0 s5, $0x0  }
0x1f: {  	s9 =	smul.u32 $0xF7A, s1;
	s8 =	simm.s32 @!p0 $0x1BF5;
	p2 =	por !p2, p0  }
0x20: {  	[sflag:s8] =	ssyncset.s32 @!p0 $0xFFFFF086;
	s6 =	sadd.s32 @!p0 s3, s7;
	s7 =	simm.s32 @!p0 $0x108  }
0x21: {  	s3 =	sadd.s32 s3, s9;
	s6 =	sadd.s32 @!p0 $0x88, s6;
	s7 =	simm.s32 @p2 $0x1082  }
0x22: {  	[simem:s7], [sflag:s8] =	dma.local @!p0 [hbm:s6], $0xF7A  }
0x23: {  	s9 =	sor.u32 $0xD0000000, s2;
	s6 =	simm.s32 $0x108;
	_ =	swait.ge @!p0 [sflag:s8], $0x0  }
0x24: {  	s3 =	sadd.s32 $0x88, s3;
	s6 =	simm.s32 @!p1 $0x1082;
	[sflag:s4] =	ssyncset.s32 $0xFFFFF086  }
0x25: {  	[simem:s6], [sflag:s4] =	dma.local [hbm:s3], $0xF7A  }
0x26: {  	[smem:$0x3F9B] =	sst s1;
	(tag) =	ssettag s2;
	_ =	strace s9  }
0x27: {  	s1 =	sld [smem:$0x3FAB]  }
0x28: {  	s2 =	sld [smem:$0x3FAC]  }
0x29: {  	s4 =	sld [smem:$0x3FAE]  }
0x2a: {  	p0 =	seq.s32 s5, $0x0;
	s5 =	sld [smem:$0x3FAF]  }
0x2b: {  	s6 =	sld [smem:$0x3FB0]  }
0x2c: {  	s7 =	sld [smem:$0x3FB1]  }
0x2d: {  	s3 =	simm.s32 $0x108;
	s8 =	sld [smem:$0x3FB2]  }
0x2e: {  	s3 =	simm.s32 @!p0 $0x1082;
	s9 =	sld [smem:$0x3FB3]  }
0x2f: {  	lr =	sadd.s32 s0, s3;
	s0 =	sld [smem:$0x3FAA]  }
0x30: {  	s3 =	sld [smem:$0x3FAD]  }
0x31: {  	[smem:$0x3FB6] =	sst s10  }
0x32: {  	s10 =	sld [smem:$0x3FB4];
	_ =	sdelay $0x3  }
0x33: {  	p0 =	seq.s32 s10, $0x1;
	s10 =	sld [smem:$0x3FB6];
	_ =	sdelay $0x3  }
0x34: {  	[smem:$0x3FB6] =	sst s10  }
0x35: {  	s10 =	sld [smem:$0x3FB5];
	_ =	sdelay $0x3  }
0x36: {  	p1 =	seq.s32 s10, $0x1;
	s10 =	sld [smem:$0x3FB6];
	_ =	sdelay $0x3  }
0x37: {  	[smem:$0x3FB6] =	sst s10  }
0x38: {  	s10 =	sld [smem:$0x3FB7]  }
0x39: {  	_ = 	snop;
	(pc) =	sbr.ind lr, $3  }
0x3a: {  	_ = 	snop  }
0x3b: {  	_ = 	snop  }
0x3c: {  	p2 =	seq.s32 s10, $0x1;
	s10 =	sld [smem:$0x3FB6]  }
0x3d: {  	_ =	shalt  }
0x3e: {  	_ =	shalt  }
0x3f: {  	_ =	shalt  }
0x40: {  	_ =	shalt  }
0x41: {  	_ =	shalt  }
0x42: {  	_ =	shalt  }
0x43: {  	_ =	shalt  }
0x44: {  	_ =	shalt  }
0x45: {  	_ =	shalt  }
0x46: {  	_ =	shalt  }
0x47: {  	_ =	shalt  }
0x48: {  	_ =	shalt  }
0x49: {  	_ =	shalt  }
0x4a: {  	_ =	shalt  }
0x4b: {  	_ =	shalt  }
0x4c: {  	_ =	shalt  }
0x4d: {  	_ =	shalt  }
0x4e: {  	_ =	shalt  }
0x4f: {  	_ =	shalt  }
0x50: {  	_ =	shalt  }
0x51: {  	_ =	shalt  }
0x52: {  	_ =	shalt  }
0x53: {  	_ =	shalt  }
0x54: {  	_ =	shalt  }
0x55: {  	_ =	shalt  }
0x56: {  	_ =	shalt  }
0x57: {  	_ =	shalt  }
0x58: {  	_ =	shalt  }
0x59: {  	_ =	shalt  }
0x5a: {  	_ =	shalt  }
0x5b: {  	_ =	shalt  }
0x5c: {  	_ =	shalt  }
0x5d: {  	_ =	shalt  }
0x5e: {  	_ =	shalt  }
0x5f: {  	_ =	shalt  }
0x60: {  	_ =	shalt  }
0x61: {  	_ =	shalt  }
0x62: {  	_ =	shalt  }
0x63: {  	_ =	shalt  }
0x64: {  	_ =	shalt  }
0x65: {  	_ =	shalt  }
0x66: {  	_ =	shalt  }
0x67: {  	_ =	shalt  }
0x68: {  	_ =	shalt  }
0x69: {  	_ =	shalt  }
0x6a: {  	_ =	shalt  }
0x6b: {  	_ =	shalt  }
0x6c: {  	_ =	shalt  }
0x6d: {  	_ =	shalt  }
0x6e: {  	_ =	shalt  }
0x6f: {  	_ =	shalt  }
0x70: {  	_ =	shalt  }
0x71: {  	_ =	shalt  }
0x72: {  	_ =	shalt  }
0x73: {  	_ =	shalt  }
0x74: {  	_ =	shalt  }
0x75: {  	_ =	shalt  }
0x76: {  	_ =	shalt  }
0x77: {  	_ =	shalt  }
0x78: {  	_ =	shalt  }
0x79: {  	_ =	shalt  }
0x7a: {  	_ =	shalt  }
0x7b: {  	_ =	shalt  }
0x7c: {  	_ =	shalt  }
0x7d: {  	_ =	shalt  }
0x7e: {  	_ =	shalt  }
0x7f: {  	_ =	shalt  }
0x80: {  	_ =	shalt  }
0x81: {  	_ =	shalt  }
0x82: {  	_ =	shalt  }
0x83: {  	_ =	shalt  }
0x84: {  	_ =	shalt  }
0x85: {  	_ =	shalt  }
0x86: {  	_ =	shalt  }
0x87: {  	_ =	shalt  }
.Lfunc_end0:
.L_simem_size_0:
called_computation.2_lowered:
.L_overlay_start_0:
0x88: {  	s2 =	sld [smem:$0x3FD9]  }
0x89: {  	s3 =	sld [smem:$0x3FFE];
	_ =	sdelay $0x1  }
0x8a: {  	s1 =	srdreg.scid  }
0x8b: {  	s0 =	sand.u32 $0x1, s1  }
0x8c: {  	s17 =	sshll.u32 s0, $0xA;
	s2 =	sadd.s32 s3, s2  }
0x8d: {  	s2 =	sadd.s32 s2, s17  }
0x8e: {  	[smem:$0x3FC2] =	sst s2  }
0x8f: {  	_ = 	snop  }
0x90: {  	s2 =	sld [smem:$0x3FD0];
	(tm) =	ssettm $0x1  }
0x91: {  	s18 =	sld [smem:$0x3FFB];
	_ =	sdelay $0x3  }
0x92: {  	_ =	strace s18  }
0x93: {  	s3 =	sld [smem:$0x3FFC];
	_ =	sdelay $0x3  }
0x94: {  	_ =	strace s3  }
0x95: {  	s3 =	sld [smem:$0x3FFD];
	_ =	sdelay $0x3  }
0x96: {  	_ =	strace s3  }
0x97: {  	_ =	strace $0x8FFFFFFF  }
0x98: {  	s19 =	sld [smem:$0x3FDB];
	_ =	sdelay $0x1  }
0x99: {  	s4 =	simm.s32 $_scs_section_size  }
0x9a: {  	s5 =	simm.s32 $_size__tile_overlayer_lowered;
	s6 =	simm.s32 $_tile_overlayer_lowered  }
0x9b: {  	s22 =	simm.s32 $0x1BFF;
	s21 =	sshll.u32 s6, $0x1;
	s3 =	sadd.s32 s4, s19  }
0x9c: {  	s7 =	simm.s32 $0x0;
	s20 =	sshll.u32 s5, $0x1;
	s5 =	sadd.s32 s21, s3  }
0x9d: {  	[timem:s7], [sflag:s22] =	dma.local [hbm:s5], s20  }
0x9e: {  	_ =	swait.ge [sflag:s22], s20  }
0x9f: {  	s4 =	ssub.s32 $0x0, s20;
	[sflag:s22] =	ssyncset.done $0x0  }
0xa0: {  	[sflag:s22] =	ssyncadd.s32 s4;
	_ =	sdelay $0x1  }
0xa1: {  	s23 =	simm.s32 $0x1B8B  }
0xa2: {  	_ =	swait.ge [sflag:s23], $0x1  }
0xa3: {  	[sflag:s23] =	ssyncset.done $0x0  }
0xa4: {  	s25 =	simm.s32 $0x1B8E;
	s24 =	sld [smem:$0x3FFE];
	[sflag:s23] =	ssyncadd.s32 $0xFFFFFFFF  }
0xa5: {  	s26 =	simm.s32 $execute0_lowered;
	[smem:$0x3FD2] =	sst s25  }
0xa6: {  	s5 =	sshll.u32 s26, $0x1;
	_ =	strace $0x8000004C;
	[dreg:$0x1] =	wrdreg $0xFFFFFFFF  }
0xa7: {  	s28 =	simm.s32 $_size_execute0_lowered;
	s3 =	sadd.s32 s3, s5;
	[dreg:$0x0] =	wrdreg $0x0  }
0xa8: {  	s5 =	sshll.u32 s28, $0x1;
	[dreg:$0x2] =	wrdreg s3  }
0xa9: {  	[dreg:$0x3] =	wrdreg s5  }
0xaa: {  	[dreg:$0x4] =	wrdreg $0xC0  }
0xab: {  	_ =	task [dreg:s7], $0x5FFFF  }
0xac: {  	[dreg:$0x1] =	wrdreg $0xFFFFFFFF  }
0xad: {  	[dreg:$0x0] =	wrdreg $0x60  }
0xae: {  	[dreg:$0x2] =	wrdreg s2  }
0xaf: {  	[dreg:$0x3] =	wrdreg s24  }
0xb0: {  	[dreg:$0x4] =	wrdreg $0x0  }
0xb1: {  	[dreg:$0x5] =	wrdreg $0x9  }
0xb2: {  	_ =	task.clear_ibuf [dreg:s7], $0x6FFFF;
	_ =	strace $0x9000004C  }
0xb3: {  	s29 =	simm.s32 $0x9;
	_ =	strace $0x8000004E  }
0xb4: {  	_ =	swait.ge [sflag:s29], $0x1  }
0xb5: {  	[sflag:s29] =	ssyncadd.s32 $0xFFFFFFFF  }
0xb6: {  	_ =	strace $0x9000004E  }
0xb7: {  	_ =	sfence  }
0xb8: {  	s30 =	sld [smem:$0x0];
	_ =	sdelay $0x2  }
0xb9: {  	s31 =	sshll.u32 s1, $0xD;
	s1 =	sshrl.u32 s1, $0x2  }
0xba: {  	s3 =	sand.u32 $0x4000, s31;
	s1 =	sadd.s32 s1, s30  }
0xbb: {  	s0 =	sor.u32 s3, s0;
	s1 =	sshll.u32 s1, $0x11  }
0xbc: {  	s0 =	sor.u32 s1, s0  }
0xbd: {  	s0 =	sadd.s32 $0x8F2B, s0  }
0xbe: {  	[sflag:s0] =	ssyncadd.remote.s32 $0x1  }
0xbf: {  	_ =	sfence.sel $0xFFFF  }
0xc0: {  	[dreg:$0x0] =	wrdreg $0xFFFFFFFF;
	(pc) =	sbr.abs _section_cstart, $3  }
0xc1: {  	[dreg:$0x1] =	wrdreg $0xFFFFFFFF  }
0xc2: {  	_ =	task.clear_ibuf [dreg:s7], $0x2FFFF;
	_ =	strace $0x9FFFFFFF  }
0xc3: {  	(tm) =	ssettm $0x7FFFFFFF  }
tec
execute0_lowered:
.L_overlay_start_1:
0x0: {  	(tag) =	ssettag $0x1  }
0x1: {  	s2 =	rddreg [dreg:$0x0]  }
0x2: {  	s0 =	rddreg [dreg:$0x1]  }
0x3: {  	s3 =	rddreg [dreg:$0x2]  }
0x4: {  	s10 =	stileid.u32;
	s1 =	srdreg.scid  }
0x5: {  	s5 =	simm.s32 $0x0;
	s28 =	simm.s32 $0x28;
	s4 =	smul.u32 $0x14000, s10  }
0x6: {  	s30 =	simm.s32 $0x14A00;
	s29 =	simm.s32 $0xB;
	s8 =	smul.u32 $0x50000, s10  }
0x7: {  	s1 =	sand.u32 $0x1, s1;
	[smem:$0x7FF] =	sst s5;
	s20 =	smul.u32 $0xFA00, s10  }
0x8: {  	s11 =	sadd.s32 $0x7A200, s0;
	s19 =	sshll.u32 s10, $0x6;
	s15 =	smul.u32 $0x140000, s1  }
0x9: {  	_ =	strace $0x8000004D;
	s16 =	sshll.u32 s1, $0x4;
	s7 =	ssub.s32 $0x2, s1  }
0xa: {  	s1 =	smul.u32 $0xFA000, s1;
	[dreg:$0x6] =	wrdreg s19;
	s21 =	sor.u32 $0x1C01, s19  }
0xb: {  	[dreg:$0x4] =	wrdreg s11;
	s6 =	sshrl.u32 s4, $0x3;
	s5 =	sor.u32 s10, s16  }
0xc: {  	s9 =	sshrl.u32 s7, $0x1;
	s18 =	sshrl.u32 s8, $0x2;
	[dreg:$0x9] =	wrdreg s21  }
0xd: {  	s6 =	sadd.s32 s6, s0;
	s4 =	sadd.s32 s4, s15;
	s5 =	smul.u32 $0xFA00, s5  }
0xe: {  	s17 =	ssub.s32 s7, s9;
	s7 =	sadd.s32 s18, s3;
	s1 =	sadd.s32 s20, s1  }
0xf: {  	s4 =	sshrl.u32 s4, $0x3;
	[dreg:$0x5] =	wrdreg s7;
	s6 =	sadd.s32 $0x2200, s6  }
0x10: {  	s25 =	smax.u32 s17, $0x1;
	s26 =	sadd.s32 $0x1300, s1;
	s31 =	sadd.s32 $0x1200, s1  }
0x11: {  	s7 =	sadd.s32 $0x1000, s1;
	s9 =	sadd.s32 $0xF00, s1;
	s10 =	sadd.s32 $0xE00, s1  }
0x12: {  	s15 =	sadd.s32 $0xD00, s1;
	s16 =	sadd.s32 $0xC00, s1;
	s17 =	sadd.s32 $0xB00, s1  }
0x13: {  	s21 =	sadd.s32 $0xA00, s1;
	s0 =	sadd.s32 s4, s0;
	[dreg:$0x8] =	wrdreg s6  }
0x14: {  	s5 =	sshrl.u32 s5, $0x3;
	[dreg:$0xe] =	wrdreg s25;
	s4 =	sshrl.u32 s31, $0x3  }
0x15: {  	s13 =	sshrl.u32 s10, $0x3;
	[dreg:$0x18] =	wrdreg s21;
	s0 =	sadd.s32 $0x2A200, s0  }
0x16: {  	s19 =	sshrl.u32 s17, $0x3;
	s14 =	sadd.s32 s13, s11;
	[dreg:$0xd] =	wrdreg s0  }
0x17: {  	s12 =	sshrl.u32 s9, $0x3;
	s20 =	sadd.s32 s19, s11;
	[dreg:$0x14] =	wrdreg s14  }
0x18: {  	s18 =	sshrl.u32 s16, $0x3;
	s8 =	sadd.s32 s11, s5;
	[dreg:$0x17] =	wrdreg s20  }
0x19: {  	s10 =	simm.s32 $0x15E00;
	s22 =	sadd.s32 $0x20, s8;
	[dreg:$0x7] =	wrdreg s8  }
0x1a: {  	s9 =	simm.s32 $0x17200;
	s23 =	sadd.s32 $0x40, s8;
	[dreg:$0xa] =	wrdreg s22  }
0x1b: {  	s5 =	sadd.s32 $0x1100, s1;
	s24 =	sadd.s32 $0x60, s8;
	[dreg:$0xb] =	wrdreg s23  }
0x1c: {  	s13 =	simm.s32 $0x10;
	s25 =	sadd.s32 $0xE0, s8;
	[dreg:$0xc] =	wrdreg s24  }
0x1d: {  	s0 =	sshrl.u32 s26, $0x3;
	s26 =	sadd.s32 $0x100, s8;
	[dreg:$0x1c] =	wrdreg s25  }
0x1e: {  	s1 =	simm.s32 $0x0;
	s31 =	sadd.s32 $0x120, s8;
	[dreg:$0x1d] =	wrdreg s26  }
0x1f: {  	s5 =	sshrl.u32 s5, $0x3;
	s0 =	sadd.s32 s0, s11;
	[dreg:$0x1e] =	wrdreg s31  }
0x20: {  	s14 =	simm.s32 $0x9;
	s6 =	sadd.s32 s5, s11;
	[dreg:$0xf] =	wrdreg s0  }
0x21: {  	s22 =	sadd.s32 $0x80, s8;
	s23 =	sadd.s32 $0xA0, s8;
	[dreg:$0x11] =	wrdreg s6  }
0x22: {  	s24 =	sadd.s32 $0xC0, s8;
	s25 =	simm.s32 $0x17200;
	[dreg:$0x19] =	wrdreg s22  }
0x23: {  	s8 =	simm.s32 $0x18600;
	s0 =	sadd.s32 s4, s11;
	[dreg:$0x1a] =	wrdreg s23  }
0x24: {  	s26 =	simm.s32 $0xC;
	[dreg:$0x10] =	wrdreg s0;
	s0 =	sshrl.u32 s7, $0x3  }
0x25: {  	[dreg:$0x1b] =	wrdreg s24;
	s24 =	simm.s32 $0x14900;
	s0 =	sadd.s32 s0, s11  }
.Ltmp0:
0x26: {  	[dreg:$0x12] =	wrdreg s0;
	s0 =	sadd.s32 s12, s11;
	(pc) =	sbr.rel .LBB2_1-.Ltmp0, $4  }
0x27: {  	s6 =	simm.s32 $0x11;
	[dreg:$0x13] =	wrdreg s0;
	s0 =	sshrl.u32 s15, $0x3  }
0x28: {  	s4 =	simm.s32 $0x8;
	s12 =	simm.s32 $0xE;
	s0 =	sadd.s32 s0, s11  }
0x29: {  	s15 =	simm.s32 $0xF;
	[dreg:$0x15] =	wrdreg s0;
	s0 =	sadd.s32 s18, s11  }
0x2a: {  	s11 =	simm.s32 $0xA;
	[dreg:$0x16] =	wrdreg s0;
	s0 =	simm.s32 $0x19A00  }
.LBB2_4:
0x2b: {  	[bflag:$0x0] =	sbarrier.arrive $0xFFFF  }
0x2c: {  	s1 =	sld [smem:$0x7FD]  }
0x2d: {  	s5 =	rddreg [dreg:$0x6]  }
0x2e: {  	s7 =	rddreg [dreg:$0xd];
	s5 =	sor.u32 $0x1C11, s5  }
0x2f: {  	[hbm:s7], [sflag:s5] =	dma.local [spmem:s1], $0x2800  }
0x30: {  	_ =	swait.ge [sflag:s6], $0x2800  }
0x31: {  	s24 =	rddreg [dreg:$0x1f]  }
0x32: {  	s31 =	rddreg [dreg:$0xe];
	s1 =	sadd.s32 $0x1, s24  }
0x33: {  	p0 =	sne.s32 s1, s31  }
.Ltmp1:
0x34: {  	_ = 	snop;
	(pc) =	sbr.rel @!p0 .LBB2_5-.Ltmp1, $3  }
0x35: {  	_ =	sdelay $0x1  }
0x36: {  	[sflag:s6] =	ssyncset.done $0x0  }
0x37: {  	[sflag:s6] =	ssyncadd.s32 $0xFFFFD800;
	s24 =	simm.s32 $0x14900  }
.LBB2_1:
0x38: {  	[dreg:$0x1f] =	wrdreg s1  }
0x39: {  	s5 =	rddreg [dreg:$0x5]  }
0x3a: {  	s18 =	rddreg [dreg:$0x8]  }
0x3b: {  	s7 =	rddreg [dreg:$0x9];
	s17 =	sshrl.u32 s5, $0x3  }
0x3c: {  	[smem:$0x7FD] =	sst s17  }
0x3d: {  	[spmem:s17], [sflag:s7] =	dma.local [hbm:s18], $0x2800  }
0x3e: {  	s16 =	simm.s32 $0x14000;
	s5 =	simm.s32 $0x0;
	s7 =	rddreg [dreg:$0x7]  }
0x3f: {  	[tilespmem:s16], [sflag:$0x2] =	stream.linear.gather [hbm4b:s7+s5], $0x100, $0x38;
	[tilespmem:$0x1AE00] =	vst v63  }
0x40: {  	s17 =	simm.s32 $0x14100;
	s19 =	rddreg [dreg:$0xa]  }
0x41: {  	[tilespmem:s17], [sflag:$0x3] =	stream.linear.gather [hbm4b:s19+s5], $0x100, $0x38;
	[tilespmem:$0x1AE00] =	vst v63  }
0x42: {  	s18 =	simm.s32 $0x14200;
	s20 =	rddreg [dreg:$0xb]  }
0x43: {  	[tilespmem:s18], [sflag:$0x4] =	stream.linear.gather [hbm4b:s20+s5], $0x100, $0x38;
	[tilespmem:$0x1AE00] =	vst v63  }
0x44: {  	s21 =	rddreg [dreg:$0xc];
	s19 =	simm.s32 $0x14300  }
0x45: {  	[tilespmem:s19], [sflag:$0x5] =	stream.linear.gather [hbm4b:s21+s5], $0x100, $0x38;
	[tilespmem:$0x1AE00] =	vst v63  }
0x46: {  	s22 =	rddreg [dreg:$0x19];
	s20 =	simm.s32 $0x14400  }
0x47: {  	[tilespmem:s20], [sflag:$0x6] =	stream.linear.gather [hbm4b:s22+s5], $0x100, $0x38;
	[tilespmem:$0x1AE00] =	vst v63  }
0x48: {  	s23 =	rddreg [dreg:$0x1a];
	s21 =	simm.s32 $0x14500  }
0x49: {  	[tilespmem:s21], [sflag:$0x7] =	stream.linear.gather [hbm4b:s23+s5], $0x100, $0x38;
	[tilespmem:$0x1AE00] =	vst v63  }
0x4a: {  	s1 =	simm.s32 $0x14600;
	s31 =	rddreg [dreg:$0x1b]  }
0x4b: {  	[tilespmem:s1], [sflag:$0x8] =	stream.linear.gather [hbm4b:s31+s5], $0x100, $0x38;
	[tilespmem:$0x1AE00] =	vst v63  }
0x4c: {  	s22 =	simm.s32 $0x14700;
	s21 =	rddreg [dreg:$0x1c]  }
0x4d: {  	[tilespmem:s22], [sflag:$0x9] =	stream.linear.gather [hbm4b:s21+s5], $0x100, $0x38;
	[tilespmem:$0x1AE00] =	vst v63  }
0x4e: {  	s23 =	rddreg [dreg:$0x1d];
	s31 =	simm.s32 $0x14800  }
0x4f: {  	[tilespmem:s31], [sflag:$0xA] =	stream.linear.gather [hbm4b:s23+s5], $0x100, $0x38;
	[tilespmem:$0x1AE00] =	vst v63  }
0x50: {  	s1 =	rddreg [dreg:$0x1e];
	s21 =	simm.s32 $0x2  }
0x51: {  	[tilespmem:s24], [sflag:$0xB] =	stream.linear.gather [hbm4b:s1+s5], $0x100, $0x38;
	[tilespmem:$0x1AE00] =	vst v63  }
0x52: {  	_ =	swait.ge [sflag:s21], $0x100  }
0x53: {  	[sflag:s21] =	ssyncset.done $0x0  }
0x54: {  	s22 =	simm.s32 $0x3;
	[sflag:s21] =	ssyncadd.s32 $0xFFFFFF00  }
0x55: {  	[tilespmem:s30], [sflag:$0xC] =	stream.indirect.gather [hbm4b:s2+s28], $0x80, s16, s28, $0xb8;
	[tilespmem:$0x1AE00] =	vst v63  }
0x56: {  	_ =	swait.ge [sflag:s22], $0x100  }
0x57: {  	[sflag:s22] =	ssyncset.done $0x0  }
0x58: {  	s23 =	simm.s32 $0x4;
	[sflag:s22] =	ssyncadd.s32 $0xFFFFFF00  }
0x59: {  	[tilespmem:s10], [sflag:$0xD] =	stream.indirect.gather [hbm4b:s2+s28], $0x80, s17, s28, $0xb8;
	[tilespmem:$0x1AE00] =	vst v63  }
0x5a: {  	_ =	swait.ge [sflag:s23], $0x100  }
0x5b: {  	[sflag:s23] =	ssyncset.done $0x0  }
0x5c: {  	[sflag:s23] =	ssyncadd.s32 $0xFFFFFF00  }
0x5d: {  	[tilespmem:s25], [sflag:$0xE] =	stream.indirect.gather [hbm4b:s2+s28], $0x80, s18, s28, $0xb8;
	[tilespmem:$0x1AE00] =	vst v63  }
0x5e: {  	s25 =	simm.s32 $0x5  }
0x5f: {  	_ =	swait.ge [sflag:s25], $0x100  }
0x60: {  	[sflag:s25] =	ssyncset.done $0x0  }
0x61: {  	s30 =	simm.s32 $0x6;
	[sflag:s25] =	ssyncadd.s32 $0xFFFFFF00  }
0x62: {  	[tilespmem:s8], [sflag:$0xF] =	stream.indirect.gather [hbm4b:s2+s28], $0x80, s19, s28, $0xb8;
	[tilespmem:$0x1AE00] =	vst v63  }
0x63: {  	_ =	swait.ge [sflag:s30], $0x100  }
0x64: {  	[sflag:s30] =	ssyncset.done $0x0  }
0x65: {  	s31 =	simm.s32 $0x1;
	[sflag:s30] =	ssyncadd.s32 $0xFFFFFF00  }
0x66: {  	[tilespmem:s0], [sflag:$0x10] =	stream.indirect.gather [hbm4b:s2+s28], $0x80, s20, s28, $0xb8;
	[tilespmem:$0x1AE00] =	vst v63  }
0x67: {  	_ =	swait.ge [sflag:s31], $0x2800  }
0x68: {  	[sflag:s31] =	ssyncset.done $0x0  }
0x69: {  	[sflag:s31] =	ssyncadd.s32 $0xFFFFD800  }
0x6a: {  	[bflag:$0x0] =	sbarrier.arrive $0xFFFF  }
0x6b: {  	s16 =	simm.s32 $0x0;
	s5 =	rddreg [dreg:$0x18]  }
.LBB2_2:
0x6c: {  	_ =	swait.ge [sflag:s26], $0x1400  }
0x6d: {  	s1 =	simm.s32 $0x14A00;
	[sflag:s26] =	ssyncset.done $0x0  }
0x6e: {  	s7 =	simm.s32 $0x14080;
	p0 =	seq.s32 s16, $0x1E00;
	[sflag:s26] =	ssyncadd.s32 $0xFFFFEC00  }
0x6f: {  	[spmem:s3] =	stream.indirect.scatter.add.f32 [tilespmem:s1], [sflag:$0x11], $0x80, s7, s28, $0xb8;
	[tilespmem:$0x1AE00] =	vst v63  }
0x70: {  	s19 =	simm.s32 $0x7;
	s17 =	sshrl.u32 @!p0 s5, $0x3;
	_ =	swait.ge [sflag:s6], $0x1400  }
0x71: {  	s21 =	simm.s32 @!p0 $0x14000;
	[sflag:s6] =	ssyncset.done $0x0;
	s7 =	rddreg [dreg:$0x4]  }
0x72: {  	[sflag:s6] =	ssyncadd.s32 $0xFFFFEC00;
	s18 =	sadd.s32 @!p0 s7, s17;
	s17 =	simm.s32 @!p0 $0x0  }
0x73: {  	[tilespmem:s21], [sflag:$0x2] =	stream.linear.gather @!p0 [hbm4b:s18+s17], $0x100, $0x38;
	[tilespmem:$0x1AE00] =	vst v63  }
0x74: {  	_ =	swait.ge [sflag:s19], $0x100  }
0x75: {  	[sflag:s19] =	ssyncset.done $0x0  }
0x76: {  	s20 =	simm.s32 $0x14500;
	s22 =	simm.s32 $0xD;
	[sflag:s19] =	ssyncadd.s32 $0xFFFFFF00  }
0x77: {  	[tilespmem:s1], [sflag:$0xC] =	stream.indirect.gather [hbm4b:s2+s28], $0x80, s20, s28, $0xb8;
	[tilespmem:$0x1AE00] =	vst v63  }
0x78: {  	_ =	swait.ge [sflag:s22], $0x1400  }
0x79: {  	[sflag:s22] =	ssyncset.done $0x0  }
0x7a: {  	s23 =	simm.s32 $0x14180;
	s19 =	simm.s32 $0x15E00;
	[sflag:s22] =	ssyncadd.s32 $0xFFFFEC00  }
0x7b: {  	[spmem:s3] =	stream.indirect.scatter.add.f32 [tilespmem:s19], [sflag:$0x11], $0x80, s23, s28, $0xb8;
	[tilespmem:$0x1AE00] =	vst v63  }
0x7c: {  	_ =	swait.ge [sflag:s6], $0x1400  }
0x7d: {  	[sflag:s6] =	ssyncset.done $0x0;
	s7 =	rddreg [dreg:$0x17]  }
0x7e: {  	s20 =	simm.s32 @!p0 $0x14100;
	[sflag:s6] =	ssyncadd.s32 $0xFFFFEC00;
	s18 =	sadd.s32 @!p0 s16, s7  }
0x7f: {  	[tilespmem:s20], [sflag:$0x3] =	stream.linear.gather @!p0 [hbm4b:s18+s17], $0x100, $0x38;
	[tilespmem:$0x1AE00] =	vst v63  }
0x80: {  	_ =	swait.ge [sflag:s4], $0x100  }
0x81: {  	[sflag:s4] =	ssyncset.done $0x0  }
0x82: {  	s25 =	simm.s32 $0x14600;
	[sflag:s4] =	ssyncadd.s32 $0xFFFFFF00  }
0x83: {  	[tilespmem:s19], [sflag:$0xD] =	stream.indirect.gather [hbm4b:s2+s28], $0x80, s25, s28, $0xb8;
	[tilespmem:$0x1AE00] =	vst v63  }
0x84: {  	_ =	swait.ge [sflag:s12], $0x1400  }
0x85: {  	[sflag:s12] =	ssyncset.done $0x0  }
0x86: {  	s31 =	simm.s32 $0x14280;
	[sflag:s12] =	ssyncadd.s32 $0xFFFFEC00  }
0x87: {  	[spmem:s3] =	stream.indirect.scatter.add.f32 [tilespmem:s9], [sflag:$0x11], $0x80, s31, s28, $0xb8;
	[tilespmem:$0x1AE00] =	vst v63  }
0x88: {  	_ =	swait.ge [sflag:s6], $0x1400  }
0x89: {  	[sflag:s6] =	ssyncset.done $0x0;
	s7 =	rddreg [dreg:$0x16]  }
0x8a: {  	s19 =	simm.s32 @!p0 $0x14200;
	[sflag:s6] =	ssyncadd.s32 $0xFFFFEC00;
	s18 =	sadd.s32 @!p0 s16, s7  }
0x8b: {  	[tilespmem:s19], [sflag:$0x4] =	stream.linear.gather @!p0 [hbm4b:s18+s17], $0x100, $0x38;
	[tilespmem:$0x1AE00] =	vst v63  }
0x8c: {  	_ =	swait.ge [sflag:s14], $0x100  }
0x8d: {  	[sflag:s14] =	ssyncset.done $0x0  }
0x8e: {  	s8 =	simm.s32 $0x14700;
	[sflag:s14] =	ssyncadd.s32 $0xFFFFFF00  }
0x8f: {  	[tilespmem:s9], [sflag:$0xE] =	stream.indirect.gather [hbm4b:s2+s28], $0x80, s8, s28, $0xb8;
	[tilespmem:$0x1AE00] =	vst v63  }
0x90: {  	_ =	swait.ge [sflag:s15], $0x1400  }
0x91: {  	[sflag:s15] =	ssyncset.done $0x0  }
0x92: {  	s23 =	simm.s32 $0x18600;
	s18 =	simm.s32 $0x14380;
	[sflag:s15] =	ssyncadd.s32 $0xFFFFEC00  }
0x93: {  	[spmem:s3] =	stream.indirect.scatter.add.f32 [tilespmem:s23], [sflag:$0x11], $0x80, s18, s28, $0xb8;
	[tilespmem:$0x1AE00] =	vst v63  }
0x94: {  	_ =	swait.ge [sflag:s6], $0x1400  }
0x95: {  	[sflag:s6] =	ssyncset.done $0x0;
	s7 =	rddreg [dreg:$0x15]  }
0x96: {  	s18 =	simm.s32 @!p0 $0x14300;
	[sflag:s6] =	ssyncadd.s32 $0xFFFFEC00;
	s22 =	sadd.s32 @!p0 s16, s7  }
0x97: {  	[tilespmem:s18], [sflag:$0x5] =	stream.linear.gather @!p0 [hbm4b:s22+s17], $0x100, $0x38;
	[tilespmem:$0x1AE00] =	vst v63  }
0x98: {  	_ =	swait.ge [sflag:s11], $0x100  }
0x99: {  	[sflag:s11] =	ssyncset.done $0x0  }
0x9a: {  	s22 =	simm.s32 $0x14800;
	[sflag:s11] =	ssyncadd.s32 $0xFFFFFF00  }
0x9b: {  	[tilespmem:s23], [sflag:$0xF] =	stream.indirect.gather [hbm4b:s2+s28], $0x80, s22, s28, $0xb8;
	[tilespmem:$0x1AE00] =	vst v63  }
0x9c: {  	_ =	swait.ge [sflag:s13], $0x1400  }
0x9d: {  	[sflag:s13] =	ssyncset.done $0x0  }
0x9e: {  	s25 =	simm.s32 $0x14480;
	[sflag:s13] =	ssyncadd.s32 $0xFFFFEC00  }
0x9f: {  	[spmem:s3] =	stream.indirect.scatter.add.f32 [tilespmem:s0], [sflag:$0x11], $0x80, s25, s28, $0xb8;
	[tilespmem:$0x1AE00] =	vst v63  }
0xa0: {  	_ =	swait.ge [sflag:s6], $0x1400  }
0xa1: {  	[sflag:s6] =	ssyncset.done $0x0;
	s7 =	rddreg [dreg:$0x14]  }
0xa2: {  	s23 =	simm.s32 @!p0 $0x14400;
	[sflag:s6] =	ssyncadd.s32 $0xFFFFEC00;
	s22 =	sadd.s32 @!p0 s16, s7  }
0xa3: {  	[tilespmem:s23], [sflag:$0x6] =	stream.linear.gather @!p0 [hbm4b:s22+s17], $0x100, $0x38;
	[tilespmem:$0x1AE00] =	vst v63  }
0xa4: {  	_ =	swait.ge [sflag:s29], $0x100  }
0xa5: {  	[sflag:s29] =	ssyncset.done $0x0  }
0xa6: {  	[sflag:s29] =	ssyncadd.s32 $0xFFFFFF00  }
0xa7: {  	[tilespmem:s0], [sflag:$0x10] =	stream.indirect.gather [hbm4b:s2+s28], $0x80, s24, s28, $0xb8;
	[tilespmem:$0x1AE00] =	vst v63  }
0xa8: {  	_ =	swait.ge [sflag:s26], $0x1400  }
0xa9: {  	[sflag:s26] =	ssyncset.done $0x0  }
0xaa: {  	s31 =	simm.s32 $0x14580;
	[sflag:s26] =	ssyncadd.s32 $0xFFFFEC00  }
0xab: {  	[spmem:s3] =	stream.indirect.scatter.add.f32 [tilespmem:s1], [sflag:$0x11], $0x80, s31, s28, $0xb8;
	[tilespmem:$0x1AE00] =	vst v63  }
0xac: {  	_ =	swait.ge [sflag:s6], $0x1400  }
0xad: {  	[sflag:s6] =	ssyncset.done $0x0  }
0xae: {  	s22 =	simm.s32 @p0 $0xD;
	[sflag:s6] =	ssyncadd.s32 $0xFFFFEC00  }
0xaf: {  	_ =	swait.ge @p0 [sflag:s22], $0x1400  }
0xb0: {  	s23 =	simm.s32 @p0 $0x28;
	[sflag:s22] =	ssyncset.done @p0 $0x0  }
0xb1: {  	s24 =	simm.s32 @p0 $0x15E00;
	[sflag:s22] =	ssyncadd.s32 @p0 $0xFFFFEC00;
	s22 =	simm.s32 @p0 $0x14680  }
0xb2: {  	[spmem:s3] =	stream.indirect.scatter.add.f32 @p0 [tilespmem:s24], [sflag:$0x11], $0x80, s22, s23, $0xb8;
	[tilespmem:$0x1AE00] =	vst v63  }
0xb3: {  	s24 =	simm.s32 @p0 $0x11  }
0xb4: {  	_ =	swait.ge @p0 [sflag:s24], $0x1400  }
0xb5: {  	[sflag:s24] =	ssyncset.done @p0 $0x0;
	s7 =	rddreg [dreg:$0x13]  }
0xb6: {  	[sflag:s24] =	ssyncadd.s32 @p0 $0xFFFFEC00;
	s22 =	sadd.s32 @!p0 s16, s7;
	s7 =	simm.s32 @!p0 $0x14500  }
0xb7: {  	[tilespmem:s7], [sflag:$0x7] =	stream.linear.gather @!p0 [hbm4b:s22+s17], $0x100, $0x38;
	[tilespmem:$0x1AE00] =	vst v63  }
0xb8: {  	s7 =	simm.s32 @!p0 $0x2  }
0xb9: {  	_ =	swait.ge @!p0 [sflag:s7], $0x100  }
0xba: {  	[sflag:s7] =	ssyncset.done @!p0 $0x0  }
0xbb: {  	s22 =	simm.s32 @!p0 $0x28;
	[sflag:s7] =	ssyncadd.s32 @!p0 $0xFFFFFF00;
	s7 =	simm.s32 @!p0 $0x14A00  }
0xbc: {  	[tilespmem:s7], [sflag:$0xC] =	stream.indirect.gather @!p0 [hbm4b:s2+s22], $0x80, s21, s22, $0xb8;
	[tilespmem:$0x1AE00] =	vst v63  }
0xbd: {  	s7 =	simm.s32 @!p0 $0xD  }
0xbe: {  	_ =	swait.ge @!p0 [sflag:s7], $0x1400  }
0xbf: {  	[sflag:s7] =	ssyncset.done @!p0 $0x0  }
0xc0: {  	s21 =	simm.s32 @!p0 $0x15E00;
	[sflag:s7] =	ssyncadd.s32 @!p0 $0xFFFFEC00;
	s7 =	simm.s32 @!p0 $0x14680  }
0xc1: {  	[spmem:s3] =	stream.indirect.scatter.add.f32 @!p0 [tilespmem:s21], [sflag:$0x11], $0x80, s7, s22, $0xb8;
	[tilespmem:$0x1AE00] =	vst v63  }
0xc2: {  	s7 =	simm.s32 @!p0 $0x11  }
0xc3: {  	_ =	swait.ge @!p0 [sflag:s7], $0x1400  }
0xc4: {  	[sflag:s7] =	ssyncset.done @!p0 $0x0;
	s25 =	rddreg [dreg:$0x12]  }
0xc5: {  	s31 =	simm.s32 @!p0 $0x14600;
	[sflag:s7] =	ssyncadd.s32 @!p0 $0xFFFFEC00;
	s25 =	sadd.s32 @!p0 s16, s25  }
0xc6: {  	[tilespmem:s31], [sflag:$0x8] =	stream.linear.gather @!p0 [hbm4b:s25+s17], $0x100, $0x38;
	[tilespmem:$0x1AE00] =	vst v63  }
0xc7: {  	s25 =	simm.s32 @!p0 $0x3  }
0xc8: {  	_ =	swait.ge @!p0 [sflag:s25], $0x100  }
0xc9: {  	[sflag:s25] =	ssyncset.done @!p0 $0x0  }
0xca: {  	[sflag:s25] =	ssyncadd.s32 @!p0 $0xFFFFFF00  }
0xcb: {  	[tilespmem:s21], [sflag:$0xD] =	stream.indirect.gather @!p0 [hbm4b:s2+s22], $0x80, s20, s22, $0xb8;
	[tilespmem:$0x1AE00] =	vst v63  }
0xcc: {  	_ =	swait.ge [sflag:s12], $0x1400  }
0xcd: {  	[sflag:s12] =	ssyncset.done $0x0  }
0xce: {  	s21 =	simm.s32 $0x14780;
	[sflag:s12] =	ssyncadd.s32 $0xFFFFEC00  }
0xcf: {  	[spmem:s3] =	stream.indirect.scatter.add.f32 [tilespmem:s9], [sflag:$0x11], $0x80, s21, s28, $0xb8;
	[tilespmem:$0x1AE00] =	vst v63  }
0xd0: {  	_ =	swait.ge [sflag:s6], $0x1400  }
0xd1: {  	[sflag:s6] =	ssyncset.done $0x0  }
0xd2: {  	s20 =	simm.s32 @p0 $0xF;
	[sflag:s6] =	ssyncadd.s32 $0xFFFFEC00  }
0xd3: {  	_ =	swait.ge @p0 [sflag:s20], $0x1400  }
0xd4: {  	[sflag:s20] =	ssyncset.done @p0 $0x0  }
0xd5: {  	s21 =	simm.s32 @p0 $0x18600;
	[sflag:s20] =	ssyncadd.s32 @p0 $0xFFFFEC00;
	s20 =	simm.s32 @p0 $0x14880  }
0xd6: {  	[spmem:s3] =	stream.indirect.scatter.add.f32 @p0 [tilespmem:s21], [sflag:$0x11], $0x80, s20, s23, $0xb8;
	[tilespmem:$0x1AE00] =	vst v63  }
0xd7: {  	_ =	swait.ge @p0 [sflag:s24], $0x1400  }
0xd8: {  	[sflag:s24] =	ssyncset.done @p0 $0x0;
	s20 =	rddreg [dreg:$0x11]  }
0xd9: {  	s21 =	simm.s32 @!p0 $0x14700;
	[sflag:s24] =	ssyncadd.s32 @p0 $0xFFFFEC00;
	s20 =	sadd.s32 @!p0 s16, s20  }
0xda: {  	[tilespmem:s21], [sflag:$0x9] =	stream.linear.gather @!p0 [hbm4b:s20+s17], $0x100, $0x38;
	[tilespmem:$0x1AE00] =	vst v63  }
0xdb: {  	s20 =	simm.s32 @!p0 $0x4  }
0xdc: {  	_ =	swait.ge @!p0 [sflag:s20], $0x100  }
0xdd: {  	[sflag:s20] =	ssyncset.done @!p0 $0x0  }
0xde: {  	[sflag:s20] =	ssyncadd.s32 @!p0 $0xFFFFFF00;
	s20 =	simm.s32 @!p0 $0x17200  }
0xdf: {  	[tilespmem:s20], [sflag:$0xE] =	stream.indirect.gather @!p0 [hbm4b:s2+s22], $0x80, s19, s22, $0xb8;
	[tilespmem:$0x1AE00] =	vst v63  }
0xe0: {  	s19 =	simm.s32 @!p0 $0xF  }
0xe1: {  	_ =	swait.ge @!p0 [sflag:s19], $0x1400  }
0xe2: {  	[sflag:s19] =	ssyncset.done @!p0 $0x0  }
0xe3: {  	s20 =	simm.s32 @!p0 $0x18600;
	[sflag:s19] =	ssyncadd.s32 @!p0 $0xFFFFEC00;
	s19 =	simm.s32 @!p0 $0x14880  }
0xe4: {  	[spmem:s3] =	stream.indirect.scatter.add.f32 @!p0 [tilespmem:s20], [sflag:$0x11], $0x80, s19, s22, $0xb8;
	[tilespmem:$0x1AE00] =	vst v63  }
0xe5: {  	_ =	swait.ge @!p0 [sflag:s7], $0x1400  }
0xe6: {  	[sflag:s7] =	ssyncset.done @!p0 $0x0  }
0xe7: {  	[sflag:s7] =	ssyncadd.s32 @!p0 $0xFFFFEC00;
	s7 =	rddreg [dreg:$0x10]  }
0xe8: {  	s19 =	simm.s32 @!p0 $0x14800;
	s7 =	sadd.s32 @!p0 s16, s7  }
0xe9: {  	[tilespmem:s19], [sflag:$0xA] =	stream.linear.gather @!p0 [hbm4b:s7+s17], $0x100, $0x38;
	[tilespmem:$0x1AE00] =	vst v63  }
0xea: {  	s7 =	simm.s32 @!p0 $0x5  }
0xeb: {  	_ =	swait.ge @!p0 [sflag:s7], $0x100  }
0xec: {  	[sflag:s7] =	ssyncset.done @!p0 $0x0  }
0xed: {  	[sflag:s7] =	ssyncadd.s32 @!p0 $0xFFFFFF00  }
0xee: {  	[tilespmem:s20], [sflag:$0xF] =	stream.indirect.gather @!p0 [hbm4b:s2+s22], $0x80, s18, s22, $0xb8;
	[tilespmem:$0x1AE00] =	vst v63  }
0xef: {  	_ =	swait.ge [sflag:s13], $0x1400  }
0xf0: {  	[sflag:s13] =	ssyncset.done $0x0  }
.Ltmp2:
0xf1: {  	s31 =	simm.s32 $0x14980;
	[sflag:s13] =	ssyncadd.s32 $0xFFFFEC00;
	(pc) =	sbr.rel @p0 .LBB2_4-.Ltmp2, $4  }
0xf2: {  	[spmem:s3] =	stream.indirect.scatter.add.f32 [tilespmem:s0], [sflag:$0x11], $0x80, s31, s28, $0xb8;
	[tilespmem:$0x1AE00] =	vst v63  }
0xf3: {  	s10 =	simm.s32 $0x15E00;
	_ =	swait.ge [sflag:s6], $0x1400  }
0xf4: {  	s30 =	simm.s32 $0x14A00;
	s8 =	simm.s32 $0x18600;
	[sflag:s6] =	ssyncset.done $0x0  }
0xf5: {  	s1 =	simm.s32 $0x14900;
	s25 =	simm.s32 $0x17200;
	[sflag:s6] =	ssyncadd.s32 $0xFFFFEC00  }
0xf6: {  	s7 =	rddreg [dreg:$0xf]  }
0xf7: {  	s17 =	simm.s32 $0x0;
	s7 =	sadd.s32 s16, s7  }
0xf8: {  	[tilespmem:s1], [sflag:$0xB] =	stream.linear.gather [hbm4b:s7+s17], $0x100, $0x38;
	[tilespmem:$0x1AE00] =	vst v63  }
.Ltmp3:
0xf9: {  	s30 =	simm.s32 $0x6;
	(pc) =	sbr.rel .LBB2_2-.Ltmp3, $4  }
0xfa: {  	_ =	swait.ge [sflag:s30], $0x100  }
0xfb: {  	s31 =	simm.s32 $0x14400;
	s5 =	sadd.s32 $0xA00, s5;
	[sflag:s30] =	ssyncset.done $0x0  }
0xfc: {  	s24 =	simm.s32 $0x14900;
	s16 =	sadd.s32 $0x140, s16;
	[sflag:s30] =	ssyncadd.s32 $0xFFFFFF00  }
0xfd: {  	[tilespmem:s0], [sflag:$0x10] =	stream.indirect.gather [hbm4b:s2+s28], $0x80, s31, s28, $0xb8;
	[tilespmem:$0x1AE00] =	vst v63  }
.LBB2_5:
0xfe: {  	_ =	sfence.sel $0x180000  }
0xff: {  	[bflag:$0x0] =	sbarrier.arrive $0xFFFF  }
0x100: {  	_ =	strace $0x9000004D  }
0x101: {  	s0 =	stileid.u32;
	[bflag:$0x2] =	sbarrier.arrive $0xFFFF  }
0x102: {  	p0 =	sne.s32 s0, $0x0;
	s0 =	rddreg [dreg:$0x3]  }
0x103: {  	s0 =	sadd.s32 @!p0 $0x100000, s0  }
0x104: {  	[sflag:s0] =	ssyncadd.tile.s32 @!p0 $0x1;
	_ =	shalt  }
.Lfunc_end2:
_tile_overlayer_lowered:
.L_overlay_start_2:
0x105: {  	(tag) =	ssettag $0x2  }
0x106: {  	s0 =	rddreg [dreg:$0x0];
	s2 =	stileid.u32  }
0x107: {  	s1 =	rddreg [dreg:$0x1];
	p0 =	sne.s32 s2, $0x0  }
0x108: {  	s3 =	rddreg [dreg:$0x2];
	[bflag:$0x3] =	sbarrier.arrive $0xFFFF;
	s2 =	simm.s32 @!p0 $0x1C11  }
0x109: {  	[timem:s3], [sflag:s2] =	dma.local @!p0 [hbm:s0], s1  }
0x10a: {  	s0 =	simm.s32 @!p0 $0x11  }
0x10b: {  	_ =	swait.ge @!p0 [sflag:s0], s1  }
0x10c: {  	s1 =	ssub.s32 @!p0 $0x0, s1;
	[sflag:s0] =	ssyncset.done @!p0 $0x0  }
0x10d: {  	[sflag:s0] =	ssyncadd.s32 @!p0 s1  }
0x10e: {  	[bflag:$0x3] =	sbarrier.arrive $0xFFFF  }
0x10f: {  	_ =	shalt  }

// kernel: kernel.8.cloned.1.call-start
scs
__scs_entry_jumppad:
0x0: {  	(pc) =	sbr.rel $0x88, $3  }
0x1: {  	(tag) =	ssettag $0x0;
	lr =	simm.s32 $0x1  }
0x2: {  	[smem:$0x3F9B] =	sst lr;
	_ =	strace $0xD0000000  }
0x3: {  	_ = 	snop  }
0x4: {  	_ = 	snop  }
0x5: {  	_ = 	snop  }
0x6: {  	_ = 	snop  }
0x7: {  	_ = 	snop  }
__scs_overlays_trampoline_lowered:
0x8: {  	[smem:$0x3FAA] =	sst s0  }
0x9: {  	[smem:$0x3FAB] =	sst s1  }
0xa: {  	[smem:$0x3FAC] =	sst s2  }
0xb: {  	[smem:$0x3FAD] =	sst s3  }
0xc: {  	[smem:$0x3FAE] =	sst s4  }
0xd: {  	[smem:$0x3FAF] =	sst s5  }
0xe: {  	[smem:$0x3FB0] =	sst s6  }
0xf: {  	[smem:$0x3FB1] =	sst s7  }
0x10: {  	[smem:$0x3FB2] =	sst s8  }
0x11: {  	[smem:$0x3FB3] =	sst s9;
	s0 =	simm.s32 @!p0 $0x0  }
0x12: {  	s1 =	sld [smem:$0x3F99];
	s0 =	simm.s32 @p0 $0x1  }
0x13: {  	[smem:$0x3FB4] =	sst s0;
	s0 =	simm.s32 @!p1 $0x0  }
0x14: {  	s2 =	sld [smem:$0x3F98];
	s0 =	simm.s32 @p1 $0x1  }
0x15: {  	[smem:$0x3FB5] =	sst s0;
	s0 =	simm.s32 @!p2 $0x0  }
0x16: {  	s3 =	sld [smem:$0x3FDB];
	s0 =	simm.s32 @p2 $0x1  }
0x17: {  	s4 =	simm.s32 $0x1BF5;
	[smem:$0x3FB7] =	sst s0  }
0x18: {  	s0 =	sld [smem:$0x3F9A];
	_ =	swait.ge [sflag:s4], $0x0  }
0x19: {  	s7 =	sld [smem:$0x3F9B]  }
0x1a: {  	s8 =	sadd.s32 $0xFFFFE003, lr  }
0x1b: {  	s9 =	sadd.s32 $0xFFFFFEF7, lr;
	s5 =	simm.s32 $0xFFFFFFFF;
	p2 =	slt.u32 s8, $0xFFFFF086  }
0x1c: {  	p1 =	slt.u32 s9, $0xF7A;
	s5 =	simm.s32 @!p2 $0x0  }
0x1d: {  	s5 =	simm.s32 @p1 $0x1;
	p0 =	seq.s32 s7, s2  }
0x1e: {  	s7 =	smul.u32 @!p0 $0xF7A, s2;
	p2 =	seq.s32 @!p0 s5, $0x0  }
0x1f: {  	s9 =	smul.u32 $0xF7A, s1;
	s8 =	simm.s32 @!p0 $0x1BF5;
	p2 =	por !p2, p0  }
0x20: {  	[sflag:s8] =	ssyncset.s32 @!p0 $0xFFFFF086;
	s6 =	sadd.s32 @!p0 s3, s7;
	s7 =	simm.s32 @!p0 $0x108  }
0x21: {  	s3 =	sadd.s32 s3, s9;
	s6 =	sadd.s32 @!p0 $0x88, s6;
	s7 =	simm.s32 @p2 $0x1082  }
0x22: {  	[simem:s7], [sflag:s8] =	dma.local @!p0 [hbm:s6], $0xF7A  }
0x23: {  	s9 =	sor.u32 $0xD0000000, s2;
	s6 =	simm.s32 $0x108;
	_ =	swait.ge @!p0 [sflag:s8], $0x0  }
0x24: {  	s3 =	sadd.s32 $0x88, s3;
	s6 =	simm.s32 @!p1 $0x1082;
	[sflag:s4] =	ssyncset.s32 $0xFFFFF086  }
0x25: {  	[simem:s6], [sflag:s4] =	dma.local [hbm:s3], $0xF7A  }
0x26: {  	[smem:$0x3F9B] =	sst s1;
	(tag) =	ssettag s2;
	_ =	strace s9  }
0x27: {  	s1 =	sld [smem:$0x3FAB]  }
0x28: {  	s2 =	sld [smem:$0x3FAC]  }
0x29: {  	s4 =	sld [smem:$0x3FAE]  }
0x2a: {  	p0 =	seq.s32 s5, $0x0;
	s5 =	sld [smem:$0x3FAF]  }
0x2b: {  	s6 =	sld [smem:$0x3FB0]  }
0x2c: {  	s7 =	sld [smem:$0x3FB1]  }
0x2d: {  	s3 =	simm.s32 $0x108;
	s8 =	sld [smem:$0x3FB2]  }
0x2e: {  	s3 =	simm.s32 @!p0 $0x1082;
	s9 =	sld [smem:$0x3FB3]  }
0x2f: {  	lr =	sadd.s32 s0, s3;
	s0 =	sld [smem:$0x3FAA]  }
0x30: {  	s3 =	sld [smem:$0x3FAD]  }
0x31: {  	[smem:$0x3FB6] =	sst s10  }
0x32: {  	s10 =	sld [smem:$0x3FB4];
	_ =	sdelay $0x3  }
0x33: {  	p0 =	seq.s32 s10, $0x1;
	s10 =	sld [smem:$0x3FB6];
	_ =	sdelay $0x3  }
0x34: {  	[smem:$0x3FB6] =	sst s10  }
0x35: {  	s10 =	sld [smem:$0x3FB5];
	_ =	sdelay $0x3  }
0x36: {  	p1 =	seq.s32 s10, $0x1;
	s10 =	sld [smem:$0x3FB6];
	_ =	sdelay $0x3  }
0x37: {  	[smem:$0x3FB6] =	sst s10  }
0x38: {  	s10 =	sld [smem:$0x3FB7]  }
0x39: {  	_ = 	snop;
	(pc) =	sbr.ind lr, $3  }
0x3a: {  	_ = 	snop  }
0x3b: {  	_ = 	snop  }
0x3c: {  	p2 =	seq.s32 s10, $0x1;
	s10 =	sld [smem:$0x3FB6]  }
0x3d: {  	_ =	shalt  }
0x3e: {  	_ =	shalt  }
0x3f: {  	_ =	shalt  }
0x40: {  	_ =	shalt  }
0x41: {  	_ =	shalt  }
0x42: {  	_ =	shalt  }
0x43: {  	_ =	shalt  }
0x44: {  	_ =	shalt  }
0x45: {  	_ =	shalt  }
0x46: {  	_ =	shalt  }
0x47: {  	_ =	shalt  }
0x48: {  	_ =	shalt  }
0x49: {  	_ =	shalt  }
0x4a: {  	_ =	shalt  }
0x4b: {  	_ =	shalt  }
0x4c: {  	_ =	shalt  }
0x4d: {  	_ =	shalt  }
0x4e: {  	_ =	shalt  }
0x4f: {  	_ =	shalt  }
0x50: {  	_ =	shalt  }
0x51: {  	_ =	shalt  }
0x52: {  	_ =	shalt  }
0x53: {  	_ =	shalt  }
0x54: {  	_ =	shalt  }
0x55: {  	_ =	shalt  }
0x56: {  	_ =	shalt  }
0x57: {  	_ =	shalt  }
0x58: {  	_ =	shalt  }
0x59: {  	_ =	shalt  }
0x5a: {  	_ =	shalt  }
0x5b: {  	_ =	shalt  }
0x5c: {  	_ =	shalt  }
0x5d: {  	_ =	shalt  }
0x5e: {  	_ =	shalt  }
0x5f: {  	_ =	shalt  }
0x60: {  	_ =	shalt  }
0x61: {  	_ =	shalt  }
0x62: {  	_ =	shalt  }
0x63: {  	_ =	shalt  }
0x64: {  	_ =	shalt  }
0x65: {  	_ =	shalt  }
0x66: {  	_ =	shalt  }
0x67: {  	_ =	shalt  }
0x68: {  	_ =	shalt  }
0x69: {  	_ =	shalt  }
0x6a: {  	_ =	shalt  }
0x6b: {  	_ =	shalt  }
0x6c: {  	_ =	shalt  }
0x6d: {  	_ =	shalt  }
0x6e: {  	_ =	shalt  }
0x6f: {  	_ =	shalt  }
0x70: {  	_ =	shalt  }
0x71: {  	_ =	shalt  }
0x72: {  	_ =	shalt  }
0x73: {  	_ =	shalt  }
0x74: {  	_ =	shalt  }
0x75: {  	_ =	shalt  }
0x76: {  	_ =	shalt  }
0x77: {  	_ =	shalt  }
0x78: {  	_ =	shalt  }
0x79: {  	_ =	shalt  }
0x7a: {  	_ =	shalt  }
0x7b: {  	_ =	shalt  }
0x7c: {  	_ =	shalt  }
0x7d: {  	_ =	shalt  }
0x7e: {  	_ =	shalt  }
0x7f: {  	_ =	shalt  }
0x80: {  	_ =	shalt  }
0x81: {  	_ =	shalt  }
0x82: {  	_ =	shalt  }
0x83: {  	_ =	shalt  }
0x84: {  	_ =	shalt  }
0x85: {  	_ =	shalt  }
0x86: {  	_ =	shalt  }
0x87: {  	_ =	shalt  }
.Lfunc_end0:
.L_simem_size_0:
called_computation_lowered:
.L_overlay_start_0:
0x88: {  	s2 =	sld [smem:$0x3FD9]  }
0x89: {  	s3 =	sld [smem:$0x3FFE];
	_ =	sdelay $0x1  }
0x8a: {  	s1 =	srdreg.scid  }
0x8b: {  	s0 =	sand.u32 $0x1, s1  }
0x8c: {  	s17 =	sshll.u32 s0, $0xA;
	s2 =	sadd.s32 s3, s2  }
0x8d: {  	s2 =	sadd.s32 s2, s17  }
0x8e: {  	[smem:$0x3FC2] =	sst s2  }
0x8f: {  	_ = 	snop  }
0x90: {  	s2 =	sld [smem:$0x3FD0];
	(tm) =	ssettm $0x1  }
0x91: {  	s18 =	sld [smem:$0x3FFB];
	_ =	sdelay $0x3  }
0x92: {  	_ =	strace s18  }
0x93: {  	s3 =	sld [smem:$0x3FFC];
	_ =	sdelay $0x3  }
0x94: {  	_ =	strace s3  }
0x95: {  	s3 =	sld [smem:$0x3FFD];
	_ =	sdelay $0x3  }
0x96: {  	_ =	strace s3  }
0x97: {  	_ =	strace $0x8FFFFFFF  }
0x98: {  	s19 =	sld [smem:$0x3FDB];
	_ =	sdelay $0x1  }
0x99: {  	s4 =	simm.s32 $_scs_section_size  }
0x9a: {  	s5 =	simm.s32 $_size__tile_overlayer_lowered;
	s6 =	simm.s32 $_tile_overlayer_lowered  }
0x9b: {  	s22 =	simm.s32 $0x1BFF;
	s21 =	sshll.u32 s6, $0x1;
	s3 =	sadd.s32 s4, s19  }
0x9c: {  	s7 =	simm.s32 $0x0;
	s20 =	sshll.u32 s5, $0x1;
	s5 =	sadd.s32 s21, s3  }
0x9d: {  	[timem:s7], [sflag:s22] =	dma.local [hbm:s5], s20  }
0x9e: {  	_ =	swait.ge [sflag:s22], s20  }
0x9f: {  	s4 =	ssub.s32 $0x0, s20;
	[sflag:s22] =	ssyncset.done $0x0  }
0xa0: {  	[sflag:s22] =	ssyncadd.s32 s4;
	_ =	sdelay $0x1  }
0xa1: {  	s23 =	simm.s32 $0x1B8B  }
0xa2: {  	_ =	swait.ge [sflag:s23], $0x1  }
0xa3: {  	[sflag:s23] =	ssyncset.done $0x0  }
0xa4: {  	s25 =	simm.s32 $0x1B8E;
	s24 =	sld [smem:$0x3FFE];
	[sflag:s23] =	ssyncadd.s32 $0xFFFFFFFF  }
0xa5: {  	s26 =	simm.s32 $execute0_lowered;
	[smem:$0x3FD2] =	sst s25  }
0xa6: {  	s5 =	sshll.u32 s26, $0x1;
	_ =	strace $0x80000046;
	[dreg:$0x1] =	wrdreg $0xFFFFFFFF  }
0xa7: {  	s28 =	simm.s32 $_size_execute0_lowered;
	s3 =	sadd.s32 s3, s5;
	[dreg:$0x0] =	wrdreg $0x0  }
0xa8: {  	s5 =	sshll.u32 s28, $0x1;
	[dreg:$0x2] =	wrdreg s3  }
0xa9: {  	[dreg:$0x3] =	wrdreg s5  }
0xaa: {  	[dreg:$0x4] =	wrdreg $0xC0  }
0xab: {  	_ =	task [dreg:s7], $0x5FFFF  }
0xac: {  	[dreg:$0x1] =	wrdreg $0xFFFFFFFF  }
0xad: {  	[dreg:$0x0] =	wrdreg $0x60  }
0xae: {  	[dreg:$0x2] =	wrdreg s2  }
0xaf: {  	[dreg:$0x3] =	wrdreg s24  }
0xb0: {  	[dreg:$0x4] =	wrdreg $0x0  }
0xb1: {  	[dreg:$0x5] =	wrdreg $0x9  }
0xb2: {  	_ =	task.clear_ibuf [dreg:s7], $0x6FFFF;
	_ =	strace $0x90000046  }
0xb3: {  	s29 =	simm.s32 $0x9;
	_ =	strace $0x80000048  }
0xb4: {  	_ =	swait.ge [sflag:s29], $0x1  }
0xb5: {  	[sflag:s29] =	ssyncadd.s32 $0xFFFFFFFF  }
0xb6: {  	_ =	strace $0x90000048  }
0xb7: {  	_ =	sfence  }
0xb8: {  	s30 =	sld [smem:$0x0];
	_ =	sdelay $0x2  }
0xb9: {  	s31 =	sshll.u32 s1, $0xD;
	s1 =	sshrl.u32 s1, $0x2  }
0xba: {  	s3 =	sand.u32 $0x4000, s31;
	s1 =	sadd.s32 s1, s30  }
0xbb: {  	s0 =	sor.u32 s3, s0;
	s1 =	sshll.u32 s1, $0x11  }
0xbc: {  	s0 =	sor.u32 s1, s0  }
0xbd: {  	s0 =	sadd.s32 $0x8F2B, s0  }
0xbe: {  	[sflag:s0] =	ssyncadd.remote.s32 $0x1  }
0xbf: {  	_ =	sfence.sel $0xFFFF  }
0xc0: {  	[dreg:$0x0] =	wrdreg $0xFFFFFFFF;
	(pc) =	sbr.abs _section_cstart, $3  }
0xc1: {  	[dreg:$0x1] =	wrdreg $0xFFFFFFFF  }
0xc2: {  	_ =	task.clear_ibuf [dreg:s7], $0x2FFFF;
	_ =	strace $0x9FFFFFFF  }
0xc3: {  	(tm) =	ssettm $0x7FFFFFFF  }
tec
execute0_lowered:
.L_overlay_start_1:
0x0: {  	(tag) =	ssettag $0x1  }
0x1: {  	s5 =	rddreg [dreg:$0x0];
	s0 =	stileid.u32  }
0x2: {  	s1 =	srdreg.scid;
	s6 =	rddreg [dreg:$0x1]  }
0x3: {  	s2 =	rddreg [dreg:$0x2];
	s3 =	simm.s32 $0x0;
	s13 =	simm.s32 $0x1  }
0x4: {  	s14 =	simm.s32 $0x2;
	s15 =	simm.s32 $0x28;
	s16 =	simm.s32 $0x3  }
0x5: {  	s18 =	simm.s32 $0x4;
	s7 =	sand.u32 $0x1, s1;
	s1 =	rddreg [dreg:$0x3]  }
0x6: {  	s19 =	simm.s32 $0x0;
	s4 =	smul.u32 $0x14000, s0;
	[smem:$0x7FF] =	sst s3  }
0x7: {  	s11 =	sshll.u32 s0, $0xC;
	s12 =	smul.u32 $0x50000, s0;
	s17 =	sshll.u32 s0, $0x6  }
0x8: {  	s8 =	smul.u32 $0x140000, s7;
	_ =	strace $0x80000047;
	s29 =	ssub.s32 $0x2, s7  }
0x9: {  	s30 =	sshll.u32 s7, $0x10;
	s5 =	sadd.s32 s5, s11;
	s7 =	sor.u32 $0x1C02, s17  }
0xa: {  	s11 =	simm.s32 $0x1C000;
	s17 =	sor.u32 $0x1C04, s17;
	s9 =	sshrl.u32 s4, $0x3  }
0xb: {  	s10 =	sshrl.u32 s29, $0x1;
	s5 =	sadd.s32 s30, s5;
	s31 =	sshrl.u32 s12, $0x2  }
0xc: {  	s4 =	sadd.s32 s4, s8;
	s26 =	sadd.s32 s9, s6;
	s10 =	ssub.s32 s29, s10  }
0xd: {  	s12 =	sadd.s32 s31, s2;
	s28 =	sshrl.u32 s4, $0x3;
	s4 =	sadd.s32 $0x1E00, s6  }
0xe: {  	s12 =	sshrl.u32 s12, $0x3;
	s9 =	sadd.s32 s28, s6;
	s6 =	sadd.s32 $0x2200, s26  }
0xf: {  	s8 =	sadd.s32 $0x2A200, s9;
	s9 =	smax.u32 s10, $0x1;
	s10 =	simm.s32 $0x14000  }
.LBB2_1:
0x10: {  	[tilespmem:s10], [sflag:$0x1] =	stream.linear.gather [hbm4b:s5+s3], $0x7D00, $0x38;
	[tilespmem:$0x1D400] =	vst v63  }
0x11: {  	_ = 	snop  }
0x12: {  	[tilespmem:s11], [sflag:$0x1] =	stream.linear.gather [hbm4b:s4+s3], $0x1400, $0x38;
	[tilespmem:$0x1D400] =	vst v63  }
0x13: {  	[spmem:s12], [sflag:s7] =	dma.local [hbm:s6], $0x2800  }
0x14: {  	_ =	swait.ge [sflag:s13], $0x7D00  }
0x15: {  	[sflag:s13] =	ssyncset.done $0x0  }
0x16: {  	[sflag:s13] =	ssyncadd.s32 $0xFFFF8300  }
0x17: {  	_ =	swait.ge [sflag:s13], $0x1400  }
0x18: {  	[sflag:s13] =	ssyncset.done $0x0  }
0x19: {  	[sflag:s13] =	ssyncadd.s32 $0xFFFFEC00  }
0x1a: {  	_ =	swait.ge [sflag:s14], $0x2800  }
0x1b: {  	[sflag:s14] =	ssyncset.done $0x0  }
0x1c: {  	[sflag:s14] =	ssyncadd.s32 $0xFFFFD800  }
0x1d: {  	s20 =	simm.s32 $0x14000;
	[bflag:$0x0] =	sbarrier.arrive $0xFFFF  }
0x1e: {  	[spmem:s2] =	stream.indirect.scatter.add.f32 [tilespmem:s11], [sflag:$0x3], $0x80, s20, s15, $0xb8;
	[tilespmem:$0x1D400] =	vst v63  }
0x1f: {  	s22 =	simm.s32 $0x14080  }
0x20: {  	[spmem:s2] =	stream.indirect.scatter.add.f32 [tilespmem:s11], [sflag:$0x3], $0x80, s22, s15, $0xb8;
	[tilespmem:$0x1D400] =	vst v63  }
0x21: {  	s23 =	simm.s32 $0x14100  }
0x22: {  	[spmem:s2] =	stream.indirect.scatter.add.f32 [tilespmem:s11], [sflag:$0x3], $0x80, s23, s15, $0xb8;
	[tilespmem:$0x1D400] =	vst v63  }
0x23: {  	s24 =	simm.s32 $0x14180  }
0x24: {  	[spmem:s2] =	stream.indirect.scatter.add.f32 [tilespmem:s11], [sflag:$0x3], $0x80, s24, s15, $0xb8;
	[tilespmem:$0x1D400] =	vst v63  }
0x25: {  	s25 =	simm.s32 $0x14200  }
0x26: {  	[spmem:s2] =	stream.indirect.scatter.add.f32 [tilespmem:s11], [sflag:$0x3], $0x80, s25, s15, $0xb8;
	[tilespmem:$0x1D400] =	vst v63  }
0x27: {  	s26 =	simm.s32 $0x14280  }
0x28: {  	[spmem:s2] =	stream.indirect.scatter.add.f32 [tilespmem:s11], [sflag:$0x3], $0x80, s26, s15, $0xb8;
	[tilespmem:$0x1D400] =	vst v63  }
0x29: {  	s28 =	simm.s32 $0x14300  }
0x2a: {  	[spmem:s2] =	stream.indirect.scatter.add.f32 [tilespmem:s11], [sflag:$0x3], $0x80, s28, s15, $0xb8;
	[tilespmem:$0x1D400] =	vst v63  }
0x2b: {  	s29 =	simm.s32 $0x14380  }
0x2c: {  	[spmem:s2] =	stream.indirect.scatter.add.f32 [tilespmem:s11], [sflag:$0x3], $0x80, s29, s15, $0xb8;
	[tilespmem:$0x1D400] =	vst v63  }
0x2d: {  	s30 =	simm.s32 $0x14400  }
0x2e: {  	[spmem:s2] =	stream.indirect.scatter.add.f32 [tilespmem:s11], [sflag:$0x3], $0x80, s30, s15, $0xb8;
	[tilespmem:$0x1D400] =	vst v63  }
0x2f: {  	s31 =	simm.s32 $0x14480  }
0x30: {  	[spmem:s2] =	stream.indirect.scatter.add.f32 [tilespmem:s11], [sflag:$0x3], $0x80, s31, s15, $0xb8;
	[tilespmem:$0x1D400] =	vst v63  }
0x31: {  	_ =	swait.ge [sflag:s16], $0x1400  }
0x32: {  	[sflag:s16] =	ssyncset.done $0x0  }
0x33: {  	[sflag:s16] =	ssyncadd.s32 $0xFFFFEC00  }
0x34: {  	_ =	swait.ge [sflag:s16], $0x1400  }
0x35: {  	[sflag:s16] =	ssyncset.done $0x0  }
0x36: {  	[sflag:s16] =	ssyncadd.s32 $0xFFFFEC00  }
0x37: {  	_ =	swait.ge [sflag:s16], $0x1400  }
0x38: {  	[sflag:s16] =	ssyncset.done $0x0  }
0x39: {  	[sflag:s16] =	ssyncadd.s32 $0xFFFFEC00  }
0x3a: {  	_ =	swait.ge [sflag:s16], $0x1400  }
0x3b: {  	[sflag:s16] =	ssyncset.done $0x0  }
0x3c: {  	[sflag:s16] =	ssyncadd.s32 $0xFFFFEC00  }
0x3d: {  	_ =	swait.ge [sflag:s16], $0x1400  }
0x3e: {  	[sflag:s16] =	ssyncset.done $0x0  }
0x3f: {  	[sflag:s16] =	ssyncadd.s32 $0xFFFFEC00  }
0x40: {  	_ =	swait.ge [sflag:s16], $0x1400  }
0x41: {  	[sflag:s16] =	ssyncset.done $0x0  }
0x42: {  	[sflag:s16] =	ssyncadd.s32 $0xFFFFEC00  }
0x43: {  	_ =	swait.ge [sflag:s16], $0x1400  }
0x44: {  	[sflag:s16] =	ssyncset.done $0x0  }
0x45: {  	[sflag:s16] =	ssyncadd.s32 $0xFFFFEC00  }
0x46: {  	_ =	swait.ge [sflag:s16], $0x1400  }
0x47: {  	[sflag:s16] =	ssyncset.done $0x0  }
0x48: {  	[sflag:s16] =	ssyncadd.s32 $0xFFFFEC00  }
0x49: {  	_ =	swait.ge [sflag:s16], $0x1400  }
0x4a: {  	[sflag:s16] =	ssyncset.done $0x0  }
0x4b: {  	[sflag:s16] =	ssyncadd.s32 $0xFFFFEC00  }
0x4c: {  	_ =	swait.ge [sflag:s16], $0x1400  }
0x4d: {  	s22 =	simm.s32 $0x500;
	s23 =	simm.s32 $0x2800;
	[sflag:s16] =	ssyncset.done $0x0  }
.LBB2_2:
0x4e: {  	s24 =	sadd.s32 $0x14000, s22  }
0x4f: {  	[sflag:s16] =	ssyncadd.s32 $0xFFFFEC00;
	s21 =	smov.u32 s23;
	s20 =	sadd.s32 $0x1400, s23  }
0x50: {  	[spmem:s2] =	stream.indirect.scatter.add.f32 [tilespmem:s11], [sflag:$0x3], $0x80, s24, s15, $0xb8;
	[tilespmem:$0x1D400] =	vst v63  }
0x51: {  	p0 =	sne.s32 s23, $0x1E000;
	s23 =	sadd.s32 $0x14080, s22  }
0x52: {  	[spmem:s2] =	stream.indirect.scatter.add.f32 [tilespmem:s11], [sflag:$0x3], $0x80, s23, s15, $0xb8;
	[tilespmem:$0x1D400] =	vst v63  }
0x53: {  	s23 =	sadd.s32 $0x14100, s22  }
0x54: {  	[spmem:s2] =	stream.indirect.scatter.add.f32 [tilespmem:s11], [sflag:$0x3], $0x80, s23, s15, $0xb8;
	[tilespmem:$0x1D400] =	vst v63  }
0x55: {  	s23 =	sadd.s32 $0x14180, s22  }
0x56: {  	[spmem:s2] =	stream.indirect.scatter.add.f32 [tilespmem:s11], [sflag:$0x3], $0x80, s23, s15, $0xb8;
	[tilespmem:$0x1D400] =	vst v63  }
0x57: {  	s23 =	sadd.s32 $0x14200, s22  }
0x58: {  	[spmem:s2] =	stream.indirect.scatter.add.f32 [tilespmem:s11], [sflag:$0x3], $0x80, s23, s15, $0xb8;
	[tilespmem:$0x1D400] =	vst v63  }
0x59: {  	s23 =	sadd.s32 $0x14280, s22  }
0x5a: {  	[spmem:s2] =	stream.indirect.scatter.add.f32 [tilespmem:s11], [sflag:$0x3], $0x80, s23, s15, $0xb8;
	[tilespmem:$0x1D400] =	vst v63  }
0x5b: {  	s23 =	sadd.s32 $0x14300, s22  }
0x5c: {  	[spmem:s2] =	stream.indirect.scatter.add.f32 [tilespmem:s11], [sflag:$0x3], $0x80, s23, s15, $0xb8;
	[tilespmem:$0x1D400] =	vst v63  }
0x5d: {  	s23 =	sadd.s32 $0x14380, s22  }
0x5e: {  	[spmem:s2] =	stream.indirect.scatter.add.f32 [tilespmem:s11], [sflag:$0x3], $0x80, s23, s15, $0xb8;
	[tilespmem:$0x1D400] =	vst v63  }
0x5f: {  	s23 =	sadd.s32 $0x14400, s22  }
0x60: {  	[spmem:s2] =	stream.indirect.scatter.add.f32 [tilespmem:s11], [sflag:$0x3], $0x80, s23, s15, $0xb8;
	[tilespmem:$0x1D400] =	vst v63  }
0x61: {  	s22 =	sadd.s32 $0x14480, s22  }
0x62: {  	[spmem:s2] =	stream.indirect.scatter.add.f32 [tilespmem:s11], [sflag:$0x3], $0x80, s22, s15, $0xb8;
	[tilespmem:$0x1D400] =	vst v63  }
0x63: {  	_ =	swait.ge [sflag:s16], $0x1400  }
0x64: {  	[sflag:s16] =	ssyncset.done $0x0  }
0x65: {  	[sflag:s16] =	ssyncadd.s32 $0xFFFFEC00  }
0x66: {  	_ =	swait.ge [sflag:s16], $0x1400  }
0x67: {  	[sflag:s16] =	ssyncset.done $0x0  }
0x68: {  	[sflag:s16] =	ssyncadd.s32 $0xFFFFEC00  }
0x69: {  	_ =	swait.ge [sflag:s16], $0x1400  }
0x6a: {  	[sflag:s16] =	ssyncset.done $0x0  }
0x6b: {  	[sflag:s16] =	ssyncadd.s32 $0xFFFFEC00  }
0x6c: {  	_ =	swait.ge [sflag:s16], $0x1400  }
0x6d: {  	[sflag:s16] =	ssyncset.done $0x0  }
0x6e: {  	[sflag:s16] =	ssyncadd.s32 $0xFFFFEC00  }
0x6f: {  	_ =	swait.ge [sflag:s16], $0x1400  }
0x70: {  	[sflag:s16] =	ssyncset.done $0x0  }
0x71: {  	[sflag:s16] =	ssyncadd.s32 $0xFFFFEC00  }
0x72: {  	_ =	swait.ge [sflag:s16], $0x1400  }
0x73: {  	[sflag:s16] =	ssyncset.done $0x0  }
0x74: {  	[sflag:s16] =	ssyncadd.s32 $0xFFFFEC00  }
0x75: {  	_ =	swait.ge [sflag:s16], $0x1400  }
0x76: {  	[sflag:s16] =	ssyncset.done $0x0  }
0x77: {  	[sflag:s16] =	ssyncadd.s32 $0xFFFFEC00  }
0x78: {  	_ =	swait.ge [sflag:s16], $0x1400  }
0x79: {  	[sflag:s16] =	ssyncset.done $0x0  }
0x7a: {  	[sflag:s16] =	ssyncadd.s32 $0xFFFFEC00  }
.Ltmp0:
0x7b: {  	_ =	swait.ge [sflag:s16], $0x1400;
	(pc) =	sbr.rel @p0 .LBB2_2-.Ltmp0, $4  }
0x7c: {  	[sflag:s16] =	ssyncset.done $0x0  }
0x7d: {  	[sflag:s16] =	ssyncadd.s32 $0xFFFFEC00  }
0x7e: {  	_ =	swait.ge [sflag:s16], $0x1400  }
0x7f: {  	s23 =	smov.u32 s20;
	s22 =	sshra.s32 s21, $0x2;
	[sflag:s16] =	ssyncset.done $0x0  }
0x80: {  	s20 =	sadd.s32 $0x14000, s22;
	[sflag:s16] =	ssyncadd.s32 $0xFFFFEC00  }
0x81: {  	[spmem:s2] =	stream.indirect.scatter.add.f32 [tilespmem:s11], [sflag:$0x3], $0x80, s20, s15, $0xb8;
	[tilespmem:$0x1D400] =	vst v63  }
0x82: {  	s21 =	sadd.s32 $0x14080, s22  }
0x83: {  	[spmem:s2] =	stream.indirect.scatter.add.f32 [tilespmem:s11], [sflag:$0x3], $0x80, s21, s15, $0xb8;
	[tilespmem:$0x1D400] =	vst v63  }
0x84: {  	s23 =	sadd.s32 $0x14100, s22  }
0x85: {  	[spmem:s2] =	stream.indirect.scatter.add.f32 [tilespmem:s11], [sflag:$0x3], $0x80, s23, s15, $0xb8;
	[tilespmem:$0x1D400] =	vst v63  }
0x86: {  	s24 =	sadd.s32 $0x14180, s22  }
0x87: {  	[spmem:s2] =	stream.indirect.scatter.add.f32 [tilespmem:s11], [sflag:$0x3], $0x80, s24, s15, $0xb8;
	[tilespmem:$0x1D400] =	vst v63  }
0x88: {  	s25 =	sadd.s32 $0x14200, s22  }
0x89: {  	[spmem:s2] =	stream.indirect.scatter.add.f32 [tilespmem:s11], [sflag:$0x3], $0x80, s25, s15, $0xb8;
	[tilespmem:$0x1D400] =	vst v63  }
0x8a: {  	s26 =	sadd.s32 $0x14280, s22  }
0x8b: {  	[spmem:s2] =	stream.indirect.scatter.add.f32 [tilespmem:s11], [sflag:$0x3], $0x80, s26, s15, $0xb8;
	[tilespmem:$0x1D400] =	vst v63  }
0x8c: {  	s28 =	sadd.s32 $0x14300, s22  }
0x8d: {  	[spmem:s2] =	stream.indirect.scatter.add.f32 [tilespmem:s11], [sflag:$0x3], $0x80, s28, s15, $0xb8;
	[tilespmem:$0x1D400] =	vst v63  }
0x8e: {  	s29 =	sadd.s32 $0x14380, s22  }
0x8f: {  	[spmem:s2] =	stream.indirect.scatter.add.f32 [tilespmem:s11], [sflag:$0x3], $0x80, s29, s15, $0xb8;
	[tilespmem:$0x1D400] =	vst v63  }
0x90: {  	s30 =	sadd.s32 $0x14400, s22  }
0x91: {  	[spmem:s2] =	stream.indirect.scatter.add.f32 [tilespmem:s11], [sflag:$0x3], $0x80, s30, s15, $0xb8;
	[tilespmem:$0x1D400] =	vst v63  }
0x92: {  	s31 =	sadd.s32 $0x14480, s22  }
0x93: {  	[spmem:s2] =	stream.indirect.scatter.add.f32 [tilespmem:s11], [sflag:$0x3], $0x80, s31, s15, $0xb8;
	[tilespmem:$0x1D400] =	vst v63  }
0x94: {  	_ =	swait.ge [sflag:s16], $0x1400  }
0x95: {  	[sflag:s16] =	ssyncset.done $0x0  }
0x96: {  	[sflag:s16] =	ssyncadd.s32 $0xFFFFEC00  }
0x97: {  	_ =	swait.ge [sflag:s16], $0x1400  }
0x98: {  	[sflag:s16] =	ssyncset.done $0x0  }
0x99: {  	[sflag:s16] =	ssyncadd.s32 $0xFFFFEC00  }
0x9a: {  	_ =	swait.ge [sflag:s16], $0x1400  }
0x9b: {  	[sflag:s16] =	ssyncset.done $0x0  }
0x9c: {  	[sflag:s16] =	ssyncadd.s32 $0xFFFFEC00  }
0x9d: {  	_ =	swait.ge [sflag:s16], $0x1400  }
0x9e: {  	[sflag:s16] =	ssyncset.done $0x0  }
0x9f: {  	[sflag:s16] =	ssyncadd.s32 $0xFFFFEC00  }
0xa0: {  	_ =	swait.ge [sflag:s16], $0x1400  }
0xa1: {  	[sflag:s16] =	ssyncset.done $0x0  }
0xa2: {  	[sflag:s16] =	ssyncadd.s32 $0xFFFFEC00  }
0xa3: {  	_ =	swait.ge [sflag:s16], $0x1400  }
0xa4: {  	[sflag:s16] =	ssyncset.done $0x0  }
0xa5: {  	[sflag:s16] =	ssyncadd.s32 $0xFFFFEC00  }
0xa6: {  	_ =	swait.ge [sflag:s16], $0x1400  }
0xa7: {  	[sflag:s16] =	ssyncset.done $0x0  }
0xa8: {  	[sflag:s16] =	ssyncadd.s32 $0xFFFFEC00  }
0xa9: {  	_ =	swait.ge [sflag:s16], $0x1400  }
0xaa: {  	[sflag:s16] =	ssyncset.done $0x0  }
0xab: {  	[sflag:s16] =	ssyncadd.s32 $0xFFFFEC00  }
0xac: {  	_ =	swait.ge [sflag:s16], $0x1400  }
0xad: {  	[sflag:s16] =	ssyncset.done $0x0  }
0xae: {  	[sflag:s16] =	ssyncadd.s32 $0xFFFFEC00  }
0xaf: {  	_ =	swait.ge [sflag:s16], $0x1400  }
0xb0: {  	s19 =	sadd.s32 $0x1, s19;
	[sflag:s16] =	ssyncset.done $0x0  }
0xb1: {  	p0 =	sne.s32 s19, s9;
	[sflag:s16] =	ssyncadd.s32 $0xFFFFEC00  }
.Ltmp1:
0xb2: {  	[bflag:$0x0] =	sbarrier.arrive $0xFFFF;
	(pc) =	sbr.rel @p0 .LBB2_1-.Ltmp1, $4  }
0xb3: {  	[hbm:s8], [sflag:s17] =	dma.local [spmem:s12], $0x2800  }
0xb4: {  	_ =	swait.ge [sflag:s18], $0x2800  }
0xb5: {  	[sflag:s18] =	ssyncset.done $0x0  }
0xb6: {  	[sflag:s18] =	ssyncadd.s32 $0xFFFFD800  }
0xb7: {  	_ =	sfence.sel $0x180000  }
0xb8: {  	[bflag:$0x0] =	sbarrier.arrive $0xFFFF  }
0xb9: {  	p0 =	sne.s32 s0, $0x0;
	_ =	strace $0x90000047  }
0xba: {  	s0 =	sadd.s32 @!p0 $0x100000, s1;
	[bflag:$0x2] =	sbarrier.arrive $0xFFFF  }
0xbb: {  	[sflag:s0] =	ssyncadd.tile.s32 @!p0 $0x1;
	_ =	shalt  }
.Lfunc_end2:
_tile_overlayer_lowered:
.L_overlay_start_2:
0xbc: {  	(tag) =	ssettag $0x2  }
0xbd: {  	s0 =	rddreg [dreg:$0x0];
	s2 =	stileid.u32  }
0xbe: {  	s1 =	rddreg [dreg:$0x1];
	p0 =	sne.s32 s2, $0x0  }
0xbf: {  	s3 =	rddreg [dreg:$0x2];
	[bflag:$0x3] =	sbarrier.arrive $0xFFFF;
	s2 =	simm.s32 @!p0 $0x1C04  }
0xc0: {  	[timem:s3], [sflag:s2] =	dma.local @!p0 [hbm:s0], s1  }
0xc1: {  	s0 =	simm.s32 @!p0 $0x4  }
0xc2: {  	_ =	swait.ge @!p0 [sflag:s0], s1  }
0xc3: {  	s1 =	ssub.s32 @!p0 $0x0, s1;
	[sflag:s0] =	ssyncset.done @!p0 $0x0  }
0xc4: {  	[sflag:s0] =	ssyncadd.s32 @!p0 s1  }
0xc5: {  	[bflag:$0x3] =	sbarrier.arrive $0xFFFF  }
0xc6: {  	_ =	shalt  }

</sc_bundles>
